<compile_context>
chip_gen: v7x
topology: tpu7x:2x2x1
jax: 0.10.2.dev20260603
libtpu: 0.0.44.dev20260713+nightly
codegen_flags: <defaults>
</compile_context>

<pallas_src>
import functools

import jax
import jax.numpy as jnp
from jax import lax
from jax.experimental import pallas as pl
from jax.experimental.pallas import tpu as pltpu
from jax.experimental.pallas import tpu_sc as plsc

N = 10000
E = 320000
D = 128
NC = 2
NS = 16
NW = NC * NS
CHUNK = 128
ROWS = E // CHUNK
PAIRS = ROWS // 2
PPW = PAIRS // NW
ZROWS = 10112
ZSTRIPE = ZROWS // NS
DEGW = 128
RBLK = 5000
GRID = N // RBLK

_sc_mesh = plsc.VectorSubcoreMesh(
    core_axis_name="c", subcore_axis_name="s", num_cores=NC, num_subcores=NS
)


def _init_stripe(zer_hbm, zbuf, acc, s):
    pltpu.sync_copy(zer_hbm, zbuf)
    for i in range(ZSTRIPE // CHUNK):
        pltpu.sync_copy(zbuf, acc.at[pl.ds(s * ZSTRIPE + i * CHUNK, CHUNK)])
    rem = ZSTRIPE % CHUNK
    if rem:
        pltpu.sync_copy(
            zbuf.at[pl.ds(0, rem)],
            acc.at[pl.ds(s * ZSTRIPE + ZSTRIPE - rem, rem)],
        )


@functools.partial(
    pl.kernel,
    out_type=jax.ShapeDtypeStruct((NC, ZROWS, DEGW), jnp.float32),
    mesh=_sc_mesh,
    scratch_types=[
        pltpu.VMEM((2, CHUNK), jnp.int32),
        pltpu.VMEM((2, CHUNK), jnp.int32),
        pltpu.VMEM((CHUNK, DEGW), jnp.float32),
        pltpu.VMEM((CHUNK, DEGW), jnp.float32),
        pltpu.VMEM_SHARED((ZROWS, DEGW), jnp.float32),
        pltpu.SemaphoreType.DMA,
    ],
)
def _deg_kernel(idx_hbm, ones_hbm, zer_hbm, out_hbm,
                q0, q1, onesv, zbuf, acc, sem_i):
    c = lax.axis_index("c")
    s = lax.axis_index("s")
    wid = c * NS + s
    p0 = wid * PPW

    def load0(p, q):
        pltpu.async_copy(idx_hbm.at[1, pl.ds(p * 2 * CHUNK, CHUNK)],
                         q.at[0], sem_i)
        pltpu.async_copy(idx_hbm.at[1, pl.ds(p * 2 * CHUNK + CHUNK, CHUNK)],
                         q.at[1], sem_i)

    load0(p0, q0)
    _init_stripe(zer_hbm, zbuf, acc, s)
    pltpu.sync_copy(ones_hbm, onesv)
    plsc.subcore_barrier()

    def load(p, q):
        pltpu.async_copy(idx_hbm.at[1, pl.ds(p * 2 * CHUNK, CHUNK)],
                         q.at[0], sem_i)
        pltpu.async_copy(idx_hbm.at[1, pl.ds(p * 2 * CHUNK + CHUNK, CHUNK)],
                         q.at[1], sem_i)

    def drain(p, q):
        pltpu.make_async_copy(idx_hbm.at[1, pl.ds(p * 2 * CHUNK, CHUNK)],
                              q.at[0], sem_i).wait()
        pltpu.make_async_copy(idx_hbm.at[1, pl.ds(p * 2 * CHUNK, CHUNK)],
                              q.at[1], sem_i).wait()

    def scat(q):
        pltpu.sync_copy(onesv, acc.at[q.at[0]], add=True)
        pltpu.sync_copy(onesv, acc.at[q.at[1]], add=True)

    drain(p0, q0)

    def dbody(k, carry):
        j0 = p0 + 2 * k
        load(j0 + 1, q1)
        scat(q0)
        drain(j0 + 1, q1)
        load(j0 + 2, q0)
        scat(q1)
        drain(j0 + 2, q0)
        return carry

    lax.fori_loop(0, (PPW - 1) // 2, dbody, 0)
    scat(q0)

    @pl.when(wid < 2)
    def _():
        load(NW * PPW + wid, q1)
        drain(NW * PPW + wid, q1)
        scat(q1)

    plsc.subcore_barrier()
    pltpu.sync_copy(
        acc.at[pl.ds(s * ZSTRIPE, ZSTRIPE)],
        out_hbm.at[c, pl.ds(s * ZSTRIPE, ZSTRIPE)],
    )


@functools.partial(
    pl.kernel,
    out_type=jax.ShapeDtypeStruct((NC, ZROWS, D), jnp.float32),
    mesh=_sc_mesh,
    scratch_types=[
        pltpu.VMEM((2, 2, CHUNK), jnp.int32),
        pltpu.VMEM((2, 2, CHUNK), jnp.int32),
        pltpu.VMEM((CHUNK, D), jnp.float32),
        pltpu.VMEM((CHUNK, D), jnp.float32),
        pltpu.VMEM((80, D), jnp.float32),
        pltpu.VMEM_SHARED((ZROWS, D), jnp.float32),
        pltpu.SemaphoreType.DMA,
        pltpu.SemaphoreType.DMA,
        pltpu.SemaphoreType.DMA,
        pltpu.SemaphoreType.DMA,
    ],
)
def _edge_kernel(y_hbm, idx_hbm, zer_hbm, out_hbm,
                 q0, q1, rows_a, rows_b, zbuf, acc, sem_a, sem_b, sem_i1, sem_i0):
    c = lax.axis_index("c")
    s = lax.axis_index("s")
    wid = c * NS + s
    p0 = wid * PPW
    pltpu.sync_copy(idx_hbm.at[0, pl.ds(p0 * 2 * CHUNK, CHUNK)], q0.at[0, 0])
    pltpu.sync_copy(idx_hbm.at[0, pl.ds(p0 * 2 * CHUNK + CHUNK, CHUNK)], q0.at[0, 1])
    pltpu.sync_copy(idx_hbm.at[1, pl.ds(p0 * 2 * CHUNK, CHUNK)], q0.at[1, 0])
    pltpu.sync_copy(idx_hbm.at[1, pl.ds(p0 * 2 * CHUNK + CHUNK, CHUNK)], q0.at[1, 1])
    pltpu.async_copy(y_hbm.at[q0.at[0, 0]], rows_a, sem_a)
    pltpu.sync_copy(zer_hbm.at[pl.ds(0, 80)], zbuf)
    for i in range(8):
        pltpu.sync_copy(zbuf.at[pl.ds(0, 79)],
                        acc.at[pl.ds(s * ZSTRIPE + i * 79, 79)])
    plsc.subcore_barrier()

    def halfstep(qc, qn, pn, sem_in):
        pltpu.async_copy(y_hbm.at[qc.at[0, 1]], rows_b, sem_b)
        pltpu.async_copy(idx_hbm.at[0, pl.ds(pn * 2 * CHUNK, CHUNK)],
                         qn.at[0, 0], sem_in)
        pltpu.async_copy(idx_hbm.at[0, pl.ds(pn * 2 * CHUNK + CHUNK, CHUNK)],
                         qn.at[0, 1], sem_in)
        pltpu.async_copy(idx_hbm.at[1, pl.ds(pn * 2 * CHUNK, CHUNK)],
                         qn.at[1, 0], sem_in)
        pltpu.async_copy(idx_hbm.at[1, pl.ds(pn * 2 * CHUNK + CHUNK, CHUNK)],
                         qn.at[1, 1], sem_in)
        pltpu.make_async_copy(y_hbm.at[qc.at[0, 0]], rows_a, sem_a).wait()
        pltpu.sync_copy(rows_a, acc.at[qc.at[1, 0]], add=True)
        for _k in range(4):
            pltpu.make_async_copy(idx_hbm.at[0, pl.ds(pn * 2 * CHUNK, CHUNK)],
                                  qn.at[0, 0], sem_in).wait()
        pltpu.async_copy(y_hbm.at[qn.at[0, 0]], rows_a, sem_a)
        pltpu.make_async_copy(y_hbm.at[qc.at[0, 1]], rows_b, sem_b).wait()
        pltpu.sync_copy(rows_b, acc.at[qc.at[1, 1]], add=True)

    def dbody(q, carry):
        j0 = p0 + 2 * q
        halfstep(q0, q1, j0 + 1, sem_i1)
        halfstep(q1, q0, j0 + 2, sem_i0)
        return carry

    lax.fori_loop(0, (PPW - 1) // 2, dbody, 0)

    pltpu.async_copy(y_hbm.at[q0.at[0, 1]], rows_b, sem_b)
    pltpu.make_async_copy(y_hbm.at[q0.at[0, 0]], rows_a, sem_a).wait()
    pltpu.sync_copy(rows_a, acc.at[q0.at[1, 0]], add=True)
    pltpu.make_async_copy(y_hbm.at[q0.at[0, 1]], rows_b, sem_b).wait()
    pltpu.sync_copy(rows_b, acc.at[q0.at[1, 1]], add=True)

    @pl.when(wid < 2)
    def _():
        pe = NW * PPW + wid
        pltpu.sync_copy(idx_hbm.at[0, pl.ds(pe * 2 * CHUNK, CHUNK)], q0.at[0, 0])
        pltpu.sync_copy(idx_hbm.at[0, pl.ds(pe * 2 * CHUNK + CHUNK, CHUNK)], q0.at[0, 1])
        pltpu.sync_copy(idx_hbm.at[1, pl.ds(pe * 2 * CHUNK, CHUNK)], q0.at[1, 0])
        pltpu.sync_copy(idx_hbm.at[1, pl.ds(pe * 2 * CHUNK + CHUNK, CHUNK)], q0.at[1, 1])
        cp_a = pltpu.async_copy(y_hbm.at[q0.at[0, 0]], rows_a, sem_a)
        cp_b = pltpu.async_copy(y_hbm.at[q0.at[0, 1]], rows_b, sem_b)
        cp_a.wait()
        pltpu.sync_copy(rows_a, acc.at[q0.at[1, 0]], add=True)
        cp_b.wait()
        pltpu.sync_copy(rows_b, acc.at[q0.at[1, 1]], add=True)

    plsc.subcore_barrier()
    pltpu.sync_copy(
        acc.at[pl.ds(s * ZSTRIPE, ZSTRIPE)],
        out_hbm.at[c, pl.ds(s * ZSTRIPE, ZSTRIPE)],
    )


def _dinv_mm_body(dg_ref, x_ref, w_ref, y_ref, dinv_ref):
    dg = dg_ref[...]
    d = dg[0, :, 0:1] + dg[1, :, 0:1] + 1.0
    dinvb = jnp.broadcast_to(lax.rsqrt(d), (RBLK, D))
    xw = jnp.dot(x_ref[...], w_ref[...], preferred_element_type=jnp.float32)
    y_ref[...] = xw * dinvb
    dinv_ref[...] = dinvb


_dinv_mm = pl.pallas_call(
    _dinv_mm_body,
    grid=(GRID,),
    in_specs=[
        pl.BlockSpec((NC, RBLK, DEGW), lambda i: (0, i, 0)),
        pl.BlockSpec((RBLK, D), lambda i: (i, 0)),
        pl.BlockSpec((D, D), lambda i: (0, 0)),
    ],
    out_specs=[
        pl.BlockSpec((RBLK, D), lambda i: (i, 0)),
        pl.BlockSpec((RBLK, D), lambda i: (i, 0)),
    ],
    out_shape=[
        jax.ShapeDtypeStruct((N, D), jnp.float32),
        jax.ShapeDtypeStruct((N, D), jnp.float32),
    ],
)


def _layer2_body(z_ref, y_ref, dinv_ref, b_ref, w_ref, o_ref):
    zsum = z_ref[0] + z_ref[1]
    h = jnp.maximum(dinv_ref[...] * (zsum + y_ref[...]) + b_ref[...], 0.0)
    hw = jnp.dot(h, w_ref[...], preferred_element_type=jnp.float32)
    o_ref[...] = hw * dinv_ref[...]


_layer2 = pl.pallas_call(
    _layer2_body,
    grid=(GRID,),
    in_specs=[
        pl.BlockSpec((NC, RBLK, D), lambda i: (0, i, 0)),
        pl.BlockSpec((RBLK, D), lambda i: (i, 0)),
        pl.BlockSpec((RBLK, D), lambda i: (i, 0)),
        pl.BlockSpec((D,), lambda i: (0,)),
        pl.BlockSpec((D, D), lambda i: (0, 0)),
    ],
    out_specs=pl.BlockSpec((RBLK, D), lambda i: (i, 0)),
    out_shape=jax.ShapeDtypeStruct((N, D), jnp.float32),
)


def _final_body(z_ref, y_ref, dinv_ref, b_ref, o_ref):
    o = dinv_ref[...] * (z_ref[0] + z_ref[1] + y_ref[...]) + b_ref[...]
    m = jnp.max(o, axis=1, keepdims=True)
    t = o - m
    o_ref[...] = t - jnp.log(jnp.sum(jnp.exp(t), axis=1, keepdims=True))


_final = pl.pallas_call(
    _final_body,
    grid=(GRID,),
    in_specs=[
        pl.BlockSpec((NC, RBLK, D), lambda i: (0, i, 0)),
        pl.BlockSpec((RBLK, D), lambda i: (i, 0)),
        pl.BlockSpec((RBLK, D), lambda i: (i, 0)),
        pl.BlockSpec((D,), lambda i: (0,)),
    ],
    out_specs=pl.BlockSpec((RBLK, D), lambda i: (i, 0)),
    out_shape=jax.ShapeDtypeStruct((N, D), jnp.float32),
)


def kernel(x, edge_index, W1, b1, W2, b2):
    idxp = edge_index.astype(jnp.int32)
    ones_rows = jnp.ones((CHUNK, DEGW), jnp.float32)
    zer_d = jnp.zeros((CHUNK, D), jnp.float32)

    degp = _deg_kernel(idxp, ones_rows, zer_d)
    y1, dinvb = _dinv_mm(degp, x, W1)
    z1 = _edge_kernel(y1, idxp, zer_d)
    y2 = _layer2(z1, y1, dinvb, b1, W2)
    z2 = _edge_kernel(y2, idxp, zer_d)
    return _final(z2, y2, dinvb, b2)

# --- scband reference (transcript-rebuilt; emitter-appended) ---
"""Pipeline reference for scband-gcn-12945031431008 (READ-ONLY COPY).

The authoritative reference and input builder live on the scoring server;
editing this copy changes nothing except your own understanding.
"""

import jax, jax.numpy as jnp
import numpy as np

N_NODES = 10000
N_EDGES = 320000
D_IN = 128
D_HID = 128
D_OUT = 128


def _gcn_conv(x, edge_index, W, b, num_nodes):
    # PyG GCNConv with add_self_loops=True, normalize=True (gcn_norm)
    src = edge_index[0]
    dst = edge_index[1]
    loop = jnp.arange(num_nodes, dtype=edge_index.dtype)
    src = jnp.concatenate([src, loop])
    dst = jnp.concatenate([dst, loop])
    # degree computed on destination nodes with unit edge weights
    deg = jnp.zeros((num_nodes,), dtype=x.dtype).at[dst].add(1.0)
    deg_inv_sqrt = jnp.where(deg > 0, jax.lax.rsqrt(deg), 0.0)
    norm = deg_inv_sqrt[src] * deg_inv_sqrt[dst]
    # linear transform then message passing (scatter-add over dst)
    xw = x @ W
    msg = xw[src] * norm[:, None]
    out = jnp.zeros((num_nodes, W.shape[1]), dtype=x.dtype).at[dst].add(msg)
    return out + b


def setup_inputs(seed: int = 0) -> dict:
    key = jax.random.key(seed)
    k1, k2, k3, k4 = jax.random.split(key, 4)
    x = jax.random.normal(k1, (N_NODES, D_IN), dtype=jnp.float32)
    edge_index = jax.random.randint(k2, (2, N_EDGES), 0, N_NODES, dtype=jnp.int64)
    # glorot-style init for GCNConv weights, zero bias
    W1 = jax.random.normal(k3, (D_IN, D_HID), dtype=jnp.float32) * (1.0 / np.sqrt(D_IN))
    b1 = jnp.zeros((D_HID,), dtype=jnp.float32)
    W2 = jax.random.normal(k4, (D_HID, D_OUT), dtype=jnp.float32) * (1.0 / np.sqrt(D_HID))
    b2 = jnp.zeros((D_OUT,), dtype=jnp.float32)
    return {"x": x, "edge_index": edge_index, "W1": W1, "b1": b1, "W2": W2, "b2": b2}


def reference(x, edge_index, W1, b1, W2, b2):
    num_nodes = x.shape[0]
    h = _gcn_conv(x, edge_index, W1, b1, num_nodes)
    h = jax.nn.relu(h)
    # dropout is identity in eval mode
    h = _gcn_conv(h, edge_index, W2, b2, num_nodes)
    return jax.nn.log_softmax(h, axis=1)

if __name__ == "__main__":
    import jax
    _d = setup_inputs()
    print(jax.jit(kernel)(*tuple(_d.values())))

</pallas_src>

<mosaic_0001>
#map = affine_map<(d0, d1) -> (0, 0)>
#map1 = affine_map<(d0, d1) -> (0, 0, 0)>
module attributes {stable_mosaic.version = 14 : i64} {
  func.func @_edge_kernel(%arg0: i32, %arg1: i32, %arg2: memref<10000x128xf32, #tpu.memory_space<hbm>>, %arg3: memref<2x320000xi32, #tpu.memory_space<hbm>>, %arg4: memref<128x128xf32, #tpu.memory_space<hbm>>, %arg5: memref<2x10112x128xf32, #tpu.memory_space<hbm>>, %arg6: memref<2x2x128xi32, #tpu.memory_space<vmem>>, %arg7: memref<2x2x128xi32, #tpu.memory_space<vmem>>, %arg8: memref<128x128xf32, #tpu.memory_space<vmem>>, %arg9: memref<128x128xf32, #tpu.memory_space<vmem>>, %arg10: memref<80x128xf32, #tpu.memory_space<vmem>>, %arg11: memref<10112x128xf32, #tpu.memory_space<vmem_shared>>, %arg12: memref<!tpu.dma_semaphore, #tpu.memory_space<semaphore_mem>>, %arg13: memref<!tpu.dma_semaphore, #tpu.memory_space<semaphore_mem>>, %arg14: memref<!tpu.dma_semaphore, #tpu.memory_space<semaphore_mem>>, %arg15: memref<!tpu.dma_semaphore, #tpu.memory_space<semaphore_mem>>) attributes {dimension_semantics = [#tpu.dimension_semantics<core_parallel>, #tpu.dimension_semantics<subcore_parallel>], iteration_bounds = array<i64: 2, 16>, scalar_prefetch = 0 : i64, scratch_operands = 10 : i64, tpu.core_type = #tpu.core_type<sc_vector_subcore>, window_params = [{transform_indices = #map}, {transform_indices = #map}, {transform_indices = #map}, {transform_indices = #map1}]} {
    %mul3A = arith.constant 16 : i32
    %mul3A_0 = arith.muli %arg0, %mul3A : i32
    %add3A = arith.addi %mul3A_0, %arg1 : i32
    %mul3A_1 = arith.constant 39 : i32
    %mul3A_2 = arith.muli %add3A, %mul3A_1 : i32
    %mul3A_3 = arith.constant 2 : i32
    %mul3A_4 = arith.muli %mul3A_2, %mul3A_3 : i32
    %mul3A_5 = arith.constant 128 : i32
    %mul3A_6 = arith.muli %mul3A_4, %mul3A_5 : i32
    %run_scoped3A = arith.constant 0 : i32
    %run_scoped3A_7 = arith.constant 0 : i32
    %run_scoped3A_8 = arith.constant 0 : i32
    "tpu.region"() ({
      %run_scoped3A_112 = tpu.sem_alloc : memref<!tpu.dma_semaphore, #tpu.memory_space<semaphore_mem>>
      %dma_start3A_113 = arith.constant 0 : i32
      %dma_start3A_114 = tpu.memref_slice %arg6[%run_scoped3A_7, %run_scoped3A_8, %dma_start3A_113] : memref<2x2x128xi32, #tpu.memory_space<vmem>> -> memref<1x1x128xi32, #tpu.memory_space<vmem>>
      %dma_start3A_115 = tpu.memref_squeeze %dma_start3A_114 : memref<1x1x128xi32, #tpu.memory_space<vmem>> -> memref<128xi32, #tpu.memory_space<vmem>>
      %dma_start3A_116 = tpu.memref_slice %arg3[%run_scoped3A, %mul3A_6] : memref<2x320000xi32, #tpu.memory_space<hbm>> -> memref<1x128xi32, #tpu.memory_space<hbm>>
      %dma_start3A_117 = tpu.memref_squeeze %dma_start3A_116 : memref<1x128xi32, #tpu.memory_space<hbm>> -> memref<128xi32, #tpu.memory_space<hbm>>
      %dma_start3A_118 = arith.constant 0 : i32
      %dma_start3A_119 = tpu.memref_slice %arg6[%run_scoped3A_7, %run_scoped3A_8, %dma_start3A_118] : memref<2x2x128xi32, #tpu.memory_space<vmem>> -> memref<1x1x128xi32, #tpu.memory_space<vmem>>
      %dma_start3A_120 = tpu.memref_squeeze %dma_start3A_119 : memref<1x1x128xi32, #tpu.memory_space<vmem>> -> memref<128xi32, #tpu.memory_space<vmem>>
      %dma_start3A_121 = tpu.memref_slice %arg3[%run_scoped3A, %mul3A_6] : memref<2x320000xi32, #tpu.memory_space<hbm>> -> memref<1x128xi32, #tpu.memory_space<hbm>>
      %dma_start3A_122 = tpu.memref_squeeze %dma_start3A_121 : memref<1x128xi32, #tpu.memory_space<hbm>> -> memref<128xi32, #tpu.memory_space<hbm>>
      tpu.enqueue_dma source(%dma_start3A_122 : memref<128xi32, #tpu.memory_space<hbm>>) target(%dma_start3A_120 : memref<128xi32, #tpu.memory_space<vmem>>) target_semaphore(%run_scoped3A_112 : memref<!tpu.dma_semaphore, #tpu.memory_space<semaphore_mem>>)
      %dma_wait3A_123 = arith.constant 0 : i32
      %dma_wait3A_124 = tpu.memref_slice %arg6[%run_scoped3A_7, %run_scoped3A_8, %dma_wait3A_123] : memref<2x2x128xi32, #tpu.memory_space<vmem>> -> memref<1x1x128xi32, #tpu.memory_space<vmem>>
      %dma_wait3A_125 = tpu.memref_squeeze %dma_wait3A_124 : memref<1x1x128xi32, #tpu.memory_space<vmem>> -> memref<128xi32, #tpu.memory_space<vmem>>
      %dma_wait3A_126 = tpu.memref_slice %arg3[%run_scoped3A, %mul3A_6] : memref<2x320000xi32, #tpu.memory_space<hbm>> -> memref<1x128xi32, #tpu.memory_space<hbm>>
      %dma_wait3A_127 = tpu.memref_squeeze %dma_wait3A_126 : memref<1x128xi32, #tpu.memory_space<hbm>> -> memref<128xi32, #tpu.memory_space<hbm>>
      %dma_wait3A_128 = arith.constant 0 : i32
      %dma_wait3A_129 = tpu.memref_slice %arg6[%run_scoped3A_7, %run_scoped3A_8, %dma_wait3A_128] : memref<2x2x128xi32, #tpu.memory_space<vmem>> -> memref<1x1x128xi32, #tpu.memory_space<vmem>>
      %dma_wait3A_130 = tpu.memref_squeeze %dma_wait3A_129 : memref<1x1x128xi32, #tpu.memory_space<vmem>> -> memref<128xi32, #tpu.memory_space<vmem>>
      %dma_wait3A_131 = tpu.memref_slice %arg3[%run_scoped3A, %mul3A_6] : memref<2x320000xi32, #tpu.memory_space<hbm>> -> memref<1x128xi32, #tpu.memory_space<hbm>>
      %dma_wait3A_132 = tpu.memref_squeeze %dma_wait3A_131 : memref<1x128xi32, #tpu.memory_space<hbm>> -> memref<128xi32, #tpu.memory_space<hbm>>
      tpu.wait_dma2 semaphore(%run_scoped3A_112 : memref<!tpu.dma_semaphore, #tpu.memory_space<semaphore_mem>>) src(%dma_wait3A_132 : memref<128xi32, #tpu.memory_space<hbm>>) dst(%dma_wait3A_130 : memref<128xi32, #tpu.memory_space<vmem>>)
      tpu.yield
    }) : () -> ()
    %mul3A_9 = arith.constant 2 : i32
    %mul3A_10 = arith.muli %mul3A_2, %mul3A_9 : i32
    %mul3A_11 = arith.constant 128 : i32
    %mul3A_12 = arith.muli %mul3A_10, %mul3A_11 : i32
    %add3A_13 = arith.constant 128 : i32
    %add3A_14 = arith.addi %mul3A_12, %add3A_13 : i32
    %run_scoped3A_15 = arith.constant 0 : i32
    %run_scoped3A_16 = arith.constant 0 : i32
    %run_scoped3A_17 = arith.constant 1 : i32
    "tpu.region"() ({
      %run_scoped3A_112 = tpu.sem_alloc : memref<!tpu.dma_semaphore, #tpu.memory_space<semaphore_mem>>
      %dma_start3A_113 = arith.constant 0 : i32
      %dma_start3A_114 = tpu.memref_slice %arg6[%run_scoped3A_16, %run_scoped3A_17, %dma_start3A_113] : memref<2x2x128xi32, #tpu.memory_space<vmem>> -> memref<1x1x128xi32, #tpu.memory_space<vmem>>
      %dma_start3A_115 = tpu.memref_squeeze %dma_start3A_114 : memref<1x1x128xi32, #tpu.memory_space<vmem>> -> memref<128xi32, #tpu.memory_space<vmem>>
      %dma_start3A_116 = tpu.memref_slice %arg3[%run_scoped3A_15, %add3A_14] : memref<2x320000xi32, #tpu.memory_space<hbm>> -> memref<1x128xi32, #tpu.memory_space<hbm>>
      %dma_start3A_117 = tpu.memref_squeeze %dma_start3A_116 : memref<1x128xi32, #tpu.memory_space<hbm>> -> memref<128xi32, #tpu.memory_space<hbm>>
      %dma_start3A_118 = arith.constant 0 : i32
      %dma_start3A_119 = tpu.memref_slice %arg6[%run_scoped3A_16, %run_scoped3A_17, %dma_start3A_118] : memref<2x2x128xi32, #tpu.memory_space<vmem>> -> memref<1x1x128xi32, #tpu.memory_space<vmem>>
      %dma_start3A_120 = tpu.memref_squeeze %dma_start3A_119 : memref<1x1x128xi32, #tpu.memory_space<vmem>> -> memref<128xi32, #tpu.memory_space<vmem>>
      %dma_start3A_121 = tpu.memref_slice %arg3[%run_scoped3A_15, %add3A_14] : memref<2x320000xi32, #tpu.memory_space<hbm>> -> memref<1x128xi32, #tpu.memory_space<hbm>>
      %dma_start3A_122 = tpu.memref_squeeze %dma_start3A_121 : memref<1x128xi32, #tpu.memory_space<hbm>> -> memref<128xi32, #tpu.memory_space<hbm>>
      tpu.enqueue_dma source(%dma_start3A_122 : memref<128xi32, #tpu.memory_space<hbm>>) target(%dma_start3A_120 : memref<128xi32, #tpu.memory_space<vmem>>) target_semaphore(%run_scoped3A_112 : memref<!tpu.dma_semaphore, #tpu.memory_space<semaphore_mem>>)
      %dma_wait3A_123 = arith.constant 0 : i32
      %dma_wait3A_124 = tpu.memref_slice %arg6[%run_scoped3A_16, %run_scoped3A_17, %dma_wait3A_123] : memref<2x2x128xi32, #tpu.memory_space<vmem>> -> memref<1x1x128xi32, #tpu.memory_space<vmem>>
      %dma_wait3A_125 = tpu.memref_squeeze %dma_wait3A_124 : memref<1x1x128xi32, #tpu.memory_space<vmem>> -> memref<128xi32, #tpu.memory_space<vmem>>
      %dma_wait3A_126 = tpu.memref_slice %arg3[%run_scoped3A_15, %add3A_14] : memref<2x320000xi32, #tpu.memory_space<hbm>> -> memref<1x128xi32, #tpu.memory_space<hbm>>
      %dma_wait3A_127 = tpu.memref_squeeze %dma_wait3A_126 : memref<1x128xi32, #tpu.memory_space<hbm>> -> memref<128xi32, #tpu.memory_space<hbm>>
      %dma_wait3A_128 = arith.constant 0 : i32
      %dma_wait3A_129 = tpu.memref_slice %arg6[%run_scoped3A_16, %run_scoped3A_17, %dma_wait3A_128] : memref<2x2x128xi32, #tpu.memory_space<vmem>> -> memref<1x1x128xi32, #tpu.memory_space<vmem>>
      %dma_wait3A_130 = tpu.memref_squeeze %dma_wait3A_129 : memref<1x1x128xi32, #tpu.memory_space<vmem>> -> memref<128xi32, #tpu.memory_space<vmem>>
      %dma_wait3A_131 = tpu.memref_slice %arg3[%run_scoped3A_15, %add3A_14] : memref<2x320000xi32, #tpu.memory_space<hbm>> -> memref<1x128xi32, #tpu.memory_space<hbm>>
      %dma_wait3A_132 = tpu.memref_squeeze %dma_wait3A_131 : memref<1x128xi32, #tpu.memory_space<hbm>> -> memref<128xi32, #tpu.memory_space<hbm>>
      tpu.wait_dma2 semaphore(%run_scoped3A_112 : memref<!tpu.dma_semaphore, #tpu.memory_space<semaphore_mem>>) src(%dma_wait3A_132 : memref<128xi32, #tpu.memory_space<hbm>>) dst(%dma_wait3A_130 : memref<128xi32, #tpu.memory_space<vmem>>)
      tpu.yield
    }) : () -> ()
    %mul3A_18 = arith.constant 2 : i32
    %mul3A_19 = arith.muli %mul3A_2, %mul3A_18 : i32
    %mul3A_20 = arith.constant 128 : i32
    %mul3A_21 = arith.muli %mul3A_19, %mul3A_20 : i32
    %run_scoped3A_22 = arith.constant 1 : i32
    %run_scoped3A_23 = arith.constant 1 : i32
    %run_scoped3A_24 = arith.constant 0 : i32
    "tpu.region"() ({
      %run_scoped3A_112 = tpu.sem_alloc : memref<!tpu.dma_semaphore, #tpu.memory_space<semaphore_mem>>
      %dma_start3A_113 = arith.constant 0 : i32
      %dma_start3A_114 = tpu.memref_slice %arg6[%run_scoped3A_23, %run_scoped3A_24, %dma_start3A_113] : memref<2x2x128xi32, #tpu.memory_space<vmem>> -> memref<1x1x128xi32, #tpu.memory_space<vmem>>
      %dma_start3A_115 = tpu.memref_squeeze %dma_start3A_114 : memref<1x1x128xi32, #tpu.memory_space<vmem>> -> memref<128xi32, #tpu.memory_space<vmem>>
      %dma_start3A_116 = tpu.memref_slice %arg3[%run_scoped3A_22, %mul3A_21] : memref<2x320000xi32, #tpu.memory_space<hbm>> -> memref<1x128xi32, #tpu.memory_space<hbm>>
      %dma_start3A_117 = tpu.memref_squeeze %dma_start3A_116 : memref<1x128xi32, #tpu.memory_space<hbm>> -> memref<128xi32, #tpu.memory_space<hbm>>
      %dma_start3A_118 = arith.constant 0 : i32
      %dma_start3A_119 = tpu.memref_slice %arg6[%run_scoped3A_23, %run_scoped3A_24, %dma_start3A_118] : memref<2x2x128xi32, #tpu.memory_space<vmem>> -> memref<1x1x128xi32, #tpu.memory_space<vmem>>
      %dma_start3A_120 = tpu.memref_squeeze %dma_start3A_119 : memref<1x1x128xi32, #tpu.memory_space<vmem>> -> memref<128xi32, #tpu.memory_space<vmem>>
      %dma_start3A_121 = tpu.memref_slice %arg3[%run_scoped3A_22, %mul3A_21] : memref<2x320000xi32, #tpu.memory_space<hbm>> -> memref<1x128xi32, #tpu.memory_space<hbm>>
      %dma_start3A_122 = tpu.memref_squeeze %dma_start3A_121 : memref<1x128xi32, #tpu.memory_space<hbm>> -> memref<128xi32, #tpu.memory_space<hbm>>
      tpu.enqueue_dma source(%dma_start3A_122 : memref<128xi32, #tpu.memory_space<hbm>>) target(%dma_start3A_120 : memref<128xi32, #tpu.memory_space<vmem>>) target_semaphore(%run_scoped3A_112 : memref<!tpu.dma_semaphore, #tpu.memory_space<semaphore_mem>>)
      %dma_wait3A_123 = arith.constant 0 : i32
      %dma_wait3A_124 = tpu.memref_slice %arg6[%run_scoped3A_23, %run_scoped3A_24, %dma_wait3A_123] : memref<2x2x128xi32, #tpu.memory_space<vmem>> -> memref<1x1x128xi32, #tpu.memory_space<vmem>>
      %dma_wait3A_125 = tpu.memref_squeeze %dma_wait3A_124 : memref<1x1x128xi32, #tpu.memory_space<vmem>> -> memref<128xi32, #tpu.memory_space<vmem>>
      %dma_wait3A_126 = tpu.memref_slice %arg3[%run_scoped3A_22, %mul3A_21] : memref<2x320000xi32, #tpu.memory_space<hbm>> -> memref<1x128xi32, #tpu.memory_space<hbm>>
      %dma_wait3A_127 = tpu.memref_squeeze %dma_wait3A_126 : memref<1x128xi32, #tpu.memory_space<hbm>> -> memref<128xi32, #tpu.memory_space<hbm>>
      %dma_wait3A_128 = arith.constant 0 : i32
      %dma_wait3A_129 = tpu.memref_slice %arg6[%run_scoped3A_23, %run_scoped3A_24, %dma_wait3A_128] : memref<2x2x128xi32, #tpu.memory_space<vmem>> -> memref<1x1x128xi32, #tpu.memory_space<vmem>>
      %dma_wait3A_130 = tpu.memref_squeeze %dma_wait3A_129 : memref<1x1x128xi32, #tpu.memory_space<vmem>> -> memref<128xi32, #tpu.memory_space<vmem>>
      %dma_wait3A_131 = tpu.memref_slice %arg3[%run_scoped3A_22, %mul3A_21] : memref<2x320000xi32, #tpu.memory_space<hbm>> -> memref<1x128xi32, #tpu.memory_space<hbm>>
      %dma_wait3A_132 = tpu.memref_squeeze %dma_wait3A_131 : memref<1x128xi32, #tpu.memory_space<hbm>> -> memref<128xi32, #tpu.memory_space<hbm>>
      tpu.wait_dma2 semaphore(%run_scoped3A_112 : memref<!tpu.dma_semaphore, #tpu.memory_space<semaphore_mem>>) src(%dma_wait3A_132 : memref<128xi32, #tpu.memory_space<hbm>>) dst(%dma_wait3A_130 : memref<128xi32, #tpu.memory_space<vmem>>)
      tpu.yield
    }) : () -> ()
    %mul3A_25 = arith.constant 2 : i32
    %mul3A_26 = arith.muli %mul3A_2, %mul3A_25 : i32
    %mul3A_27 = arith.constant 128 : i32
    %mul3A_28 = arith.muli %mul3A_26, %mul3A_27 : i32
    %add3A_29 = arith.constant 128 : i32
    %add3A_30 = arith.addi %mul3A_28, %add3A_29 : i32
    %run_scoped3A_31 = arith.constant 1 : i32
    %run_scoped3A_32 = arith.constant 1 : i32
    %run_scoped3A_33 = arith.constant 1 : i32
    "tpu.region"() ({
      %run_scoped3A_112 = tpu.sem_alloc : memref<!tpu.dma_semaphore, #tpu.memory_space<semaphore_mem>>
      %dma_start3A_113 = arith.constant 0 : i32
      %dma_start3A_114 = tpu.memref_slice %arg6[%run_scoped3A_32, %run_scoped3A_33, %dma_start3A_113] : memref<2x2x128xi32, #tpu.memory_space<vmem>> -> memref<1x1x128xi32, #tpu.memory_space<vmem>>
      %dma_start3A_115 = tpu.memref_squeeze %dma_start3A_114 : memref<1x1x128xi32, #tpu.memory_space<vmem>> -> memref<128xi32, #tpu.memory_space<vmem>>
      %dma_start3A_116 = tpu.memref_slice %arg3[%run_scoped3A_31, %add3A_30] : memref<2x320000xi32, #tpu.memory_space<hbm>> -> memref<1x128xi32, #tpu.memory_space<hbm>>
      %dma_start3A_117 = tpu.memref_squeeze %dma_start3A_116 : memref<1x128xi32, #tpu.memory_space<hbm>> -> memref<128xi32, #tpu.memory_space<hbm>>
      %dma_start3A_118 = arith.constant 0 : i32
      %dma_start3A_119 = tpu.memref_slice %arg6[%run_scoped3A_32, %run_scoped3A_33, %dma_start3A_118] : memref<2x2x128xi32, #tpu.memory_space<vmem>> -> memref<1x1x128xi32, #tpu.memory_space<vmem>>
      %dma_start3A_120 = tpu.memref_squeeze %dma_start3A_119 : memref<1x1x128xi32, #tpu.memory_space<vmem>> -> memref<128xi32, #tpu.memory_space<vmem>>
      %dma_start3A_121 = tpu.memref_slice %arg3[%run_scoped3A_31, %add3A_30] : memref<2x320000xi32, #tpu.memory_space<hbm>> -> memref<1x128xi32, #tpu.memory_space<hbm>>
      %dma_start3A_122 = tpu.memref_squeeze %dma_start3A_121 : memref<1x128xi32, #tpu.memory_space<hbm>> -> memref<128xi32, #tpu.memory_space<hbm>>
      tpu.enqueue_dma source(%dma_start3A_122 : memref<128xi32, #tpu.memory_space<hbm>>) target(%dma_start3A_120 : memref<128xi32, #tpu.memory_space<vmem>>) target_semaphore(%run_scoped3A_112 : memref<!tpu.dma_semaphore, #tpu.memory_space<semaphore_mem>>)
      %dma_wait3A_123 = arith.constant 0 : i32
      %dma_wait3A_124 = tpu.memref_slice %arg6[%run_scoped3A_32, %run_scoped3A_33, %dma_wait3A_123] : memref<2x2x128xi32, #tpu.memory_space<vmem>> -> memref<1x1x128xi32, #tpu.memory_space<vmem>>
      %dma_wait3A_125 = tpu.memref_squeeze %dma_wait3A_124 : memref<1x1x128xi32, #tpu.memory_space<vmem>> -> memref<128xi32, #tpu.memory_space<vmem>>
      %dma_wait3A_126 = tpu.memref_slice %arg3[%run_scoped3A_31, %add3A_30] : memref<2x320000xi32, #tpu.memory_space<hbm>> -> memref<1x128xi32, #tpu.memory_space<hbm>>
      %dma_wait3A_127 = tpu.memref_squeeze %dma_wait3A_126 : memref<1x128xi32, #tpu.memory_space<hbm>> -> memref<128xi32, #tpu.memory_space<hbm>>
      %dma_wait3A_128 = arith.constant 0 : i32
      %dma_wait3A_129 = tpu.memref_slice %arg6[%run_scoped3A_32, %run_scoped3A_33, %dma_wait3A_128] : memref<2x2x128xi32, #tpu.memory_space<vmem>> -> memref<1x1x128xi32, #tpu.memory_space<vmem>>
      %dma_wait3A_130 = tpu.memref_squeeze %dma_wait3A_129 : memref<1x1x128xi32, #tpu.memory_space<vmem>> -> memref<128xi32, #tpu.memory_space<vmem>>
      %dma_wait3A_131 = tpu.memref_slice %arg3[%run_scoped3A_31, %add3A_30] : memref<2x320000xi32, #tpu.memory_space<hbm>> -> memref<1x128xi32, #tpu.memory_space<hbm>>
      %dma_wait3A_132 = tpu.memref_squeeze %dma_wait3A_131 : memref<1x128xi32, #tpu.memory_space<hbm>> -> memref<128xi32, #tpu.memory_space<hbm>>
      tpu.wait_dma2 semaphore(%run_scoped3A_112 : memref<!tpu.dma_semaphore, #tpu.memory_space<semaphore_mem>>) src(%dma_wait3A_132 : memref<128xi32, #tpu.memory_space<hbm>>) dst(%dma_wait3A_130 : memref<128xi32, #tpu.memory_space<vmem>>)
      tpu.yield
    }) : () -> ()
    %dma_start3A = arith.constant 0 : i32
    %dma_start3A_34 = arith.constant 0 : i32
    %dma_start3A_35 = arith.constant 0 : i32
    %dma_start3A_36 = tpu.memref_slice %arg6[%dma_start3A, %dma_start3A_34, %dma_start3A_35] : memref<2x2x128xi32, #tpu.memory_space<vmem>> -> memref<1x1x128xi32, #tpu.memory_space<vmem>>
    %dma_start3A_37 = tpu.memref_squeeze %dma_start3A_36 : memref<1x1x128xi32, #tpu.memory_space<vmem>> -> memref<128xi32, #tpu.memory_space<vmem>>
    %dma_start3A_38 = arith.constant 0 : i32
    %dma_start3A_39 = arith.constant 0 : i32
    %dma_start3A_40 = tpu.memref_slice %arg2[%dma_start3A_38, %dma_start3A_39] : memref<10000x128xf32, #tpu.memory_space<hbm>> -> memref<10000x128xf32, #tpu.memory_space<hbm>>
    tpu.enqueue_indirect_dma source(%dma_start3A_40 : memref<10000x128xf32, #tpu.memory_space<hbm>>) target(%arg8 : memref<128x128xf32, #tpu.memory_space<vmem>>) offsets(%dma_start3A_37 : memref<128xi32, #tpu.memory_space<vmem>>) semaphore(%arg12 : memref<!tpu.dma_semaphore, #tpu.memory_space<semaphore_mem>>)
    "tpu.region"() ({
      %run_scoped3A_112 = tpu.sem_alloc : memref<!tpu.dma_semaphore, #tpu.memory_space<semaphore_mem>>
      %dma_start3A_113 = arith.constant 0 : i32
      %dma_start3A_114 = arith.constant 0 : i32
      %dma_start3A_115 = tpu.memref_slice %arg4[%dma_start3A_113, %dma_start3A_114] : memref<128x128xf32, #tpu.memory_space<hbm>> -> memref<80x128xf32, #tpu.memory_space<hbm>>
      %dma_start3A_116 = arith.constant 0 : i32
      %dma_start3A_117 = arith.constant 0 : i32
      %dma_start3A_118 = tpu.memref_slice %arg4[%dma_start3A_116, %dma_start3A_117] : memref<128x128xf32, #tpu.memory_space<hbm>> -> memref<80x128xf32, #tpu.memory_space<hbm>>
      tpu.enqueue_dma source(%dma_start3A_118 : memref<80x128xf32, #tpu.memory_space<hbm>>) target(%arg10 : memref<80x128xf32, #tpu.memory_space<vmem>>) target_semaphore(%run_scoped3A_112 : memref<!tpu.dma_semaphore, #tpu.memory_space<semaphore_mem>>)
      %dma_wait3A_119 = arith.constant 0 : i32
      %dma_wait3A_120 = arith.constant 0 : i32
      %dma_wait3A_121 = tpu.memref_slice %arg4[%dma_wait3A_119, %dma_wait3A_120] : memref<128x128xf32, #tpu.memory_space<hbm>> -> memref<80x128xf32, #tpu.memory_space<hbm>>
      %dma_wait3A_122 = arith.constant 0 : i32
      %dma_wait3A_123 = arith.constant 0 : i32
      %dma_wait3A_124 = tpu.memref_slice %arg4[%dma_wait3A_122, %dma_wait3A_123] : memref<128x128xf32, #tpu.memory_space<hbm>> -> memref<80x128xf32, #tpu.memory_space<hbm>>
      tpu.wait_dma2 semaphore(%run_scoped3A_112 : memref<!tpu.dma_semaphore, #tpu.memory_space<semaphore_mem>>) src(%dma_wait3A_124 : memref<80x128xf32, #tpu.memory_space<hbm>>) dst(%arg10 : memref<80x128xf32, #tpu.memory_space<vmem>>)
      tpu.yield
    }) : () -> ()
    %mul3A_41 = arith.constant 632 : i32
    %mul3A_42 = arith.muli %arg1, %mul3A_41 : i32
    %add3A_43 = arith.constant 0 : i32
    %add3A_44 = arith.addi %mul3A_42, %add3A_43 : i32
    "tpu.region"() ({
      %run_scoped3A_112 = tpu.sem_alloc : memref<!tpu.dma_semaphore, #tpu.memory_space<semaphore_mem>>
      %dma_start3A_113 = arith.constant 0 : i32
      %dma_start3A_114 = arith.constant 0 : i32
      %dma_start3A_115 = tpu.memref_slice %arg10[%dma_start3A_113, %dma_start3A_114] : memref<80x128xf32, #tpu.memory_space<vmem>> -> memref<79x128xf32, #tpu.memory_space<vmem>>
      %dma_start3A_116 = arith.constant 0 : i32
      %dma_start3A_117 = tpu.memref_slice %arg11[%add3A_44, %dma_start3A_116] : memref<10112x128xf32, #tpu.memory_space<vmem_shared>> -> memref<79x128xf32, #tpu.memory_space<vmem_shared>>
      %dma_start3A_118 = arith.constant 0 : i32
      %dma_start3A_119 = tpu.memref_slice %arg11[%add3A_44, %dma_start3A_118] : memref<10112x128xf32, #tpu.memory_space<vmem_shared>> -> memref<79x128xf32, #tpu.memory_space<vmem_shared>>
      %dma_start3A_120 = arith.constant 0 : i32
      %dma_start3A_121 = arith.constant 0 : i32
      %dma_start3A_122 = tpu.memref_slice %arg10[%dma_start3A_120, %dma_start3A_121] : memref<80x128xf32, #tpu.memory_space<vmem>> -> memref<79x128xf32, #tpu.memory_space<vmem>>
      tpu.enqueue_dma source(%dma_start3A_122 : memref<79x128xf32, #tpu.memory_space<vmem>>) target(%dma_start3A_119 : memref<79x128xf32, #tpu.memory_space<vmem_shared>>) target_semaphore(%run_scoped3A_112 : memref<!tpu.dma_semaphore, #tpu.memory_space<semaphore_mem>>)
      %dma_wait3A_123 = arith.constant 0 : i32
      %dma_wait3A_124 = arith.constant 0 : i32
      %dma_wait3A_125 = tpu.memref_slice %arg10[%dma_wait3A_123, %dma_wait3A_124] : memref<80x128xf32, #tpu.memory_space<vmem>> -> memref<79x128xf32, #tpu.memory_space<vmem>>
      %dma_wait3A_126 = arith.constant 0 : i32
      %dma_wait3A_127 = tpu.memref_slice %arg11[%add3A_44, %dma_wait3A_126] : memref<10112x128xf32, #tpu.memory_space<vmem_shared>> -> memref<79x128xf32, #tpu.memory_space<vmem_shared>>
      %dma_wait3A_128 = arith.constant 0 : i32
      %dma_wait3A_129 = tpu.memref_slice %arg11[%add3A_44, %dma_wait3A_128] : memref<10112x128xf32, #tpu.memory_space<vmem_shared>> -> memref<79x128xf32, #tpu.memory_space<vmem_shared>>
      %dma_wait3A_130 = arith.constant 0 : i32
      %dma_wait3A_131 = arith.constant 0 : i32
      %dma_wait3A_132 = tpu.memref_slice %arg10[%dma_wait3A_130, %dma_wait3A_131] : memref<80x128xf32, #tpu.memory_space<vmem>> -> memref<79x128xf32, #tpu.memory_space<vmem>>
      tpu.wait_dma2 semaphore(%run_scoped3A_112 : memref<!tpu.dma_semaphore, #tpu.memory_space<semaphore_mem>>) src(%dma_wait3A_132 : memref<79x128xf32, #tpu.memory_space<vmem>>) dst(%dma_wait3A_129 : memref<79x128xf32, #tpu.memory_space<vmem_shared>>)
      tpu.yield
    }) : () -> ()
    %mul3A_45 = arith.constant 632 : i32
    %mul3A_46 = arith.muli %arg1, %mul3A_45 : i32
    %add3A_47 = arith.constant 79 : i32
    %add3A_48 = arith.addi %mul3A_46, %add3A_47 : i32
    "tpu.region"() ({
      %run_scoped3A_112 = tpu.sem_alloc : memref<!tpu.dma_semaphore, #tpu.memory_space<semaphore_mem>>
      %dma_start3A_113 = arith.constant 0 : i32
      %dma_start3A_114 = arith.constant 0 : i32
      %dma_start3A_115 = tpu.memref_slice %arg10[%dma_start3A_113, %dma_start3A_114] : memref<80x128xf32, #tpu.memory_space<vmem>> -> memref<79x128xf32, #tpu.memory_space<vmem>>
      %dma_start3A_116 = arith.constant 0 : i32
      %dma_start3A_117 = tpu.memref_slice %arg11[%add3A_48, %dma_start3A_116] : memref<10112x128xf32, #tpu.memory_space<vmem_shared>> -> memref<79x128xf32, #tpu.memory_space<vmem_shared>>
      %dma_start3A_118 = arith.constant 0 : i32
      %dma_start3A_119 = tpu.memref_slice %arg11[%add3A_48, %dma_start3A_118] : memref<10112x128xf32, #tpu.memory_space<vmem_shared>> -> memref<79x128xf32, #tpu.memory_space<vmem_shared>>
      %dma_start3A_120 = arith.constant 0 : i32
      %dma_start3A_121 = arith.constant 0 : i32
      %dma_start3A_122 = tpu.memref_slice %arg10[%dma_start3A_120, %dma_start3A_121] : memref<80x128xf32, #tpu.memory_space<vmem>> -> memref<79x128xf32, #tpu.memory_space<vmem>>
      tpu.enqueue_dma source(%dma_start3A_122 : memref<79x128xf32, #tpu.memory_space<vmem>>) target(%dma_start3A_119 : memref<79x128xf32, #tpu.memory_space<vmem_shared>>) target_semaphore(%run_scoped3A_112 : memref<!tpu.dma_semaphore, #tpu.memory_space<semaphore_mem>>)
      %dma_wait3A_123 = arith.constant 0 : i32
      %dma_wait3A_124 = arith.constant 0 : i32
      %dma_wait3A_125 = tpu.memref_slice %arg10[%dma_wait3A_123, %dma_wait3A_124] : memref<80x128xf32, #tpu.memory_space<vmem>> -> memref<79x128xf32, #tpu.memory_space<vmem>>
      %dma_wait3A_126 = arith.constant 0 : i32
      %dma_wait3A_127 = tpu.memref_slice %arg11[%add3A_48, %dma_wait3A_126] : memref<10112x128xf32, #tpu.memory_space<vmem_shared>> -> memref<79x128xf32, #tpu.memory_space<vmem_shared>>
      %dma_wait3A_128 = arith.constant 0 : i32
      %dma_wait3A_129 = tpu.memref_slice %arg11[%add3A_48, %dma_wait3A_128] : memref<10112x128xf32, #tpu.memory_space<vmem_shared>> -> memref<79x128xf32, #tpu.memory_space<vmem_shared>>
      %dma_wait3A_130 = arith.constant 0 : i32
      %dma_wait3A_131 = arith.constant 0 : i32
      %dma_wait3A_132 = tpu.memref_slice %arg10[%dma_wait3A_130, %dma_wait3A_131] : memref<80x128xf32, #tpu.memory_space<vmem>> -> memref<79x128xf32, #tpu.memory_space<vmem>>
      tpu.wait_dma2 semaphore(%run_scoped3A_112 : memref<!tpu.dma_semaphore, #tpu.memory_space<semaphore_mem>>) src(%dma_wait3A_132 : memref<79x128xf32, #tpu.memory_space<vmem>>) dst(%dma_wait3A_129 : memref<79x128xf32, #tpu.memory_space<vmem_shared>>)
      tpu.yield
    }) : () -> ()
    %mul3A_49 = arith.constant 632 : i32
    %mul3A_50 = arith.muli %arg1, %mul3A_49 : i32
    %add3A_51 = arith.constant 158 : i32
    %add3A_52 = arith.addi %mul3A_50, %add3A_51 : i32
    "tpu.region"() ({
      %run_scoped3A_112 = tpu.sem_alloc : memref<!tpu.dma_semaphore, #tpu.memory_space<semaphore_mem>>
      %dma_start3A_113 = arith.constant 0 : i32
      %dma_start3A_114 = arith.constant 0 : i32
      %dma_start3A_115 = tpu.memref_slice %arg10[%dma_start3A_113, %dma_start3A_114] : memref<80x128xf32, #tpu.memory_space<vmem>> -> memref<79x128xf32, #tpu.memory_space<vmem>>
      %dma_start3A_116 = arith.constant 0 : i32
      %dma_start3A_117 = tpu.memref_slice %arg11[%add3A_52, %dma_start3A_116] : memref<10112x128xf32, #tpu.memory_space<vmem_shared>> -> memref<79x128xf32, #tpu.memory_space<vmem_shared>>
      %dma_start3A_118 = arith.constant 0 : i32
      %dma_start3A_119 = tpu.memref_slice %arg11[%add3A_52, %dma_start3A_118] : memref<10112x128xf32, #tpu.memory_space<vmem_shared>> -> memref<79x128xf32, #tpu.memory_space<vmem_shared>>
      %dma_start3A_120 = arith.constant 0 : i32
      %dma_start3A_121 = arith.constant 0 : i32
      %dma_start3A_122 = tpu.memref_slice %arg10[%dma_start3A_120, %dma_start3A_121] : memref<80x128xf32, #tpu.memory_space<vmem>> -> memref<79x128xf32, #tpu.memory_space<vmem>>
      tpu.enqueue_dma source(%dma_start3A_122 : memref<79x128xf32, #tpu.memory_space<vmem>>) target(%dma_start3A_119 : memref<79x128xf32, #tpu.memory_space<vmem_shared>>) target_semaphore(%run_scoped3A_112 : memref<!tpu.dma_semaphore, #tpu.memory_space<semaphore_mem>>)
      %dma_wait3A_123 = arith.constant 0 : i32
      %dma_wait3A_124 = arith.constant 0 : i32
      %dma_wait3A_125 = tpu.memref_slice %arg10[%dma_wait3A_123, %dma_wait3A_124] : memref<80x128xf32, #tpu.memory_space<vmem>> -> memref<79x128xf32, #tpu.memory_space<vmem>>
      %dma_wait3A_126 = arith.constant 0 : i32
      %dma_wait3A_127 = tpu.memref_slice %arg11[%add3A_52, %dma_wait3A_126] : memref<10112x128xf32, #tpu.memory_space<vmem_shared>> -> memref<79x128xf32, #tpu.memory_space<vmem_shared>>
      %dma_wait3A_128 = arith.constant 0 : i32
      %dma_wait3A_129 = tpu.memref_slice %arg11[%add3A_52, %dma_wait3A_128] : memref<10112x128xf32, #tpu.memory_space<vmem_shared>> -> memref<79x128xf32, #tpu.memory_space<vmem_shared>>
      %dma_wait3A_130 = arith.constant 0 : i32
      %dma_wait3A_131 = arith.constant 0 : i32
      %dma_wait3A_132 = tpu.memref_slice %arg10[%dma_wait3A_130, %dma_wait3A_131] : memref<80x128xf32, #tpu.memory_space<vmem>> -> memref<79x128xf32, #tpu.memory_space<vmem>>
      tpu.wait_dma2 semaphore(%run_scoped3A_112 : memref<!tpu.dma_semaphore, #tpu.memory_space<semaphore_mem>>) src(%dma_wait3A_132 : memref<79x128xf32, #tpu.memory_space<vmem>>) dst(%dma_wait3A_129 : memref<79x128xf32, #tpu.memory_space<vmem_shared>>)
      tpu.yield
    }) : () -> ()
    %mul3A_53 = arith.constant 632 : i32
    %mul3A_54 = arith.muli %arg1, %mul3A_53 : i32
    %add3A_55 = arith.constant 237 : i32
    %add3A_56 = arith.addi %mul3A_54, %add3A_55 : i32
    "tpu.region"() ({
      %run_scoped3A_112 = tpu.sem_alloc : memref<!tpu.dma_semaphore, #tpu.memory_space<semaphore_mem>>
      %dma_start3A_113 = arith.constant 0 : i32
      %dma_start3A_114 = arith.constant 0 : i32
      %dma_start3A_115 = tpu.memref_slice %arg10[%dma_start3A_113, %dma_start3A_114] : memref<80x128xf32, #tpu.memory_space<vmem>> -> memref<79x128xf32, #tpu.memory_space<vmem>>
      %dma_start3A_116 = arith.constant 0 : i32
      %dma_start3A_117 = tpu.memref_slice %arg11[%add3A_56, %dma_start3A_116] : memref<10112x128xf32, #tpu.memory_space<vmem_shared>> -> memref<79x128xf32, #tpu.memory_space<vmem_shared>>
      %dma_start3A_118 = arith.constant 0 : i32
      %dma_start3A_119 = tpu.memref_slice %arg11[%add3A_56, %dma_start3A_118] : memref<10112x128xf32, #tpu.memory_space<vmem_shared>> -> memref<79x128xf32, #tpu.memory_space<vmem_shared>>
      %dma_start3A_120 = arith.constant 0 : i32
      %dma_start3A_121 = arith.constant 0 : i32
      %dma_start3A_122 = tpu.memref_slice %arg10[%dma_start3A_120, %dma_start3A_121] : memref<80x128xf32, #tpu.memory_space<vmem>> -> memref<79x128xf32, #tpu.memory_space<vmem>>
      tpu.enqueue_dma source(%dma_start3A_122 : memref<79x128xf32, #tpu.memory_space<vmem>>) target(%dma_start3A_119 : memref<79x128xf32, #tpu.memory_space<vmem_shared>>) target_semaphore(%run_scoped3A_112 : memref<!tpu.dma_semaphore, #tpu.memory_space<semaphore_mem>>)
      %dma_wait3A_123 = arith.constant 0 : i32
      %dma_wait3A_124 = arith.constant 0 : i32
      %dma_wait3A_125 = tpu.memref_slice %arg10[%dma_wait3A_123, %dma_wait3A_124] : memref<80x128xf32, #tpu.memory_space<vmem>> -> memref<79x128xf32, #tpu.memory_space<vmem>>
      %dma_wait3A_126 = arith.constant 0 : i32
      %dma_wait3A_127 = tpu.memref_slice %arg11[%add3A_56, %dma_wait3A_126] : memref<10112x128xf32, #tpu.memory_space<vmem_shared>> -> memref<79x128xf32, #tpu.memory_space<vmem_shared>>
      %dma_wait3A_128 = arith.constant 0 : i32
      %dma_wait3A_129 = tpu.memref_slice %arg11[%add3A_56, %dma_wait3A_128] : memref<10112x128xf32, #tpu.memory_space<vmem_shared>> -> memref<79x128xf32, #tpu.memory_space<vmem_shared>>
      %dma_wait3A_130 = arith.constant 0 : i32
      %dma_wait3A_131 = arith.constant 0 : i32
      %dma_wait3A_132 = tpu.memref_slice %arg10[%dma_wait3A_130, %dma_wait3A_131] : memref<80x128xf32, #tpu.memory_space<vmem>> -> memref<79x128xf32, #tpu.memory_space<vmem>>
      tpu.wait_dma2 semaphore(%run_scoped3A_112 : memref<!tpu.dma_semaphore, #tpu.memory_space<semaphore_mem>>) src(%dma_wait3A_132 : memref<79x128xf32, #tpu.memory_space<vmem>>) dst(%dma_wait3A_129 : memref<79x128xf32, #tpu.memory_space<vmem_shared>>)
      tpu.yield
    }) : () -> ()
    %mul3A_57 = arith.constant 632 : i32
    %mul3A_58 = arith.muli %arg1, %mul3A_57 : i32
    %add3A_59 = arith.constant 316 : i32
    %add3A_60 = arith.addi %mul3A_58, %add3A_59 : i32
    "tpu.region"() ({
      %run_scoped3A_112 = tpu.sem_alloc : memref<!tpu.dma_semaphore, #tpu.memory_space<semaphore_mem>>
      %dma_start3A_113 = arith.constant 0 : i32
      %dma_start3A_114 = arith.constant 0 : i32
      %dma_start3A_115 = tpu.memref_slice %arg10[%dma_start3A_113, %dma_start3A_114] : memref<80x128xf32, #tpu.memory_space<vmem>> -> memref<79x128xf32, #tpu.memory_space<vmem>>
      %dma_start3A_116 = arith.constant 0 : i32
      %dma_start3A_117 = tpu.memref_slice %arg11[%add3A_60, %dma_start3A_116] : memref<10112x128xf32, #tpu.memory_space<vmem_shared>> -> memref<79x128xf32, #tpu.memory_space<vmem_shared>>
      %dma_start3A_118 = arith.constant 0 : i32
      %dma_start3A_119 = tpu.memref_slice %arg11[%add3A_60, %dma_start3A_118] : memref<10112x128xf32, #tpu.memory_space<vmem_shared>> -> memref<79x128xf32, #tpu.memory_space<vmem_shared>>
      %dma_start3A_120 = arith.constant 0 : i32
      %dma_start3A_121 = arith.constant 0 : i32
      %dma_start3A_122 = tpu.memref_slice %arg10[%dma_start3A_120, %dma_start3A_121] : memref<80x128xf32, #tpu.memory_space<vmem>> -> memref<79x128xf32, #tpu.memory_space<vmem>>
      tpu.enqueue_dma source(%dma_start3A_122 : memref<79x128xf32, #tpu.memory_space<vmem>>) target(%dma_start3A_119 : memref<79x128xf32, #tpu.memory_space<vmem_shared>>) target_semaphore(%run_scoped3A_112 : memref<!tpu.dma_semaphore, #tpu.memory_space<semaphore_mem>>)
      %dma_wait3A_123 = arith.constant 0 : i32
      %dma_wait3A_124 = arith.constant 0 : i32
      %dma_wait3A_125 = tpu.memref_slice %arg10[%dma_wait3A_123, %dma_wait3A_124] : memref<80x128xf32, #tpu.memory_space<vmem>> -> memref<79x128xf32, #tpu.memory_space<vmem>>
      %dma_wait3A_126 = arith.constant 0 : i32
      %dma_wait3A_127 = tpu.memref_slice %arg11[%add3A_60, %dma_wait3A_126] : memref<10112x128xf32, #tpu.memory_space<vmem_shared>> -> memref<79x128xf32, #tpu.memory_space<vmem_shared>>
      %dma_wait3A_128 = arith.constant 0 : i32
      %dma_wait3A_129 = tpu.memref_slice %arg11[%add3A_60, %dma_wait3A_128] : memref<10112x128xf32, #tpu.memory_space<vmem_shared>> -> memref<79x128xf32, #tpu.memory_space<vmem_shared>>
      %dma_wait3A_130 = arith.constant 0 : i32
      %dma_wait3A_131 = arith.constant 0 : i32
      %dma_wait3A_132 = tpu.memref_slice %arg10[%dma_wait3A_130, %dma_wait3A_131] : memref<80x128xf32, #tpu.memory_space<vmem>> -> memref<79x128xf32, #tpu.memory_space<vmem>>
      tpu.wait_dma2 semaphore(%run_scoped3A_112 : memref<!tpu.dma_semaphore, #tpu.memory_space<semaphore_mem>>) src(%dma_wait3A_132 : memref<79x128xf32, #tpu.memory_space<vmem>>) dst(%dma_wait3A_129 : memref<79x128xf32, #tpu.memory_space<vmem_shared>>)
      tpu.yield
    }) : () -> ()
    %mul3A_61 = arith.constant 632 : i32
    %mul3A_62 = arith.muli %arg1, %mul3A_61 : i32
    %add3A_63 = arith.constant 395 : i32
    %add3A_64 = arith.addi %mul3A_62, %add3A_63 : i32
    "tpu.region"() ({
      %run_scoped3A_112 = tpu.sem_alloc : memref<!tpu.dma_semaphore, #tpu.memory_space<semaphore_mem>>
      %dma_start3A_113 = arith.constant 0 : i32
      %dma_start3A_114 = arith.constant 0 : i32
      %dma_start3A_115 = tpu.memref_slice %arg10[%dma_start3A_113, %dma_start3A_114] : memref<80x128xf32, #tpu.memory_space<vmem>> -> memref<79x128xf32, #tpu.memory_space<vmem>>
      %dma_start3A_116 = arith.constant 0 : i32
      %dma_start3A_117 = tpu.memref_slice %arg11[%add3A_64, %dma_start3A_116] : memref<10112x128xf32, #tpu.memory_space<vmem_shared>> -> memref<79x128xf32, #tpu.memory_space<vmem_shared>>
      %dma_start3A_118 = arith.constant 0 : i32
      %dma_start3A_119 = tpu.memref_slice %arg11[%add3A_64, %dma_start3A_118] : memref<10112x128xf32, #tpu.memory_space<vmem_shared>> -> memref<79x128xf32, #tpu.memory_space<vmem_shared>>
      %dma_start3A_120 = arith.constant 0 : i32
      %dma_start3A_121 = arith.constant 0 : i32
      %dma_start3A_122 = tpu.memref_slice %arg10[%dma_start3A_120, %dma_start3A_121] : memref<80x128xf32, #tpu.memory_space<vmem>> -> memref<79x128xf32, #tpu.memory_space<vmem>>
      tpu.enqueue_dma source(%dma_start3A_122 : memref<79x128xf32, #tpu.memory_space<vmem>>) target(%dma_start3A_119 : memref<79x128xf32, #tpu.memory_space<vmem_shared>>) target_semaphore(%run_scoped3A_112 : memref<!tpu.dma_semaphore, #tpu.memory_space<semaphore_mem>>)
      %dma_wait3A_123 = arith.constant 0 : i32
      %dma_wait3A_124 = arith.constant 0 : i32
      %dma_wait3A_125 = tpu.memref_slice %arg10[%dma_wait3A_123, %dma_wait3A_124] : memref<80x128xf32, #tpu.memory_space<vmem>> -> memref<79x128xf32, #tpu.memory_space<vmem>>
      %dma_wait3A_126 = arith.constant 0 : i32
      %dma_wait3A_127 = tpu.memref_slice %arg11[%add3A_64, %dma_wait3A_126] : memref<10112x128xf32, #tpu.memory_space<vmem_shared>> -> memref<79x128xf32, #tpu.memory_space<vmem_shared>>
      %dma_wait3A_128 = arith.constant 0 : i32
      %dma_wait3A_129 = tpu.memref_slice %arg11[%add3A_64, %dma_wait3A_128] : memref<10112x128xf32, #tpu.memory_space<vmem_shared>> -> memref<79x128xf32, #tpu.memory_space<vmem_shared>>
      %dma_wait3A_130 = arith.constant 0 : i32
      %dma_wait3A_131 = arith.constant 0 : i32
      %dma_wait3A_132 = tpu.memref_slice %arg10[%dma_wait3A_130, %dma_wait3A_131] : memref<80x128xf32, #tpu.memory_space<vmem>> -> memref<79x128xf32, #tpu.memory_space<vmem>>
      tpu.wait_dma2 semaphore(%run_scoped3A_112 : memref<!tpu.dma_semaphore, #tpu.memory_space<semaphore_mem>>) src(%dma_wait3A_132 : memref<79x128xf32, #tpu.memory_space<vmem>>) dst(%dma_wait3A_129 : memref<79x128xf32, #tpu.memory_space<vmem_shared>>)
      tpu.yield
    }) : () -> ()
    %mul3A_65 = arith.constant 632 : i32
    %mul3A_66 = arith.muli %arg1, %mul3A_65 : i32
    %add3A_67 = arith.constant 474 : i32
    %add3A_68 = arith.addi %mul3A_66, %add3A_67 : i32
    "tpu.region"() ({
      %run_scoped3A_112 = tpu.sem_alloc : memref<!tpu.dma_semaphore, #tpu.memory_space<semaphore_mem>>
      %dma_start3A_113 = arith.constant 0 : i32
      %dma_start3A_114 = arith.constant 0 : i32
      %dma_start3A_115 = tpu.memref_slice %arg10[%dma_start3A_113, %dma_start3A_114] : memref<80x128xf32, #tpu.memory_space<vmem>> -> memref<79x128xf32, #tpu.memory_space<vmem>>
      %dma_start3A_116 = arith.constant 0 : i32
      %dma_start3A_117 = tpu.memref_slice %arg11[%add3A_68, %dma_start3A_116] : memref<10112x128xf32, #tpu.memory_space<vmem_shared>> -> memref<79x128xf32, #tpu.memory_space<vmem_shared>>
      %dma_start3A_118 = arith.constant 0 : i32
      %dma_start3A_119 = tpu.memref_slice %arg11[%add3A_68, %dma_start3A_118] : memref<10112x128xf32, #tpu.memory_space<vmem_shared>> -> memref<79x128xf32, #tpu.memory_space<vmem_shared>>
      %dma_start3A_120 = arith.constant 0 : i32
      %dma_start3A_121 = arith.constant 0 : i32
      %dma_start3A_122 = tpu.memref_slice %arg10[%dma_start3A_120, %dma_start3A_121] : memref<80x128xf32, #tpu.memory_space<vmem>> -> memref<79x128xf32, #tpu.memory_space<vmem>>
      tpu.enqueue_dma source(%dma_start3A_122 : memref<79x128xf32, #tpu.memory_space<vmem>>) target(%dma_start3A_119 : memref<79x128xf32, #tpu.memory_space<vmem_shared>>) target_semaphore(%run_scoped3A_112 : memref<!tpu.dma_semaphore, #tpu.memory_space<semaphore_mem>>)
      %dma_wait3A_123 = arith.constant 0 : i32
      %dma_wait3A_124 = arith.constant 0 : i32
      %dma_wait3A_125 = tpu.memref_slice %arg10[%dma_wait3A_123, %dma_wait3A_124] : memref<80x128xf32, #tpu.memory_space<vmem>> -> memref<79x128xf32, #tpu.memory_space<vmem>>
      %dma_wait3A_126 = arith.constant 0 : i32
      %dma_wait3A_127 = tpu.memref_slice %arg11[%add3A_68, %dma_wait3A_126] : memref<10112x128xf32, #tpu.memory_space<vmem_shared>> -> memref<79x128xf32, #tpu.memory_space<vmem_shared>>
      %dma_wait3A_128 = arith.constant 0 : i32
      %dma_wait3A_129 = tpu.memref_slice %arg11[%add3A_68, %dma_wait3A_128] : memref<10112x128xf32, #tpu.memory_space<vmem_shared>> -> memref<79x128xf32, #tpu.memory_space<vmem_shared>>
      %dma_wait3A_130 = arith.constant 0 : i32
      %dma_wait3A_131 = arith.constant 0 : i32
      %dma_wait3A_132 = tpu.memref_slice %arg10[%dma_wait3A_130, %dma_wait3A_131] : memref<80x128xf32, #tpu.memory_space<vmem>> -> memref<79x128xf32, #tpu.memory_space<vmem>>
      tpu.wait_dma2 semaphore(%run_scoped3A_112 : memref<!tpu.dma_semaphore, #tpu.memory_space<semaphore_mem>>) src(%dma_wait3A_132 : memref<79x128xf32, #tpu.memory_space<vmem>>) dst(%dma_wait3A_129 : memref<79x128xf32, #tpu.memory_space<vmem_shared>>)
      tpu.yield
    }) : () -> ()
    %mul3A_69 = arith.constant 632 : i32
    %mul3A_70 = arith.muli %arg1, %mul3A_69 : i32
    %add3A_71 = arith.constant 553 : i32
    %add3A_72 = arith.addi %mul3A_70, %add3A_71 : i32
    "tpu.region"() ({
      %run_scoped3A_112 = tpu.sem_alloc : memref<!tpu.dma_semaphore, #tpu.memory_space<semaphore_mem>>
      %dma_start3A_113 = arith.constant 0 : i32
      %dma_start3A_114 = arith.constant 0 : i32
      %dma_start3A_115 = tpu.memref_slice %arg10[%dma_start3A_113, %dma_start3A_114] : memref<80x128xf32, #tpu.memory_space<vmem>> -> memref<79x128xf32, #tpu.memory_space<vmem>>
      %dma_start3A_116 = arith.constant 0 : i32
      %dma_start3A_117 = tpu.memref_slice %arg11[%add3A_72, %dma_start3A_116] : memref<10112x128xf32, #tpu.memory_space<vmem_shared>> -> memref<79x128xf32, #tpu.memory_space<vmem_shared>>
      %dma_start3A_118 = arith.constant 0 : i32
      %dma_start3A_119 = tpu.memref_slice %arg11[%add3A_72, %dma_start3A_118] : memref<10112x128xf32, #tpu.memory_space<vmem_shared>> -> memref<79x128xf32, #tpu.memory_space<vmem_shared>>
      %dma_start3A_120 = arith.constant 0 : i32
      %dma_start3A_121 = arith.constant 0 : i32
      %dma_start3A_122 = tpu.memref_slice %arg10[%dma_start3A_120, %dma_start3A_121] : memref<80x128xf32, #tpu.memory_space<vmem>> -> memref<79x128xf32, #tpu.memory_space<vmem>>
      tpu.enqueue_dma source(%dma_start3A_122 : memref<79x128xf32, #tpu.memory_space<vmem>>) target(%dma_start3A_119 : memref<79x128xf32, #tpu.memory_space<vmem_shared>>) target_semaphore(%run_scoped3A_112 : memref<!tpu.dma_semaphore, #tpu.memory_space<semaphore_mem>>)
      %dma_wait3A_123 = arith.constant 0 : i32
      %dma_wait3A_124 = arith.constant 0 : i32
      %dma_wait3A_125 = tpu.memref_slice %arg10[%dma_wait3A_123, %dma_wait3A_124] : memref<80x128xf32, #tpu.memory_space<vmem>> -> memref<79x128xf32, #tpu.memory_space<vmem>>
      %dma_wait3A_126 = arith.constant 0 : i32
      %dma_wait3A_127 = tpu.memref_slice %arg11[%add3A_72, %dma_wait3A_126] : memref<10112x128xf32, #tpu.memory_space<vmem_shared>> -> memref<79x128xf32, #tpu.memory_space<vmem_shared>>
      %dma_wait3A_128 = arith.constant 0 : i32
      %dma_wait3A_129 = tpu.memref_slice %arg11[%add3A_72, %dma_wait3A_128] : memref<10112x128xf32, #tpu.memory_space<vmem_shared>> -> memref<79x128xf32, #tpu.memory_space<vmem_shared>>
      %dma_wait3A_130 = arith.constant 0 : i32
      %dma_wait3A_131 = arith.constant 0 : i32
      %dma_wait3A_132 = tpu.memref_slice %arg10[%dma_wait3A_130, %dma_wait3A_131] : memref<80x128xf32, #tpu.memory_space<vmem>> -> memref<79x128xf32, #tpu.memory_space<vmem>>
      tpu.wait_dma2 semaphore(%run_scoped3A_112 : memref<!tpu.dma_semaphore, #tpu.memory_space<semaphore_mem>>) src(%dma_wait3A_132 : memref<79x128xf32, #tpu.memory_space<vmem>>) dst(%dma_wait3A_129 : memref<79x128xf32, #tpu.memory_space<vmem_shared>>)
      tpu.yield
    }) : () -> ()
    %barrier3A = arith.constant 0 : index
    tpu.barrier barrier_id(%barrier3A)
    %scan3A = arith.constant 0 : i32
    %scan3A_73 = arith.constant 0 : i32
    %scan3A_74 = arith.constant 19 : i32
    %scan3A_75 = arith.addi %scan3A_73, %scan3A_74 : i32
    %scan3A_76 = arith.constant 1 : i32
    scf.for %scan3A_112 = %scan3A_73 to %scan3A_75 step %scan3A_76  : i32 {
      %mul3A_113 = arith.constant 2 : i32
      %mul3A_114 = arith.muli %mul3A_113, %scan3A_112 : i32
      %add3A_115 = arith.addi %mul3A_2, %mul3A_114 : i32
      %add3A_116 = arith.constant 1 : i32
      %add3A_117 = arith.addi %add3A_115, %add3A_116 : i32
      %dma_start3A_118 = arith.constant 0 : i32
      %dma_start3A_119 = arith.constant 1 : i32
      %dma_start3A_120 = arith.constant 0 : i32
      %dma_start3A_121 = tpu.memref_slice %arg6[%dma_start3A_118, %dma_start3A_119, %dma_start3A_120] : memref<2x2x128xi32, #tpu.memory_space<vmem>> -> memref<1x1x128xi32, #tpu.memory_space<vmem>>
      %dma_start3A_122 = tpu.memref_squeeze %dma_start3A_121 : memref<1x1x128xi32, #tpu.memory_space<vmem>> -> memref<128xi32, #tpu.memory_space<vmem>>
      %dma_start3A_123 = arith.constant 0 : i32
      %dma_start3A_124 = arith.constant 0 : i32
      %dma_start3A_125 = tpu.memref_slice %arg2[%dma_start3A_123, %dma_start3A_124] : memref<10000x128xf32, #tpu.memory_space<hbm>> -> memref<10000x128xf32, #tpu.memory_space<hbm>>
      tpu.enqueue_indirect_dma source(%dma_start3A_125 : memref<10000x128xf32, #tpu.memory_space<hbm>>) target(%arg9 : memref<128x128xf32, #tpu.memory_space<vmem>>) offsets(%dma_start3A_122 : memref<128xi32, #tpu.memory_space<vmem>>) semaphore(%arg13 : memref<!tpu.dma_semaphore, #tpu.memory_space<semaphore_mem>>)
      %mul3A_126 = arith.constant 2 : i32
      %mul3A_127 = arith.muli %add3A_117, %mul3A_126 : i32
      %mul3A_128 = arith.constant 128 : i32
      %mul3A_129 = arith.muli %mul3A_127, %mul3A_128 : i32
      %dma_start3A_130 = arith.constant 0 : i32
      %dma_start3A_131 = arith.constant 0 : i32
      %dma_start3A_132 = arith.constant 0 : i32
      %dma_start3A_133 = arith.constant 0 : i32
      %dma_start3A_134 = tpu.memref_slice %arg7[%dma_start3A_131, %dma_start3A_132, %dma_start3A_133] : memref<2x2x128xi32, #tpu.memory_space<vmem>> -> memref<1x1x128xi32, #tpu.memory_space<vmem>>
      %dma_start3A_135 = tpu.memref_squeeze %dma_start3A_134 : memref<1x1x128xi32, #tpu.memory_space<vmem>> -> memref<128xi32, #tpu.memory_space<vmem>>
      %dma_start3A_136 = tpu.memref_slice %arg3[%dma_start3A_130, %mul3A_129] : memref<2x320000xi32, #tpu.memory_space<hbm>> -> memref<1x128xi32, #tpu.memory_space<hbm>>
      %dma_start3A_137 = tpu.memref_squeeze %dma_start3A_136 : memref<1x128xi32, #tpu.memory_space<hbm>> -> memref<128xi32, #tpu.memory_space<hbm>>
      %dma_start3A_138 = arith.constant 0 : i32
      %dma_start3A_139 = tpu.memref_slice %arg7[%dma_start3A_131, %dma_start3A_132, %dma_start3A_138] : memref<2x2x128xi32, #tpu.memory_space<vmem>> -> memref<1x1x128xi32, #tpu.memory_space<vmem>>
      %dma_start3A_140 = tpu.memref_squeeze %dma_start3A_139 : memref<1x1x128xi32, #tpu.memory_space<vmem>> -> memref<128xi32, #tpu.memory_space<vmem>>
      %dma_start3A_141 = tpu.memref_slice %arg3[%dma_start3A_130, %mul3A_129] : memref<2x320000xi32, #tpu.memory_space<hbm>> -> memref<1x128xi32, #tpu.memory_space<hbm>>
      %dma_start3A_142 = tpu.memref_squeeze %dma_start3A_141 : memref<1x128xi32, #tpu.memory_space<hbm>> -> memref<128xi32, #tpu.memory_space<hbm>>
      tpu.enqueue_dma source(%dma_start3A_142 : memref<128xi32, #tpu.memory_space<hbm>>) target(%dma_start3A_140 : memref<128xi32, #tpu.memory_space<vmem>>) target_semaphore(%arg14 : memref<!tpu.dma_semaphore, #tpu.memory_space<semaphore_mem>>)
      %mul3A_143 = arith.constant 2 : i32
      %mul3A_144 = arith.muli %add3A_117, %mul3A_143 : i32
      %mul3A_145 = arith.constant 128 : i32
      %mul3A_146 = arith.muli %mul3A_144, %mul3A_145 : i32
      %add3A_147 = arith.constant 128 : i32
      %add3A_148 = arith.addi %mul3A_146, %add3A_147 : i32
      %dma_start3A_149 = arith.constant 0 : i32
      %dma_start3A_150 = arith.constant 0 : i32
      %dma_start3A_151 = arith.constant 1 : i32
      %dma_start3A_152 = arith.constant 0 : i32
      %dma_start3A_153 = tpu.memref_slice %arg7[%dma_start3A_150, %dma_start3A_151, %dma_start3A_152] : memref<2x2x128xi32, #tpu.memory_space<vmem>> -> memref<1x1x128xi32, #tpu.memory_space<vmem>>
      %dma_start3A_154 = tpu.memref_squeeze %dma_start3A_153 : memref<1x1x128xi32, #tpu.memory_space<vmem>> -> memref<128xi32, #tpu.memory_space<vmem>>
      %dma_start3A_155 = tpu.memref_slice %arg3[%dma_start3A_149, %add3A_148] : memref<2x320000xi32, #tpu.memory_space<hbm>> -> memref<1x128xi32, #tpu.memory_space<hbm>>
      %dma_start3A_156 = tpu.memref_squeeze %dma_start3A_155 : memref<1x128xi32, #tpu.memory_space<hbm>> -> memref<128xi32, #tpu.memory_space<hbm>>
      %dma_start3A_157 = arith.constant 0 : i32
      %dma_start3A_158 = tpu.memref_slice %arg7[%dma_start3A_150, %dma_start3A_151, %dma_start3A_157] : memref<2x2x128xi32, #tpu.memory_space<vmem>> -> memref<1x1x128xi32, #tpu.memory_space<vmem>>
      %dma_start3A_159 = tpu.memref_squeeze %dma_start3A_158 : memref<1x1x128xi32, #tpu.memory_space<vmem>> -> memref<128xi32, #tpu.memory_space<vmem>>
      %dma_start3A_160 = tpu.memref_slice %arg3[%dma_start3A_149, %add3A_148] : memref<2x320000xi32, #tpu.memory_space<hbm>> -> memref<1x128xi32, #tpu.memory_space<hbm>>
      %dma_start3A_161 = tpu.memref_squeeze %dma_start3A_160 : memref<1x128xi32, #tpu.memory_space<hbm>> -> memref<128xi32, #tpu.memory_space<hbm>>
      tpu.enqueue_dma source(%dma_start3A_161 : memref<128xi32, #tpu.memory_space<hbm>>) target(%dma_start3A_159 : memref<128xi32, #tpu.memory_space<vmem>>) target_semaphore(%arg14 : memref<!tpu.dma_semaphore, #tpu.memory_space<semaphore_mem>>)
      %mul3A_162 = arith.constant 2 : i32
      %mul3A_163 = arith.muli %add3A_117, %mul3A_162 : i32
      %mul3A_164 = arith.constant 128 : i32
      %mul3A_165 = arith.muli %mul3A_163, %mul3A_164 : i32
      %dma_start3A_166 = arith.constant 1 : i32
      %dma_start3A_167 = arith.constant 1 : i32
      %dma_start3A_168 = arith.constant 0 : i32
      %dma_start3A_169 = arith.constant 0 : i32
      %dma_start3A_170 = tpu.memref_slice %arg7[%dma_start3A_167, %dma_start3A_168, %dma_start3A_169] : memref<2x2x128xi32, #tpu.memory_space<vmem>> -> memref<1x1x128xi32, #tpu.memory_space<vmem>>
      %dma_start3A_171 = tpu.memref_squeeze %dma_start3A_170 : memref<1x1x128xi32, #tpu.memory_space<vmem>> -> memref<128xi32, #tpu.memory_space<vmem>>
      %dma_start3A_172 = tpu.memref_slice %arg3[%dma_start3A_166, %mul3A_165] : memref<2x320000xi32, #tpu.memory_space<hbm>> -> memref<1x128xi32, #tpu.memory_space<hbm>>
      %dma_start3A_173 = tpu.memref_squeeze %dma_start3A_172 : memref<1x128xi32, #tpu.memory_space<hbm>> -> memref<128xi32, #tpu.memory_space<hbm>>
      %dma_start3A_174 = arith.constant 0 : i32
      %dma_start3A_175 = tpu.memref_slice %arg7[%dma_start3A_167, %dma_start3A_168, %dma_start3A_174] : memref<2x2x128xi32, #tpu.memory_space<vmem>> -> memref<1x1x128xi32, #tpu.memory_space<vmem>>
      %dma_start3A_176 = tpu.memref_squeeze %dma_start3A_175 : memref<1x1x128xi32, #tpu.memory_space<vmem>> -> memref<128xi32, #tpu.memory_space<vmem>>
      %dma_start3A_177 = tpu.memref_slice %arg3[%dma_start3A_166, %mul3A_165] : memref<2x320000xi32, #tpu.memory_space<hbm>> -> memref<1x128xi32, #tpu.memory_space<hbm>>
      %dma_start3A_178 = tpu.memref_squeeze %dma_start3A_177 : memref<1x128xi32, #tpu.memory_space<hbm>> -> memref<128xi32, #tpu.memory_space<hbm>>
      tpu.enqueue_dma source(%dma_start3A_178 : memref<128xi32, #tpu.memory_space<hbm>>) target(%dma_start3A_176 : memref<128xi32, #tpu.memory_space<vmem>>) target_semaphore(%arg14 : memref<!tpu.dma_semaphore, #tpu.memory_space<semaphore_mem>>)
      %mul3A_179 = arith.constant 2 : i32
      %mul3A_180 = arith.muli %add3A_117, %mul3A_179 : i32
      %mul3A_181 = arith.constant 128 : i32
      %mul3A_182 = arith.muli %mul3A_180, %mul3A_181 : i32
      %add3A_183 = arith.constant 128 : i32
      %add3A_184 = arith.addi %mul3A_182, %add3A_183 : i32
      %dma_start3A_185 = arith.constant 1 : i32
      %dma_start3A_186 = arith.constant 1 : i32
      %dma_start3A_187 = arith.constant 1 : i32
      %dma_start3A_188 = arith.constant 0 : i32
      %dma_start3A_189 = tpu.memref_slice %arg7[%dma_start3A_186, %dma_start3A_187, %dma_start3A_188] : memref<2x2x128xi32, #tpu.memory_space<vmem>> -> memref<1x1x128xi32, #tpu.memory_space<vmem>>
      %dma_start3A_190 = tpu.memref_squeeze %dma_start3A_189 : memref<1x1x128xi32, #tpu.memory_space<vmem>> -> memref<128xi32, #tpu.memory_space<vmem>>
      %dma_start3A_191 = tpu.memref_slice %arg3[%dma_start3A_185, %add3A_184] : memref<2x320000xi32, #tpu.memory_space<hbm>> -> memref<1x128xi32, #tpu.memory_space<hbm>>
      %dma_start3A_192 = tpu.memref_squeeze %dma_start3A_191 : memref<1x128xi32, #tpu.memory_space<hbm>> -> memref<128xi32, #tpu.memory_space<hbm>>
      %dma_start3A_193 = arith.constant 0 : i32
      %dma_start3A_194 = tpu.memref_slice %arg7[%dma_start3A_186, %dma_start3A_187, %dma_start3A_193] : memref<2x2x128xi32, #tpu.memory_space<vmem>> -> memref<1x1x128xi32, #tpu.memory_space<vmem>>
      %dma_start3A_195 = tpu.memref_squeeze %dma_start3A_194 : memref<1x1x128xi32, #tpu.memory_space<vmem>> -> memref<128xi32, #tpu.memory_space<vmem>>
      %dma_start3A_196 = tpu.memref_slice %arg3[%dma_start3A_185, %add3A_184] : memref<2x320000xi32, #tpu.memory_space<hbm>> -> memref<1x128xi32, #tpu.memory_space<hbm>>
      %dma_start3A_197 = tpu.memref_squeeze %dma_start3A_196 : memref<1x128xi32, #tpu.memory_space<hbm>> -> memref<128xi32, #tpu.memory_space<hbm>>
      tpu.enqueue_dma source(%dma_start3A_197 : memref<128xi32, #tpu.memory_space<hbm>>) target(%dma_start3A_195 : memref<128xi32, #tpu.memory_space<vmem>>) target_semaphore(%arg14 : memref<!tpu.dma_semaphore, #tpu.memory_space<semaphore_mem>>)
      %dma_wait3A_198 = arith.constant 0 : i32
      %dma_wait3A_199 = arith.constant 0 : i32
      %dma_wait3A_200 = arith.constant 0 : i32
      %dma_wait3A_201 = tpu.memref_slice %arg6[%dma_wait3A_198, %dma_wait3A_199, %dma_wait3A_200] : memref<2x2x128xi32, #tpu.memory_space<vmem>> -> memref<1x1x128xi32, #tpu.memory_space<vmem>>
      %dma_wait3A_202 = tpu.memref_squeeze %dma_wait3A_201 : memref<1x1x128xi32, #tpu.memory_space<vmem>> -> memref<128xi32, #tpu.memory_space<vmem>>
      %dma_wait3A_203 = arith.constant 0 : i32
      %dma_wait3A_204 = arith.constant 0 : i32
      %dma_wait3A_205 = tpu.memref_slice %arg2[%dma_wait3A_203, %dma_wait3A_204] : memref<10000x128xf32, #tpu.memory_space<hbm>> -> memref<10000x128xf32, #tpu.memory_space<hbm>>
      tpu.wait_indirect_dma semaphore(%arg12 : memref<!tpu.dma_semaphore, #tpu.memory_space<semaphore_mem>>) src(%dma_wait3A_205 : memref<10000x128xf32, #tpu.memory_space<hbm>>) dst(%arg8 : memref<128x128xf32, #tpu.memory_space<vmem>>)
      %run_scoped3A_206 = arith.constant 1 : i32
      %run_scoped3A_207 = arith.constant 0 : i32
      "tpu.region"() ({
        %run_scoped3A_472 = tpu.sem_alloc : memref<!tpu.dma_semaphore, #tpu.memory_space<semaphore_mem>>
        %dma_start3A_473 = arith.constant 0 : i32
        %dma_start3A_474 = tpu.memref_slice %arg6[%run_scoped3A_206, %run_scoped3A_207, %dma_start3A_473] : memref<2x2x128xi32, #tpu.memory_space<vmem>> -> memref<1x1x128xi32, #tpu.memory_space<vmem>>
        %dma_start3A_475 = tpu.memref_squeeze %dma_start3A_474 : memref<1x1x128xi32, #tpu.memory_space<vmem>> -> memref<128xi32, #tpu.memory_space<vmem>>
        %dma_start3A_476 = arith.constant 0 : i32
        %dma_start3A_477 = arith.constant 0 : i32
        %dma_start3A_478 = tpu.memref_slice %arg11[%dma_start3A_476, %dma_start3A_477] : memref<10112x128xf32, #tpu.memory_space<vmem_shared>> -> memref<10112x128xf32, #tpu.memory_space<vmem_shared>>
        tpu.enqueue_indirect_dma source(%arg8 : memref<128x128xf32, #tpu.memory_space<vmem>>) target(%dma_start3A_478 : memref<10112x128xf32, #tpu.memory_space<vmem_shared>>) offsets(%dma_start3A_475 : memref<128xi32, #tpu.memory_space<vmem>>) semaphore(%run_scoped3A_472 : memref<!tpu.dma_semaphore, #tpu.memory_space<semaphore_mem>>) {add = true}
        %dma_wait3A_479 = arith.constant 0 : i32
        %dma_wait3A_480 = tpu.memref_slice %arg6[%run_scoped3A_206, %run_scoped3A_207, %dma_wait3A_479] : memref<2x2x128xi32, #tpu.memory_space<vmem>> -> memref<1x1x128xi32, #tpu.memory_space<vmem>>
        %dma_wait3A_481 = tpu.memref_squeeze %dma_wait3A_480 : memref<1x1x128xi32, #tpu.memory_space<vmem>> -> memref<128xi32, #tpu.memory_space<vmem>>
        %dma_wait3A_482 = arith.constant 0 : i32
        %dma_wait3A_483 = arith.constant 0 : i32
        %dma_wait3A_484 = tpu.memref_slice %arg11[%dma_wait3A_482, %dma_wait3A_483] : memref<10112x128xf32, #tpu.memory_space<vmem_shared>> -> memref<10112x128xf32, #tpu.memory_space<vmem_shared>>
        tpu.wait_indirect_dma semaphore(%run_scoped3A_472 : memref<!tpu.dma_semaphore, #tpu.memory_space<semaphore_mem>>) src(%arg8 : memref<128x128xf32, #tpu.memory_space<vmem>>) dst(%dma_wait3A_484 : memref<10112x128xf32, #tpu.memory_space<vmem_shared>>)
        tpu.yield
      }) : () -> ()
      %mul3A_208 = arith.constant 2 : i32
      %mul3A_209 = arith.muli %add3A_117, %mul3A_208 : i32
      %mul3A_210 = arith.constant 128 : i32
      %mul3A_211 = arith.muli %mul3A_209, %mul3A_210 : i32
      %dma_wait3A_212 = arith.constant 0 : i32
      %dma_wait3A_213 = arith.constant 0 : i32
      %dma_wait3A_214 = arith.constant 0 : i32
      %dma_wait3A_215 = arith.constant 0 : i32
      %dma_wait3A_216 = tpu.memref_slice %arg7[%dma_wait3A_213, %dma_wait3A_214, %dma_wait3A_215] : memref<2x2x128xi32, #tpu.memory_space<vmem>> -> memref<1x1x128xi32, #tpu.memory_space<vmem>>
      %dma_wait3A_217 = tpu.memref_squeeze %dma_wait3A_216 : memref<1x1x128xi32, #tpu.memory_space<vmem>> -> memref<128xi32, #tpu.memory_space<vmem>>
      %dma_wait3A_218 = tpu.memref_slice %arg3[%dma_wait3A_212, %mul3A_211] : memref<2x320000xi32, #tpu.memory_space<hbm>> -> memref<1x128xi32, #tpu.memory_space<hbm>>
      %dma_wait3A_219 = tpu.memref_squeeze %dma_wait3A_218 : memref<1x128xi32, #tpu.memory_space<hbm>> -> memref<128xi32, #tpu.memory_space<hbm>>
      %dma_wait3A_220 = arith.constant 0 : i32
      %dma_wait3A_221 = tpu.memref_slice %arg7[%dma_wait3A_213, %dma_wait3A_214, %dma_wait3A_220] : memref<2x2x128xi32, #tpu.memory_space<vmem>> -> memref<1x1x128xi32, #tpu.memory_space<vmem>>
      %dma_wait3A_222 = tpu.memref_squeeze %dma_wait3A_221 : memref<1x1x128xi32, #tpu.memory_space<vmem>> -> memref<128xi32, #tpu.memory_space<vmem>>
      %dma_wait3A_223 = tpu.memref_slice %arg3[%dma_wait3A_212, %mul3A_211] : memref<2x320000xi32, #tpu.memory_space<hbm>> -> memref<1x128xi32, #tpu.memory_space<hbm>>
      %dma_wait3A_224 = tpu.memref_squeeze %dma_wait3A_223 : memref<1x128xi32, #tpu.memory_space<hbm>> -> memref<128xi32, #tpu.memory_space<hbm>>
      tpu.wait_dma2 semaphore(%arg14 : memref<!tpu.dma_semaphore, #tpu.memory_space<semaphore_mem>>) src(%dma_wait3A_224 : memref<128xi32, #tpu.memory_space<hbm>>) dst(%dma_wait3A_222 : memref<128xi32, #tpu.memory_space<vmem>>)
      %mul3A_225 = arith.constant 2 : i32
      %mul3A_226 = arith.muli %add3A_117, %mul3A_225 : i32
      %mul3A_227 = arith.constant 128 : i32
      %mul3A_228 = arith.muli %mul3A_226, %mul3A_227 : i32
      %dma_wait3A_229 = arith.constant 0 : i32
      %dma_wait3A_230 = arith.constant 0 : i32
      %dma_wait3A_231 = arith.constant 0 : i32
      %dma_wait3A_232 = arith.constant 0 : i32
      %dma_wait3A_233 = tpu.memref_slice %arg7[%dma_wait3A_230, %dma_wait3A_231, %dma_wait3A_232] : memref<2x2x128xi32, #tpu.memory_space<vmem>> -> memref<1x1x128xi32, #tpu.memory_space<vmem>>
      %dma_wait3A_234 = tpu.memref_squeeze %dma_wait3A_233 : memref<1x1x128xi32, #tpu.memory_space<vmem>> -> memref<128xi32, #tpu.memory_space<vmem>>
      %dma_wait3A_235 = tpu.memref_slice %arg3[%dma_wait3A_229, %mul3A_228] : memref<2x320000xi32, #tpu.memory_space<hbm>> -> memref<1x128xi32, #tpu.memory_space<hbm>>
      %dma_wait3A_236 = tpu.memref_squeeze %dma_wait3A_235 : memref<1x128xi32, #tpu.memory_space<hbm>> -> memref<128xi32, #tpu.memory_space<hbm>>
      %dma_wait3A_237 = arith.constant 0 : i32
      %dma_wait3A_238 = tpu.memref_slice %arg7[%dma_wait3A_230, %dma_wait3A_231, %dma_wait3A_237] : memref<2x2x128xi32, #tpu.memory_space<vmem>> -> memref<1x1x128xi32, #tpu.memory_space<vmem>>
      %dma_wait3A_239 = tpu.memref_squeeze %dma_wait3A_238 : memref<1x1x128xi32, #tpu.memory_space<vmem>> -> memref<128xi32, #tpu.memory_space<vmem>>
      %dma_wait3A_240 = tpu.memref_slice %arg3[%dma_wait3A_229, %mul3A_228] : memref<2x320000xi32, #tpu.memory_space<hbm>> -> memref<1x128xi32, #tpu.memory_space<hbm>>
      %dma_wait3A_241 = tpu.memref_squeeze %dma_wait3A_240 : memref<1x128xi32, #tpu.memory_space<hbm>> -> memref<128xi32, #tpu.memory_space<hbm>>
      tpu.wait_dma2 semaphore(%arg14 : memref<!tpu.dma_semaphore, #tpu.memory_space<semaphore_mem>>) src(%dma_wait3A_241 : memref<128xi32, #tpu.memory_space<hbm>>) dst(%dma_wait3A_239 : memref<128xi32, #tpu.memory_space<vmem>>)
      %mul3A_242 = arith.constant 2 : i32
      %mul3A_243 = arith.muli %add3A_117, %mul3A_242 : i32
      %mul3A_244 = arith.constant 128 : i32
      %mul3A_245 = arith.muli %mul3A_243, %mul3A_244 : i32
      %dma_wait3A_246 = arith.constant 0 : i32
      %dma_wait3A_247 = arith.constant 0 : i32
      %dma_wait3A_248 = arith.constant 0 : i32
      %dma_wait3A_249 = arith.constant 0 : i32
      %dma_wait3A_250 = tpu.memref_slice %arg7[%dma_wait3A_247, %dma_wait3A_248, %dma_wait3A_249] : memref<2x2x128xi32, #tpu.memory_space<vmem>> -> memref<1x1x128xi32, #tpu.memory_space<vmem>>
      %dma_wait3A_251 = tpu.memref_squeeze %dma_wait3A_250 : memref<1x1x128xi32, #tpu.memory_space<vmem>> -> memref<128xi32, #tpu.memory_space<vmem>>
      %dma_wait3A_252 = tpu.memref_slice %arg3[%dma_wait3A_246, %mul3A_245] : memref<2x320000xi32, #tpu.memory_space<hbm>> -> memref<1x128xi32, #tpu.memory_space<hbm>>
      %dma_wait3A_253 = tpu.memref_squeeze %dma_wait3A_252 : memref<1x128xi32, #tpu.memory_space<hbm>> -> memref<128xi32, #tpu.memory_space<hbm>>
      %dma_wait3A_254 = arith.constant 0 : i32
      %dma_wait3A_255 = tpu.memref_slice %arg7[%dma_wait3A_247, %dma_wait3A_248, %dma_wait3A_254] : memref<2x2x128xi32, #tpu.memory_space<vmem>> -> memref<1x1x128xi32, #tpu.memory_space<vmem>>
      %dma_wait3A_256 = tpu.memref_squeeze %dma_wait3A_255 : memref<1x1x128xi32, #tpu.memory_space<vmem>> -> memref<128xi32, #tpu.memory_space<vmem>>
      %dma_wait3A_257 = tpu.memref_slice %arg3[%dma_wait3A_246, %mul3A_245] : memref<2x320000xi32, #tpu.memory_space<hbm>> -> memref<1x128xi32, #tpu.memory_space<hbm>>
      %dma_wait3A_258 = tpu.memref_squeeze %dma_wait3A_257 : memref<1x128xi32, #tpu.memory_space<hbm>> -> memref<128xi32, #tpu.memory_space<hbm>>
      tpu.wait_dma2 semaphore(%arg14 : memref<!tpu.dma_semaphore, #tpu.memory_space<semaphore_mem>>) src(%dma_wait3A_258 : memref<128xi32, #tpu.memory_space<hbm>>) dst(%dma_wait3A_256 : memref<128xi32, #tpu.memory_space<vmem>>)
      %mul3A_259 = arith.constant 2 : i32
      %mul3A_260 = arith.muli %add3A_117, %mul3A_259 : i32
      %mul3A_261 = arith.constant 128 : i32
      %mul3A_262 = arith.muli %mul3A_260, %mul3A_261 : i32
      %dma_wait3A_263 = arith.constant 0 : i32
      %dma_wait3A_264 = arith.constant 0 : i32
      %dma_wait3A_265 = arith.constant 0 : i32
      %dma_wait3A_266 = arith.constant 0 : i32
      %dma_wait3A_267 = tpu.memref_slice %arg7[%dma_wait3A_264, %dma_wait3A_265, %dma_wait3A_266] : memref<2x2x128xi32, #tpu.memory_space<vmem>> -> memref<1x1x128xi32, #tpu.memory_space<vmem>>
      %dma_wait3A_268 = tpu.memref_squeeze %dma_wait3A_267 : memref<1x1x128xi32, #tpu.memory_space<vmem>> -> memref<128xi32, #tpu.memory_space<vmem>>
      %dma_wait3A_269 = tpu.memref_slice %arg3[%dma_wait3A_263, %mul3A_262] : memref<2x320000xi32, #tpu.memory_space<hbm>> -> memref<1x128xi32, #tpu.memory_space<hbm>>
      %dma_wait3A_270 = tpu.memref_squeeze %dma_wait3A_269 : memref<1x128xi32, #tpu.memory_space<hbm>> -> memref<128xi32, #tpu.memory_space<hbm>>
      %dma_wait3A_271 = arith.constant 0 : i32
      %dma_wait3A_272 = tpu.memref_slice %arg7[%dma_wait3A_264, %dma_wait3A_265, %dma_wait3A_271] : memref<2x2x128xi32, #tpu.memory_space<vmem>> -> memref<1x1x128xi32, #tpu.memory_space<vmem>>
      %dma_wait3A_273 = tpu.memref_squeeze %dma_wait3A_272 : memref<1x1x128xi32, #tpu.memory_space<vmem>> -> memref<128xi32, #tpu.memory_space<vmem>>
      %dma_wait3A_274 = tpu.memref_slice %arg3[%dma_wait3A_263, %mul3A_262] : memref<2x320000xi32, #tpu.memory_space<hbm>> -> memref<1x128xi32, #tpu.memory_space<hbm>>
      %dma_wait3A_275 = tpu.memref_squeeze %dma_wait3A_274 : memref<1x128xi32, #tpu.memory_space<hbm>> -> memref<128xi32, #tpu.memory_space<hbm>>
      tpu.wait_dma2 semaphore(%arg14 : memref<!tpu.dma_semaphore, #tpu.memory_space<semaphore_mem>>) src(%dma_wait3A_275 : memref<128xi32, #tpu.memory_space<hbm>>) dst(%dma_wait3A_273 : memref<128xi32, #tpu.memory_space<vmem>>)
      %dma_start3A_276 = arith.constant 0 : i32
      %dma_start3A_277 = arith.constant 0 : i32
      %dma_start3A_278 = arith.constant 0 : i32
      %dma_start3A_279 = tpu.memref_slice %arg7[%dma_start3A_276, %dma_start3A_277, %dma_start3A_278] : memref<2x2x128xi32, #tpu.memory_space<vmem>> -> memref<1x1x128xi32, #tpu.memory_space<vmem>>
      %dma_start3A_280 = tpu.memref_squeeze %dma_start3A_279 : memref<1x1x128xi32, #tpu.memory_space<vmem>> -> memref<128xi32, #tpu.memory_space<vmem>>
      %dma_start3A_281 = arith.constant 0 : i32
      %dma_start3A_282 = arith.constant 0 : i32
      %dma_start3A_283 = tpu.memref_slice %arg2[%dma_start3A_281, %dma_start3A_282] : memref<10000x128xf32, #tpu.memory_space<hbm>> -> memref<10000x128xf32, #tpu.memory_space<hbm>>
      tpu.enqueue_indirect_dma source(%dma_start3A_283 : memref<10000x128xf32, #tpu.memory_space<hbm>>) target(%arg8 : memref<128x128xf32, #tpu.memory_space<vmem>>) offsets(%dma_start3A_280 : memref<128xi32, #tpu.memory_space<vmem>>) semaphore(%arg12 : memref<!tpu.dma_semaphore, #tpu.memory_space<semaphore_mem>>)
      %dma_wait3A_284 = arith.constant 0 : i32
      %dma_wait3A_285 = arith.constant 1 : i32
      %dma_wait3A_286 = arith.constant 0 : i32
      %dma_wait3A_287 = tpu.memref_slice %arg6[%dma_wait3A_284, %dma_wait3A_285, %dma_wait3A_286] : memref<2x2x128xi32, #tpu.memory_space<vmem>> -> memref<1x1x128xi32, #tpu.memory_space<vmem>>
      %dma_wait3A_288 = tpu.memref_squeeze %dma_wait3A_287 : memref<1x1x128xi32, #tpu.memory_space<vmem>> -> memref<128xi32, #tpu.memory_space<vmem>>
      %dma_wait3A_289 = arith.constant 0 : i32
      %dma_wait3A_290 = arith.constant 0 : i32
      %dma_wait3A_291 = tpu.memref_slice %arg2[%dma_wait3A_289, %dma_wait3A_290] : memref<10000x128xf32, #tpu.memory_space<hbm>> -> memref<10000x128xf32, #tpu.memory_space<hbm>>
      tpu.wait_indirect_dma semaphore(%arg13 : memref<!tpu.dma_semaphore, #tpu.memory_space<semaphore_mem>>) src(%dma_wait3A_291 : memref<10000x128xf32, #tpu.memory_space<hbm>>) dst(%arg9 : memref<128x128xf32, #tpu.memory_space<vmem>>)
      %run_scoped3A_292 = arith.constant 1 : i32
      %run_scoped3A_293 = arith.constant 1 : i32
      "tpu.region"() ({
        %run_scoped3A_472 = tpu.sem_alloc : memref<!tpu.dma_semaphore, #tpu.memory_space<semaphore_mem>>
        %dma_start3A_473 = arith.constant 0 : i32
        %dma_start3A_474 = tpu.memref_slice %arg6[%run_scoped3A_292, %run_scoped3A_293, %dma_start3A_473] : memref<2x2x128xi32, #tpu.memory_space<vmem>> -> memref<1x1x128xi32, #tpu.memory_space<vmem>>
        %dma_start3A_475 = tpu.memref_squeeze %dma_start3A_474 : memref<1x1x128xi32, #tpu.memory_space<vmem>> -> memref<128xi32, #tpu.memory_space<vmem>>
        %dma_start3A_476 = arith.constant 0 : i32
        %dma_start3A_477 = arith.constant 0 : i32
        %dma_start3A_478 = tpu.memref_slice %arg11[%dma_start3A_476, %dma_start3A_477] : memref<10112x128xf32, #tpu.memory_space<vmem_shared>> -> memref<10112x128xf32, #tpu.memory_space<vmem_shared>>
        tpu.enqueue_indirect_dma source(%arg9 : memref<128x128xf32, #tpu.memory_space<vmem>>) target(%dma_start3A_478 : memref<10112x128xf32, #tpu.memory_space<vmem_shared>>) offsets(%dma_start3A_475 : memref<128xi32, #tpu.memory_space<vmem>>) semaphore(%run_scoped3A_472 : memref<!tpu.dma_semaphore, #tpu.memory_space<semaphore_mem>>) {add = true}
        %dma_wait3A_479 = arith.constant 0 : i32
        %dma_wait3A_480 = tpu.memref_slice %arg6[%run_scoped3A_292, %run_scoped3A_293, %dma_wait3A_479] : memref<2x2x128xi32, #tpu.memory_space<vmem>> -> memref<1x1x128xi32, #tpu.memory_space<vmem>>
        %dma_wait3A_481 = tpu.memref_squeeze %dma_wait3A_480 : memref<1x1x128xi32, #tpu.memory_space<vmem>> -> memref<128xi32, #tpu.memory_space<vmem>>
        %dma_wait3A_482 = arith.constant 0 : i32
        %dma_wait3A_483 = arith.constant 0 : i32
        %dma_wait3A_484 = tpu.memref_slice %arg11[%dma_wait3A_482, %dma_wait3A_483] : memref<10112x128xf32, #tpu.memory_space<vmem_shared>> -> memref<10112x128xf32, #tpu.memory_space<vmem_shared>>
        tpu.wait_indirect_dma semaphore(%run_scoped3A_472 : memref<!tpu.dma_semaphore, #tpu.memory_space<semaphore_mem>>) src(%arg9 : memref<128x128xf32, #tpu.memory_space<vmem>>) dst(%dma_wait3A_484 : memref<10112x128xf32, #tpu.memory_space<vmem_shared>>)
        tpu.yield
      }) : () -> ()
      %add3A_294 = arith.constant 2 : i32
      %add3A_295 = arith.addi %add3A_115, %add3A_294 : i32
      %dma_start3A_296 = arith.constant 0 : i32
      %dma_start3A_297 = arith.constant 1 : i32
      %dma_start3A_298 = arith.constant 0 : i32
      %dma_start3A_299 = tpu.memref_slice %arg7[%dma_start3A_296, %dma_start3A_297, %dma_start3A_298] : memref<2x2x128xi32, #tpu.memory_space<vmem>> -> memref<1x1x128xi32, #tpu.memory_space<vmem>>
      %dma_start3A_300 = tpu.memref_squeeze %dma_start3A_299 : memref<1x1x128xi32, #tpu.memory_space<vmem>> -> memref<128xi32, #tpu.memory_space<vmem>>
      %dma_start3A_301 = arith.constant 0 : i32
      %dma_start3A_302 = arith.constant 0 : i32
      %dma_start3A_303 = tpu.memref_slice %arg2[%dma_start3A_301, %dma_start3A_302] : memref<10000x128xf32, #tpu.memory_space<hbm>> -> memref<10000x128xf32, #tpu.memory_space<hbm>>
      tpu.enqueue_indirect_dma source(%dma_start3A_303 : memref<10000x128xf32, #tpu.memory_space<hbm>>) target(%arg9 : memref<128x128xf32, #tpu.memory_space<vmem>>) offsets(%dma_start3A_300 : memref<128xi32, #tpu.memory_space<vmem>>) semaphore(%arg13 : memref<!tpu.dma_semaphore, #tpu.memory_space<semaphore_mem>>)
      %mul3A_304 = arith.constant 2 : i32
      %mul3A_305 = arith.muli %add3A_295, %mul3A_304 : i32
      %mul3A_306 = arith.constant 128 : i32
      %mul3A_307 = arith.muli %mul3A_305, %mul3A_306 : i32
      %dma_start3A_308 = arith.constant 0 : i32
      %dma_start3A_309 = arith.constant 0 : i32
      %dma_start3A_310 = arith.constant 0 : i32
      %dma_start3A_311 = arith.constant 0 : i32
      %dma_start3A_312 = tpu.memref_slice %arg6[%dma_start3A_309, %dma_start3A_310, %dma_start3A_311] : memref<2x2x128xi32, #tpu.memory_space<vmem>> -> memref<1x1x128xi32, #tpu.memory_space<vmem>>
      %dma_start3A_313 = tpu.memref_squeeze %dma_start3A_312 : memref<1x1x128xi32, #tpu.memory_space<vmem>> -> memref<128xi32, #tpu.memory_space<vmem>>
      %dma_start3A_314 = tpu.memref_slice %arg3[%dma_start3A_308, %mul3A_307] : memref<2x320000xi32, #tpu.memory_space<hbm>> -> memref<1x128xi32, #tpu.memory_space<hbm>>
      %dma_start3A_315 = tpu.memref_squeeze %dma_start3A_314 : memref<1x128xi32, #tpu.memory_space<hbm>> -> memref<128xi32, #tpu.memory_space<hbm>>
      %dma_start3A_316 = arith.constant 0 : i32
      %dma_start3A_317 = tpu.memref_slice %arg6[%dma_start3A_309, %dma_start3A_310, %dma_start3A_316] : memref<2x2x128xi32, #tpu.memory_space<vmem>> -> memref<1x1x128xi32, #tpu.memory_space<vmem>>
      %dma_start3A_318 = tpu.memref_squeeze %dma_start3A_317 : memref<1x1x128xi32, #tpu.memory_space<vmem>> -> memref<128xi32, #tpu.memory_space<vmem>>
      %dma_start3A_319 = tpu.memref_slice %arg3[%dma_start3A_308, %mul3A_307] : memref<2x320000xi32, #tpu.memory_space<hbm>> -> memref<1x128xi32, #tpu.memory_space<hbm>>
      %dma_start3A_320 = tpu.memref_squeeze %dma_start3A_319 : memref<1x128xi32, #tpu.memory_space<hbm>> -> memref<128xi32, #tpu.memory_space<hbm>>
      tpu.enqueue_dma source(%dma_start3A_320 : memref<128xi32, #tpu.memory_space<hbm>>) target(%dma_start3A_318 : memref<128xi32, #tpu.memory_space<vmem>>) target_semaphore(%arg15 : memref<!tpu.dma_semaphore, #tpu.memory_space<semaphore_mem>>)
      %mul3A_321 = arith.constant 2 : i32
      %mul3A_322 = arith.muli %add3A_295, %mul3A_321 : i32
      %mul3A_323 = arith.constant 128 : i32
      %mul3A_324 = arith.muli %mul3A_322, %mul3A_323 : i32
      %add3A_325 = arith.constant 128 : i32
      %add3A_326 = arith.addi %mul3A_324, %add3A_325 : i32
      %dma_start3A_327 = arith.constant 0 : i32
      %dma_start3A_328 = arith.constant 0 : i32
      %dma_start3A_329 = arith.constant 1 : i32
      %dma_start3A_330 = arith.constant 0 : i32
      %dma_start3A_331 = tpu.memref_slice %arg6[%dma_start3A_328, %dma_start3A_329, %dma_start3A_330] : memref<2x2x128xi32, #tpu.memory_space<vmem>> -> memref<1x1x128xi32, #tpu.memory_space<vmem>>
      %dma_start3A_332 = tpu.memref_squeeze %dma_start3A_331 : memref<1x1x128xi32, #tpu.memory_space<vmem>> -> memref<128xi32, #tpu.memory_space<vmem>>
      %dma_start3A_333 = tpu.memref_slice %arg3[%dma_start3A_327, %add3A_326] : memref<2x320000xi32, #tpu.memory_space<hbm>> -> memref<1x128xi32, #tpu.memory_space<hbm>>
      %dma_start3A_334 = tpu.memref_squeeze %dma_start3A_333 : memref<1x128xi32, #tpu.memory_space<hbm>> -> memref<128xi32, #tpu.memory_space<hbm>>
      %dma_start3A_335 = arith.constant 0 : i32
      %dma_start3A_336 = tpu.memref_slice %arg6[%dma_start3A_328, %dma_start3A_329, %dma_start3A_335] : memref<2x2x128xi32, #tpu.memory_space<vmem>> -> memref<1x1x128xi32, #tpu.memory_space<vmem>>
      %dma_start3A_337 = tpu.memref_squeeze %dma_start3A_336 : memref<1x1x128xi32, #tpu.memory_space<vmem>> -> memref<128xi32, #tpu.memory_space<vmem>>
      %dma_start3A_338 = tpu.memref_slice %arg3[%dma_start3A_327, %add3A_326] : memref<2x320000xi32, #tpu.memory_space<hbm>> -> memref<1x128xi32, #tpu.memory_space<hbm>>
      %dma_start3A_339 = tpu.memref_squeeze %dma_start3A_338 : memref<1x128xi32, #tpu.memory_space<hbm>> -> memref<128xi32, #tpu.memory_space<hbm>>
      tpu.enqueue_dma source(%dma_start3A_339 : memref<128xi32, #tpu.memory_space<hbm>>) target(%dma_start3A_337 : memref<128xi32, #tpu.memory_space<vmem>>) target_semaphore(%arg15 : memref<!tpu.dma_semaphore, #tpu.memory_space<semaphore_mem>>)
      %mul3A_340 = arith.constant 2 : i32
      %mul3A_341 = arith.muli %add3A_295, %mul3A_340 : i32
      %mul3A_342 = arith.constant 128 : i32
      %mul3A_343 = arith.muli %mul3A_341, %mul3A_342 : i32
      %dma_start3A_344 = arith.constant 1 : i32
      %dma_start3A_345 = arith.constant 1 : i32
      %dma_start3A_346 = arith.constant 0 : i32
      %dma_start3A_347 = arith.constant 0 : i32
      %dma_start3A_348 = tpu.memref_slice %arg6[%dma_start3A_345, %dma_start3A_346, %dma_start3A_347] : memref<2x2x128xi32, #tpu.memory_space<vmem>> -> memref<1x1x128xi32, #tpu.memory_space<vmem>>
      %dma_start3A_349 = tpu.memref_squeeze %dma_start3A_348 : memref<1x1x128xi32, #tpu.memory_space<vmem>> -> memref<128xi32, #tpu.memory_space<vmem>>
      %dma_start3A_350 = tpu.memref_slice %arg3[%dma_start3A_344, %mul3A_343] : memref<2x320000xi32, #tpu.memory_space<hbm>> -> memref<1x128xi32, #tpu.memory_space<hbm>>
      %dma_start3A_351 = tpu.memref_squeeze %dma_start3A_350 : memref<1x128xi32, #tpu.memory_space<hbm>> -> memref<128xi32, #tpu.memory_space<hbm>>
      %dma_start3A_352 = arith.constant 0 : i32
      %dma_start3A_353 = tpu.memref_slice %arg6[%dma_start3A_345, %dma_start3A_346, %dma_start3A_352] : memref<2x2x128xi32, #tpu.memory_space<vmem>> -> memref<1x1x128xi32, #tpu.memory_space<vmem>>
      %dma_start3A_354 = tpu.memref_squeeze %dma_start3A_353 : memref<1x1x128xi32, #tpu.memory_space<vmem>> -> memref<128xi32, #tpu.memory_space<vmem>>
      %dma_start3A_355 = tpu.memref_slice %arg3[%dma_start3A_344, %mul3A_343] : memref<2x320000xi32, #tpu.memory_space<hbm>> -> memref<1x128xi32, #tpu.memory_space<hbm>>
      %dma_start3A_356 = tpu.memref_squeeze %dma_start3A_355 : memref<1x128xi32, #tpu.memory_space<hbm>> -> memref<128xi32, #tpu.memory_space<hbm>>
      tpu.enqueue_dma source(%dma_start3A_356 : memref<128xi32, #tpu.memory_space<hbm>>) target(%dma_start3A_354 : memref<128xi32, #tpu.memory_space<vmem>>) target_semaphore(%arg15 : memref<!tpu.dma_semaphore, #tpu.memory_space<semaphore_mem>>)
      %mul3A_357 = arith.constant 2 : i32
      %mul3A_358 = arith.muli %add3A_295, %mul3A_357 : i32
      %mul3A_359 = arith.constant 128 : i32
      %mul3A_360 = arith.muli %mul3A_358, %mul3A_359 : i32
      %add3A_361 = arith.constant 128 : i32
      %add3A_362 = arith.addi %mul3A_360, %add3A_361 : i32
      %dma_start3A_363 = arith.constant 1 : i32
      %dma_start3A_364 = arith.constant 1 : i32
      %dma_start3A_365 = arith.constant 1 : i32
      %dma_start3A_366 = arith.constant 0 : i32
      %dma_start3A_367 = tpu.memref_slice %arg6[%dma_start3A_364, %dma_start3A_365, %dma_start3A_366] : memref<2x2x128xi32, #tpu.memory_space<vmem>> -> memref<1x1x128xi32, #tpu.memory_space<vmem>>
      %dma_start3A_368 = tpu.memref_squeeze %dma_start3A_367 : memref<1x1x128xi32, #tpu.memory_space<vmem>> -> memref<128xi32, #tpu.memory_space<vmem>>
      %dma_start3A_369 = tpu.memref_slice %arg3[%dma_start3A_363, %add3A_362] : memref<2x320000xi32, #tpu.memory_space<hbm>> -> memref<1x128xi32, #tpu.memory_space<hbm>>
      %dma_start3A_370 = tpu.memref_squeeze %dma_start3A_369 : memref<1x128xi32, #tpu.memory_space<hbm>> -> memref<128xi32, #tpu.memory_space<hbm>>
      %dma_start3A_371 = arith.constant 0 : i32
      %dma_start3A_372 = tpu.memref_slice %arg6[%dma_start3A_364, %dma_start3A_365, %dma_start3A_371] : memref<2x2x128xi32, #tpu.memory_space<vmem>> -> memref<1x1x128xi32, #tpu.memory_space<vmem>>
      %dma_start3A_373 = tpu.memref_squeeze %dma_start3A_372 : memref<1x1x128xi32, #tpu.memory_space<vmem>> -> memref<128xi32, #tpu.memory_space<vmem>>
      %dma_start3A_374 = tpu.memref_slice %arg3[%dma_start3A_363, %add3A_362] : memref<2x320000xi32, #tpu.memory_space<hbm>> -> memref<1x128xi32, #tpu.memory_space<hbm>>
      %dma_start3A_375 = tpu.memref_squeeze %dma_start3A_374 : memref<1x128xi32, #tpu.memory_space<hbm>> -> memref<128xi32, #tpu.memory_space<hbm>>
      tpu.enqueue_dma source(%dma_start3A_375 : memref<128xi32, #tpu.memory_space<hbm>>) target(%dma_start3A_373 : memref<128xi32, #tpu.memory_space<vmem>>) target_semaphore(%arg15 : memref<!tpu.dma_semaphore, #tpu.memory_space<semaphore_mem>>)
      %dma_wait3A_376 = arith.constant 0 : i32
      %dma_wait3A_377 = arith.constant 0 : i32
      %dma_wait3A_378 = arith.constant 0 : i32
      %dma_wait3A_379 = tpu.memref_slice %arg7[%dma_wait3A_376, %dma_wait3A_377, %dma_wait3A_378] : memref<2x2x128xi32, #tpu.memory_space<vmem>> -> memref<1x1x128xi32, #tpu.memory_space<vmem>>
      %dma_wait3A_380 = tpu.memref_squeeze %dma_wait3A_379 : memref<1x1x128xi32, #tpu.memory_space<vmem>> -> memref<128xi32, #tpu.memory_space<vmem>>
      %dma_wait3A_381 = arith.constant 0 : i32
      %dma_wait3A_382 = arith.constant 0 : i32
      %dma_wait3A_383 = tpu.memref_slice %arg2[%dma_wait3A_381, %dma_wait3A_382] : memref<10000x128xf32, #tpu.memory_space<hbm>> -> memref<10000x128xf32, #tpu.memory_space<hbm>>
      tpu.wait_indirect_dma semaphore(%arg12 : memref<!tpu.dma_semaphore, #tpu.memory_space<semaphore_mem>>) src(%dma_wait3A_383 : memref<10000x128xf32, #tpu.memory_space<hbm>>) dst(%arg8 : memref<128x128xf32, #tpu.memory_space<vmem>>)
      %run_scoped3A_384 = arith.constant 1 : i32
      %run_scoped3A_385 = arith.constant 0 : i32
      "tpu.region"() ({
        %run_scoped3A_472 = tpu.sem_alloc : memref<!tpu.dma_semaphore, #tpu.memory_space<semaphore_mem>>
        %dma_start3A_473 = arith.constant 0 : i32
        %dma_start3A_474 = tpu.memref_slice %arg7[%run_scoped3A_384, %run_scoped3A_385, %dma_start3A_473] : memref<2x2x128xi32, #tpu.memory_space<vmem>> -> memref<1x1x128xi32, #tpu.memory_space<vmem>>
        %dma_start3A_475 = tpu.memref_squeeze %dma_start3A_474 : memref<1x1x128xi32, #tpu.memory_space<vmem>> -> memref<128xi32, #tpu.memory_space<vmem>>
        %dma_start3A_476 = arith.constant 0 : i32
        %dma_start3A_477 = arith.constant 0 : i32
        %dma_start3A_478 = tpu.memref_slice %arg11[%dma_start3A_476, %dma_start3A_477] : memref<10112x128xf32, #tpu.memory_space<vmem_shared>> -> memref<10112x128xf32, #tpu.memory_space<vmem_shared>>
        tpu.enqueue_indirect_dma source(%arg8 : memref<128x128xf32, #tpu.memory_space<vmem>>) target(%dma_start3A_478 : memref<10112x128xf32, #tpu.memory_space<vmem_shared>>) offsets(%dma_start3A_475 : memref<128xi32, #tpu.memory_space<vmem>>) semaphore(%run_scoped3A_472 : memref<!tpu.dma_semaphore, #tpu.memory_space<semaphore_mem>>) {add = true}
        %dma_wait3A_479 = arith.constant 0 : i32
        %dma_wait3A_480 = tpu.memref_slice %arg7[%run_scoped3A_384, %run_scoped3A_385, %dma_wait3A_479] : memref<2x2x128xi32, #tpu.memory_space<vmem>> -> memref<1x1x128xi32, #tpu.memory_space<vmem>>
        %dma_wait3A_481 = tpu.memref_squeeze %dma_wait3A_480 : memref<1x1x128xi32, #tpu.memory_space<vmem>> -> memref<128xi32, #tpu.memory_space<vmem>>
        %dma_wait3A_482 = arith.constant 0 : i32
        %dma_wait3A_483 = arith.constant 0 : i32
        %dma_wait3A_484 = tpu.memref_slice %arg11[%dma_wait3A_482, %dma_wait3A_483] : memref<10112x128xf32, #tpu.memory_space<vmem_shared>> -> memref<10112x128xf32, #tpu.memory_space<vmem_shared>>
        tpu.wait_indirect_dma semaphore(%run_scoped3A_472 : memref<!tpu.dma_semaphore, #tpu.memory_space<semaphore_mem>>) src(%arg8 : memref<128x128xf32, #tpu.memory_space<vmem>>) dst(%dma_wait3A_484 : memref<10112x128xf32, #tpu.memory_space<vmem_shared>>)
        tpu.yield
      }) : () -> ()
      %mul3A_386 = arith.constant 2 : i32
      %mul3A_387 = arith.muli %add3A_295, %mul3A_386 : i32
      %mul3A_388 = arith.constant 128 : i32
      %mul3A_389 = arith.muli %mul3A_387, %mul3A_388 : i32
      %dma_wait3A_390 = arith.constant 0 : i32
      %dma_wait3A_391 = arith.constant 0 : i32
      %dma_wait3A_392 = arith.constant 0 : i32
      %dma_wait3A_393 = arith.constant 0 : i32
      %dma_wait3A_394 = tpu.memref_slice %arg6[%dma_wait3A_391, %dma_wait3A_392, %dma_wait3A_393] : memref<2x2x128xi32, #tpu.memory_space<vmem>> -> memref<1x1x128xi32, #tpu.memory_space<vmem>>
      %dma_wait3A_395 = tpu.memref_squeeze %dma_wait3A_394 : memref<1x1x128xi32, #tpu.memory_space<vmem>> -> memref<128xi32, #tpu.memory_space<vmem>>
      %dma_wait3A_396 = tpu.memref_slice %arg3[%dma_wait3A_390, %mul3A_389] : memref<2x320000xi32, #tpu.memory_space<hbm>> -> memref<1x128xi32, #tpu.memory_space<hbm>>
      %dma_wait3A_397 = tpu.memref_squeeze %dma_wait3A_396 : memref<1x128xi32, #tpu.memory_space<hbm>> -> memref<128xi32, #tpu.memory_space<hbm>>
      %dma_wait3A_398 = arith.constant 0 : i32
      %dma_wait3A_399 = tpu.memref_slice %arg6[%dma_wait3A_391, %dma_wait3A_392, %dma_wait3A_398] : memref<2x2x128xi32, #tpu.memory_space<vmem>> -> memref<1x1x128xi32, #tpu.memory_space<vmem>>
      %dma_wait3A_400 = tpu.memref_squeeze %dma_wait3A_399 : memref<1x1x128xi32, #tpu.memory_space<vmem>> -> memref<128xi32, #tpu.memory_space<vmem>>
      %dma_wait3A_401 = tpu.memref_slice %arg3[%dma_wait3A_390, %mul3A_389] : memref<2x320000xi32, #tpu.memory_space<hbm>> -> memref<1x128xi32, #tpu.memory_space<hbm>>
      %dma_wait3A_402 = tpu.memref_squeeze %dma_wait3A_401 : memref<1x128xi32, #tpu.memory_space<hbm>> -> memref<128xi32, #tpu.memory_space<hbm>>
      tpu.wait_dma2 semaphore(%arg15 : memref<!tpu.dma_semaphore, #tpu.memory_space<semaphore_mem>>) src(%dma_wait3A_402 : memref<128xi32, #tpu.memory_space<hbm>>) dst(%dma_wait3A_400 : memref<128xi32, #tpu.memory_space<vmem>>)
      %mul3A_403 = arith.constant 2 : i32
      %mul3A_404 = arith.muli %add3A_295, %mul3A_403 : i32
      %mul3A_405 = arith.constant 128 : i32
      %mul3A_406 = arith.muli %mul3A_404, %mul3A_405 : i32
      %dma_wait3A_407 = arith.constant 0 : i32
      %dma_wait3A_408 = arith.constant 0 : i32
      %dma_wait3A_409 = arith.constant 0 : i32
      %dma_wait3A_410 = arith.constant 0 : i32
      %dma_wait3A_411 = tpu.memref_slice %arg6[%dma_wait3A_408, %dma_wait3A_409, %dma_wait3A_410] : memref<2x2x128xi32, #tpu.memory_space<vmem>> -> memref<1x1x128xi32, #tpu.memory_space<vmem>>
      %dma_wait3A_412 = tpu.memref_squeeze %dma_wait3A_411 : memref<1x1x128xi32, #tpu.memory_space<vmem>> -> memref<128xi32, #tpu.memory_space<vmem>>
      %dma_wait3A_413 = tpu.memref_slice %arg3[%dma_wait3A_407, %mul3A_406] : memref<2x320000xi32, #tpu.memory_space<hbm>> -> memref<1x128xi32, #tpu.memory_space<hbm>>
      %dma_wait3A_414 = tpu.memref_squeeze %dma_wait3A_413 : memref<1x128xi32, #tpu.memory_space<hbm>> -> memref<128xi32, #tpu.memory_space<hbm>>
      %dma_wait3A_415 = arith.constant 0 : i32
      %dma_wait3A_416 = tpu.memref_slice %arg6[%dma_wait3A_408, %dma_wait3A_409, %dma_wait3A_415] : memref<2x2x128xi32, #tpu.memory_space<vmem>> -> memref<1x1x128xi32, #tpu.memory_space<vmem>>
      %dma_wait3A_417 = tpu.memref_squeeze %dma_wait3A_416 : memref<1x1x128xi32, #tpu.memory_space<vmem>> -> memref<128xi32, #tpu.memory_space<vmem>>
      %dma_wait3A_418 = tpu.memref_slice %arg3[%dma_wait3A_407, %mul3A_406] : memref<2x320000xi32, #tpu.memory_space<hbm>> -> memref<1x128xi32, #tpu.memory_space<hbm>>
      %dma_wait3A_419 = tpu.memref_squeeze %dma_wait3A_418 : memref<1x128xi32, #tpu.memory_space<hbm>> -> memref<128xi32, #tpu.memory_space<hbm>>
      tpu.wait_dma2 semaphore(%arg15 : memref<!tpu.dma_semaphore, #tpu.memory_space<semaphore_mem>>) src(%dma_wait3A_419 : memref<128xi32, #tpu.memory_space<hbm>>) dst(%dma_wait3A_417 : memref<128xi32, #tpu.memory_space<vmem>>)
      %mul3A_420 = arith.constant 2 : i32
      %mul3A_421 = arith.muli %add3A_295, %mul3A_420 : i32
      %mul3A_422 = arith.constant 128 : i32
      %mul3A_423 = arith.muli %mul3A_421, %mul3A_422 : i32
      %dma_wait3A_424 = arith.constant 0 : i32
      %dma_wait3A_425 = arith.constant 0 : i32
      %dma_wait3A_426 = arith.constant 0 : i32
      %dma_wait3A_427 = arith.constant 0 : i32
      %dma_wait3A_428 = tpu.memref_slice %arg6[%dma_wait3A_425, %dma_wait3A_426, %dma_wait3A_427] : memref<2x2x128xi32, #tpu.memory_space<vmem>> -> memref<1x1x128xi32, #tpu.memory_space<vmem>>
      %dma_wait3A_429 = tpu.memref_squeeze %dma_wait3A_428 : memref<1x1x128xi32, #tpu.memory_space<vmem>> -> memref<128xi32, #tpu.memory_space<vmem>>
      %dma_wait3A_430 = tpu.memref_slice %arg3[%dma_wait3A_424, %mul3A_423] : memref<2x320000xi32, #tpu.memory_space<hbm>> -> memref<1x128xi32, #tpu.memory_space<hbm>>
      %dma_wait3A_431 = tpu.memref_squeeze %dma_wait3A_430 : memref<1x128xi32, #tpu.memory_space<hbm>> -> memref<128xi32, #tpu.memory_space<hbm>>
      %dma_wait3A_432 = arith.constant 0 : i32
      %dma_wait3A_433 = tpu.memref_slice %arg6[%dma_wait3A_425, %dma_wait3A_426, %dma_wait3A_432] : memref<2x2x128xi32, #tpu.memory_space<vmem>> -> memref<1x1x128xi32, #tpu.memory_space<vmem>>
      %dma_wait3A_434 = tpu.memref_squeeze %dma_wait3A_433 : memref<1x1x128xi32, #tpu.memory_space<vmem>> -> memref<128xi32, #tpu.memory_space<vmem>>
      %dma_wait3A_435 = tpu.memref_slice %arg3[%dma_wait3A_424, %mul3A_423] : memref<2x320000xi32, #tpu.memory_space<hbm>> -> memref<1x128xi32, #tpu.memory_space<hbm>>
      %dma_wait3A_436 = tpu.memref_squeeze %dma_wait3A_435 : memref<1x128xi32, #tpu.memory_space<hbm>> -> memref<128xi32, #tpu.memory_space<hbm>>
      tpu.wait_dma2 semaphore(%arg15 : memref<!tpu.dma_semaphore, #tpu.memory_space<semaphore_mem>>) src(%dma_wait3A_436 : memref<128xi32, #tpu.memory_space<hbm>>) dst(%dma_wait3A_434 : memref<128xi32, #tpu.memory_space<vmem>>)
      %mul3A_437 = arith.constant 2 : i32
      %mul3A_438 = arith.muli %add3A_295, %mul3A_437 : i32
      %mul3A_439 = arith.constant 128 : i32
      %mul3A_440 = arith.muli %mul3A_438, %mul3A_439 : i32
      %dma_wait3A_441 = arith.constant 0 : i32
      %dma_wait3A_442 = arith.constant 0 : i32
      %dma_wait3A_443 = arith.constant 0 : i32
      %dma_wait3A_444 = arith.constant 0 : i32
      %dma_wait3A_445 = tpu.memref_slice %arg6[%dma_wait3A_442, %dma_wait3A_443, %dma_wait3A_444] : memref<2x2x128xi32, #tpu.memory_space<vmem>> -> memref<1x1x128xi32, #tpu.memory_space<vmem>>
      %dma_wait3A_446 = tpu.memref_squeeze %dma_wait3A_445 : memref<1x1x128xi32, #tpu.memory_space<vmem>> -> memref<128xi32, #tpu.memory_space<vmem>>
      %dma_wait3A_447 = tpu.memref_slice %arg3[%dma_wait3A_441, %mul3A_440] : memref<2x320000xi32, #tpu.memory_space<hbm>> -> memref<1x128xi32, #tpu.memory_space<hbm>>
      %dma_wait3A_448 = tpu.memref_squeeze %dma_wait3A_447 : memref<1x128xi32, #tpu.memory_space<hbm>> -> memref<128xi32, #tpu.memory_space<hbm>>
      %dma_wait3A_449 = arith.constant 0 : i32
      %dma_wait3A_450 = tpu.memref_slice %arg6[%dma_wait3A_442, %dma_wait3A_443, %dma_wait3A_449] : memref<2x2x128xi32, #tpu.memory_space<vmem>> -> memref<1x1x128xi32, #tpu.memory_space<vmem>>
      %dma_wait3A_451 = tpu.memref_squeeze %dma_wait3A_450 : memref<1x1x128xi32, #tpu.memory_space<vmem>> -> memref<128xi32, #tpu.memory_space<vmem>>
      %dma_wait3A_452 = tpu.memref_slice %arg3[%dma_wait3A_441, %mul3A_440] : memref<2x320000xi32, #tpu.memory_space<hbm>> -> memref<1x128xi32, #tpu.memory_space<hbm>>
      %dma_wait3A_453 = tpu.memref_squeeze %dma_wait3A_452 : memref<1x128xi32, #tpu.memory_space<hbm>> -> memref<128xi32, #tpu.memory_space<hbm>>
      tpu.wait_dma2 semaphore(%arg15 : memref<!tpu.dma_semaphore, #tpu.memory_space<semaphore_mem>>) src(%dma_wait3A_453 : memref<128xi32, #tpu.memory_space<hbm>>) dst(%dma_wait3A_451 : memref<128xi32, #tpu.memory_space<vmem>>)
      %dma_start3A_454 = arith.constant 0 : i32
      %dma_start3A_455 = arith.constant 0 : i32
      %dma_start3A_456 = arith.constant 0 : i32
      %dma_start3A_457 = tpu.memref_slice %arg6[%dma_start3A_454, %dma_start3A_455, %dma_start3A_456] : memref<2x2x128xi32, #tpu.memory_space<vmem>> -> memref<1x1x128xi32, #tpu.memory_space<vmem>>
      %dma_start3A_458 = tpu.memref_squeeze %dma_start3A_457 : memref<1x1x128xi32, #tpu.memory_space<vmem>> -> memref<128xi32, #tpu.memory_space<vmem>>
      %dma_start3A_459 = arith.constant 0 : i32
      %dma_start3A_460 = arith.constant 0 : i32
      %dma_start3A_461 = tpu.memref_slice %arg2[%dma_start3A_459, %dma_start3A_460] : memref<10000x128xf32, #tpu.memory_space<hbm>> -> memref<10000x128xf32, #tpu.memory_space<hbm>>
      tpu.enqueue_indirect_dma source(%dma_start3A_461 : memref<10000x128xf32, #tpu.memory_space<hbm>>) target(%arg8 : memref<128x128xf32, #tpu.memory_space<vmem>>) offsets(%dma_start3A_458 : memref<128xi32, #tpu.memory_space<vmem>>) semaphore(%arg12 : memref<!tpu.dma_semaphore, #tpu.memory_space<semaphore_mem>>)
      %dma_wait3A_462 = arith.constant 0 : i32
      %dma_wait3A_463 = arith.constant 1 : i32
      %dma_wait3A_464 = arith.constant 0 : i32
      %dma_wait3A_465 = tpu.memref_slice %arg7[%dma_wait3A_462, %dma_wait3A_463, %dma_wait3A_464] : memref<2x2x128xi32, #tpu.memory_space<vmem>> -> memref<1x1x128xi32, #tpu.memory_space<vmem>>
      %dma_wait3A_466 = tpu.memref_squeeze %dma_wait3A_465 : memref<1x1x128xi32, #tpu.memory_space<vmem>> -> memref<128xi32, #tpu.memory_space<vmem>>
      %dma_wait3A_467 = arith.constant 0 : i32
      %dma_wait3A_468 = arith.constant 0 : i32
      %dma_wait3A_469 = tpu.memref_slice %arg2[%dma_wait3A_467, %dma_wait3A_468] : memref<10000x128xf32, #tpu.memory_space<hbm>> -> memref<10000x128xf32, #tpu.memory_space<hbm>>
      tpu.wait_indirect_dma semaphore(%arg13 : memref<!tpu.dma_semaphore, #tpu.memory_space<semaphore_mem>>) src(%dma_wait3A_469 : memref<10000x128xf32, #tpu.memory_space<hbm>>) dst(%arg9 : memref<128x128xf32, #tpu.memory_space<vmem>>)
      %run_scoped3A_470 = arith.constant 1 : i32
      %run_scoped3A_471 = arith.constant 1 : i32
      "tpu.region"() ({
        %run_scoped3A_472 = tpu.sem_alloc : memref<!tpu.dma_semaphore, #tpu.memory_space<semaphore_mem>>
        %dma_start3A_473 = arith.constant 0 : i32
        %dma_start3A_474 = tpu.memref_slice %arg7[%run_scoped3A_470, %run_scoped3A_471, %dma_start3A_473] : memref<2x2x128xi32, #tpu.memory_space<vmem>> -> memref<1x1x128xi32, #tpu.memory_space<vmem>>
        %dma_start3A_475 = tpu.memref_squeeze %dma_start3A_474 : memref<1x1x128xi32, #tpu.memory_space<vmem>> -> memref<128xi32, #tpu.memory_space<vmem>>
        %dma_start3A_476 = arith.constant 0 : i32
        %dma_start3A_477 = arith.constant 0 : i32
        %dma_start3A_478 = tpu.memref_slice %arg11[%dma_start3A_476, %dma_start3A_477] : memref<10112x128xf32, #tpu.memory_space<vmem_shared>> -> memref<10112x128xf32, #tpu.memory_space<vmem_shared>>
        tpu.enqueue_indirect_dma source(%arg9 : memref<128x128xf32, #tpu.memory_space<vmem>>) target(%dma_start3A_478 : memref<10112x128xf32, #tpu.memory_space<vmem_shared>>) offsets(%dma_start3A_475 : memref<128xi32, #tpu.memory_space<vmem>>) semaphore(%run_scoped3A_472 : memref<!tpu.dma_semaphore, #tpu.memory_space<semaphore_mem>>) {add = true}
        %dma_wait3A_479 = arith.constant 0 : i32
        %dma_wait3A_480 = tpu.memref_slice %arg7[%run_scoped3A_470, %run_scoped3A_471, %dma_wait3A_479] : memref<2x2x128xi32, #tpu.memory_space<vmem>> -> memref<1x1x128xi32, #tpu.memory_space<vmem>>
        %dma_wait3A_481 = tpu.memref_squeeze %dma_wait3A_480 : memref<1x1x128xi32, #tpu.memory_space<vmem>> -> memref<128xi32, #tpu.memory_space<vmem>>
        %dma_wait3A_482 = arith.constant 0 : i32
        %dma_wait3A_483 = arith.constant 0 : i32
        %dma_wait3A_484 = tpu.memref_slice %arg11[%dma_wait3A_482, %dma_wait3A_483] : memref<10112x128xf32, #tpu.memory_space<vmem_shared>> -> memref<10112x128xf32, #tpu.memory_space<vmem_shared>>
        tpu.wait_indirect_dma semaphore(%run_scoped3A_472 : memref<!tpu.dma_semaphore, #tpu.memory_space<semaphore_mem>>) src(%arg9 : memref<128x128xf32, #tpu.memory_space<vmem>>) dst(%dma_wait3A_484 : memref<10112x128xf32, #tpu.memory_space<vmem_shared>>)
        tpu.yield
      }) : () -> ()
    }
    %scan3A_77 = arith.constant 19 : i32
    %dma_start3A_78 = arith.constant 0 : i32
    %dma_start3A_79 = arith.constant 1 : i32
    %dma_start3A_80 = arith.constant 0 : i32
    %dma_start3A_81 = tpu.memref_slice %arg6[%dma_start3A_78, %dma_start3A_79, %dma_start3A_80] : memref<2x2x128xi32, #tpu.memory_space<vmem>> -> memref<1x1x128xi32, #tpu.memory_space<vmem>>
    %dma_start3A_82 = tpu.memref_squeeze %dma_start3A_81 : memref<1x1x128xi32, #tpu.memory_space<vmem>> -> memref<128xi32, #tpu.memory_space<vmem>>
    %dma_start3A_83 = arith.constant 0 : i32
    %dma_start3A_84 = arith.constant 0 : i32
    %dma_start3A_85 = tpu.memref_slice %arg2[%dma_start3A_83, %dma_start3A_84] : memref<10000x128xf32, #tpu.memory_space<hbm>> -> memref<10000x128xf32, #tpu.memory_space<hbm>>
    tpu.enqueue_indirect_dma source(%dma_start3A_85 : memref<10000x128xf32, #tpu.memory_space<hbm>>) target(%arg9 : memref<128x128xf32, #tpu.memory_space<vmem>>) offsets(%dma_start3A_82 : memref<128xi32, #tpu.memory_space<vmem>>) semaphore(%arg13 : memref<!tpu.dma_semaphore, #tpu.memory_space<semaphore_mem>>)
    %dma_wait3A = arith.constant 0 : i32
    %dma_wait3A_86 = arith.constant 0 : i32
    %dma_wait3A_87 = arith.constant 0 : i32
    %dma_wait3A_88 = tpu.memref_slice %arg6[%dma_wait3A, %dma_wait3A_86, %dma_wait3A_87] : memref<2x2x128xi32, #tpu.memory_space<vmem>> -> memref<1x1x128xi32, #tpu.memory_space<vmem>>
    %dma_wait3A_89 = tpu.memref_squeeze %dma_wait3A_88 : memref<1x1x128xi32, #tpu.memory_space<vmem>> -> memref<128xi32, #tpu.memory_space<vmem>>
    %dma_wait3A_90 = arith.constant 0 : i32
    %dma_wait3A_91 = arith.constant 0 : i32
    %dma_wait3A_92 = tpu.memref_slice %arg2[%dma_wait3A_90, %dma_wait3A_91] : memref<10000x128xf32, #tpu.memory_space<hbm>> -> memref<10000x128xf32, #tpu.memory_space<hbm>>
    tpu.wait_indirect_dma semaphore(%arg12 : memref<!tpu.dma_semaphore, #tpu.memory_space<semaphore_mem>>) src(%dma_wait3A_92 : memref<10000x128xf32, #tpu.memory_space<hbm>>) dst(%arg8 : memref<128x128xf32, #tpu.memory_space<vmem>>)
    %run_scoped3A_93 = arith.constant 1 : i32
    %run_scoped3A_94 = arith.constant 0 : i32
    "tpu.region"() ({
      %run_scoped3A_112 = tpu.sem_alloc : memref<!tpu.dma_semaphore, #tpu.memory_space<semaphore_mem>>
      %dma_start3A_113 = arith.constant 0 : i32
      %dma_start3A_114 = tpu.memref_slice %arg6[%run_scoped3A_93, %run_scoped3A_94, %dma_start3A_113] : memref<2x2x128xi32, #tpu.memory_space<vmem>> -> memref<1x1x128xi32, #tpu.memory_space<vmem>>
      %dma_start3A_115 = tpu.memref_squeeze %dma_start3A_114 : memref<1x1x128xi32, #tpu.memory_space<vmem>> -> memref<128xi32, #tpu.memory_space<vmem>>
      %dma_start3A_116 = arith.constant 0 : i32
      %dma_start3A_117 = arith.constant 0 : i32
      %dma_start3A_118 = tpu.memref_slice %arg11[%dma_start3A_116, %dma_start3A_117] : memref<10112x128xf32, #tpu.memory_space<vmem_shared>> -> memref<10112x128xf32, #tpu.memory_space<vmem_shared>>
      tpu.enqueue_indirect_dma source(%arg8 : memref<128x128xf32, #tpu.memory_space<vmem>>) target(%dma_start3A_118 : memref<10112x128xf32, #tpu.memory_space<vmem_shared>>) offsets(%dma_start3A_115 : memref<128xi32, #tpu.memory_space<vmem>>) semaphore(%run_scoped3A_112 : memref<!tpu.dma_semaphore, #tpu.memory_space<semaphore_mem>>) {add = true}
      %dma_wait3A_119 = arith.constant 0 : i32
      %dma_wait3A_120 = tpu.memref_slice %arg6[%run_scoped3A_93, %run_scoped3A_94, %dma_wait3A_119] : memref<2x2x128xi32, #tpu.memory_space<vmem>> -> memref<1x1x128xi32, #tpu.memory_space<vmem>>
      %dma_wait3A_121 = tpu.memref_squeeze %dma_wait3A_120 : memref<1x1x128xi32, #tpu.memory_space<vmem>> -> memref<128xi32, #tpu.memory_space<vmem>>
      %dma_wait3A_122 = arith.constant 0 : i32
      %dma_wait3A_123 = arith.constant 0 : i32
      %dma_wait3A_124 = tpu.memref_slice %arg11[%dma_wait3A_122, %dma_wait3A_123] : memref<10112x128xf32, #tpu.memory_space<vmem_shared>> -> memref<10112x128xf32, #tpu.memory_space<vmem_shared>>
      tpu.wait_indirect_dma semaphore(%run_scoped3A_112 : memref<!tpu.dma_semaphore, #tpu.memory_space<semaphore_mem>>) src(%arg8 : memref<128x128xf32, #tpu.memory_space<vmem>>) dst(%dma_wait3A_124 : memref<10112x128xf32, #tpu.memory_space<vmem_shared>>)
      tpu.yield
    }) : () -> ()
    %dma_wait3A_95 = arith.constant 0 : i32
    %dma_wait3A_96 = arith.constant 1 : i32
    %dma_wait3A_97 = arith.constant 0 : i32
    %dma_wait3A_98 = tpu.memref_slice %arg6[%dma_wait3A_95, %dma_wait3A_96, %dma_wait3A_97] : memref<2x2x128xi32, #tpu.memory_space<vmem>> -> memref<1x1x128xi32, #tpu.memory_space<vmem>>
    %dma_wait3A_99 = tpu.memref_squeeze %dma_wait3A_98 : memref<1x1x128xi32, #tpu.memory_space<vmem>> -> memref<128xi32, #tpu.memory_space<vmem>>
    %dma_wait3A_100 = arith.constant 0 : i32
    %dma_wait3A_101 = arith.constant 0 : i32
    %dma_wait3A_102 = tpu.memref_slice %arg2[%dma_wait3A_100, %dma_wait3A_101] : memref<10000x128xf32, #tpu.memory_space<hbm>> -> memref<10000x128xf32, #tpu.memory_space<hbm>>
    tpu.wait_indirect_dma semaphore(%arg13 : memref<!tpu.dma_semaphore, #tpu.memory_space<semaphore_mem>>) src(%dma_wait3A_102 : memref<10000x128xf32, #tpu.memory_space<hbm>>) dst(%arg9 : memref<128x128xf32, #tpu.memory_space<vmem>>)
    %run_scoped3A_103 = arith.constant 1 : i32
    %run_scoped3A_104 = arith.constant 1 : i32
    "tpu.region"() ({
      %run_scoped3A_112 = tpu.sem_alloc : memref<!tpu.dma_semaphore, #tpu.memory_space<semaphore_mem>>
      %dma_start3A_113 = arith.constant 0 : i32
      %dma_start3A_114 = tpu.memref_slice %arg6[%run_scoped3A_103, %run_scoped3A_104, %dma_start3A_113] : memref<2x2x128xi32, #tpu.memory_space<vmem>> -> memref<1x1x128xi32, #tpu.memory_space<vmem>>
      %dma_start3A_115 = tpu.memref_squeeze %dma_start3A_114 : memref<1x1x128xi32, #tpu.memory_space<vmem>> -> memref<128xi32, #tpu.memory_space<vmem>>
      %dma_start3A_116 = arith.constant 0 : i32
      %dma_start3A_117 = arith.constant 0 : i32
      %dma_start3A_118 = tpu.memref_slice %arg11[%dma_start3A_116, %dma_start3A_117] : memref<10112x128xf32, #tpu.memory_space<vmem_shared>> -> memref<10112x128xf32, #tpu.memory_space<vmem_shared>>
      tpu.enqueue_indirect_dma source(%arg9 : memref<128x128xf32, #tpu.memory_space<vmem>>) target(%dma_start3A_118 : memref<10112x128xf32, #tpu.memory_space<vmem_shared>>) offsets(%dma_start3A_115 : memref<128xi32, #tpu.memory_space<vmem>>) semaphore(%run_scoped3A_112 : memref<!tpu.dma_semaphore, #tpu.memory_space<semaphore_mem>>) {add = true}
      %dma_wait3A_119 = arith.constant 0 : i32
      %dma_wait3A_120 = tpu.memref_slice %arg6[%run_scoped3A_103, %run_scoped3A_104, %dma_wait3A_119] : memref<2x2x128xi32, #tpu.memory_space<vmem>> -> memref<1x1x128xi32, #tpu.memory_space<vmem>>
      %dma_wait3A_121 = tpu.memref_squeeze %dma_wait3A_120 : memref<1x1x128xi32, #tpu.memory_space<vmem>> -> memref<128xi32, #tpu.memory_space<vmem>>
      %dma_wait3A_122 = arith.constant 0 : i32
      %dma_wait3A_123 = arith.constant 0 : i32
      %dma_wait3A_124 = tpu.memref_slice %arg11[%dma_wait3A_122, %dma_wait3A_123] : memref<10112x128xf32, #tpu.memory_space<vmem_shared>> -> memref<10112x128xf32, #tpu.memory_space<vmem_shared>>
      tpu.wait_indirect_dma semaphore(%run_scoped3A_112 : memref<!tpu.dma_semaphore, #tpu.memory_space<semaphore_mem>>) src(%arg9 : memref<128x128xf32, #tpu.memory_space<vmem>>) dst(%dma_wait3A_124 : memref<10112x128xf32, #tpu.memory_space<vmem_shared>>)
      tpu.yield
    }) : () -> ()
    %lt3A = arith.constant 2 : i32
    %lt3A_105 = arith.cmpi slt, %add3A, %lt3A : i32
    %convert_element_type3A = arith.extui %lt3A_105 : i1 to i32
    %cond3A = arith.constant 0 : i32
    %cond3A_106 = arith.cmpi ne, %convert_element_type3A, %cond3A : i32
    scf.if %cond3A_106 {
      %add3A_112 = arith.constant 1248 : i32
      %add3A_113 = arith.addi %add3A_112, %add3A : i32
      %mul3A_114 = arith.constant 2 : i32
      %mul3A_115 = arith.muli %add3A_113, %mul3A_114 : i32
      %mul3A_116 = arith.constant 128 : i32
      %mul3A_117 = arith.muli %mul3A_115, %mul3A_116 : i32
      %run_scoped3A_118 = arith.constant 0 : i32
      %run_scoped3A_119 = arith.constant 0 : i32
      %run_scoped3A_120 = arith.constant 0 : i32
      "tpu.region"() ({
        %run_scoped3A_182 = tpu.sem_alloc : memref<!tpu.dma_semaphore, #tpu.memory_space<semaphore_mem>>
        %dma_start3A_183 = arith.constant 0 : i32
        %dma_start3A_184 = tpu.memref_slice %arg6[%run_scoped3A_119, %run_scoped3A_120, %dma_start3A_183] : memref<2x2x128xi32, #tpu.memory_space<vmem>> -> memref<1x1x128xi32, #tpu.memory_space<vmem>>
        %dma_start3A_185 = tpu.memref_squeeze %dma_start3A_184 : memref<1x1x128xi32, #tpu.memory_space<vmem>> -> memref<128xi32, #tpu.memory_space<vmem>>
        %dma_start3A_186 = tpu.memref_slice %arg3[%run_scoped3A_118, %mul3A_117] : memref<2x320000xi32, #tpu.memory_space<hbm>> -> memref<1x128xi32, #tpu.memory_space<hbm>>
        %dma_start3A_187 = tpu.memref_squeeze %dma_start3A_186 : memref<1x128xi32, #tpu.memory_space<hbm>> -> memref<128xi32, #tpu.memory_space<hbm>>
        %dma_start3A_188 = arith.constant 0 : i32
        %dma_start3A_189 = tpu.memref_slice %arg6[%run_scoped3A_119, %run_scoped3A_120, %dma_start3A_188] : memref<2x2x128xi32, #tpu.memory_space<vmem>> -> memref<1x1x128xi32, #tpu.memory_space<vmem>>
        %dma_start3A_190 = tpu.memref_squeeze %dma_start3A_189 : memref<1x1x128xi32, #tpu.memory_space<vmem>> -> memref<128xi32, #tpu.memory_space<vmem>>
        %dma_start3A_191 = tpu.memref_slice %arg3[%run_scoped3A_118, %mul3A_117] : memref<2x320000xi32, #tpu.memory_space<hbm>> -> memref<1x128xi32, #tpu.memory_space<hbm>>
        %dma_start3A_192 = tpu.memref_squeeze %dma_start3A_191 : memref<1x128xi32, #tpu.memory_space<hbm>> -> memref<128xi32, #tpu.memory_space<hbm>>
        tpu.enqueue_dma source(%dma_start3A_192 : memref<128xi32, #tpu.memory_space<hbm>>) target(%dma_start3A_190 : memref<128xi32, #tpu.memory_space<vmem>>) target_semaphore(%run_scoped3A_182 : memref<!tpu.dma_semaphore, #tpu.memory_space<semaphore_mem>>)
        %dma_wait3A_193 = arith.constant 0 : i32
        %dma_wait3A_194 = tpu.memref_slice %arg6[%run_scoped3A_119, %run_scoped3A_120, %dma_wait3A_193] : memref<2x2x128xi32, #tpu.memory_space<vmem>> -> memref<1x1x128xi32, #tpu.memory_space<vmem>>
        %dma_wait3A_195 = tpu.memref_squeeze %dma_wait3A_194 : memref<1x1x128xi32, #tpu.memory_space<vmem>> -> memref<128xi32, #tpu.memory_space<vmem>>
        %dma_wait3A_196 = tpu.memref_slice %arg3[%run_scoped3A_118, %mul3A_117] : memref<2x320000xi32, #tpu.memory_space<hbm>> -> memref<1x128xi32, #tpu.memory_space<hbm>>
        %dma_wait3A_197 = tpu.memref_squeeze %dma_wait3A_196 : memref<1x128xi32, #tpu.memory_space<hbm>> -> memref<128xi32, #tpu.memory_space<hbm>>
        %dma_wait3A_198 = arith.constant 0 : i32
        %dma_wait3A_199 = tpu.memref_slice %arg6[%run_scoped3A_119, %run_scoped3A_120, %dma_wait3A_198] : memref<2x2x128xi32, #tpu.memory_space<vmem>> -> memref<1x1x128xi32, #tpu.memory_space<vmem>>
        %dma_wait3A_200 = tpu.memref_squeeze %dma_wait3A_199 : memref<1x1x128xi32, #tpu.memory_space<vmem>> -> memref<128xi32, #tpu.memory_space<vmem>>
        %dma_wait3A_201 = tpu.memref_slice %arg3[%run_scoped3A_118, %mul3A_117] : memref<2x320000xi32, #tpu.memory_space<hbm>> -> memref<1x128xi32, #tpu.memory_space<hbm>>
        %dma_wait3A_202 = tpu.memref_squeeze %dma_wait3A_201 : memref<1x128xi32, #tpu.memory_space<hbm>> -> memref<128xi32, #tpu.memory_space<hbm>>
        tpu.wait_dma2 semaphore(%run_scoped3A_182 : memref<!tpu.dma_semaphore, #tpu.memory_space<semaphore_mem>>) src(%dma_wait3A_202 : memref<128xi32, #tpu.memory_space<hbm>>) dst(%dma_wait3A_200 : memref<128xi32, #tpu.memory_space<vmem>>)
        tpu.yield
      }) : () -> ()
      %mul3A_121 = arith.constant 2 : i32
      %mul3A_122 = arith.muli %add3A_113, %mul3A_121 : i32
      %mul3A_123 = arith.constant 128 : i32
      %mul3A_124 = arith.muli %mul3A_122, %mul3A_123 : i32
      %add3A_125 = arith.constant 128 : i32
      %add3A_126 = arith.addi %mul3A_124, %add3A_125 : i32
      %run_scoped3A_127 = arith.constant 0 : i32
      %run_scoped3A_128 = arith.constant 0 : i32
      %run_scoped3A_129 = arith.constant 1 : i32
      "tpu.region"() ({
        %run_scoped3A_182 = tpu.sem_alloc : memref<!tpu.dma_semaphore, #tpu.memory_space<semaphore_mem>>
        %dma_start3A_183 = arith.constant 0 : i32
        %dma_start3A_184 = tpu.memref_slice %arg6[%run_scoped3A_128, %run_scoped3A_129, %dma_start3A_183] : memref<2x2x128xi32, #tpu.memory_space<vmem>> -> memref<1x1x128xi32, #tpu.memory_space<vmem>>
        %dma_start3A_185 = tpu.memref_squeeze %dma_start3A_184 : memref<1x1x128xi32, #tpu.memory_space<vmem>> -> memref<128xi32, #tpu.memory_space<vmem>>
        %dma_start3A_186 = tpu.memref_slice %arg3[%run_scoped3A_127, %add3A_126] : memref<2x320000xi32, #tpu.memory_space<hbm>> -> memref<1x128xi32, #tpu.memory_space<hbm>>
        %dma_start3A_187 = tpu.memref_squeeze %dma_start3A_186 : memref<1x128xi32, #tpu.memory_space<hbm>> -> memref<128xi32, #tpu.memory_space<hbm>>
        %dma_start3A_188 = arith.constant 0 : i32
        %dma_start3A_189 = tpu.memref_slice %arg6[%run_scoped3A_128, %run_scoped3A_129, %dma_start3A_188] : memref<2x2x128xi32, #tpu.memory_space<vmem>> -> memref<1x1x128xi32, #tpu.memory_space<vmem>>
        %dma_start3A_190 = tpu.memref_squeeze %dma_start3A_189 : memref<1x1x128xi32, #tpu.memory_space<vmem>> -> memref<128xi32, #tpu.memory_space<vmem>>
        %dma_start3A_191 = tpu.memref_slice %arg3[%run_scoped3A_127, %add3A_126] : memref<2x320000xi32, #tpu.memory_space<hbm>> -> memref<1x128xi32, #tpu.memory_space<hbm>>
        %dma_start3A_192 = tpu.memref_squeeze %dma_start3A_191 : memref<1x128xi32, #tpu.memory_space<hbm>> -> memref<128xi32, #tpu.memory_space<hbm>>
        tpu.enqueue_dma source(%dma_start3A_192 : memref<128xi32, #tpu.memory_space<hbm>>) target(%dma_start3A_190 : memref<128xi32, #tpu.memory_space<vmem>>) target_semaphore(%run_scoped3A_182 : memref<!tpu.dma_semaphore, #tpu.memory_space<semaphore_mem>>)
        %dma_wait3A_193 = arith.constant 0 : i32
        %dma_wait3A_194 = tpu.memref_slice %arg6[%run_scoped3A_128, %run_scoped3A_129, %dma_wait3A_193] : memref<2x2x128xi32, #tpu.memory_space<vmem>> -> memref<1x1x128xi32, #tpu.memory_space<vmem>>
        %dma_wait3A_195 = tpu.memref_squeeze %dma_wait3A_194 : memref<1x1x128xi32, #tpu.memory_space<vmem>> -> memref<128xi32, #tpu.memory_space<vmem>>
        %dma_wait3A_196 = tpu.memref_slice %arg3[%run_scoped3A_127, %add3A_126] : memref<2x320000xi32, #tpu.memory_space<hbm>> -> memref<1x128xi32, #tpu.memory_space<hbm>>
        %dma_wait3A_197 = tpu.memref_squeeze %dma_wait3A_196 : memref<1x128xi32, #tpu.memory_space<hbm>> -> memref<128xi32, #tpu.memory_space<hbm>>
        %dma_wait3A_198 = arith.constant 0 : i32
        %dma_wait3A_199 = tpu.memref_slice %arg6[%run_scoped3A_128, %run_scoped3A_129, %dma_wait3A_198] : memref<2x2x128xi32, #tpu.memory_space<vmem>> -> memref<1x1x128xi32, #tpu.memory_space<vmem>>
        %dma_wait3A_200 = tpu.memref_squeeze %dma_wait3A_199 : memref<1x1x128xi32, #tpu.memory_space<vmem>> -> memref<128xi32, #tpu.memory_space<vmem>>
        %dma_wait3A_201 = tpu.memref_slice %arg3[%run_scoped3A_127, %add3A_126] : memref<2x320000xi32, #tpu.memory_space<hbm>> -> memref<1x128xi32, #tpu.memory_space<hbm>>
        %dma_wait3A_202 = tpu.memref_squeeze %dma_wait3A_201 : memref<1x128xi32, #tpu.memory_space<hbm>> -> memref<128xi32, #tpu.memory_space<hbm>>
        tpu.wait_dma2 semaphore(%run_scoped3A_182 : memref<!tpu.dma_semaphore, #tpu.memory_space<semaphore_mem>>) src(%dma_wait3A_202 : memref<128xi32, #tpu.memory_space<hbm>>) dst(%dma_wait3A_200 : memref<128xi32, #tpu.memory_space<vmem>>)
        tpu.yield
      }) : () -> ()
      %mul3A_130 = arith.constant 2 : i32
      %mul3A_131 = arith.muli %add3A_113, %mul3A_130 : i32
      %mul3A_132 = arith.constant 128 : i32
      %mul3A_133 = arith.muli %mul3A_131, %mul3A_132 : i32
      %run_scoped3A_134 = arith.constant 1 : i32
      %run_scoped3A_135 = arith.constant 1 : i32
      %run_scoped3A_136 = arith.constant 0 : i32
      "tpu.region"() ({
        %run_scoped3A_182 = tpu.sem_alloc : memref<!tpu.dma_semaphore, #tpu.memory_space<semaphore_mem>>
        %dma_start3A_183 = arith.constant 0 : i32
        %dma_start3A_184 = tpu.memref_slice %arg6[%run_scoped3A_135, %run_scoped3A_136, %dma_start3A_183] : memref<2x2x128xi32, #tpu.memory_space<vmem>> -> memref<1x1x128xi32, #tpu.memory_space<vmem>>
        %dma_start3A_185 = tpu.memref_squeeze %dma_start3A_184 : memref<1x1x128xi32, #tpu.memory_space<vmem>> -> memref<128xi32, #tpu.memory_space<vmem>>
        %dma_start3A_186 = tpu.memref_slice %arg3[%run_scoped3A_134, %mul3A_133] : memref<2x320000xi32, #tpu.memory_space<hbm>> -> memref<1x128xi32, #tpu.memory_space<hbm>>
        %dma_start3A_187 = tpu.memref_squeeze %dma_start3A_186 : memref<1x128xi32, #tpu.memory_space<hbm>> -> memref<128xi32, #tpu.memory_space<hbm>>
        %dma_start3A_188 = arith.constant 0 : i32
        %dma_start3A_189 = tpu.memref_slice %arg6[%run_scoped3A_135, %run_scoped3A_136, %dma_start3A_188] : memref<2x2x128xi32, #tpu.memory_space<vmem>> -> memref<1x1x128xi32, #tpu.memory_space<vmem>>
        %dma_start3A_190 = tpu.memref_squeeze %dma_start3A_189 : memref<1x1x128xi32, #tpu.memory_space<vmem>> -> memref<128xi32, #tpu.memory_space<vmem>>
        %dma_start3A_191 = tpu.memref_slice %arg3[%run_scoped3A_134, %mul3A_133] : memref<2x320000xi32, #tpu.memory_space<hbm>> -> memref<1x128xi32, #tpu.memory_space<hbm>>
        %dma_start3A_192 = tpu.memref_squeeze %dma_start3A_191 : memref<1x128xi32, #tpu.memory_space<hbm>> -> memref<128xi32, #tpu.memory_space<hbm>>
        tpu.enqueue_dma source(%dma_start3A_192 : memref<128xi32, #tpu.memory_space<hbm>>) target(%dma_start3A_190 : memref<128xi32, #tpu.memory_space<vmem>>) target_semaphore(%run_scoped3A_182 : memref<!tpu.dma_semaphore, #tpu.memory_space<semaphore_mem>>)
        %dma_wait3A_193 = arith.constant 0 : i32
        %dma_wait3A_194 = tpu.memref_slice %arg6[%run_scoped3A_135, %run_scoped3A_136, %dma_wait3A_193] : memref<2x2x128xi32, #tpu.memory_space<vmem>> -> memref<1x1x128xi32, #tpu.memory_space<vmem>>
        %dma_wait3A_195 = tpu.memref_squeeze %dma_wait3A_194 : memref<1x1x128xi32, #tpu.memory_space<vmem>> -> memref<128xi32, #tpu.memory_space<vmem>>
        %dma_wait3A_196 = tpu.memref_slice %arg3[%run_scoped3A_134, %mul3A_133] : memref<2x320000xi32, #tpu.memory_space<hbm>> -> memref<1x128xi32, #tpu.memory_space<hbm>>
        %dma_wait3A_197 = tpu.memref_squeeze %dma_wait3A_196 : memref<1x128xi32, #tpu.memory_space<hbm>> -> memref<128xi32, #tpu.memory_space<hbm>>
        %dma_wait3A_198 = arith.constant 0 : i32
        %dma_wait3A_199 = tpu.memref_slice %arg6[%run_scoped3A_135, %run_scoped3A_136, %dma_wait3A_198] : memref<2x2x128xi32, #tpu.memory_space<vmem>> -> memref<1x1x128xi32, #tpu.memory_space<vmem>>
        %dma_wait3A_200 = tpu.memref_squeeze %dma_wait3A_199 : memref<1x1x128xi32, #tpu.memory_space<vmem>> -> memref<128xi32, #tpu.memory_space<vmem>>
        %dma_wait3A_201 = tpu.memref_slice %arg3[%run_scoped3A_134, %mul3A_133] : memref<2x320000xi32, #tpu.memory_space<hbm>> -> memref<1x128xi32, #tpu.memory_space<hbm>>
        %dma_wait3A_202 = tpu.memref_squeeze %dma_wait3A_201 : memref<1x128xi32, #tpu.memory_space<hbm>> -> memref<128xi32, #tpu.memory_space<hbm>>
        tpu.wait_dma2 semaphore(%run_scoped3A_182 : memref<!tpu.dma_semaphore, #tpu.memory_space<semaphore_mem>>) src(%dma_wait3A_202 : memref<128xi32, #tpu.memory_space<hbm>>) dst(%dma_wait3A_200 : memref<128xi32, #tpu.memory_space<vmem>>)
        tpu.yield
      }) : () -> ()
      %mul3A_137 = arith.constant 2 : i32
      %mul3A_138 = arith.muli %add3A_113, %mul3A_137 : i32
      %mul3A_139 = arith.constant 128 : i32
      %mul3A_140 = arith.muli %mul3A_138, %mul3A_139 : i32
      %add3A_141 = arith.constant 128 : i32
      %add3A_142 = arith.addi %mul3A_140, %add3A_141 : i32
      %run_scoped3A_143 = arith.constant 1 : i32
      %run_scoped3A_144 = arith.constant 1 : i32
      %run_scoped3A_145 = arith.constant 1 : i32
      "tpu.region"() ({
        %run_scoped3A_182 = tpu.sem_alloc : memref<!tpu.dma_semaphore, #tpu.memory_space<semaphore_mem>>
        %dma_start3A_183 = arith.constant 0 : i32
        %dma_start3A_184 = tpu.memref_slice %arg6[%run_scoped3A_144, %run_scoped3A_145, %dma_start3A_183] : memref<2x2x128xi32, #tpu.memory_space<vmem>> -> memref<1x1x128xi32, #tpu.memory_space<vmem>>
        %dma_start3A_185 = tpu.memref_squeeze %dma_start3A_184 : memref<1x1x128xi32, #tpu.memory_space<vmem>> -> memref<128xi32, #tpu.memory_space<vmem>>
        %dma_start3A_186 = tpu.memref_slice %arg3[%run_scoped3A_143, %add3A_142] : memref<2x320000xi32, #tpu.memory_space<hbm>> -> memref<1x128xi32, #tpu.memory_space<hbm>>
        %dma_start3A_187 = tpu.memref_squeeze %dma_start3A_186 : memref<1x128xi32, #tpu.memory_space<hbm>> -> memref<128xi32, #tpu.memory_space<hbm>>
        %dma_start3A_188 = arith.constant 0 : i32
        %dma_start3A_189 = tpu.memref_slice %arg6[%run_scoped3A_144, %run_scoped3A_145, %dma_start3A_188] : memref<2x2x128xi32, #tpu.memory_space<vmem>> -> memref<1x1x128xi32, #tpu.memory_space<vmem>>
        %dma_start3A_190 = tpu.memref_squeeze %dma_start3A_189 : memref<1x1x128xi32, #tpu.memory_space<vmem>> -> memref<128xi32, #tpu.memory_space<vmem>>
        %dma_start3A_191 = tpu.memref_slice %arg3[%run_scoped3A_143, %add3A_142] : memref<2x320000xi32, #tpu.memory_space<hbm>> -> memref<1x128xi32, #tpu.memory_space<hbm>>
        %dma_start3A_192 = tpu.memref_squeeze %dma_start3A_191 : memref<1x128xi32, #tpu.memory_space<hbm>> -> memref<128xi32, #tpu.memory_space<hbm>>
        tpu.enqueue_dma source(%dma_start3A_192 : memref<128xi32, #tpu.memory_space<hbm>>) target(%dma_start3A_190 : memref<128xi32, #tpu.memory_space<vmem>>) target_semaphore(%run_scoped3A_182 : memref<!tpu.dma_semaphore, #tpu.memory_space<semaphore_mem>>)
        %dma_wait3A_193 = arith.constant 0 : i32
        %dma_wait3A_194 = tpu.memref_slice %arg6[%run_scoped3A_144, %run_scoped3A_145, %dma_wait3A_193] : memref<2x2x128xi32, #tpu.memory_space<vmem>> -> memref<1x1x128xi32, #tpu.memory_space<vmem>>
        %dma_wait3A_195 = tpu.memref_squeeze %dma_wait3A_194 : memref<1x1x128xi32, #tpu.memory_space<vmem>> -> memref<128xi32, #tpu.memory_space<vmem>>
        %dma_wait3A_196 = tpu.memref_slice %arg3[%run_scoped3A_143, %add3A_142] : memref<2x320000xi32, #tpu.memory_space<hbm>> -> memref<1x128xi32, #tpu.memory_space<hbm>>
        %dma_wait3A_197 = tpu.memref_squeeze %dma_wait3A_196 : memref<1x128xi32, #tpu.memory_space<hbm>> -> memref<128xi32, #tpu.memory_space<hbm>>
        %dma_wait3A_198 = arith.constant 0 : i32
        %dma_wait3A_199 = tpu.memref_slice %arg6[%run_scoped3A_144, %run_scoped3A_145, %dma_wait3A_198] : memref<2x2x128xi32, #tpu.memory_space<vmem>> -> memref<1x1x128xi32, #tpu.memory_space<vmem>>
        %dma_wait3A_200 = tpu.memref_squeeze %dma_wait3A_199 : memref<1x1x128xi32, #tpu.memory_space<vmem>> -> memref<128xi32, #tpu.memory_space<vmem>>
        %dma_wait3A_201 = tpu.memref_slice %arg3[%run_scoped3A_143, %add3A_142] : memref<2x320000xi32, #tpu.memory_space<hbm>> -> memref<1x128xi32, #tpu.memory_space<hbm>>
        %dma_wait3A_202 = tpu.memref_squeeze %dma_wait3A_201 : memref<1x128xi32, #tpu.memory_space<hbm>> -> memref<128xi32, #tpu.memory_space<hbm>>
        tpu.wait_dma2 semaphore(%run_scoped3A_182 : memref<!tpu.dma_semaphore, #tpu.memory_space<semaphore_mem>>) src(%dma_wait3A_202 : memref<128xi32, #tpu.memory_space<hbm>>) dst(%dma_wait3A_200 : memref<128xi32, #tpu.memory_space<vmem>>)
        tpu.yield
      }) : () -> ()
      %dma_start3A_146 = arith.constant 0 : i32
      %dma_start3A_147 = arith.constant 0 : i32
      %dma_start3A_148 = arith.constant 0 : i32
      %dma_start3A_149 = tpu.memref_slice %arg6[%dma_start3A_146, %dma_start3A_147, %dma_start3A_148] : memref<2x2x128xi32, #tpu.memory_space<vmem>> -> memref<1x1x128xi32, #tpu.memory_space<vmem>>
      %dma_start3A_150 = tpu.memref_squeeze %dma_start3A_149 : memref<1x1x128xi32, #tpu.memory_space<vmem>> -> memref<128xi32, #tpu.memory_space<vmem>>
      %dma_start3A_151 = arith.constant 0 : i32
      %dma_start3A_152 = arith.constant 0 : i32
      %dma_start3A_153 = tpu.memref_slice %arg2[%dma_start3A_151, %dma_start3A_152] : memref<10000x128xf32, #tpu.memory_space<hbm>> -> memref<10000x128xf32, #tpu.memory_space<hbm>>
      tpu.enqueue_indirect_dma source(%dma_start3A_153 : memref<10000x128xf32, #tpu.memory_space<hbm>>) target(%arg8 : memref<128x128xf32, #tpu.memory_space<vmem>>) offsets(%dma_start3A_150 : memref<128xi32, #tpu.memory_space<vmem>>) semaphore(%arg12 : memref<!tpu.dma_semaphore, #tpu.memory_space<semaphore_mem>>)
      %dma_start3A_154 = arith.constant 0 : i32
      %dma_start3A_155 = arith.constant 1 : i32
      %dma_start3A_156 = arith.constant 0 : i32
      %dma_start3A_157 = tpu.memref_slice %arg6[%dma_start3A_154, %dma_start3A_155, %dma_start3A_156] : memref<2x2x128xi32, #tpu.memory_space<vmem>> -> memref<1x1x128xi32, #tpu.memory_space<vmem>>
      %dma_start3A_158 = tpu.memref_squeeze %dma_start3A_157 : memref<1x1x128xi32, #tpu.memory_space<vmem>> -> memref<128xi32, #tpu.memory_space<vmem>>
      %dma_start3A_159 = arith.constant 0 : i32
      %dma_start3A_160 = arith.constant 0 : i32
      %dma_start3A_161 = tpu.memref_slice %arg2[%dma_start3A_159, %dma_start3A_160] : memref<10000x128xf32, #tpu.memory_space<hbm>> -> memref<10000x128xf32, #tpu.memory_space<hbm>>
      tpu.enqueue_indirect_dma source(%dma_start3A_161 : memref<10000x128xf32, #tpu.memory_space<hbm>>) target(%arg9 : memref<128x128xf32, #tpu.memory_space<vmem>>) offsets(%dma_start3A_158 : memref<128xi32, #tpu.memory_space<vmem>>) semaphore(%arg13 : memref<!tpu.dma_semaphore, #tpu.memory_space<semaphore_mem>>)
      %dma_wait3A_162 = arith.constant 0 : i32
      %dma_wait3A_163 = arith.constant 0 : i32
      %dma_wait3A_164 = arith.constant 0 : i32
      %dma_wait3A_165 = tpu.memref_slice %arg6[%dma_wait3A_162, %dma_wait3A_163, %dma_wait3A_164] : memref<2x2x128xi32, #tpu.memory_space<vmem>> -> memref<1x1x128xi32, #tpu.memory_space<vmem>>
      %dma_wait3A_166 = tpu.memref_squeeze %dma_wait3A_165 : memref<1x1x128xi32, #tpu.memory_space<vmem>> -> memref<128xi32, #tpu.memory_space<vmem>>
      %dma_wait3A_167 = arith.constant 0 : i32
      %dma_wait3A_168 = arith.constant 0 : i32
      %dma_wait3A_169 = tpu.memref_slice %arg2[%dma_wait3A_167, %dma_wait3A_168] : memref<10000x128xf32, #tpu.memory_space<hbm>> -> memref<10000x128xf32, #tpu.memory_space<hbm>>
      tpu.wait_indirect_dma semaphore(%arg12 : memref<!tpu.dma_semaphore, #tpu.memory_space<semaphore_mem>>) src(%dma_wait3A_169 : memref<10000x128xf32, #tpu.memory_space<hbm>>) dst(%arg8 : memref<128x128xf32, #tpu.memory_space<vmem>>)
      %run_scoped3A_170 = arith.constant 1 : i32
      %run_scoped3A_171 = arith.constant 0 : i32
      "tpu.region"() ({
        %run_scoped3A_182 = tpu.sem_alloc : memref<!tpu.dma_semaphore, #tpu.memory_space<semaphore_mem>>
        %dma_start3A_183 = arith.constant 0 : i32
        %dma_start3A_184 = tpu.memref_slice %arg6[%run_scoped3A_170, %run_scoped3A_171, %dma_start3A_183] : memref<2x2x128xi32, #tpu.memory_space<vmem>> -> memref<1x1x128xi32, #tpu.memory_space<vmem>>
        %dma_start3A_185 = tpu.memref_squeeze %dma_start3A_184 : memref<1x1x128xi32, #tpu.memory_space<vmem>> -> memref<128xi32, #tpu.memory_space<vmem>>
        %dma_start3A_186 = arith.constant 0 : i32
        %dma_start3A_187 = arith.constant 0 : i32
        %dma_start3A_188 = tpu.memref_slice %arg11[%dma_start3A_186, %dma_start3A_187] : memref<10112x128xf32, #tpu.memory_space<vmem_shared>> -> memref<10112x128xf32, #tpu.memory_space<vmem_shared>>
        tpu.enqueue_indirect_dma source(%arg8 : memref<128x128xf32, #tpu.memory_space<vmem>>) target(%dma_start3A_188 : memref<10112x128xf32, #tpu.memory_space<vmem_shared>>) offsets(%dma_start3A_185 : memref<128xi32, #tpu.memory_space<vmem>>) semaphore(%run_scoped3A_182 : memref<!tpu.dma_semaphore, #tpu.memory_space<semaphore_mem>>) {add = true}
        %dma_wait3A_189 = arith.constant 0 : i32
        %dma_wait3A_190 = tpu.memref_slice %arg6[%run_scoped3A_170, %run_scoped3A_171, %dma_wait3A_189] : memref<2x2x128xi32, #tpu.memory_space<vmem>> -> memref<1x1x128xi32, #tpu.memory_space<vmem>>
        %dma_wait3A_191 = tpu.memref_squeeze %dma_wait3A_190 : memref<1x1x128xi32, #tpu.memory_space<vmem>> -> memref<128xi32, #tpu.memory_space<vmem>>
        %dma_wait3A_192 = arith.constant 0 : i32
        %dma_wait3A_193 = arith.constant 0 : i32
        %dma_wait3A_194 = tpu.memref_slice %arg11[%dma_wait3A_192, %dma_wait3A_193] : memref<10112x128xf32, #tpu.memory_space<vmem_shared>> -> memref<10112x128xf32, #tpu.memory_space<vmem_shared>>
        tpu.wait_indirect_dma semaphore(%run_scoped3A_182 : memref<!tpu.dma_semaphore, #tpu.memory_space<semaphore_mem>>) src(%arg8 : memref<128x128xf32, #tpu.memory_space<vmem>>) dst(%dma_wait3A_194 : memref<10112x128xf32, #tpu.memory_space<vmem_shared>>)
        tpu.yield
      }) : () -> ()
      %dma_wait3A_172 = arith.constant 0 : i32
      %dma_wait3A_173 = arith.constant 1 : i32
      %dma_wait3A_174 = arith.constant 0 : i32
      %dma_wait3A_175 = tpu.memref_slice %arg6[%dma_wait3A_172, %dma_wait3A_173, %dma_wait3A_174] : memref<2x2x128xi32, #tpu.memory_space<vmem>> -> memref<1x1x128xi32, #tpu.memory_space<vmem>>
      %dma_wait3A_176 = tpu.memref_squeeze %dma_wait3A_175 : memref<1x1x128xi32, #tpu.memory_space<vmem>> -> memref<128xi32, #tpu.memory_space<vmem>>
      %dma_wait3A_177 = arith.constant 0 : i32
      %dma_wait3A_178 = arith.constant 0 : i32
      %dma_wait3A_179 = tpu.memref_slice %arg2[%dma_wait3A_177, %dma_wait3A_178] : memref<10000x128xf32, #tpu.memory_space<hbm>> -> memref<10000x128xf32, #tpu.memory_space<hbm>>
      tpu.wait_indirect_dma semaphore(%arg13 : memref<!tpu.dma_semaphore, #tpu.memory_space<semaphore_mem>>) src(%dma_wait3A_179 : memref<10000x128xf32, #tpu.memory_space<hbm>>) dst(%arg9 : memref<128x128xf32, #tpu.memory_space<vmem>>)
      %run_scoped3A_180 = arith.constant 1 : i32
      %run_scoped3A_181 = arith.constant 1 : i32
      "tpu.region"() ({
        %run_scoped3A_182 = tpu.sem_alloc : memref<!tpu.dma_semaphore, #tpu.memory_space<semaphore_mem>>
        %dma_start3A_183 = arith.constant 0 : i32
        %dma_start3A_184 = tpu.memref_slice %arg6[%run_scoped3A_180, %run_scoped3A_181, %dma_start3A_183] : memref<2x2x128xi32, #tpu.memory_space<vmem>> -> memref<1x1x128xi32, #tpu.memory_space<vmem>>
        %dma_start3A_185 = tpu.memref_squeeze %dma_start3A_184 : memref<1x1x128xi32, #tpu.memory_space<vmem>> -> memref<128xi32, #tpu.memory_space<vmem>>
        %dma_start3A_186 = arith.constant 0 : i32
        %dma_start3A_187 = arith.constant 0 : i32
        %dma_start3A_188 = tpu.memref_slice %arg11[%dma_start3A_186, %dma_start3A_187] : memref<10112x128xf32, #tpu.memory_space<vmem_shared>> -> memref<10112x128xf32, #tpu.memory_space<vmem_shared>>
        tpu.enqueue_indirect_dma source(%arg9 : memref<128x128xf32, #tpu.memory_space<vmem>>) target(%dma_start3A_188 : memref<10112x128xf32, #tpu.memory_space<vmem_shared>>) offsets(%dma_start3A_185 : memref<128xi32, #tpu.memory_space<vmem>>) semaphore(%run_scoped3A_182 : memref<!tpu.dma_semaphore, #tpu.memory_space<semaphore_mem>>) {add = true}
        %dma_wait3A_189 = arith.constant 0 : i32
        %dma_wait3A_190 = tpu.memref_slice %arg6[%run_scoped3A_180, %run_scoped3A_181, %dma_wait3A_189] : memref<2x2x128xi32, #tpu.memory_space<vmem>> -> memref<1x1x128xi32, #tpu.memory_space<vmem>>
        %dma_wait3A_191 = tpu.memref_squeeze %dma_wait3A_190 : memref<1x1x128xi32, #tpu.memory_space<vmem>> -> memref<128xi32, #tpu.memory_space<vmem>>
        %dma_wait3A_192 = arith.constant 0 : i32
        %dma_wait3A_193 = arith.constant 0 : i32
        %dma_wait3A_194 = tpu.memref_slice %arg11[%dma_wait3A_192, %dma_wait3A_193] : memref<10112x128xf32, #tpu.memory_space<vmem_shared>> -> memref<10112x128xf32, #tpu.memory_space<vmem_shared>>
        tpu.wait_indirect_dma semaphore(%run_scoped3A_182 : memref<!tpu.dma_semaphore, #tpu.memory_space<semaphore_mem>>) src(%arg9 : memref<128x128xf32, #tpu.memory_space<vmem>>) dst(%dma_wait3A_194 : memref<10112x128xf32, #tpu.memory_space<vmem_shared>>)
        tpu.yield
      }) : () -> ()
    } else {
    }
    %barrier3A_107 = arith.constant 0 : index
    tpu.barrier barrier_id(%barrier3A_107)
    %mul3A_108 = arith.constant 632 : i32
    %mul3A_109 = arith.muli %arg1, %mul3A_108 : i32
    %mul3A_110 = arith.constant 632 : i32
    %mul3A_111 = arith.muli %arg1, %mul3A_110 : i32
    "tpu.region"() ({
      %run_scoped3A_112 = tpu.sem_alloc : memref<!tpu.dma_semaphore, #tpu.memory_space<semaphore_mem>>
      %dma_start3A_113 = arith.constant 0 : i32
      %dma_start3A_114 = tpu.memref_slice %arg5[%arg0, %mul3A_111, %dma_start3A_113] : memref<2x10112x128xf32, #tpu.memory_space<hbm>> -> memref<1x632x128xf32, #tpu.memory_space<hbm>>
      %dma_start3A_115 = tpu.memref_squeeze %dma_start3A_114 : memref<1x632x128xf32, #tpu.memory_space<hbm>> -> memref<632x128xf32, #tpu.memory_space<hbm>>
      %dma_start3A_116 = arith.constant 0 : i32
      %dma_start3A_117 = tpu.memref_slice %arg11[%mul3A_109, %dma_start3A_116] : memref<10112x128xf32, #tpu.memory_space<vmem_shared>> -> memref<632x128xf32, #tpu.memory_space<vmem_shared>>
      tpu.enqueue_dma source(%dma_start3A_117 : memref<632x128xf32, #tpu.memory_space<vmem_shared>>) target(%dma_start3A_115 : memref<632x128xf32, #tpu.memory_space<hbm>>) target_semaphore(%run_scoped3A_112 : memref<!tpu.dma_semaphore, #tpu.memory_space<semaphore_mem>>)
      %dma_wait3A_118 = arith.constant 0 : i32
      %dma_wait3A_119 = tpu.memref_slice %arg5[%arg0, %mul3A_111, %dma_wait3A_118] : memref<2x10112x128xf32, #tpu.memory_space<hbm>> -> memref<1x632x128xf32, #tpu.memory_space<hbm>>
      %dma_wait3A_120 = tpu.memref_squeeze %dma_wait3A_119 : memref<1x632x128xf32, #tpu.memory_space<hbm>> -> memref<632x128xf32, #tpu.memory_space<hbm>>
      %dma_wait3A_121 = arith.constant 0 : i32
      %dma_wait3A_122 = tpu.memref_slice %arg11[%mul3A_109, %dma_wait3A_121] : memref<10112x128xf32, #tpu.memory_space<vmem_shared>> -> memref<632x128xf32, #tpu.memory_space<vmem_shared>>
      tpu.wait_dma2 semaphore(%run_scoped3A_112 : memref<!tpu.dma_semaphore, #tpu.memory_space<semaphore_mem>>) src(%dma_wait3A_122 : memref<632x128xf32, #tpu.memory_space<vmem_shared>>) dst(%dma_wait3A_120 : memref<632x128xf32, #tpu.memory_space<hbm>>)
      tpu.yield
    }) : () -> ()
    return
  }
}

#map = affine_map<(d0, d1) -> (0, 0)>
#map1 = affine_map<(d0, d1) -> (0, 0, 0)>
module attributes {stable_mosaic.version = 14 : i64} {
  func.func @_edge_kernel(%arg0: i32, %arg1: i32, %arg2: memref<10000x128xf32, #tpu.memory_space<hbm>>, %arg3: memref<2x320000xi32, #tpu.memory_space<hbm>>, %arg4: memref<128x128xf32, #tpu.memory_space<hbm>>, %arg5: memref<2x10112x128xf32, #tpu.memory_space<hbm>>, %arg6: memref<2x2x128xi32, #tpu.memory_space<vmem>>, %arg7: memref<2x2x128xi32, #tpu.memory_space<vmem>>, %arg8: memref<128x128xf32, #tpu.memory_space<vmem>>, %arg9: memref<128x128xf32, #tpu.memory_space<vmem>>, %arg10: memref<80x128xf32, #tpu.memory_space<vmem>>, %arg11: memref<10112x128xf32, #tpu.memory_space<vmem_shared>>, %arg12: memref<!tpu.dma_semaphore, #tpu.memory_space<semaphore_mem>>, %arg13: memref<!tpu.dma_semaphore, #tpu.memory_space<semaphore_mem>>, %arg14: memref<!tpu.dma_semaphore, #tpu.memory_space<semaphore_mem>>, %arg15: memref<!tpu.dma_semaphore, #tpu.memory_space<semaphore_mem>>) attributes {dimension_semantics = [#tpu.dimension_semantics<core_parallel>, #tpu.dimension_semantics<subcore_parallel>], iteration_bounds = array<i64: 2, 16>, scalar_prefetch = 0 : i64, scratch_operands = 10 : i64, tpu.core_type = #tpu.core_type<sc_vector_subcore>, window_params = [{transform_indices = #map}, {transform_indices = #map}, {transform_indices = #map}, {transform_indices = #map1}]} {
    %mul3A = arith.constant 16 : i32
    %mul3A_0 = arith.muli %arg0, %mul3A : i32
    %add3A = arith.addi %mul3A_0, %arg1 : i32
    %mul3A_1 = arith.constant 39 : i32
    %mul3A_2 = arith.muli %add3A, %mul3A_1 : i32
    %mul3A_3 = arith.constant 2 : i32
    %mul3A_4 = arith.muli %mul3A_2, %mul3A_3 : i32
    %mul3A_5 = arith.constant 128 : i32
    %mul3A_6 = arith.muli %mul3A_4, %mul3A_5 : i32
    %run_scoped3A = arith.constant 0 : i32
    %run_scoped3A_7 = arith.constant 0 : i32
    %run_scoped3A_8 = arith.constant 0 : i32
    "tpu.region"() ({
      %run_scoped3A_112 = tpu.sem_alloc : memref<!tpu.dma_semaphore, #tpu.memory_space<semaphore_mem>>
      %dma_start3A_113 = arith.constant 0 : i32
      %dma_start3A_114 = tpu.memref_slice %arg6[%run_scoped3A_7, %run_scoped3A_8, %dma_start3A_113] : memref<2x2x128xi32, #tpu.memory_space<vmem>> -> memref<1x1x128xi32, #tpu.memory_space<vmem>>
      %dma_start3A_115 = tpu.memref_squeeze %dma_start3A_114 : memref<1x1x128xi32, #tpu.memory_space<vmem>> -> memref<128xi32, #tpu.memory_space<vmem>>
      %dma_start3A_116 = tpu.memref_slice %arg3[%run_scoped3A, %mul3A_6] : memref<2x320000xi32, #tpu.memory_space<hbm>> -> memref<1x128xi32, #tpu.memory_space<hbm>>
      %dma_start3A_117 = tpu.memref_squeeze %dma_start3A_116 : memref<1x128xi32, #tpu.memory_space<hbm>> -> memref<128xi32, #tpu.memory_space<hbm>>
      %dma_start3A_118 = arith.constant 0 : i32
      %dma_start3A_119 = tpu.memref_slice %arg6[%run_scoped3A_7, %run_scoped3A_8, %dma_start3A_118] : memref<2x2x128xi32, #tpu.memory_space<vmem>> -> memref<1x1x128xi32, #tpu.memory_space<vmem>>
      %dma_start3A_120 = tpu.memref_squeeze %dma_start3A_119 : memref<1x1x128xi32, #tpu.memory_space<vmem>> -> memref<128xi32, #tpu.memory_space<vmem>>
      %dma_start3A_121 = tpu.memref_slice %arg3[%run_scoped3A, %mul3A_6] : memref<2x320000xi32, #tpu.memory_space<hbm>> -> memref<1x128xi32, #tpu.memory_space<hbm>>
      %dma_start3A_122 = tpu.memref_squeeze %dma_start3A_121 : memref<1x128xi32, #tpu.memory_space<hbm>> -> memref<128xi32, #tpu.memory_space<hbm>>
      tpu.enqueue_dma source(%dma_start3A_122 : memref<128xi32, #tpu.memory_space<hbm>>) target(%dma_start3A_120 : memref<128xi32, #tpu.memory_space<vmem>>) target_semaphore(%run_scoped3A_112 : memref<!tpu.dma_semaphore, #tpu.memory_space<semaphore_mem>>)
      %dma_wait3A_123 = arith.constant 0 : i32
      %dma_wait3A_124 = tpu.memref_slice %arg6[%run_scoped3A_7, %run_scoped3A_8, %dma_wait3A_123] : memref<2x2x128xi32, #tpu.memory_space<vmem>> -> memref<1x1x128xi32, #tpu.memory_space<vmem>>
      %dma_wait3A_125 = tpu.memref_squeeze %dma_wait3A_124 : memref<1x1x128xi32, #tpu.memory_space<vmem>> -> memref<128xi32, #tpu.memory_space<vmem>>
      %dma_wait3A_126 = tpu.memref_slice %arg3[%run_scoped3A, %mul3A_6] : memref<2x320000xi32, #tpu.memory_space<hbm>> -> memref<1x128xi32, #tpu.memory_space<hbm>>
      %dma_wait3A_127 = tpu.memref_squeeze %dma_wait3A_126 : memref<1x128xi32, #tpu.memory_space<hbm>> -> memref<128xi32, #tpu.memory_space<hbm>>
      %dma_wait3A_128 = arith.constant 0 : i32
      %dma_wait3A_129 = tpu.memref_slice %arg6[%run_scoped3A_7, %run_scoped3A_8, %dma_wait3A_128] : memref<2x2x128xi32, #tpu.memory_space<vmem>> -> memref<1x1x128xi32, #tpu.memory_space<vmem>>
      %dma_wait3A_130 = tpu.memref_squeeze %dma_wait3A_129 : memref<1x1x128xi32, #tpu.memory_space<vmem>> -> memref<128xi32, #tpu.memory_space<vmem>>
      %dma_wait3A_131 = tpu.memref_slice %arg3[%run_scoped3A, %mul3A_6] : memref<2x320000xi32, #tpu.memory_space<hbm>> -> memref<1x128xi32, #tpu.memory_space<hbm>>
      %dma_wait3A_132 = tpu.memref_squeeze %dma_wait3A_131 : memref<1x128xi32, #tpu.memory_space<hbm>> -> memref<128xi32, #tpu.memory_space<hbm>>
      tpu.wait_dma2 semaphore(%run_scoped3A_112 : memref<!tpu.dma_semaphore, #tpu.memory_space<semaphore_mem>>) src(%dma_wait3A_132 : memref<128xi32, #tpu.memory_space<hbm>>) dst(%dma_wait3A_130 : memref<128xi32, #tpu.memory_space<vmem>>)
      tpu.yield
    }) : () -> ()
    %mul3A_9 = arith.constant 2 : i32
    %mul3A_10 = arith.muli %mul3A_2, %mul3A_9 : i32
    %mul3A_11 = arith.constant 128 : i32
    %mul3A_12 = arith.muli %mul3A_10, %mul3A_11 : i32
    %add3A_13 = arith.constant 128 : i32
    %add3A_14 = arith.addi %mul3A_12, %add3A_13 : i32
    %run_scoped3A_15 = arith.constant 0 : i32
    %run_scoped3A_16 = arith.constant 0 : i32
    %run_scoped3A_17 = arith.constant 1 : i32
    "tpu.region"() ({
      %run_scoped3A_112 = tpu.sem_alloc : memref<!tpu.dma_semaphore, #tpu.memory_space<semaphore_mem>>
      %dma_start3A_113 = arith.constant 0 : i32
      %dma_start3A_114 = tpu.memref_slice %arg6[%run_scoped3A_16, %run_scoped3A_17, %dma_start3A_113] : memref<2x2x128xi32, #tpu.memory_space<vmem>> -> memref<1x1x128xi32, #tpu.memory_space<vmem>>
      %dma_start3A_115 = tpu.memref_squeeze %dma_start3A_114 : memref<1x1x128xi32, #tpu.memory_space<vmem>> -> memref<128xi32, #tpu.memory_space<vmem>>
      %dma_start3A_116 = tpu.memref_slice %arg3[%run_scoped3A_15, %add3A_14] : memref<2x320000xi32, #tpu.memory_space<hbm>> -> memref<1x128xi32, #tpu.memory_space<hbm>>
      %dma_start3A_117 = tpu.memref_squeeze %dma_start3A_116 : memref<1x128xi32, #tpu.memory_space<hbm>> -> memref<128xi32, #tpu.memory_space<hbm>>
      %dma_start3A_118 = arith.constant 0 : i32
      %dma_start3A_119 = tpu.memref_slice %arg6[%run_scoped3A_16, %run_scoped3A_17, %dma_start3A_118] : memref<2x2x128xi32, #tpu.memory_space<vmem>> -> memref<1x1x128xi32, #tpu.memory_space<vmem>>
      %dma_start3A_120 = tpu.memref_squeeze %dma_start3A_119 : memref<1x1x128xi32, #tpu.memory_space<vmem>> -> memref<128xi32, #tpu.memory_space<vmem>>
      %dma_start3A_121 = tpu.memref_slice %arg3[%run_scoped3A_15, %add3A_14] : memref<2x320000xi32, #tpu.memory_space<hbm>> -> memref<1x128xi32, #tpu.memory_space<hbm>>
      %dma_start3A_122 = tpu.memref_squeeze %dma_start3A_121 : memref<1x128xi32, #tpu.memory_space<hbm>> -> memref<128xi32, #tpu.memory_space<hbm>>
      tpu.enqueue_dma source(%dma_start3A_122 : memref<128xi32, #tpu.memory_space<hbm>>) target(%dma_start3A_120 : memref<128xi32, #tpu.memory_space<vmem>>) target_semaphore(%run_scoped3A_112 : memref<!tpu.dma_semaphore, #tpu.memory_space<semaphore_mem>>)
      %dma_wait3A_123 = arith.constant 0 : i32
      %dma_wait3A_124 = tpu.memref_slice %arg6[%run_scoped3A_16, %run_scoped3A_17, %dma_wait3A_123] : memref<2x2x128xi32, #tpu.memory_space<vmem>> -> memref<1x1x128xi32, #tpu.memory_space<vmem>>
      %dma_wait3A_125 = tpu.memref_squeeze %dma_wait3A_124 : memref<1x1x128xi32, #tpu.memory_space<vmem>> -> memref<128xi32, #tpu.memory_space<vmem>>
      %dma_wait3A_126 = tpu.memref_slice %arg3[%run_scoped3A_15, %add3A_14] : memref<2x320000xi32, #tpu.memory_space<hbm>> -> memref<1x128xi32, #tpu.memory_space<hbm>>
      %dma_wait3A_127 = tpu.memref_squeeze %dma_wait3A_126 : memref<1x128xi32, #tpu.memory_space<hbm>> -> memref<128xi32, #tpu.memory_space<hbm>>
      %dma_wait3A_128 = arith.constant 0 : i32
      %dma_wait3A_129 = tpu.memref_slice %arg6[%run_scoped3A_16, %run_scoped3A_17, %dma_wait3A_128] : memref<2x2x128xi32, #tpu.memory_space<vmem>> -> memref<1x1x128xi32, #tpu.memory_space<vmem>>
      %dma_wait3A_130 = tpu.memref_squeeze %dma_wait3A_129 : memref<1x1x128xi32, #tpu.memory_space<vmem>> -> memref<128xi32, #tpu.memory_space<vmem>>
      %dma_wait3A_131 = tpu.memref_slice %arg3[%run_scoped3A_15, %add3A_14] : memref<2x320000xi32, #tpu.memory_space<hbm>> -> memref<1x128xi32, #tpu.memory_space<hbm>>
      %dma_wait3A_132 = tpu.memref_squeeze %dma_wait3A_131 : memref<1x128xi32, #tpu.memory_space<hbm>> -> memref<128xi32, #tpu.memory_space<hbm>>
      tpu.wait_dma2 semaphore(%run_scoped3A_112 : memref<!tpu.dma_semaphore, #tpu.memory_space<semaphore_mem>>) src(%dma_wait3A_132 : memref<128xi32, #tpu.memory_space<hbm>>) dst(%dma_wait3A_130 : memref<128xi32, #tpu.memory_space<vmem>>)
      tpu.yield
    }) : () -> ()
    %mul3A_18 = arith.constant 2 : i32
    %mul3A_19 = arith.muli %mul3A_2, %mul3A_18 : i32
    %mul3A_20 = arith.constant 128 : i32
    %mul3A_21 = arith.muli %mul3A_19, %mul3A_20 : i32
    %run_scoped3A_22 = arith.constant 1 : i32
    %run_scoped3A_23 = arith.constant 1 : i32
    %run_scoped3A_24 = arith.constant 0 : i32
    "tpu.region"() ({
      %run_scoped3A_112 = tpu.sem_alloc : memref<!tpu.dma_semaphore, #tpu.memory_space<semaphore_mem>>
      %dma_start3A_113 = arith.constant 0 : i32
      %dma_start3A_114 = tpu.memref_slice %arg6[%run_scoped3A_23, %run_scoped3A_24, %dma_start3A_113] : memref<2x2x128xi32, #tpu.memory_space<vmem>> -> memref<1x1x128xi32, #tpu.memory_space<vmem>>
      %dma_start3A_115 = tpu.memref_squeeze %dma_start3A_114 : memref<1x1x128xi32, #tpu.memory_space<vmem>> -> memref<128xi32, #tpu.memory_space<vmem>>
      %dma_start3A_116 = tpu.memref_slice %arg3[%run_scoped3A_22, %mul3A_21] : memref<2x320000xi32, #tpu.memory_space<hbm>> -> memref<1x128xi32, #tpu.memory_space<hbm>>
      %dma_start3A_117 = tpu.memref_squeeze %dma_start3A_116 : memref<1x128xi32, #tpu.memory_space<hbm>> -> memref<128xi32, #tpu.memory_space<hbm>>
      %dma_start3A_118 = arith.constant 0 : i32
      %dma_start3A_119 = tpu.memref_slice %arg6[%run_scoped3A_23, %run_scoped3A_24, %dma_start3A_118] : memref<2x2x128xi32, #tpu.memory_space<vmem>> -> memref<1x1x128xi32, #tpu.memory_space<vmem>>
      %dma_start3A_120 = tpu.memref_squeeze %dma_start3A_119 : memref<1x1x128xi32, #tpu.memory_space<vmem>> -> memref<128xi32, #tpu.memory_space<vmem>>
      %dma_start3A_121 = tpu.memref_slice %arg3[%run_scoped3A_22, %mul3A_21] : memref<2x320000xi32, #tpu.memory_space<hbm>> -> memref<1x128xi32, #tpu.memory_space<hbm>>
      %dma_start3A_122 = tpu.memref_squeeze %dma_start3A_121 : memref<1x128xi32, #tpu.memory_space<hbm>> -> memref<128xi32, #tpu.memory_space<hbm>>
      tpu.enqueue_dma source(%dma_start3A_122 : memref<128xi32, #tpu.memory_space<hbm>>) target(%dma_start3A_120 : memref<128xi32, #tpu.memory_space<vmem>>) target_semaphore(%run_scoped3A_112 : memref<!tpu.dma_semaphore, #tpu.memory_space<semaphore_mem>>)
      %dma_wait3A_123 = arith.constant 0 : i32
      %dma_wait3A_124 = tpu.memref_slice %arg6[%run_scoped3A_23, %run_scoped3A_24, %dma_wait3A_123] : memref<2x2x128xi32, #tpu.memory_space<vmem>> -> memref<1x1x128xi32, #tpu.memory_space<vmem>>
      %dma_wait3A_125 = tpu.memref_squeeze %dma_wait3A_124 : memref<1x1x128xi32, #tpu.memory_space<vmem>> -> memref<128xi32, #tpu.memory_space<vmem>>
      %dma_wait3A_126 = tpu.memref_slice %arg3[%run_scoped3A_22, %mul3A_21] : memref<2x320000xi32, #tpu.memory_space<hbm>> -> memref<1x128xi32, #tpu.memory_space<hbm>>
      %dma_wait3A_127 = tpu.memref_squeeze %dma_wait3A_126 : memref<1x128xi32, #tpu.memory_space<hbm>> -> memref<128xi32, #tpu.memory_space<hbm>>
      %dma_wait3A_128 = arith.constant 0 : i32
      %dma_wait3A_129 = tpu.memref_slice %arg6[%run_scoped3A_23, %run_scoped3A_24, %dma_wait3A_128] : memref<2x2x128xi32, #tpu.memory_space<vmem>> -> memref<1x1x128xi32, #tpu.memory_space<vmem>>
      %dma_wait3A_130 = tpu.memref_squeeze %dma_wait3A_129 : memref<1x1x128xi32, #tpu.memory_space<vmem>> -> memref<128xi32, #tpu.memory_space<vmem>>
      %dma_wait3A_131 = tpu.memref_slice %arg3[%run_scoped3A_22, %mul3A_21] : memref<2x320000xi32, #tpu.memory_space<hbm>> -> memref<1x128xi32, #tpu.memory_space<hbm>>
      %dma_wait3A_132 = tpu.memref_squeeze %dma_wait3A_131 : memref<1x128xi32, #tpu.memory_space<hbm>> -> memref<128xi32, #tpu.memory_space<hbm>>
      tpu.wait_dma2 semaphore(%run_scoped3A_112 : memref<!tpu.dma_semaphore, #tpu.memory_space<semaphore_mem>>) src(%dma_wait3A_132 : memref<128xi32, #tpu.memory_space<hbm>>) dst(%dma_wait3A_130 : memref<128xi32, #tpu.memory_space<vmem>>)
      tpu.yield
    }) : () -> ()
    %mul3A_25 = arith.constant 2 : i32
    %mul3A_26 = arith.muli %mul3A_2, %mul3A_25 : i32
    %mul3A_27 = arith.constant 128 : i32
    %mul3A_28 = arith.muli %mul3A_26, %mul3A_27 : i32
    %add3A_29 = arith.constant 128 : i32
    %add3A_30 = arith.addi %mul3A_28, %add3A_29 : i32
    %run_scoped3A_31 = arith.constant 1 : i32
    %run_scoped3A_32 = arith.constant 1 : i32
    %run_scoped3A_33 = arith.constant 1 : i32
    "tpu.region"() ({
      %run_scoped3A_112 = tpu.sem_alloc : memref<!tpu.dma_semaphore, #tpu.memory_space<semaphore_mem>>
      %dma_start3A_113 = arith.constant 0 : i32
      %dma_start3A_114 = tpu.memref_slice %arg6[%run_scoped3A_32, %run_scoped3A_33, %dma_start3A_113] : memref<2x2x128xi32, #tpu.memory_space<vmem>> -> memref<1x1x128xi32, #tpu.memory_space<vmem>>
      %dma_start3A_115 = tpu.memref_squeeze %dma_start3A_114 : memref<1x1x128xi32, #tpu.memory_space<vmem>> -> memref<128xi32, #tpu.memory_space<vmem>>
      %dma_start3A_116 = tpu.memref_slice %arg3[%run_scoped3A_31, %add3A_30] : memref<2x320000xi32, #tpu.memory_space<hbm>> -> memref<1x128xi32, #tpu.memory_space<hbm>>
      %dma_start3A_117 = tpu.memref_squeeze %dma_start3A_116 : memref<1x128xi32, #tpu.memory_space<hbm>> -> memref<128xi32, #tpu.memory_space<hbm>>
      %dma_start3A_118 = arith.constant 0 : i32
      %dma_start3A_119 = tpu.memref_slice %arg6[%run_scoped3A_32, %run_scoped3A_33, %dma_start3A_118] : memref<2x2x128xi32, #tpu.memory_space<vmem>> -> memref<1x1x128xi32, #tpu.memory_space<vmem>>
      %dma_start3A_120 = tpu.memref_squeeze %dma_start3A_119 : memref<1x1x128xi32, #tpu.memory_space<vmem>> -> memref<128xi32, #tpu.memory_space<vmem>>
      %dma_start3A_121 = tpu.memref_slice %arg3[%run_scoped3A_31, %add3A_30] : memref<2x320000xi32, #tpu.memory_space<hbm>> -> memref<1x128xi32, #tpu.memory_space<hbm>>
      %dma_start3A_122 = tpu.memref_squeeze %dma_start3A_121 : memref<1x128xi32, #tpu.memory_space<hbm>> -> memref<128xi32, #tpu.memory_space<hbm>>
      tpu.enqueue_dma source(%dma_start3A_122 : memref<128xi32, #tpu.memory_space<hbm>>) target(%dma_start3A_120 : memref<128xi32, #tpu.memory_space<vmem>>) target_semaphore(%run_scoped3A_112 : memref<!tpu.dma_semaphore, #tpu.memory_space<semaphore_mem>>)
      %dma_wait3A_123 = arith.constant 0 : i32
      %dma_wait3A_124 = tpu.memref_slice %arg6[%run_scoped3A_32, %run_scoped3A_33, %dma_wait3A_123] : memref<2x2x128xi32, #tpu.memory_space<vmem>> -> memref<1x1x128xi32, #tpu.memory_space<vmem>>
      %dma_wait3A_125 = tpu.memref_squeeze %dma_wait3A_124 : memref<1x1x128xi32, #tpu.memory_space<vmem>> -> memref<128xi32, #tpu.memory_space<vmem>>
      %dma_wait3A_126 = tpu.memref_slice %arg3[%run_scoped3A_31, %add3A_30] : memref<2x320000xi32, #tpu.memory_space<hbm>> -> memref<1x128xi32, #tpu.memory_space<hbm>>
      %dma_wait3A_127 = tpu.memref_squeeze %dma_wait3A_126 : memref<1x128xi32, #tpu.memory_space<hbm>> -> memref<128xi32, #tpu.memory_space<hbm>>
      %dma_wait3A_128 = arith.constant 0 : i32
      %dma_wait3A_129 = tpu.memref_slice %arg6[%run_scoped3A_32, %run_scoped3A_33, %dma_wait3A_128] : memref<2x2x128xi32, #tpu.memory_space<vmem>> -> memref<1x1x128xi32, #tpu.memory_space<vmem>>
      %dma_wait3A_130 = tpu.memref_squeeze %dma_wait3A_129 : memref<1x1x128xi32, #tpu.memory_space<vmem>> -> memref<128xi32, #tpu.memory_space<vmem>>
      %dma_wait3A_131 = tpu.memref_slice %arg3[%run_scoped3A_31, %add3A_30] : memref<2x320000xi32, #tpu.memory_space<hbm>> -> memref<1x128xi32, #tpu.memory_space<hbm>>
      %dma_wait3A_132 = tpu.memref_squeeze %dma_wait3A_131 : memref<1x128xi32, #tpu.memory_space<hbm>> -> memref<128xi32, #tpu.memory_space<hbm>>
      tpu.wait_dma2 semaphore(%run_scoped3A_112 : memref<!tpu.dma_semaphore, #tpu.memory_space<semaphore_mem>>) src(%dma_wait3A_132 : memref<128xi32, #tpu.memory_space<hbm>>) dst(%dma_wait3A_130 : memref<128xi32, #tpu.memory_space<vmem>>)
      tpu.yield
    }) : () -> ()
    %dma_start3A = arith.constant 0 : i32
    %dma_start3A_34 = arith.constant 0 : i32
    %dma_start3A_35 = arith.constant 0 : i32
    %dma_start3A_36 = tpu.memref_slice %arg6[%dma_start3A, %dma_start3A_34, %dma_start3A_35] : memref<2x2x128xi32, #tpu.memory_space<vmem>> -> memref<1x1x128xi32, #tpu.memory_space<vmem>>
    %dma_start3A_37 = tpu.memref_squeeze %dma_start3A_36 : memref<1x1x128xi32, #tpu.memory_space<vmem>> -> memref<128xi32, #tpu.memory_space<vmem>>
    %dma_start3A_38 = arith.constant 0 : i32
    %dma_start3A_39 = arith.constant 0 : i32
    %dma_start3A_40 = tpu.memref_slice %arg2[%dma_start3A_38, %dma_start3A_39] : memref<10000x128xf32, #tpu.memory_space<hbm>> -> memref<10000x128xf32, #tpu.memory_space<hbm>>
    tpu.enqueue_indirect_dma source(%dma_start3A_40 : memref<10000x128xf32, #tpu.memory_space<hbm>>) target(%arg8 : memref<128x128xf32, #tpu.memory_space<vmem>>) offsets(%dma_start3A_37 : memref<128xi32, #tpu.memory_space<vmem>>) semaphore(%arg12 : memref<!tpu.dma_semaphore, #tpu.memory_space<semaphore_mem>>)
    "tpu.region"() ({
      %run_scoped3A_112 = tpu.sem_alloc : memref<!tpu.dma_semaphore, #tpu.memory_space<semaphore_mem>>
      %dma_start3A_113 = arith.constant 0 : i32
      %dma_start3A_114 = arith.constant 0 : i32
      %dma_start3A_115 = tpu.memref_slice %arg4[%dma_start3A_113, %dma_start3A_114] : memref<128x128xf32, #tpu.memory_space<hbm>> -> memref<80x128xf32, #tpu.memory_space<hbm>>
      %dma_start3A_116 = arith.constant 0 : i32
      %dma_start3A_117 = arith.constant 0 : i32
      %dma_start3A_118 = tpu.memref_slice %arg4[%dma_start3A_116, %dma_start3A_117] : memref<128x128xf32, #tpu.memory_space<hbm>> -> memref<80x128xf32, #tpu.memory_space<hbm>>
      tpu.enqueue_dma source(%dma_start3A_118 : memref<80x128xf32, #tpu.memory_space<hbm>>) target(%arg10 : memref<80x128xf32, #tpu.memory_space<vmem>>) target_semaphore(%run_scoped3A_112 : memref<!tpu.dma_semaphore, #tpu.memory_space<semaphore_mem>>)
      %dma_wait3A_119 = arith.constant 0 : i32
      %dma_wait3A_120 = arith.constant 0 : i32
      %dma_wait3A_121 = tpu.memref_slice %arg4[%dma_wait3A_119, %dma_wait3A_120] : memref<128x128xf32, #tpu.memory_space<hbm>> -> memref<80x128xf32, #tpu.memory_space<hbm>>
      %dma_wait3A_122 = arith.constant 0 : i32
      %dma_wait3A_123 = arith.constant 0 : i32
      %dma_wait3A_124 = tpu.memref_slice %arg4[%dma_wait3A_122, %dma_wait3A_123] : memref<128x128xf32, #tpu.memory_space<hbm>> -> memref<80x128xf32, #tpu.memory_space<hbm>>
      tpu.wait_dma2 semaphore(%run_scoped3A_112 : memref<!tpu.dma_semaphore, #tpu.memory_space<semaphore_mem>>) src(%dma_wait3A_124 : memref<80x128xf32, #tpu.memory_space<hbm>>) dst(%arg10 : memref<80x128xf32, #tpu.memory_space<vmem>>)
      tpu.yield
    }) : () -> ()
    %mul3A_41 = arith.constant 632 : i32
    %mul3A_42 = arith.muli %arg1, %mul3A_41 : i32
    %add3A_43 = arith.constant 0 : i32
    %add3A_44 = arith.addi %mul3A_42, %add3A_43 : i32
    "tpu.region"() ({
      %run_scoped3A_112 = tpu.sem_alloc : memref<!tpu.dma_semaphore, #tpu.memory_space<semaphore_mem>>
      %dma_start3A_113 = arith.constant 0 : i32
      %dma_start3A_114 = arith.constant 0 : i32
      %dma_start3A_115 = tpu.memref_slice %arg10[%dma_start3A_113, %dma_start3A_114] : memref<80x128xf32, #tpu.memory_space<vmem>> -> memref<79x128xf32, #tpu.memory_space<vmem>>
      %dma_start3A_116 = arith.constant 0 : i32
      %dma_start3A_117 = tpu.memref_slice %arg11[%add3A_44, %dma_start3A_116] : memref<10112x128xf32, #tpu.memory_space<vmem_shared>> -> memref<79x128xf32, #tpu.memory_space<vmem_shared>>
      %dma_start3A_118 = arith.constant 0 : i32
      %dma_start3A_119 = tpu.memref_slice %arg11[%add3A_44, %dma_start3A_118] : memref<10112x128xf32, #tpu.memory_space<vmem_shared>> -> memref<79x128xf32, #tpu.memory_space<vmem_shared>>
      %dma_start3A_120 = arith.constant 0 : i32
      %dma_start3A_121 = arith.constant 0 : i32
      %dma_start3A_122 = tpu.memref_slice %arg10[%dma_start3A_120, %dma_start3A_121] : memref<80x128xf32, #tpu.memory_space<vmem>> -> memref<79x128xf32, #tpu.memory_space<vmem>>
      tpu.enqueue_dma source(%dma_start3A_122 : memref<79x128xf32, #tpu.memory_space<vmem>>) target(%dma_start3A_119 : memref<79x128xf32, #tpu.memory_space<vmem_shared>>) target_semaphore(%run_scoped3A_112 : memref<!tpu.dma_semaphore, #tpu.memory_space<semaphore_mem>>)
      %dma_wait3A_123 = arith.constant 0 : i32
      %dma_wait3A_124 = arith.constant 0 : i32
      %dma_wait3A_125 = tpu.memref_slice %arg10[%dma_wait3A_123, %dma_wait3A_124] : memref<80x128xf32, #tpu.memory_space<vmem>> -> memref<79x128xf32, #tpu.memory_space<vmem>>
      %dma_wait3A_126 = arith.constant 0 : i32
      %dma_wait3A_127 = tpu.memref_slice %arg11[%add3A_44, %dma_wait3A_126] : memref<10112x128xf32, #tpu.memory_space<vmem_shared>> -> memref<79x128xf32, #tpu.memory_space<vmem_shared>>
      %dma_wait3A_128 = arith.constant 0 : i32
      %dma_wait3A_129 = tpu.memref_slice %arg11[%add3A_44, %dma_wait3A_128] : memref<10112x128xf32, #tpu.memory_space<vmem_shared>> -> memref<79x128xf32, #tpu.memory_space<vmem_shared>>
      %dma_wait3A_130 = arith.constant 0 : i32
      %dma_wait3A_131 = arith.constant 0 : i32
      %dma_wait3A_132 = tpu.memref_slice %arg10[%dma_wait3A_130, %dma_wait3A_131] : memref<80x128xf32, #tpu.memory_space<vmem>> -> memref<79x128xf32, #tpu.memory_space<vmem>>
      tpu.wait_dma2 semaphore(%run_scoped3A_112 : memref<!tpu.dma_semaphore, #tpu.memory_space<semaphore_mem>>) src(%dma_wait3A_132 : memref<79x128xf32, #tpu.memory_space<vmem>>) dst(%dma_wait3A_129 : memref<79x128xf32, #tpu.memory_space<vmem_shared>>)
      tpu.yield
    }) : () -> ()
    %mul3A_45 = arith.constant 632 : i32
    %mul3A_46 = arith.muli %arg1, %mul3A_45 : i32
    %add3A_47 = arith.constant 79 : i32
    %add3A_48 = arith.addi %mul3A_46, %add3A_47 : i32
    "tpu.region"() ({
      %run_scoped3A_112 = tpu.sem_alloc : memref<!tpu.dma_semaphore, #tpu.memory_space<semaphore_mem>>
      %dma_start3A_113 = arith.constant 0 : i32
      %dma_start3A_114 = arith.constant 0 : i32
      %dma_start3A_115 = tpu.memref_slice %arg10[%dma_start3A_113, %dma_start3A_114] : memref<80x128xf32, #tpu.memory_space<vmem>> -> memref<79x128xf32, #tpu.memory_space<vmem>>
      %dma_start3A_116 = arith.constant 0 : i32
      %dma_start3A_117 = tpu.memref_slice %arg11[%add3A_48, %dma_start3A_116] : memref<10112x128xf32, #tpu.memory_space<vmem_shared>> -> memref<79x128xf32, #tpu.memory_space<vmem_shared>>
      %dma_start3A_118 = arith.constant 0 : i32
      %dma_start3A_119 = tpu.memref_slice %arg11[%add3A_48, %dma_start3A_118] : memref<10112x128xf32, #tpu.memory_space<vmem_shared>> -> memref<79x128xf32, #tpu.memory_space<vmem_shared>>
      %dma_start3A_120 = arith.constant 0 : i32
      %dma_start3A_121 = arith.constant 0 : i32
      %dma_start3A_122 = tpu.memref_slice %arg10[%dma_start3A_120, %dma_start3A_121] : memref<80x128xf32, #tpu.memory_space<vmem>> -> memref<79x128xf32, #tpu.memory_space<vmem>>
      tpu.enqueue_dma source(%dma_start3A_122 : memref<79x128xf32, #tpu.memory_space<vmem>>) target(%dma_start3A_119 : memref<79x128xf32, #tpu.memory_space<vmem_shared>>) target_semaphore(%run_scoped3A_112 : memref<!tpu.dma_semaphore, #tpu.memory_space<semaphore_mem>>)
      %dma_wait3A_123 = arith.constant 0 : i32
      %dma_wait3A_124 = arith.constant 0 : i32
      %dma_wait3A_125 = tpu.memref_slice %arg10[%dma_wait3A_123, %dma_wait3A_124] : memref<80x128xf32, #tpu.memory_space<vmem>> -> memref<79x128xf32, #tpu.memory_space<vmem>>
      %dma_wait3A_126 = arith.constant 0 : i32
      %dma_wait3A_127 = tpu.memref_slice %arg11[%add3A_48, %dma_wait3A_126] : memref<10112x128xf32, #tpu.memory_space<vmem_shared>> -> memref<79x128xf32, #tpu.memory_space<vmem_shared>>
      %dma_wait3A_128 = arith.constant 0 : i32
      %dma_wait3A_129 = tpu.memref_slice %arg11[%add3A_48, %dma_wait3A_128] : memref<10112x128xf32, #tpu.memory_space<vmem_shared>> -> memref<79x128xf32, #tpu.memory_space<vmem_shared>>
      %dma_wait3A_130 = arith.constant 0 : i32
      %dma_wait3A_131 = arith.constant 0 : i32
      %dma_wait3A_132 = tpu.memref_slice %arg10[%dma_wait3A_130, %dma_wait3A_131] : memref<80x128xf32, #tpu.memory_space<vmem>> -> memref<79x128xf32, #tpu.memory_space<vmem>>
      tpu.wait_dma2 semaphore(%run_scoped3A_112 : memref<!tpu.dma_semaphore, #tpu.memory_space<semaphore_mem>>) src(%dma_wait3A_132 : memref<79x128xf32, #tpu.memory_space<vmem>>) dst(%dma_wait3A_129 : memref<79x128xf32, #tpu.memory_space<vmem_shared>>)
      tpu.yield
    }) : () -> ()
    %mul3A_49 = arith.constant 632 : i32
    %mul3A_50 = arith.muli %arg1, %mul3A_49 : i32
    %add3A_51 = arith.constant 158 : i32
    %add3A_52 = arith.addi %mul3A_50, %add3A_51 : i32
    "tpu.region"() ({
      %run_scoped3A_112 = tpu.sem_alloc : memref<!tpu.dma_semaphore, #tpu.memory_space<semaphore_mem>>
      %dma_start3A_113 = arith.constant 0 : i32
      %dma_start3A_114 = arith.constant 0 : i32
      %dma_start3A_115 = tpu.memref_slice %arg10[%dma_start3A_113, %dma_start3A_114] : memref<80x128xf32, #tpu.memory_space<vmem>> -> memref<79x128xf32, #tpu.memory_space<vmem>>
      %dma_start3A_116 = arith.constant 0 : i32
      %dma_start3A_117 = tpu.memref_slice %arg11[%add3A_52, %dma_start3A_116] : memref<10112x128xf32, #tpu.memory_space<vmem_shared>> -> memref<79x128xf32, #tpu.memory_space<vmem_shared>>
      %dma_start3A_118 = arith.constant 0 : i32
      %dma_start3A_119 = tpu.memref_slice %arg11[%add3A_52, %dma_start3A_118] : memref<10112x128xf32, #tpu.memory_space<vmem_shared>> -> memref<79x128xf32, #tpu.memory_space<vmem_shared>>
      %dma_start3A_120 = arith.constant 0 : i32
      %dma_start3A_121 = arith.constant 0 : i32
      %dma_start3A_122 = tpu.memref_slice %arg10[%dma_start3A_120, %dma_start3A_121] : memref<80x128xf32, #tpu.memory_space<vmem>> -> memref<79x128xf32, #tpu.memory_space<vmem>>
      tpu.enqueue_dma source(%dma_start3A_122 : memref<79x128xf32, #tpu.memory_space<vmem>>) target(%dma_start3A_119 : memref<79x128xf32, #tpu.memory_space<vmem_shared>>) target_semaphore(%run_scoped3A_112 : memref<!tpu.dma_semaphore, #tpu.memory_space<semaphore_mem>>)
      %dma_wait3A_123 = arith.constant 0 : i32
      %dma_wait3A_124 = arith.constant 0 : i32
      %dma_wait3A_125 = tpu.memref_slice %arg10[%dma_wait3A_123, %dma_wait3A_124] : memref<80x128xf32, #tpu.memory_space<vmem>> -> memref<79x128xf32, #tpu.memory_space<vmem>>
      %dma_wait3A_126 = arith.constant 0 : i32
      %dma_wait3A_127 = tpu.memref_slice %arg11[%add3A_52, %dma_wait3A_126] : memref<10112x128xf32, #tpu.memory_space<vmem_shared>> -> memref<79x128xf32, #tpu.memory_space<vmem_shared>>
      %dma_wait3A_128 = arith.constant 0 : i32
      %dma_wait3A_129 = tpu.memref_slice %arg11[%add3A_52, %dma_wait3A_128] : memref<10112x128xf32, #tpu.memory_space<vmem_shared>> -> memref<79x128xf32, #tpu.memory_space<vmem_shared>>
      %dma_wait3A_130 = arith.constant 0 : i32
      %dma_wait3A_131 = arith.constant 0 : i32
      %dma_wait3A_132 = tpu.memref_slice %arg10[%dma_wait3A_130, %dma_wait3A_131] : memref<80x128xf32, #tpu.memory_space<vmem>> -> memref<79x128xf32, #tpu.memory_space<vmem>>
      tpu.wait_dma2 semaphore(%run_scoped3A_112 : memref<!tpu.dma_semaphore, #tpu.memory_space<semaphore_mem>>) src(%dma_wait3A_132 : memref<79x128xf32, #tpu.memory_space<vmem>>) dst(%dma_wait3A_129 : memref<79x128xf32, #tpu.memory_space<vmem_shared>>)
      tpu.yield
    }) : () -> ()
    %mul3A_53 = arith.constant 632 : i32
    %mul3A_54 = arith.muli %arg1, %mul3A_53 : i32
    %add3A_55 = arith.constant 237 : i32
    %add3A_56 = arith.addi %mul3A_54, %add3A_55 : i32
    "tpu.region"() ({
      %run_scoped3A_112 = tpu.sem_alloc : memref<!tpu.dma_semaphore, #tpu.memory_space<semaphore_mem>>
      %dma_start3A_113 = arith.constant 0 : i32
      %dma_start3A_114 = arith.constant 0 : i32
      %dma_start3A_115 = tpu.memref_slice %arg10[%dma_start3A_113, %dma_start3A_114] : memref<80x128xf32, #tpu.memory_space<vmem>> -> memref<79x128xf32, #tpu.memory_space<vmem>>
      %dma_start3A_116 = arith.constant 0 : i32
      %dma_start3A_117 = tpu.memref_slice %arg11[%add3A_56, %dma_start3A_116] : memref<10112x128xf32, #tpu.memory_space<vmem_shared>> -> memref<79x128xf32, #tpu.memory_space<vmem_shared>>
      %dma_start3A_118 = arith.constant 0 : i32
      %dma_start3A_119 = tpu.memref_slice %arg11[%add3A_56, %dma_start3A_118] : memref<10112x128xf32, #tpu.memory_space<vmem_shared>> -> memref<79x128xf32, #tpu.memory_space<vmem_shared>>
      %dma_start3A_120 = arith.constant 0 : i32
      %dma_start3A_121 = arith.constant 0 : i32
      %dma_start3A_122 = tpu.memref_slice %arg10[%dma_start3A_120, %dma_start3A_121] : memref<80x128xf32, #tpu.memory_space<vmem>> -> memref<79x128xf32, #tpu.memory_space<vmem>>
      tpu.enqueue_dma source(%dma_start3A_122 : memref<79x128xf32, #tpu.memory_space<vmem>>) target(%dma_start3A_119 : memref<79x128xf32, #tpu.memory_space<vmem_shared>>) target_semaphore(%run_scoped3A_112 : memref<!tpu.dma_semaphore, #tpu.memory_space<semaphore_mem>>)
      %dma_wait3A_123 = arith.constant 0 : i32
      %dma_wait3A_124 = arith.constant 0 : i32
      %dma_wait3A_125 = tpu.memref_slice %arg10[%dma_wait3A_123, %dma_wait3A_124] : memref<80x128xf32, #tpu.memory_space<vmem>> -> memref<79x128xf32, #tpu.memory_space<vmem>>
      %dma_wait3A_126 = arith.constant 0 : i32
      %dma_wait3A_127 = tpu.memref_slice %arg11[%add3A_56, %dma_wait3A_126] : memref<10112x128xf32, #tpu.memory_space<vmem_shared>> -> memref<79x128xf32, #tpu.memory_space<vmem_shared>>
      %dma_wait3A_128 = arith.constant 0 : i32
      %dma_wait3A_129 = tpu.memref_slice %arg11[%add3A_56, %dma_wait3A_128] : memref<10112x128xf32, #tpu.memory_space<vmem_shared>> -> memref<79x128xf32, #tpu.memory_space<vmem_shared>>
      %dma_wait3A_130 = arith.constant 0 : i32
      %dma_wait3A_131 = arith.constant 0 : i32
      %dma_wait3A_132 = tpu.memref_slice %arg10[%dma_wait3A_130, %dma_wait3A_131] : memref<80x128xf32, #tpu.memory_space<vmem>> -> memref<79x128xf32, #tpu.memory_space<vmem>>
      tpu.wait_dma2 semaphore(%run_scoped3A_112 : memref<!tpu.dma_semaphore, #tpu.memory_space<semaphore_mem>>) src(%dma_wait3A_132 : memref<79x128xf32, #tpu.memory_space<vmem>>) dst(%dma_wait3A_129 : memref<79x128xf32, #tpu.memory_space<vmem_shared>>)
      tpu.yield
    }) : () -> ()
    %mul3A_57 = arith.constant 632 : i32
    %mul3A_58 = arith.muli %arg1, %mul3A_57 : i32
    %add3A_59 = arith.constant 316 : i32
    %add3A_60 = arith.addi %mul3A_58, %add3A_59 : i32
    "tpu.region"() ({
      %run_scoped3A_112 = tpu.sem_alloc : memref<!tpu.dma_semaphore, #tpu.memory_space<semaphore_mem>>
      %dma_start3A_113 = arith.constant 0 : i32
      %dma_start3A_114 = arith.constant 0 : i32
      %dma_start3A_115 = tpu.memref_slice %arg10[%dma_start3A_113, %dma_start3A_114] : memref<80x128xf32, #tpu.memory_space<vmem>> -> memref<79x128xf32, #tpu.memory_space<vmem>>
      %dma_start3A_116 = arith.constant 0 : i32
      %dma_start3A_117 = tpu.memref_slice %arg11[%add3A_60, %dma_start3A_116] : memref<10112x128xf32, #tpu.memory_space<vmem_shared>> -> memref<79x128xf32, #tpu.memory_space<vmem_shared>>
      %dma_start3A_118 = arith.constant 0 : i32
      %dma_start3A_119 = tpu.memref_slice %arg11[%add3A_60, %dma_start3A_118] : memref<10112x128xf32, #tpu.memory_space<vmem_shared>> -> memref<79x128xf32, #tpu.memory_space<vmem_shared>>
      %dma_start3A_120 = arith.constant 0 : i32
      %dma_start3A_121 = arith.constant 0 : i32
      %dma_start3A_122 = tpu.memref_slice %arg10[%dma_start3A_120, %dma_start3A_121] : memref<80x128xf32, #tpu.memory_space<vmem>> -> memref<79x128xf32, #tpu.memory_space<vmem>>
      tpu.enqueue_dma source(%dma_start3A_122 : memref<79x128xf32, #tpu.memory_space<vmem>>) target(%dma_start3A_119 : memref<79x128xf32, #tpu.memory_space<vmem_shared>>) target_semaphore(%run_scoped3A_112 : memref<!tpu.dma_semaphore, #tpu.memory_space<semaphore_mem>>)
      %dma_wait3A_123 = arith.constant 0 : i32
      %dma_wait3A_124 = arith.constant 0 : i32
      %dma_wait3A_125 = tpu.memref_slice %arg10[%dma_wait3A_123, %dma_wait3A_124] : memref<80x128xf32, #tpu.memory_space<vmem>> -> memref<79x128xf32, #tpu.memory_space<vmem>>
      %dma_wait3A_126 = arith.constant 0 : i32
      %dma_wait3A_127 = tpu.memref_slice %arg11[%add3A_60, %dma_wait3A_126] : memref<10112x128xf32, #tpu.memory_space<vmem_shared>> -> memref<79x128xf32, #tpu.memory_space<vmem_shared>>
      %dma_wait3A_128 = arith.constant 0 : i32
      %dma_wait3A_129 = tpu.memref_slice %arg11[%add3A_60, %dma_wait3A_128] : memref<10112x128xf32, #tpu.memory_space<vmem_shared>> -> memref<79x128xf32, #tpu.memory_space<vmem_shared>>
      %dma_wait3A_130 = arith.constant 0 : i32
      %dma_wait3A_131 = arith.constant 0 : i32
      %dma_wait3A_132 = tpu.memref_slice %arg10[%dma_wait3A_130, %dma_wait3A_131] : memref<80x128xf32, #tpu.memory_space<vmem>> -> memref<79x128xf32, #tpu.memory_space<vmem>>
      tpu.wait_dma2 semaphore(%run_scoped3A_112 : memref<!tpu.dma_semaphore, #tpu.memory_space<semaphore_mem>>) src(%dma_wait3A_132 : memref<79x128xf32, #tpu.memory_space<vmem>>) dst(%dma_wait3A_129 : memref<79x128xf32, #tpu.memory_space<vmem_shared>>)
      tpu.yield
    }) : () -> ()
    %mul3A_61 = arith.constant 632 : i32
    %mul3A_62 = arith.muli %arg1, %mul3A_61 : i32
    %add3A_63 = arith.constant 395 : i32
    %add3A_64 = arith.addi %mul3A_62, %add3A_63 : i32
    "tpu.region"() ({
      %run_scoped3A_112 = tpu.sem_alloc : memref<!tpu.dma_semaphore, #tpu.memory_space<semaphore_mem>>
      %dma_start3A_113 = arith.constant 0 : i32
      %dma_start3A_114 = arith.constant 0 : i32
      %dma_start3A_115 = tpu.memref_slice %arg10[%dma_start3A_113, %dma_start3A_114] : memref<80x128xf32, #tpu.memory_space<vmem>> -> memref<79x128xf32, #tpu.memory_space<vmem>>
      %dma_start3A_116 = arith.constant 0 : i32
      %dma_start3A_117 = tpu.memref_slice %arg11[%add3A_64, %dma_start3A_116] : memref<10112x128xf32, #tpu.memory_space<vmem_shared>> -> memref<79x128xf32, #tpu.memory_space<vmem_shared>>
      %dma_start3A_118 = arith.constant 0 : i32
      %dma_start3A_119 = tpu.memref_slice %arg11[%add3A_64, %dma_start3A_118] : memref<10112x128xf32, #tpu.memory_space<vmem_shared>> -> memref<79x128xf32, #tpu.memory_space<vmem_shared>>
      %dma_start3A_120 = arith.constant 0 : i32
      %dma_start3A_121 = arith.constant 0 : i32
      %dma_start3A_122 = tpu.memref_slice %arg10[%dma_start3A_120, %dma_start3A_121] : memref<80x128xf32, #tpu.memory_space<vmem>> -> memref<79x128xf32, #tpu.memory_space<vmem>>
      tpu.enqueue_dma source(%dma_start3A_122 : memref<79x128xf32, #tpu.memory_space<vmem>>) target(%dma_start3A_119 : memref<79x128xf32, #tpu.memory_space<vmem_shared>>) target_semaphore(%run_scoped3A_112 : memref<!tpu.dma_semaphore, #tpu.memory_space<semaphore_mem>>)
      %dma_wait3A_123 = arith.constant 0 : i32
      %dma_wait3A_124 = arith.constant 0 : i32
      %dma_wait3A_125 = tpu.memref_slice %arg10[%dma_wait3A_123, %dma_wait3A_124] : memref<80x128xf32, #tpu.memory_space<vmem>> -> memref<79x128xf32, #tpu.memory_space<vmem>>
      %dma_wait3A_126 = arith.constant 0 : i32
      %dma_wait3A_127 = tpu.memref_slice %arg11[%add3A_64, %dma_wait3A_126] : memref<10112x128xf32, #tpu.memory_space<vmem_shared>> -> memref<79x128xf32, #tpu.memory_space<vmem_shared>>
      %dma_wait3A_128 = arith.constant 0 : i32
      %dma_wait3A_129 = tpu.memref_slice %arg11[%add3A_64, %dma_wait3A_128] : memref<10112x128xf32, #tpu.memory_space<vmem_shared>> -> memref<79x128xf32, #tpu.memory_space<vmem_shared>>
      %dma_wait3A_130 = arith.constant 0 : i32
      %dma_wait3A_131 = arith.constant 0 : i32
      %dma_wait3A_132 = tpu.memref_slice %arg10[%dma_wait3A_130, %dma_wait3A_131] : memref<80x128xf32, #tpu.memory_space<vmem>> -> memref<79x128xf32, #tpu.memory_space<vmem>>
      tpu.wait_dma2 semaphore(%run_scoped3A_112 : memref<!tpu.dma_semaphore, #tpu.memory_space<semaphore_mem>>) src(%dma_wait3A_132 : memref<79x128xf32, #tpu.memory_space<vmem>>) dst(%dma_wait3A_129 : memref<79x128xf32, #tpu.memory_space<vmem_shared>>)
      tpu.yield
    }) : () -> ()
    %mul3A_65 = arith.constant 632 : i32
    %mul3A_66 = arith.muli %arg1, %mul3A_65 : i32
    %add3A_67 = arith.constant 474 : i32
    %add3A_68 = arith.addi %mul3A_66, %add3A_67 : i32
    "tpu.region"() ({
      %run_scoped3A_112 = tpu.sem_alloc : memref<!tpu.dma_semaphore, #tpu.memory_space<semaphore_mem>>
      %dma_start3A_113 = arith.constant 0 : i32
      %dma_start3A_114 = arith.constant 0 : i32
      %dma_start3A_115 = tpu.memref_slice %arg10[%dma_start3A_113, %dma_start3A_114] : memref<80x128xf32, #tpu.memory_space<vmem>> -> memref<79x128xf32, #tpu.memory_space<vmem>>
      %dma_start3A_116 = arith.constant 0 : i32
      %dma_start3A_117 = tpu.memref_slice %arg11[%add3A_68, %dma_start3A_116] : memref<10112x128xf32, #tpu.memory_space<vmem_shared>> -> memref<79x128xf32, #tpu.memory_space<vmem_shared>>
      %dma_start3A_118 = arith.constant 0 : i32
      %dma_start3A_119 = tpu.memref_slice %arg11[%add3A_68, %dma_start3A_118] : memref<10112x128xf32, #tpu.memory_space<vmem_shared>> -> memref<79x128xf32, #tpu.memory_space<vmem_shared>>
      %dma_start3A_120 = arith.constant 0 : i32
      %dma_start3A_121 = arith.constant 0 : i32
      %dma_start3A_122 = tpu.memref_slice %arg10[%dma_start3A_120, %dma_start3A_121] : memref<80x128xf32, #tpu.memory_space<vmem>> -> memref<79x128xf32, #tpu.memory_space<vmem>>
      tpu.enqueue_dma source(%dma_start3A_122 : memref<79x128xf32, #tpu.memory_space<vmem>>) target(%dma_start3A_119 : memref<79x128xf32, #tpu.memory_space<vmem_shared>>) target_semaphore(%run_scoped3A_112 : memref<!tpu.dma_semaphore, #tpu.memory_space<semaphore_mem>>)
      %dma_wait3A_123 = arith.constant 0 : i32
      %dma_wait3A_124 = arith.constant 0 : i32
      %dma_wait3A_125 = tpu.memref_slice %arg10[%dma_wait3A_123, %dma_wait3A_124] : memref<80x128xf32, #tpu.memory_space<vmem>> -> memref<79x128xf32, #tpu.memory_space<vmem>>
      %dma_wait3A_126 = arith.constant 0 : i32
      %dma_wait3A_127 = tpu.memref_slice %arg11[%add3A_68, %dma_wait3A_126] : memref<10112x128xf32, #tpu.memory_space<vmem_shared>> -> memref<79x128xf32, #tpu.memory_space<vmem_shared>>
      %dma_wait3A_128 = arith.constant 0 : i32
      %dma_wait3A_129 = tpu.memref_slice %arg11[%add3A_68, %dma_wait3A_128] : memref<10112x128xf32, #tpu.memory_space<vmem_shared>> -> memref<79x128xf32, #tpu.memory_space<vmem_shared>>
      %dma_wait3A_130 = arith.constant 0 : i32
      %dma_wait3A_131 = arith.constant 0 : i32
      %dma_wait3A_132 = tpu.memref_slice %arg10[%dma_wait3A_130, %dma_wait3A_131] : memref<80x128xf32, #tpu.memory_space<vmem>> -> memref<79x128xf32, #tpu.memory_space<vmem>>
      tpu.wait_dma2 semaphore(%run_scoped3A_112 : memref<!tpu.dma_semaphore, #tpu.memory_space<semaphore_mem>>) src(%dma_wait3A_132 : memref<79x128xf32, #tpu.memory_space<vmem>>) dst(%dma_wait3A_129 : memref<79x128xf32, #tpu.memory_space<vmem_shared>>)
      tpu.yield
    }) : () -> ()
    %mul3A_69 = arith.constant 632 : i32
    %mul3A_70 = arith.muli %arg1, %mul3A_69 : i32
    %add3A_71 = arith.constant 553 : i32
    %add3A_72 = arith.addi %mul3A_70, %add3A_71 : i32
    "tpu.region"() ({
      %run_scoped3A_112 = tpu.sem_alloc : memref<!tpu.dma_semaphore, #tpu.memory_space<semaphore_mem>>
      %dma_start3A_113 = arith.constant 0 : i32
      %dma_start3A_114 = arith.constant 0 : i32
      %dma_start3A_115 = tpu.memref_slice %arg10[%dma_start3A_113, %dma_start3A_114] : memref<80x128xf32, #tpu.memory_space<vmem>> -> memref<79x128xf32, #tpu.memory_space<vmem>>
      %dma_start3A_116 = arith.constant 0 : i32
      %dma_start3A_117 = tpu.memref_slice %arg11[%add3A_72, %dma_start3A_116] : memref<10112x128xf32, #tpu.memory_space<vmem_shared>> -> memref<79x128xf32, #tpu.memory_space<vmem_shared>>
      %dma_start3A_118 = arith.constant 0 : i32
      %dma_start3A_119 = tpu.memref_slice %arg11[%add3A_72, %dma_start3A_118] : memref<10112x128xf32, #tpu.memory_space<vmem_shared>> -> memref<79x128xf32, #tpu.memory_space<vmem_shared>>
      %dma_start3A_120 = arith.constant 0 : i32
      %dma_start3A_121 = arith.constant 0 : i32
      %dma_start3A_122 = tpu.memref_slice %arg10[%dma_start3A_120, %dma_start3A_121] : memref<80x128xf32, #tpu.memory_space<vmem>> -> memref<79x128xf32, #tpu.memory_space<vmem>>
      tpu.enqueue_dma source(%dma_start3A_122 : memref<79x128xf32, #tpu.memory_space<vmem>>) target(%dma_start3A_119 : memref<79x128xf32, #tpu.memory_space<vmem_shared>>) target_semaphore(%run_scoped3A_112 : memref<!tpu.dma_semaphore, #tpu.memory_space<semaphore_mem>>)
      %dma_wait3A_123 = arith.constant 0 : i32
      %dma_wait3A_124 = arith.constant 0 : i32
      %dma_wait3A_125 = tpu.memref_slice %arg10[%dma_wait3A_123, %dma_wait3A_124] : memref<80x128xf32, #tpu.memory_space<vmem>> -> memref<79x128xf32, #tpu.memory_space<vmem>>
      %dma_wait3A_126 = arith.constant 0 : i32
      %dma_wait3A_127 = tpu.memref_slice %arg11[%add3A_72, %dma_wait3A_126] : memref<10112x128xf32, #tpu.memory_space<vmem_shared>> -> memref<79x128xf32, #tpu.memory_space<vmem_shared>>
      %dma_wait3A_128 = arith.constant 0 : i32
      %dma_wait3A_129 = tpu.memref_slice %arg11[%add3A_72, %dma_wait3A_128] : memref<10112x128xf32, #tpu.memory_space<vmem_shared>> -> memref<79x128xf32, #tpu.memory_space<vmem_shared>>
      %dma_wait3A_130 = arith.constant 0 : i32
      %dma_wait3A_131 = arith.constant 0 : i32
      %dma_wait3A_132 = tpu.memref_slice %arg10[%dma_wait3A_130, %dma_wait3A_131] : memref<80x128xf32, #tpu.memory_space<vmem>> -> memref<79x128xf32, #tpu.memory_space<vmem>>
      tpu.wait_dma2 semaphore(%run_scoped3A_112 : memref<!tpu.dma_semaphore, #tpu.memory_space<semaphore_mem>>) src(%dma_wait3A_132 : memref<79x128xf32, #tpu.memory_space<vmem>>) dst(%dma_wait3A_129 : memref<79x128xf32, #tpu.memory_space<vmem_shared>>)
      tpu.yield
    }) : () -> ()
    %barrier3A = arith.constant 0 : index
    tpu.barrier barrier_id(%barrier3A)
    %scan3A = arith.constant 0 : i32
    %scan3A_73 = arith.constant 0 : i32
    %scan3A_74 = arith.constant 19 : i32
    %scan3A_75 = arith.addi %scan3A_73, %scan3A_74 : i32
    %scan3A_76 = arith.constant 1 : i32
    scf.for %scan3A_112 = %scan3A_73 to %scan3A_75 step %scan3A_76  : i32 {
      %mul3A_113 = arith.constant 2 : i32
      %mul3A_114 = arith.muli %mul3A_113, %scan3A_112 : i32
      %add3A_115 = arith.addi %mul3A_2, %mul3A_114 : i32
      %add3A_116 = arith.constant 1 : i32
      %add3A_117 = arith.addi %add3A_115, %add3A_116 : i32
      %dma_start3A_118 = arith.constant 0 : i32
      %dma_start3A_119 = arith.constant 1 : i32
      %dma_start3A_120 = arith.constant 0 : i32
      %dma_start3A_121 = tpu.memref_slice %arg6[%dma_start3A_118, %dma_start3A_119, %dma_start3A_120] : memref<2x2x128xi32, #tpu.memory_space<vmem>> -> memref<1x1x128xi32, #tpu.memory_space<vmem>>
      %dma_start3A_122 = tpu.memref_squeeze %dma_start3A_121 : memref<1x1x128xi32, #tpu.memory_space<vmem>> -> memref<128xi32, #tpu.memory_space<vmem>>
      %dma_start3A_123 = arith.constant 0 : i32
      %dma_start3A_124 = arith.constant 0 : i32
      %dma_start3A_125 = tpu.memref_slice %arg2[%dma_start3A_123, %dma_start3A_124] : memref<10000x128xf32, #tpu.memory_space<hbm>> -> memref<10000x128xf32, #tpu.memory_space<hbm>>
      tpu.enqueue_indirect_dma source(%dma_start3A_125 : memref<10000x128xf32, #tpu.memory_space<hbm>>) target(%arg9 : memref<128x128xf32, #tpu.memory_space<vmem>>) offsets(%dma_start3A_122 : memref<128xi32, #tpu.memory_space<vmem>>) semaphore(%arg13 : memref<!tpu.dma_semaphore, #tpu.memory_space<semaphore_mem>>)
      %mul3A_126 = arith.constant 2 : i32
      %mul3A_127 = arith.muli %add3A_117, %mul3A_126 : i32
      %mul3A_128 = arith.constant 128 : i32
      %mul3A_129 = arith.muli %mul3A_127, %mul3A_128 : i32
      %dma_start3A_130 = arith.constant 0 : i32
      %dma_start3A_131 = arith.constant 0 : i32
      %dma_start3A_132 = arith.constant 0 : i32
      %dma_start3A_133 = arith.constant 0 : i32
      %dma_start3A_134 = tpu.memref_slice %arg7[%dma_start3A_131, %dma_start3A_132, %dma_start3A_133] : memref<2x2x128xi32, #tpu.memory_space<vmem>> -> memref<1x1x128xi32, #tpu.memory_space<vmem>>
      %dma_start3A_135 = tpu.memref_squeeze %dma_start3A_134 : memref<1x1x128xi32, #tpu.memory_space<vmem>> -> memref<128xi32, #tpu.memory_space<vmem>>
      %dma_start3A_136 = tpu.memref_slice %arg3[%dma_start3A_130, %mul3A_129] : memref<2x320000xi32, #tpu.memory_space<hbm>> -> memref<1x128xi32, #tpu.memory_space<hbm>>
      %dma_start3A_137 = tpu.memref_squeeze %dma_start3A_136 : memref<1x128xi32, #tpu.memory_space<hbm>> -> memref<128xi32, #tpu.memory_space<hbm>>
      %dma_start3A_138 = arith.constant 0 : i32
      %dma_start3A_139 = tpu.memref_slice %arg7[%dma_start3A_131, %dma_start3A_132, %dma_start3A_138] : memref<2x2x128xi32, #tpu.memory_space<vmem>> -> memref<1x1x128xi32, #tpu.memory_space<vmem>>
      %dma_start3A_140 = tpu.memref_squeeze %dma_start3A_139 : memref<1x1x128xi32, #tpu.memory_space<vmem>> -> memref<128xi32, #tpu.memory_space<vmem>>
      %dma_start3A_141 = tpu.memref_slice %arg3[%dma_start3A_130, %mul3A_129] : memref<2x320000xi32, #tpu.memory_space<hbm>> -> memref<1x128xi32, #tpu.memory_space<hbm>>
      %dma_start3A_142 = tpu.memref_squeeze %dma_start3A_141 : memref<1x128xi32, #tpu.memory_space<hbm>> -> memref<128xi32, #tpu.memory_space<hbm>>
      tpu.enqueue_dma source(%dma_start3A_142 : memref<128xi32, #tpu.memory_space<hbm>>) target(%dma_start3A_140 : memref<128xi32, #tpu.memory_space<vmem>>) target_semaphore(%arg14 : memref<!tpu.dma_semaphore, #tpu.memory_space<semaphore_mem>>)
      %mul3A_143 = arith.constant 2 : i32
      %mul3A_144 = arith.muli %add3A_117, %mul3A_143 : i32
      %mul3A_145 = arith.constant 128 : i32
      %mul3A_146 = arith.muli %mul3A_144, %mul3A_145 : i32
      %add3A_147 = arith.constant 128 : i32
      %add3A_148 = arith.addi %mul3A_146, %add3A_147 : i32
      %dma_start3A_149 = arith.constant 0 : i32
      %dma_start3A_150 = arith.constant 0 : i32
      %dma_start3A_151 = arith.constant 1 : i32
      %dma_start3A_152 = arith.constant 0 : i32
      %dma_start3A_153 = tpu.memref_slice %arg7[%dma_start3A_150, %dma_start3A_151, %dma_start3A_152] : memref<2x2x128xi32, #tpu.memory_space<vmem>> -> memref<1x1x128xi32, #tpu.memory_space<vmem>>
      %dma_start3A_154 = tpu.memref_squeeze %dma_start3A_153 : memref<1x1x128xi32, #tpu.memory_space<vmem>> -> memref<128xi32, #tpu.memory_space<vmem>>
      %dma_start3A_155 = tpu.memref_slice %arg3[%dma_start3A_149, %add3A_148] : memref<2x320000xi32, #tpu.memory_space<hbm>> -> memref<1x128xi32, #tpu.memory_space<hbm>>
      %dma_start3A_156 = tpu.memref_squeeze %dma_start3A_155 : memref<1x128xi32, #tpu.memory_space<hbm>> -> memref<128xi32, #tpu.memory_space<hbm>>
      %dma_start3A_157 = arith.constant 0 : i32
      %dma_start3A_158 = tpu.memref_slice %arg7[%dma_start3A_150, %dma_start3A_151, %dma_start3A_157] : memref<2x2x128xi32, #tpu.memory_space<vmem>> -> memref<1x1x128xi32, #tpu.memory_space<vmem>>
      %dma_start3A_159 = tpu.memref_squeeze %dma_start3A_158 : memref<1x1x128xi32, #tpu.memory_space<vmem>> -> memref<128xi32, #tpu.memory_space<vmem>>
      %dma_start3A_160 = tpu.memref_slice %arg3[%dma_start3A_149, %add3A_148] : memref<2x320000xi32, #tpu.memory_space<hbm>> -> memref<1x128xi32, #tpu.memory_space<hbm>>
      %dma_start3A_161 = tpu.memref_squeeze %dma_start3A_160 : memref<1x128xi32, #tpu.memory_space<hbm>> -> memref<128xi32, #tpu.memory_space<hbm>>
      tpu.enqueue_dma source(%dma_start3A_161 : memref<128xi32, #tpu.memory_space<hbm>>) target(%dma_start3A_159 : memref<128xi32, #tpu.memory_space<vmem>>) target_semaphore(%arg14 : memref<!tpu.dma_semaphore, #tpu.memory_space<semaphore_mem>>)
      %mul3A_162 = arith.constant 2 : i32
      %mul3A_163 = arith.muli %add3A_117, %mul3A_162 : i32
      %mul3A_164 = arith.constant 128 : i32
      %mul3A_165 = arith.muli %mul3A_163, %mul3A_164 : i32
      %dma_start3A_166 = arith.constant 1 : i32
      %dma_start3A_167 = arith.constant 1 : i32
      %dma_start3A_168 = arith.constant 0 : i32
      %dma_start3A_169 = arith.constant 0 : i32
      %dma_start3A_170 = tpu.memref_slice %arg7[%dma_start3A_167, %dma_start3A_168, %dma_start3A_169] : memref<2x2x128xi32, #tpu.memory_space<vmem>> -> memref<1x1x128xi32, #tpu.memory_space<vmem>>
      %dma_start3A_171 = tpu.memref_squeeze %dma_start3A_170 : memref<1x1x128xi32, #tpu.memory_space<vmem>> -> memref<128xi32, #tpu.memory_space<vmem>>
      %dma_start3A_172 = tpu.memref_slice %arg3[%dma_start3A_166, %mul3A_165] : memref<2x320000xi32, #tpu.memory_space<hbm>> -> memref<1x128xi32, #tpu.memory_space<hbm>>
      %dma_start3A_173 = tpu.memref_squeeze %dma_start3A_172 : memref<1x128xi32, #tpu.memory_space<hbm>> -> memref<128xi32, #tpu.memory_space<hbm>>
      %dma_start3A_174 = arith.constant 0 : i32
      %dma_start3A_175 = tpu.memref_slice %arg7[%dma_start3A_167, %dma_start3A_168, %dma_start3A_174] : memref<2x2x128xi32, #tpu.memory_space<vmem>> -> memref<1x1x128xi32, #tpu.memory_space<vmem>>
      %dma_start3A_176 = tpu.memref_squeeze %dma_start3A_175 : memref<1x1x128xi32, #tpu.memory_space<vmem>> -> memref<128xi32, #tpu.memory_space<vmem>>
      %dma_start3A_177 = tpu.memref_slice %arg3[%dma_start3A_166, %mul3A_165] : memref<2x320000xi32, #tpu.memory_space<hbm>> -> memref<1x128xi32, #tpu.memory_space<hbm>>
      %dma_start3A_178 = tpu.memref_squeeze %dma_start3A_177 : memref<1x128xi32, #tpu.memory_space<hbm>> -> memref<128xi32, #tpu.memory_space<hbm>>
      tpu.enqueue_dma source(%dma_start3A_178 : memref<128xi32, #tpu.memory_space<hbm>>) target(%dma_start3A_176 : memref<128xi32, #tpu.memory_space<vmem>>) target_semaphore(%arg14 : memref<!tpu.dma_semaphore, #tpu.memory_space<semaphore_mem>>)
      %mul3A_179 = arith.constant 2 : i32
      %mul3A_180 = arith.muli %add3A_117, %mul3A_179 : i32
      %mul3A_181 = arith.constant 128 : i32
      %mul3A_182 = arith.muli %mul3A_180, %mul3A_181 : i32
      %add3A_183 = arith.constant 128 : i32
      %add3A_184 = arith.addi %mul3A_182, %add3A_183 : i32
      %dma_start3A_185 = arith.constant 1 : i32
      %dma_start3A_186 = arith.constant 1 : i32
      %dma_start3A_187 = arith.constant 1 : i32
      %dma_start3A_188 = arith.constant 0 : i32
      %dma_start3A_189 = tpu.memref_slice %arg7[%dma_start3A_186, %dma_start3A_187, %dma_start3A_188] : memref<2x2x128xi32, #tpu.memory_space<vmem>> -> memref<1x1x128xi32, #tpu.memory_space<vmem>>
      %dma_start3A_190 = tpu.memref_squeeze %dma_start3A_189 : memref<1x1x128xi32, #tpu.memory_space<vmem>> -> memref<128xi32, #tpu.memory_space<vmem>>
      %dma_start3A_191 = tpu.memref_slice %arg3[%dma_start3A_185, %add3A_184] : memref<2x320000xi32, #tpu.memory_space<hbm>> -> memref<1x128xi32, #tpu.memory_space<hbm>>
      %dma_start3A_192 = tpu.memref_squeeze %dma_start3A_191 : memref<1x128xi32, #tpu.memory_space<hbm>> -> memref<128xi32, #tpu.memory_space<hbm>>
      %dma_start3A_193 = arith.constant 0 : i32
      %dma_start3A_194 = tpu.memref_slice %arg7[%dma_start3A_186, %dma_start3A_187, %dma_start3A_193] : memref<2x2x128xi32, #tpu.memory_space<vmem>> -> memref<1x1x128xi32, #tpu.memory_space<vmem>>
      %dma_start3A_195 = tpu.memref_squeeze %dma_start3A_194 : memref<1x1x128xi32, #tpu.memory_space<vmem>> -> memref<128xi32, #tpu.memory_space<vmem>>
      %dma_start3A_196 = tpu.memref_slice %arg3[%dma_start3A_185, %add3A_184] : memref<2x320000xi32, #tpu.memory_space<hbm>> -> memref<1x128xi32, #tpu.memory_space<hbm>>
      %dma_start3A_197 = tpu.memref_squeeze %dma_start3A_196 : memref<1x128xi32, #tpu.memory_space<hbm>> -> memref<128xi32, #tpu.memory_space<hbm>>
      tpu.enqueue_dma source(%dma_start3A_197 : memref<128xi32, #tpu.memory_space<hbm>>) target(%dma_start3A_195 : memref<128xi32, #tpu.memory_space<vmem>>) target_semaphore(%arg14 : memref<!tpu.dma_semaphore, #tpu.memory_space<semaphore_mem>>)
      %dma_wait3A_198 = arith.constant 0 : i32
      %dma_wait3A_199 = arith.constant 0 : i32
      %dma_wait3A_200 = arith.constant 0 : i32
      %dma_wait3A_201 = tpu.memref_slice %arg6[%dma_wait3A_198, %dma_wait3A_199, %dma_wait3A_200] : memref<2x2x128xi32, #tpu.memory_space<vmem>> -> memref<1x1x128xi32, #tpu.memory_space<vmem>>
      %dma_wait3A_202 = tpu.memref_squeeze %dma_wait3A_201 : memref<1x1x128xi32, #tpu.memory_space<vmem>> -> memref<128xi32, #tpu.memory_space<vmem>>
      %dma_wait3A_203 = arith.constant 0 : i32
      %dma_wait3A_204 = arith.constant 0 : i32
      %dma_wait3A_205 = tpu.memref_slice %arg2[%dma_wait3A_203, %dma_wait3A_204] : memref<10000x128xf32, #tpu.memory_space<hbm>> -> memref<10000x128xf32, #tpu.memory_space<hbm>>
      tpu.wait_indirect_dma semaphore(%arg12 : memref<!tpu.dma_semaphore, #tpu.memory_space<semaphore_mem>>) src(%dma_wait3A_205 : memref<10000x128xf32, #tpu.memory_space<hbm>>) dst(%arg8 : memref<128x128xf32, #tpu.memory_space<vmem>>)
      %run_scoped3A_206 = arith.constant 1 : i32
      %run_scoped3A_207 = arith.constant 0 : i32
      "tpu.region"() ({
        %run_scoped3A_472 = tpu.sem_alloc : memref<!tpu.dma_semaphore, #tpu.memory_space<semaphore_mem>>
        %dma_start3A_473 = arith.constant 0 : i32
        %dma_start3A_474 = tpu.memref_slice %arg6[%run_scoped3A_206, %run_scoped3A_207, %dma_start3A_473] : memref<2x2x128xi32, #tpu.memory_space<vmem>> -> memref<1x1x128xi32, #tpu.memory_space<vmem>>
        %dma_start3A_475 = tpu.memref_squeeze %dma_start3A_474 : memref<1x1x128xi32, #tpu.memory_space<vmem>> -> memref<128xi32, #tpu.memory_space<vmem>>
        %dma_start3A_476 = arith.constant 0 : i32
        %dma_start3A_477 = arith.constant 0 : i32
        %dma_start3A_478 = tpu.memref_slice %arg11[%dma_start3A_476, %dma_start3A_477] : memref<10112x128xf32, #tpu.memory_space<vmem_shared>> -> memref<10112x128xf32, #tpu.memory_space<vmem_shared>>
        tpu.enqueue_indirect_dma source(%arg8 : memref<128x128xf32, #tpu.memory_space<vmem>>) target(%dma_start3A_478 : memref<10112x128xf32, #tpu.memory_space<vmem_shared>>) offsets(%dma_start3A_475 : memref<128xi32, #tpu.memory_space<vmem>>) semaphore(%run_scoped3A_472 : memref<!tpu.dma_semaphore, #tpu.memory_space<semaphore_mem>>) {add = true}
        %dma_wait3A_479 = arith.constant 0 : i32
        %dma_wait3A_480 = tpu.memref_slice %arg6[%run_scoped3A_206, %run_scoped3A_207, %dma_wait3A_479] : memref<2x2x128xi32, #tpu.memory_space<vmem>> -> memref<1x1x128xi32, #tpu.memory_space<vmem>>
        %dma_wait3A_481 = tpu.memref_squeeze %dma_wait3A_480 : memref<1x1x128xi32, #tpu.memory_space<vmem>> -> memref<128xi32, #tpu.memory_space<vmem>>
        %dma_wait3A_482 = arith.constant 0 : i32
        %dma_wait3A_483 = arith.constant 0 : i32
        %dma_wait3A_484 = tpu.memref_slice %arg11[%dma_wait3A_482, %dma_wait3A_483] : memref<10112x128xf32, #tpu.memory_space<vmem_shared>> -> memref<10112x128xf32, #tpu.memory_space<vmem_shared>>
        tpu.wait_indirect_dma semaphore(%run_scoped3A_472 : memref<!tpu.dma_semaphore, #tpu.memory_space<semaphore_mem>>) src(%arg8 : memref<128x128xf32, #tpu.memory_space<vmem>>) dst(%dma_wait3A_484 : memref<10112x128xf32, #tpu.memory_space<vmem_shared>>)
        tpu.yield
      }) : () -> ()
      %mul3A_208 = arith.constant 2 : i32
      %mul3A_209 = arith.muli %add3A_117, %mul3A_208 : i32
      %mul3A_210 = arith.constant 128 : i32
      %mul3A_211 = arith.muli %mul3A_209, %mul3A_210 : i32
      %dma_wait3A_212 = arith.constant 0 : i32
      %dma_wait3A_213 = arith.constant 0 : i32
      %dma_wait3A_214 = arith.constant 0 : i32
      %dma_wait3A_215 = arith.constant 0 : i32
      %dma_wait3A_216 = tpu.memref_slice %arg7[%dma_wait3A_213, %dma_wait3A_214, %dma_wait3A_215] : memref<2x2x128xi32, #tpu.memory_space<vmem>> -> memref<1x1x128xi32, #tpu.memory_space<vmem>>
      %dma_wait3A_217 = tpu.memref_squeeze %dma_wait3A_216 : memref<1x1x128xi32, #tpu.memory_space<vmem>> -> memref<128xi32, #tpu.memory_space<vmem>>
      %dma_wait3A_218 = tpu.memref_slice %arg3[%dma_wait3A_212, %mul3A_211] : memref<2x320000xi32, #tpu.memory_space<hbm>> -> memref<1x128xi32, #tpu.memory_space<hbm>>
      %dma_wait3A_219 = tpu.memref_squeeze %dma_wait3A_218 : memref<1x128xi32, #tpu.memory_space<hbm>> -> memref<128xi32, #tpu.memory_space<hbm>>
      %dma_wait3A_220 = arith.constant 0 : i32
      %dma_wait3A_221 = tpu.memref_slice %arg7[%dma_wait3A_213, %dma_wait3A_214, %dma_wait3A_220] : memref<2x2x128xi32, #tpu.memory_space<vmem>> -> memref<1x1x128xi32, #tpu.memory_space<vmem>>
      %dma_wait3A_222 = tpu.memref_squeeze %dma_wait3A_221 : memref<1x1x128xi32, #tpu.memory_space<vmem>> -> memref<128xi32, #tpu.memory_space<vmem>>
      %dma_wait3A_223 = tpu.memref_slice %arg3[%dma_wait3A_212, %mul3A_211] : memref<2x320000xi32, #tpu.memory_space<hbm>> -> memref<1x128xi32, #tpu.memory_space<hbm>>
      %dma_wait3A_224 = tpu.memref_squeeze %dma_wait3A_223 : memref<1x128xi32, #tpu.memory_space<hbm>> -> memref<128xi32, #tpu.memory_space<hbm>>
      tpu.wait_dma2 semaphore(%arg14 : memref<!tpu.dma_semaphore, #tpu.memory_space<semaphore_mem>>) src(%dma_wait3A_224 : memref<128xi32, #tpu.memory_space<hbm>>) dst(%dma_wait3A_222 : memref<128xi32, #tpu.memory_space<vmem>>)
      %mul3A_225 = arith.constant 2 : i32
      %mul3A_226 = arith.muli %add3A_117, %mul3A_225 : i32
      %mul3A_227 = arith.constant 128 : i32
      %mul3A_228 = arith.muli %mul3A_226, %mul3A_227 : i32
      %dma_wait3A_229 = arith.constant 0 : i32
      %dma_wait3A_230 = arith.constant 0 : i32
      %dma_wait3A_231 = arith.constant 0 : i32
      %dma_wait3A_232 = arith.constant 0 : i32
      %dma_wait3A_233 = tpu.memref_slice %arg7[%dma_wait3A_230, %dma_wait3A_231, %dma_wait3A_232] : memref<2x2x128xi32, #tpu.memory_space<vmem>> -> memref<1x1x128xi32, #tpu.memory_space<vmem>>
      %dma_wait3A_234 = tpu.memref_squeeze %dma_wait3A_233 : memref<1x1x128xi32, #tpu.memory_space<vmem>> -> memref<128xi32, #tpu.memory_space<vmem>>
      %dma_wait3A_235 = tpu.memref_slice %arg3[%dma_wait3A_229, %mul3A_228] : memref<2x320000xi32, #tpu.memory_space<hbm>> -> memref<1x128xi32, #tpu.memory_space<hbm>>
      %dma_wait3A_236 = tpu.memref_squeeze %dma_wait3A_235 : memref<1x128xi32, #tpu.memory_space<hbm>> -> memref<128xi32, #tpu.memory_space<hbm>>
      %dma_wait3A_237 = arith.constant 0 : i32
      %dma_wait3A_238 = tpu.memref_slice %arg7[%dma_wait3A_230, %dma_wait3A_231, %dma_wait3A_237] : memref<2x2x128xi32, #tpu.memory_space<vmem>> -> memref<1x1x128xi32, #tpu.memory_space<vmem>>
      %dma_wait3A_239 = tpu.memref_squeeze %dma_wait3A_238 : memref<1x1x128xi32, #tpu.memory_space<vmem>> -> memref<128xi32, #tpu.memory_space<vmem>>
      %dma_wait3A_240 = tpu.memref_slice %arg3[%dma_wait3A_229, %mul3A_228] : memref<2x320000xi32, #tpu.memory_space<hbm>> -> memref<1x128xi32, #tpu.memory_space<hbm>>
      %dma_wait3A_241 = tpu.memref_squeeze %dma_wait3A_240 : memref<1x128xi32, #tpu.memory_space<hbm>> -> memref<128xi32, #tpu.memory_space<hbm>>
      tpu.wait_dma2 semaphore(%arg14 : memref<!tpu.dma_semaphore, #tpu.memory_space<semaphore_mem>>) src(%dma_wait3A_241 : memref<128xi32, #tpu.memory_space<hbm>>) dst(%dma_wait3A_239 : memref<128xi32, #tpu.memory_space<vmem>>)
      %mul3A_242 = arith.constant 2 : i32
      %mul3A_243 = arith.muli %add3A_117, %mul3A_242 : i32
      %mul3A_244 = arith.constant 128 : i32
      %mul3A_245 = arith.muli %mul3A_243, %mul3A_244 : i32
      %dma_wait3A_246 = arith.constant 0 : i32
      %dma_wait3A_247 = arith.constant 0 : i32
      %dma_wait3A_248 = arith.constant 0 : i32
      %dma_wait3A_249 = arith.constant 0 : i32
      %dma_wait3A_250 = tpu.memref_slice %arg7[%dma_wait3A_247, %dma_wait3A_248, %dma_wait3A_249] : memref<2x2x128xi32, #tpu.memory_space<vmem>> -> memref<1x1x128xi32, #tpu.memory_space<vmem>>
      %dma_wait3A_251 = tpu.memref_squeeze %dma_wait3A_250 : memref<1x1x128xi32, #tpu.memory_space<vmem>> -> memref<128xi32, #tpu.memory_space<vmem>>
      %dma_wait3A_252 = tpu.memref_slice %arg3[%dma_wait3A_246, %mul3A_245] : memref<2x320000xi32, #tpu.memory_space<hbm>> -> memref<1x128xi32, #tpu.memory_space<hbm>>
      %dma_wait3A_253 = tpu.memref_squeeze %dma_wait3A_252 : memref<1x128xi32, #tpu.memory_space<hbm>> -> memref<128xi32, #tpu.memory_space<hbm>>
      %dma_wait3A_254 = arith.constant 0 : i32
      %dma_wait3A_255 = tpu.memref_slice %arg7[%dma_wait3A_247, %dma_wait3A_248, %dma_wait3A_254] : memref<2x2x128xi32, #tpu.memory_space<vmem>> -> memref<1x1x128xi32, #tpu.memory_space<vmem>>
      %dma_wait3A_256 = tpu.memref_squeeze %dma_wait3A_255 : memref<1x1x128xi32, #tpu.memory_space<vmem>> -> memref<128xi32, #tpu.memory_space<vmem>>
      %dma_wait3A_257 = tpu.memref_slice %arg3[%dma_wait3A_246, %mul3A_245] : memref<2x320000xi32, #tpu.memory_space<hbm>> -> memref<1x128xi32, #tpu.memory_space<hbm>>
      %dma_wait3A_258 = tpu.memref_squeeze %dma_wait3A_257 : memref<1x128xi32, #tpu.memory_space<hbm>> -> memref<128xi32, #tpu.memory_space<hbm>>
      tpu.wait_dma2 semaphore(%arg14 : memref<!tpu.dma_semaphore, #tpu.memory_space<semaphore_mem>>) src(%dma_wait3A_258 : memref<128xi32, #tpu.memory_space<hbm>>) dst(%dma_wait3A_256 : memref<128xi32, #tpu.memory_space<vmem>>)
      %mul3A_259 = arith.constant 2 : i32
      %mul3A_260 = arith.muli %add3A_117, %mul3A_259 : i32
      %mul3A_261 = arith.constant 128 : i32
      %mul3A_262 = arith.muli %mul3A_260, %mul3A_261 : i32
      %dma_wait3A_263 = arith.constant 0 : i32
      %dma_wait3A_264 = arith.constant 0 : i32
      %dma_wait3A_265 = arith.constant 0 : i32
      %dma_wait3A_266 = arith.constant 0 : i32
      %dma_wait3A_267 = tpu.memref_slice %arg7[%dma_wait3A_264, %dma_wait3A_265, %dma_wait3A_266] : memref<2x2x128xi32, #tpu.memory_space<vmem>> -> memref<1x1x128xi32, #tpu.memory_space<vmem>>
      %dma_wait3A_268 = tpu.memref_squeeze %dma_wait3A_267 : memref<1x1x128xi32, #tpu.memory_space<vmem>> -> memref<128xi32, #tpu.memory_space<vmem>>
      %dma_wait3A_269 = tpu.memref_slice %arg3[%dma_wait3A_263, %mul3A_262] : memref<2x320000xi32, #tpu.memory_space<hbm>> -> memref<1x128xi32, #tpu.memory_space<hbm>>
      %dma_wait3A_270 = tpu.memref_squeeze %dma_wait3A_269 : memref<1x128xi32, #tpu.memory_space<hbm>> -> memref<128xi32, #tpu.memory_space<hbm>>
      %dma_wait3A_271 = arith.constant 0 : i32
      %dma_wait3A_272 = tpu.memref_slice %arg7[%dma_wait3A_264, %dma_wait3A_265, %dma_wait3A_271] : memref<2x2x128xi32, #tpu.memory_space<vmem>> -> memref<1x1x128xi32, #tpu.memory_space<vmem>>
      %dma_wait3A_273 = tpu.memref_squeeze %dma_wait3A_272 : memref<1x1x128xi32, #tpu.memory_space<vmem>> -> memref<128xi32, #tpu.memory_space<vmem>>
      %dma_wait3A_274 = tpu.memref_slice %arg3[%dma_wait3A_263, %mul3A_262] : memref<2x320000xi32, #tpu.memory_space<hbm>> -> memref<1x128xi32, #tpu.memory_space<hbm>>
      %dma_wait3A_275 = tpu.memref_squeeze %dma_wait3A_274 : memref<1x128xi32, #tpu.memory_space<hbm>> -> memref<128xi32, #tpu.memory_space<hbm>>
      tpu.wait_dma2 semaphore(%arg14 : memref<!tpu.dma_semaphore, #tpu.memory_space<semaphore_mem>>) src(%dma_wait3A_275 : memref<128xi32, #tpu.memory_space<hbm>>) dst(%dma_wait3A_273 : memref<128xi32, #tpu.memory_space<vmem>>)
      %dma_start3A_276 = arith.constant 0 : i32
      %dma_start3A_277 = arith.constant 0 : i32
      %dma_start3A_278 = arith.constant 0 : i32
      %dma_start3A_279 = tpu.memref_slice %arg7[%dma_start3A_276, %dma_start3A_277, %dma_start3A_278] : memref<2x2x128xi32, #tpu.memory_space<vmem>> -> memref<1x1x128xi32, #tpu.memory_space<vmem>>
      %dma_start3A_280 = tpu.memref_squeeze %dma_start3A_279 : memref<1x1x128xi32, #tpu.memory_space<vmem>> -> memref<128xi32, #tpu.memory_space<vmem>>
      %dma_start3A_281 = arith.constant 0 : i32
      %dma_start3A_282 = arith.constant 0 : i32
      %dma_start3A_283 = tpu.memref_slice %arg2[%dma_start3A_281, %dma_start3A_282] : memref<10000x128xf32, #tpu.memory_space<hbm>> -> memref<10000x128xf32, #tpu.memory_space<hbm>>
      tpu.enqueue_indirect_dma source(%dma_start3A_283 : memref<10000x128xf32, #tpu.memory_space<hbm>>) target(%arg8 : memref<128x128xf32, #tpu.memory_space<vmem>>) offsets(%dma_start3A_280 : memref<128xi32, #tpu.memory_space<vmem>>) semaphore(%arg12 : memref<!tpu.dma_semaphore, #tpu.memory_space<semaphore_mem>>)
      %dma_wait3A_284 = arith.constant 0 : i32
      %dma_wait3A_285 = arith.constant 1 : i32
      %dma_wait3A_286 = arith.constant 0 : i32
      %dma_wait3A_287 = tpu.memref_slice %arg6[%dma_wait3A_284, %dma_wait3A_285, %dma_wait3A_286] : memref<2x2x128xi32, #tpu.memory_space<vmem>> -> memref<1x1x128xi32, #tpu.memory_space<vmem>>
      %dma_wait3A_288 = tpu.memref_squeeze %dma_wait3A_287 : memref<1x1x128xi32, #tpu.memory_space<vmem>> -> memref<128xi32, #tpu.memory_space<vmem>>
      %dma_wait3A_289 = arith.constant 0 : i32
      %dma_wait3A_290 = arith.constant 0 : i32
      %dma_wait3A_291 = tpu.memref_slice %arg2[%dma_wait3A_289, %dma_wait3A_290] : memref<10000x128xf32, #tpu.memory_space<hbm>> -> memref<10000x128xf32, #tpu.memory_space<hbm>>
      tpu.wait_indirect_dma semaphore(%arg13 : memref<!tpu.dma_semaphore, #tpu.memory_space<semaphore_mem>>) src(%dma_wait3A_291 : memref<10000x128xf32, #tpu.memory_space<hbm>>) dst(%arg9 : memref<128x128xf32, #tpu.memory_space<vmem>>)
      %run_scoped3A_292 = arith.constant 1 : i32
      %run_scoped3A_293 = arith.constant 1 : i32
      "tpu.region"() ({
        %run_scoped3A_472 = tpu.sem_alloc : memref<!tpu.dma_semaphore, #tpu.memory_space<semaphore_mem>>
        %dma_start3A_473 = arith.constant 0 : i32
        %dma_start3A_474 = tpu.memref_slice %arg6[%run_scoped3A_292, %run_scoped3A_293, %dma_start3A_473] : memref<2x2x128xi32, #tpu.memory_space<vmem>> -> memref<1x1x128xi32, #tpu.memory_space<vmem>>
        %dma_start3A_475 = tpu.memref_squeeze %dma_start3A_474 : memref<1x1x128xi32, #tpu.memory_space<vmem>> -> memref<128xi32, #tpu.memory_space<vmem>>
        %dma_start3A_476 = arith.constant 0 : i32
        %dma_start3A_477 = arith.constant 0 : i32
        %dma_start3A_478 = tpu.memref_slice %arg11[%dma_start3A_476, %dma_start3A_477] : memref<10112x128xf32, #tpu.memory_space<vmem_shared>> -> memref<10112x128xf32, #tpu.memory_space<vmem_shared>>
        tpu.enqueue_indirect_dma source(%arg9 : memref<128x128xf32, #tpu.memory_space<vmem>>) target(%dma_start3A_478 : memref<10112x128xf32, #tpu.memory_space<vmem_shared>>) offsets(%dma_start3A_475 : memref<128xi32, #tpu.memory_space<vmem>>) semaphore(%run_scoped3A_472 : memref<!tpu.dma_semaphore, #tpu.memory_space<semaphore_mem>>) {add = true}
        %dma_wait3A_479 = arith.constant 0 : i32
        %dma_wait3A_480 = tpu.memref_slice %arg6[%run_scoped3A_292, %run_scoped3A_293, %dma_wait3A_479] : memref<2x2x128xi32, #tpu.memory_space<vmem>> -> memref<1x1x128xi32, #tpu.memory_space<vmem>>
        %dma_wait3A_481 = tpu.memref_squeeze %dma_wait3A_480 : memref<1x1x128xi32, #tpu.memory_space<vmem>> -> memref<128xi32, #tpu.memory_space<vmem>>
        %dma_wait3A_482 = arith.constant 0 : i32
        %dma_wait3A_483 = arith.constant 0 : i32
        %dma_wait3A_484 = tpu.memref_slice %arg11[%dma_wait3A_482, %dma_wait3A_483] : memref<10112x128xf32, #tpu.memory_space<vmem_shared>> -> memref<10112x128xf32, #tpu.memory_space<vmem_shared>>
        tpu.wait_indirect_dma semaphore(%run_scoped3A_472 : memref<!tpu.dma_semaphore, #tpu.memory_space<semaphore_mem>>) src(%arg9 : memref<128x128xf32, #tpu.memory_space<vmem>>) dst(%dma_wait3A_484 : memref<10112x128xf32, #tpu.memory_space<vmem_shared>>)
        tpu.yield
      }) : () -> ()
      %add3A_294 = arith.constant 2 : i32
      %add3A_295 = arith.addi %add3A_115, %add3A_294 : i32
      %dma_start3A_296 = arith.constant 0 : i32
      %dma_start3A_297 = arith.constant 1 : i32
      %dma_start3A_298 = arith.constant 0 : i32
      %dma_start3A_299 = tpu.memref_slice %arg7[%dma_start3A_296, %dma_start3A_297, %dma_start3A_298] : memref<2x2x128xi32, #tpu.memory_space<vmem>> -> memref<1x1x128xi32, #tpu.memory_space<vmem>>
      %dma_start3A_300 = tpu.memref_squeeze %dma_start3A_299 : memref<1x1x128xi32, #tpu.memory_space<vmem>> -> memref<128xi32, #tpu.memory_space<vmem>>
      %dma_start3A_301 = arith.constant 0 : i32
      %dma_start3A_302 = arith.constant 0 : i32
      %dma_start3A_303 = tpu.memref_slice %arg2[%dma_start3A_301, %dma_start3A_302] : memref<10000x128xf32, #tpu.memory_space<hbm>> -> memref<10000x128xf32, #tpu.memory_space<hbm>>
      tpu.enqueue_indirect_dma source(%dma_start3A_303 : memref<10000x128xf32, #tpu.memory_space<hbm>>) target(%arg9 : memref<128x128xf32, #tpu.memory_space<vmem>>) offsets(%dma_start3A_300 : memref<128xi32, #tpu.memory_space<vmem>>) semaphore(%arg13 : memref<!tpu.dma_semaphore, #tpu.memory_space<semaphore_mem>>)
      %mul3A_304 = arith.constant 2 : i32
      %mul3A_305 = arith.muli %add3A_295, %mul3A_304 : i32
      %mul3A_306 = arith.constant 128 : i32
      %mul3A_307 = arith.muli %mul3A_305, %mul3A_306 : i32
      %dma_start3A_308 = arith.constant 0 : i32
      %dma_start3A_309 = arith.constant 0 : i32
      %dma_start3A_310 = arith.constant 0 : i32
      %dma_start3A_311 = arith.constant 0 : i32
      %dma_start3A_312 = tpu.memref_slice %arg6[%dma_start3A_309, %dma_start3A_310, %dma_start3A_311] : memref<2x2x128xi32, #tpu.memory_space<vmem>> -> memref<1x1x128xi32, #tpu.memory_space<vmem>>
      %dma_start3A_313 = tpu.memref_squeeze %dma_start3A_312 : memref<1x1x128xi32, #tpu.memory_space<vmem>> -> memref<128xi32, #tpu.memory_space<vmem>>
      %dma_start3A_314 = tpu.memref_slice %arg3[%dma_start3A_308, %mul3A_307] : memref<2x320000xi32, #tpu.memory_space<hbm>> -> memref<1x128xi32, #tpu.memory_space<hbm>>
      %dma_start3A_315 = tpu.memref_squeeze %dma_start3A_314 : memref<1x128xi32, #tpu.memory_space<hbm>> -> memref<128xi32, #tpu.memory_space<hbm>>
      %dma_start3A_316 = arith.constant 0 : i32
      %dma_start3A_317 = tpu.memref_slice %arg6[%dma_start3A_309, %dma_start3A_310, %dma_start3A_316] : memref<2x2x128xi32, #tpu.memory_space<vmem>> -> memref<1x1x128xi32, #tpu.memory_space<vmem>>
      %dma_start3A_318 = tpu.memref_squeeze %dma_start3A_317 : memref<1x1x128xi32, #tpu.memory_space<vmem>> -> memref<128xi32, #tpu.memory_space<vmem>>
      %dma_start3A_319 = tpu.memref_slice %arg3[%dma_start3A_308, %mul3A_307] : memref<2x320000xi32, #tpu.memory_space<hbm>> -> memref<1x128xi32, #tpu.memory_space<hbm>>
      %dma_start3A_320 = tpu.memref_squeeze %dma_start3A_319 : memref<1x128xi32, #tpu.memory_space<hbm>> -> memref<128xi32, #tpu.memory_space<hbm>>
      tpu.enqueue_dma source(%dma_start3A_320 : memref<128xi32, #tpu.memory_space<hbm>>) target(%dma_start3A_318 : memref<128xi32, #tpu.memory_space<vmem>>) target_semaphore(%arg15 : memref<!tpu.dma_semaphore, #tpu.memory_space<semaphore_mem>>)
      %mul3A_321 = arith.constant 2 : i32
      %mul3A_322 = arith.muli %add3A_295, %mul3A_321 : i32
      %mul3A_323 = arith.constant 128 : i32
      %mul3A_324 = arith.muli %mul3A_322, %mul3A_323 : i32
      %add3A_325 = arith.constant 128 : i32
      %add3A_326 = arith.addi %mul3A_324, %add3A_325 : i32
      %dma_start3A_327 = arith.constant 0 : i32
      %dma_start3A_328 = arith.constant 0 : i32
      %dma_start3A_329 = arith.constant 1 : i32
      %dma_start3A_330 = arith.constant 0 : i32
      %dma_start3A_331 = tpu.memref_slice %arg6[%dma_start3A_328, %dma_start3A_329, %dma_start3A_330] : memref<2x2x128xi32, #tpu.memory_space<vmem>> -> memref<1x1x128xi32, #tpu.memory_space<vmem>>
      %dma_start3A_332 = tpu.memref_squeeze %dma_start3A_331 : memref<1x1x128xi32, #tpu.memory_space<vmem>> -> memref<128xi32, #tpu.memory_space<vmem>>
      %dma_start3A_333 = tpu.memref_slice %arg3[%dma_start3A_327, %add3A_326] : memref<2x320000xi32, #tpu.memory_space<hbm>> -> memref<1x128xi32, #tpu.memory_space<hbm>>
      %dma_start3A_334 = tpu.memref_squeeze %dma_start3A_333 : memref<1x128xi32, #tpu.memory_space<hbm>> -> memref<128xi32, #tpu.memory_space<hbm>>
      %dma_start3A_335 = arith.constant 0 : i32
      %dma_start3A_336 = tpu.memref_slice %arg6[%dma_start3A_328, %dma_start3A_329, %dma_start3A_335] : memref<2x2x128xi32, #tpu.memory_space<vmem>> -> memref<1x1x128xi32, #tpu.memory_space<vmem>>
      %dma_start3A_337 = tpu.memref_squeeze %dma_start3A_336 : memref<1x1x128xi32, #tpu.memory_space<vmem>> -> memref<128xi32, #tpu.memory_space<vmem>>
      %dma_start3A_338 = tpu.memref_slice %arg3[%dma_start3A_327, %add3A_326] : memref<2x320000xi32, #tpu.memory_space<hbm>> -> memref<1x128xi32, #tpu.memory_space<hbm>>
      %dma_start3A_339 = tpu.memref_squeeze %dma_start3A_338 : memref<1x128xi32, #tpu.memory_space<hbm>> -> memref<128xi32, #tpu.memory_space<hbm>>
      tpu.enqueue_dma source(%dma_start3A_339 : memref<128xi32, #tpu.memory_space<hbm>>) target(%dma_start3A_337 : memref<128xi32, #tpu.memory_space<vmem>>) target_semaphore(%arg15 : memref<!tpu.dma_semaphore, #tpu.memory_space<semaphore_mem>>)
      %mul3A_340 = arith.constant 2 : i32
      %mul3A_341 = arith.muli %add3A_295, %mul3A_340 : i32
      %mul3A_342 = arith.constant 128 : i32
      %mul3A_343 = arith.muli %mul3A_341, %mul3A_342 : i32
      %dma_start3A_344 = arith.constant 1 : i32
      %dma_start3A_345 = arith.constant 1 : i32
      %dma_start3A_346 = arith.constant 0 : i32
      %dma_start3A_347 = arith.constant 0 : i32
      %dma_start3A_348 = tpu.memref_slice %arg6[%dma_start3A_345, %dma_start3A_346, %dma_start3A_347] : memref<2x2x128xi32, #tpu.memory_space<vmem>> -> memref<1x1x128xi32, #tpu.memory_space<vmem>>
      %dma_start3A_349 = tpu.memref_squeeze %dma_start3A_348 : memref<1x1x128xi32, #tpu.memory_space<vmem>> -> memref<128xi32, #tpu.memory_space<vmem>>
      %dma_start3A_350 = tpu.memref_slice %arg3[%dma_start3A_344, %mul3A_343] : memref<2x320000xi32, #tpu.memory_space<hbm>> -> memref<1x128xi32, #tpu.memory_space<hbm>>
      %dma_start3A_351 = tpu.memref_squeeze %dma_start3A_350 : memref<1x128xi32, #tpu.memory_space<hbm>> -> memref<128xi32, #tpu.memory_space<hbm>>
      %dma_start3A_352 = arith.constant 0 : i32
      %dma_start3A_353 = tpu.memref_slice %arg6[%dma_start3A_345, %dma_start3A_346, %dma_start3A_352] : memref<2x2x128xi32, #tpu.memory_space<vmem>> -> memref<1x1x128xi32, #tpu.memory_space<vmem>>
      %dma_start3A_354 = tpu.memref_squeeze %dma_start3A_353 : memref<1x1x128xi32, #tpu.memory_space<vmem>> -> memref<128xi32, #tpu.memory_space<vmem>>
      %dma_start3A_355 = tpu.memref_slice %arg3[%dma_start3A_344, %mul3A_343] : memref<2x320000xi32, #tpu.memory_space<hbm>> -> memref<1x128xi32, #tpu.memory_space<hbm>>
      %dma_start3A_356 = tpu.memref_squeeze %dma_start3A_355 : memref<1x128xi32, #tpu.memory_space<hbm>> -> memref<128xi32, #tpu.memory_space<hbm>>
      tpu.enqueue_dma source(%dma_start3A_356 : memref<128xi32, #tpu.memory_space<hbm>>) target(%dma_start3A_354 : memref<128xi32, #tpu.memory_space<vmem>>) target_semaphore(%arg15 : memref<!tpu.dma_semaphore, #tpu.memory_space<semaphore_mem>>)
      %mul3A_357 = arith.constant 2 : i32
      %mul3A_358 = arith.muli %add3A_295, %mul3A_357 : i32
      %mul3A_359 = arith.constant 128 : i32
      %mul3A_360 = arith.muli %mul3A_358, %mul3A_359 : i32
      %add3A_361 = arith.constant 128 : i32
      %add3A_362 = arith.addi %mul3A_360, %add3A_361 : i32
      %dma_start3A_363 = arith.constant 1 : i32
      %dma_start3A_364 = arith.constant 1 : i32
      %dma_start3A_365 = arith.constant 1 : i32
      %dma_start3A_366 = arith.constant 0 : i32
      %dma_start3A_367 = tpu.memref_slice %arg6[%dma_start3A_364, %dma_start3A_365, %dma_start3A_366] : memref<2x2x128xi32, #tpu.memory_space<vmem>> -> memref<1x1x128xi32, #tpu.memory_space<vmem>>
      %dma_start3A_368 = tpu.memref_squeeze %dma_start3A_367 : memref<1x1x128xi32, #tpu.memory_space<vmem>> -> memref<128xi32, #tpu.memory_space<vmem>>
      %dma_start3A_369 = tpu.memref_slice %arg3[%dma_start3A_363, %add3A_362] : memref<2x320000xi32, #tpu.memory_space<hbm>> -> memref<1x128xi32, #tpu.memory_space<hbm>>
      %dma_start3A_370 = tpu.memref_squeeze %dma_start3A_369 : memref<1x128xi32, #tpu.memory_space<hbm>> -> memref<128xi32, #tpu.memory_space<hbm>>
      %dma_start3A_371 = arith.constant 0 : i32
      %dma_start3A_372 = tpu.memref_slice %arg6[%dma_start3A_364, %dma_start3A_365, %dma_start3A_371] : memref<2x2x128xi32, #tpu.memory_space<vmem>> -> memref<1x1x128xi32, #tpu.memory_space<vmem>>
      %dma_start3A_373 = tpu.memref_squeeze %dma_start3A_372 : memref<1x1x128xi32, #tpu.memory_space<vmem>> -> memref<128xi32, #tpu.memory_space<vmem>>
      %dma_start3A_374 = tpu.memref_slice %arg3[%dma_start3A_363, %add3A_362] : memref<2x320000xi32, #tpu.memory_space<hbm>> -> memref<1x128xi32, #tpu.memory_space<hbm>>
      %dma_start3A_375 = tpu.memref_squeeze %dma_start3A_374 : memref<1x128xi32, #tpu.memory_space<hbm>> -> memref<128xi32, #tpu.memory_space<hbm>>
      tpu.enqueue_dma source(%dma_start3A_375 : memref<128xi32, #tpu.memory_space<hbm>>) target(%dma_start3A_373 : memref<128xi32, #tpu.memory_space<vmem>>) target_semaphore(%arg15 : memref<!tpu.dma_semaphore, #tpu.memory_space<semaphore_mem>>)
      %dma_wait3A_376 = arith.constant 0 : i32
      %dma_wait3A_377 = arith.constant 0 : i32
      %dma_wait3A_378 = arith.constant 0 : i32
      %dma_wait3A_379 = tpu.memref_slice %arg7[%dma_wait3A_376, %dma_wait3A_377, %dma_wait3A_378] : memref<2x2x128xi32, #tpu.memory_space<vmem>> -> memref<1x1x128xi32, #tpu.memory_space<vmem>>
      %dma_wait3A_380 = tpu.memref_squeeze %dma_wait3A_379 : memref<1x1x128xi32, #tpu.memory_space<vmem>> -> memref<128xi32, #tpu.memory_space<vmem>>
      %dma_wait3A_381 = arith.constant 0 : i32
      %dma_wait3A_382 = arith.constant 0 : i32
      %dma_wait3A_383 = tpu.memref_slice %arg2[%dma_wait3A_381, %dma_wait3A_382] : memref<10000x128xf32, #tpu.memory_space<hbm>> -> memref<10000x128xf32, #tpu.memory_space<hbm>>
      tpu.wait_indirect_dma semaphore(%arg12 : memref<!tpu.dma_semaphore, #tpu.memory_space<semaphore_mem>>) src(%dma_wait3A_383 : memref<10000x128xf32, #tpu.memory_space<hbm>>) dst(%arg8 : memref<128x128xf32, #tpu.memory_space<vmem>>)
      %run_scoped3A_384 = arith.constant 1 : i32
      %run_scoped3A_385 = arith.constant 0 : i32
      "tpu.region"() ({
        %run_scoped3A_472 = tpu.sem_alloc : memref<!tpu.dma_semaphore, #tpu.memory_space<semaphore_mem>>
        %dma_start3A_473 = arith.constant 0 : i32
        %dma_start3A_474 = tpu.memref_slice %arg7[%run_scoped3A_384, %run_scoped3A_385, %dma_start3A_473] : memref<2x2x128xi32, #tpu.memory_space<vmem>> -> memref<1x1x128xi32, #tpu.memory_space<vmem>>
        %dma_start3A_475 = tpu.memref_squeeze %dma_start3A_474 : memref<1x1x128xi32, #tpu.memory_space<vmem>> -> memref<128xi32, #tpu.memory_space<vmem>>
        %dma_start3A_476 = arith.constant 0 : i32
        %dma_start3A_477 = arith.constant 0 : i32
        %dma_start3A_478 = tpu.memref_slice %arg11[%dma_start3A_476, %dma_start3A_477] : memref<10112x128xf32, #tpu.memory_space<vmem_shared>> -> memref<10112x128xf32, #tpu.memory_space<vmem_shared>>
        tpu.enqueue_indirect_dma source(%arg8 : memref<128x128xf32, #tpu.memory_space<vmem>>) target(%dma_start3A_478 : memref<10112x128xf32, #tpu.memory_space<vmem_shared>>) offsets(%dma_start3A_475 : memref<128xi32, #tpu.memory_space<vmem>>) semaphore(%run_scoped3A_472 : memref<!tpu.dma_semaphore, #tpu.memory_space<semaphore_mem>>) {add = true}
        %dma_wait3A_479 = arith.constant 0 : i32
        %dma_wait3A_480 = tpu.memref_slice %arg7[%run_scoped3A_384, %run_scoped3A_385, %dma_wait3A_479] : memref<2x2x128xi32, #tpu.memory_space<vmem>> -> memref<1x1x128xi32, #tpu.memory_space<vmem>>
        %dma_wait3A_481 = tpu.memref_squeeze %dma_wait3A_480 : memref<1x1x128xi32, #tpu.memory_space<vmem>> -> memref<128xi32, #tpu.memory_space<vmem>>
        %dma_wait3A_482 = arith.constant 0 : i32
        %dma_wait3A_483 = arith.constant 0 : i32
        %dma_wait3A_484 = tpu.memref_slice %arg11[%dma_wait3A_482, %dma_wait3A_483] : memref<10112x128xf32, #tpu.memory_space<vmem_shared>> -> memref<10112x128xf32, #tpu.memory_space<vmem_shared>>
        tpu.wait_indirect_dma semaphore(%run_scoped3A_472 : memref<!tpu.dma_semaphore, #tpu.memory_space<semaphore_mem>>) src(%arg8 : memref<128x128xf32, #tpu.memory_space<vmem>>) dst(%dma_wait3A_484 : memref<10112x128xf32, #tpu.memory_space<vmem_shared>>)
        tpu.yield
      }) : () -> ()
      %mul3A_386 = arith.constant 2 : i32
      %mul3A_387 = arith.muli %add3A_295, %mul3A_386 : i32
      %mul3A_388 = arith.constant 128 : i32
      %mul3A_389 = arith.muli %mul3A_387, %mul3A_388 : i32
      %dma_wait3A_390 = arith.constant 0 : i32
      %dma_wait3A_391 = arith.constant 0 : i32
      %dma_wait3A_392 = arith.constant 0 : i32
      %dma_wait3A_393 = arith.constant 0 : i32
      %dma_wait3A_394 = tpu.memref_slice %arg6[%dma_wait3A_391, %dma_wait3A_392, %dma_wait3A_393] : memref<2x2x128xi32, #tpu.memory_space<vmem>> -> memref<1x1x128xi32, #tpu.memory_space<vmem>>
      %dma_wait3A_395 = tpu.memref_squeeze %dma_wait3A_394 : memref<1x1x128xi32, #tpu.memory_space<vmem>> -> memref<128xi32, #tpu.memory_space<vmem>>
      %dma_wait3A_396 = tpu.memref_slice %arg3[%dma_wait3A_390, %mul3A_389] : memref<2x320000xi32, #tpu.memory_space<hbm>> -> memref<1x128xi32, #tpu.memory_space<hbm>>
      %dma_wait3A_397 = tpu.memref_squeeze %dma_wait3A_396 : memref<1x128xi32, #tpu.memory_space<hbm>> -> memref<128xi32, #tpu.memory_space<hbm>>
      %dma_wait3A_398 = arith.constant 0 : i32
      %dma_wait3A_399 = tpu.memref_slice %arg6[%dma_wait3A_391, %dma_wait3A_392, %dma_wait3A_398] : memref<2x2x128xi32, #tpu.memory_space<vmem>> -> memref<1x1x128xi32, #tpu.memory_space<vmem>>
      %dma_wait3A_400 = tpu.memref_squeeze %dma_wait3A_399 : memref<1x1x128xi32, #tpu.memory_space<vmem>> -> memref<128xi32, #tpu.memory_space<vmem>>
      %dma_wait3A_401 = tpu.memref_slice %arg3[%dma_wait3A_390, %mul3A_389] : memref<2x320000xi32, #tpu.memory_space<hbm>> -> memref<1x128xi32, #tpu.memory_space<hbm>>
      %dma_wait3A_402 = tpu.memref_squeeze %dma_wait3A_401 : memref<1x128xi32, #tpu.memory_space<hbm>> -> memref<128xi32, #tpu.memory_space<hbm>>
      tpu.wait_dma2 semaphore(%arg15 : memref<!tpu.dma_semaphore, #tpu.memory_space<semaphore_mem>>) src(%dma_wait3A_402 : memref<128xi32, #tpu.memory_space<hbm>>) dst(%dma_wait3A_400 : memref<128xi32, #tpu.memory_space<vmem>>)
      %mul3A_403 = arith.constant 2 : i32
      %mul3A_404 = arith.muli %add3A_295, %mul3A_403 : i32
      %mul3A_405 = arith.constant 128 : i32
      %mul3A_406 = arith.muli %mul3A_404, %mul3A_405 : i32
      %dma_wait3A_407 = arith.constant 0 : i32
      %dma_wait3A_408 = arith.constant 0 : i32
      %dma_wait3A_409 = arith.constant 0 : i32
      %dma_wait3A_410 = arith.constant 0 : i32
      %dma_wait3A_411 = tpu.memref_slice %arg6[%dma_wait3A_408, %dma_wait3A_409, %dma_wait3A_410] : memref<2x2x128xi32, #tpu.memory_space<vmem>> -> memref<1x1x128xi32, #tpu.memory_space<vmem>>
      %dma_wait3A_412 = tpu.memref_squeeze %dma_wait3A_411 : memref<1x1x128xi32, #tpu.memory_space<vmem>> -> memref<128xi32, #tpu.memory_space<vmem>>
      %dma_wait3A_413 = tpu.memref_slice %arg3[%dma_wait3A_407, %mul3A_406] : memref<2x320000xi32, #tpu.memory_space<hbm>> -> memref<1x128xi32, #tpu.memory_space<hbm>>
      %dma_wait3A_414 = tpu.memref_squeeze %dma_wait3A_413 : memref<1x128xi32, #tpu.memory_space<hbm>> -> memref<128xi32, #tpu.memory_space<hbm>>
      %dma_wait3A_415 = arith.constant 0 : i32
      %dma_wait3A_416 = tpu.memref_slice %arg6[%dma_wait3A_408, %dma_wait3A_409, %dma_wait3A_415] : memref<2x2x128xi32, #tpu.memory_space<vmem>> -> memref<1x1x128xi32, #tpu.memory_space<vmem>>
      %dma_wait3A_417 = tpu.memref_squeeze %dma_wait3A_416 : memref<1x1x128xi32, #tpu.memory_space<vmem>> -> memref<128xi32, #tpu.memory_space<vmem>>
      %dma_wait3A_418 = tpu.memref_slice %arg3[%dma_wait3A_407, %mul3A_406] : memref<2x320000xi32, #tpu.memory_space<hbm>> -> memref<1x128xi32, #tpu.memory_space<hbm>>
      %dma_wait3A_419 = tpu.memref_squeeze %dma_wait3A_418 : memref<1x128xi32, #tpu.memory_space<hbm>> -> memref<128xi32, #tpu.memory_space<hbm>>
      tpu.wait_dma2 semaphore(%arg15 : memref<!tpu.dma_semaphore, #tpu.memory_space<semaphore_mem>>) src(%dma_wait3A_419 : memref<128xi32, #tpu.memory_space<hbm>>) dst(%dma_wait3A_417 : memref<128xi32, #tpu.memory_space<vmem>>)
      %mul3A_420 = arith.constant 2 : i32
      %mul3A_421 = arith.muli %add3A_295, %mul3A_420 : i32
      %mul3A_422 = arith.constant 128 : i32
      %mul3A_423 = arith.muli %mul3A_421, %mul3A_422 : i32
      %dma_wait3A_424 = arith.constant 0 : i32
      %dma_wait3A_425 = arith.constant 0 : i32
      %dma_wait3A_426 = arith.constant 0 : i32
      %dma_wait3A_427 = arith.constant 0 : i32
      %dma_wait3A_428 = tpu.memref_slice %arg6[%dma_wait3A_425, %dma_wait3A_426, %dma_wait3A_427] : memref<2x2x128xi32, #tpu.memory_space<vmem>> -> memref<1x1x128xi32, #tpu.memory_space<vmem>>
      %dma_wait3A_429 = tpu.memref_squeeze %dma_wait3A_428 : memref<1x1x128xi32, #tpu.memory_space<vmem>> -> memref<128xi32, #tpu.memory_space<vmem>>
      %dma_wait3A_430 = tpu.memref_slice %arg3[%dma_wait3A_424, %mul3A_423] : memref<2x320000xi32, #tpu.memory_space<hbm>> -> memref<1x128xi32, #tpu.memory_space<hbm>>
      %dma_wait3A_431 = tpu.memref_squeeze %dma_wait3A_430 : memref<1x128xi32, #tpu.memory_space<hbm>> -> memref<128xi32, #tpu.memory_space<hbm>>
      %dma_wait3A_432 = arith.constant 0 : i32
      %dma_wait3A_433 = tpu.memref_slice %arg6[%dma_wait3A_425, %dma_wait3A_426, %dma_wait3A_432] : memref<2x2x128xi32, #tpu.memory_space<vmem>> -> memref<1x1x128xi32, #tpu.memory_space<vmem>>
      %dma_wait3A_434 = tpu.memref_squeeze %dma_wait3A_433 : memref<1x1x128xi32, #tpu.memory_space<vmem>> -> memref<128xi32, #tpu.memory_space<vmem>>
      %dma_wait3A_435 = tpu.memref_slice %arg3[%dma_wait3A_424, %mul3A_423] : memref<2x320000xi32, #tpu.memory_space<hbm>> -> memref<1x128xi32, #tpu.memory_space<hbm>>
      %dma_wait3A_436 = tpu.memref_squeeze %dma_wait3A_435 : memref<1x128xi32, #tpu.memory_space<hbm>> -> memref<128xi32, #tpu.memory_space<hbm>>
      tpu.wait_dma2 semaphore(%arg15 : memref<!tpu.dma_semaphore, #tpu.memory_space<semaphore_mem>>) src(%dma_wait3A_436 : memref<128xi32, #tpu.memory_space<hbm>>) dst(%dma_wait3A_434 : memref<128xi32, #tpu.memory_space<vmem>>)
      %mul3A_437 = arith.constant 2 : i32
      %mul3A_438 = arith.muli %add3A_295, %mul3A_437 : i32
      %mul3A_439 = arith.constant 128 : i32
      %mul3A_440 = arith.muli %mul3A_438, %mul3A_439 : i32
      %dma_wait3A_441 = arith.constant 0 : i32
      %dma_wait3A_442 = arith.constant 0 : i32
      %dma_wait3A_443 = arith.constant 0 : i32
      %dma_wait3A_444 = arith.constant 0 : i32
      %dma_wait3A_445 = tpu.memref_slice %arg6[%dma_wait3A_442, %dma_wait3A_443, %dma_wait3A_444] : memref<2x2x128xi32, #tpu.memory_space<vmem>> -> memref<1x1x128xi32, #tpu.memory_space<vmem>>
      %dma_wait3A_446 = tpu.memref_squeeze %dma_wait3A_445 : memref<1x1x128xi32, #tpu.memory_space<vmem>> -> memref<128xi32, #tpu.memory_space<vmem>>
      %dma_wait3A_447 = tpu.memref_slice %arg3[%dma_wait3A_441, %mul3A_440] : memref<2x320000xi32, #tpu.memory_space<hbm>> -> memref<1x128xi32, #tpu.memory_space<hbm>>
      %dma_wait3A_448 = tpu.memref_squeeze %dma_wait3A_447 : memref<1x128xi32, #tpu.memory_space<hbm>> -> memref<128xi32, #tpu.memory_space<hbm>>
      %dma_wait3A_449 = arith.constant 0 : i32
      %dma_wait3A_450 = tpu.memref_slice %arg6[%dma_wait3A_442, %dma_wait3A_443, %dma_wait3A_449] : memref<2x2x128xi32, #tpu.memory_space<vmem>> -> memref<1x1x128xi32, #tpu.memory_space<vmem>>
      %dma_wait3A_451 = tpu.memref_squeeze %dma_wait3A_450 : memref<1x1x128xi32, #tpu.memory_space<vmem>> -> memref<128xi32, #tpu.memory_space<vmem>>
      %dma_wait3A_452 = tpu.memref_slice %arg3[%dma_wait3A_441, %mul3A_440] : memref<2x320000xi32, #tpu.memory_space<hbm>> -> memref<1x128xi32, #tpu.memory_space<hbm>>
      %dma_wait3A_453 = tpu.memref_squeeze %dma_wait3A_452 : memref<1x128xi32, #tpu.memory_space<hbm>> -> memref<128xi32, #tpu.memory_space<hbm>>
      tpu.wait_dma2 semaphore(%arg15 : memref<!tpu.dma_semaphore, #tpu.memory_space<semaphore_mem>>) src(%dma_wait3A_453 : memref<128xi32, #tpu.memory_space<hbm>>) dst(%dma_wait3A_451 : memref<128xi32, #tpu.memory_space<vmem>>)
      %dma_start3A_454 = arith.constant 0 : i32
      %dma_start3A_455 = arith.constant 0 : i32
      %dma_start3A_456 = arith.constant 0 : i32
      %dma_start3A_457 = tpu.memref_slice %arg6[%dma_start3A_454, %dma_start3A_455, %dma_start3A_456] : memref<2x2x128xi32, #tpu.memory_space<vmem>> -> memref<1x1x128xi32, #tpu.memory_space<vmem>>
      %dma_start3A_458 = tpu.memref_squeeze %dma_start3A_457 : memref<1x1x128xi32, #tpu.memory_space<vmem>> -> memref<128xi32, #tpu.memory_space<vmem>>
      %dma_start3A_459 = arith.constant 0 : i32
      %dma_start3A_460 = arith.constant 0 : i32
      %dma_start3A_461 = tpu.memref_slice %arg2[%dma_start3A_459, %dma_start3A_460] : memref<10000x128xf32, #tpu.memory_space<hbm>> -> memref<10000x128xf32, #tpu.memory_space<hbm>>
      tpu.enqueue_indirect_dma source(%dma_start3A_461 : memref<10000x128xf32, #tpu.memory_space<hbm>>) target(%arg8 : memref<128x128xf32, #tpu.memory_space<vmem>>) offsets(%dma_start3A_458 : memref<128xi32, #tpu.memory_space<vmem>>) semaphore(%arg12 : memref<!tpu.dma_semaphore, #tpu.memory_space<semaphore_mem>>)
      %dma_wait3A_462 = arith.constant 0 : i32
      %dma_wait3A_463 = arith.constant 1 : i32
      %dma_wait3A_464 = arith.constant 0 : i32
      %dma_wait3A_465 = tpu.memref_slice %arg7[%dma_wait3A_462, %dma_wait3A_463, %dma_wait3A_464] : memref<2x2x128xi32, #tpu.memory_space<vmem>> -> memref<1x1x128xi32, #tpu.memory_space<vmem>>
      %dma_wait3A_466 = tpu.memref_squeeze %dma_wait3A_465 : memref<1x1x128xi32, #tpu.memory_space<vmem>> -> memref<128xi32, #tpu.memory_space<vmem>>
      %dma_wait3A_467 = arith.constant 0 : i32
      %dma_wait3A_468 = arith.constant 0 : i32
      %dma_wait3A_469 = tpu.memref_slice %arg2[%dma_wait3A_467, %dma_wait3A_468] : memref<10000x128xf32, #tpu.memory_space<hbm>> -> memref<10000x128xf32, #tpu.memory_space<hbm>>
      tpu.wait_indirect_dma semaphore(%arg13 : memref<!tpu.dma_semaphore, #tpu.memory_space<semaphore_mem>>) src(%dma_wait3A_469 : memref<10000x128xf32, #tpu.memory_space<hbm>>) dst(%arg9 : memref<128x128xf32, #tpu.memory_space<vmem>>)
      %run_scoped3A_470 = arith.constant 1 : i32
      %run_scoped3A_471 = arith.constant 1 : i32
      "tpu.region"() ({
        %run_scoped3A_472 = tpu.sem_alloc : memref<!tpu.dma_semaphore, #tpu.memory_space<semaphore_mem>>
        %dma_start3A_473 = arith.constant 0 : i32
        %dma_start3A_474 = tpu.memref_slice %arg7[%run_scoped3A_470, %run_scoped3A_471, %dma_start3A_473] : memref<2x2x128xi32, #tpu.memory_space<vmem>> -> memref<1x1x128xi32, #tpu.memory_space<vmem>>
        %dma_start3A_475 = tpu.memref_squeeze %dma_start3A_474 : memref<1x1x128xi32, #tpu.memory_space<vmem>> -> memref<128xi32, #tpu.memory_space<vmem>>
        %dma_start3A_476 = arith.constant 0 : i32
        %dma_start3A_477 = arith.constant 0 : i32
        %dma_start3A_478 = tpu.memref_slice %arg11[%dma_start3A_476, %dma_start3A_477] : memref<10112x128xf32, #tpu.memory_space<vmem_shared>> -> memref<10112x128xf32, #tpu.memory_space<vmem_shared>>
        tpu.enqueue_indirect_dma source(%arg9 : memref<128x128xf32, #tpu.memory_space<vmem>>) target(%dma_start3A_478 : memref<10112x128xf32, #tpu.memory_space<vmem_shared>>) offsets(%dma_start3A_475 : memref<128xi32, #tpu.memory_space<vmem>>) semaphore(%run_scoped3A_472 : memref<!tpu.dma_semaphore, #tpu.memory_space<semaphore_mem>>) {add = true}
        %dma_wait3A_479 = arith.constant 0 : i32
        %dma_wait3A_480 = tpu.memref_slice %arg7[%run_scoped3A_470, %run_scoped3A_471, %dma_wait3A_479] : memref<2x2x128xi32, #tpu.memory_space<vmem>> -> memref<1x1x128xi32, #tpu.memory_space<vmem>>
        %dma_wait3A_481 = tpu.memref_squeeze %dma_wait3A_480 : memref<1x1x128xi32, #tpu.memory_space<vmem>> -> memref<128xi32, #tpu.memory_space<vmem>>
        %dma_wait3A_482 = arith.constant 0 : i32
        %dma_wait3A_483 = arith.constant 0 : i32
        %dma_wait3A_484 = tpu.memref_slice %arg11[%dma_wait3A_482, %dma_wait3A_483] : memref<10112x128xf32, #tpu.memory_space<vmem_shared>> -> memref<10112x128xf32, #tpu.memory_space<vmem_shared>>
        tpu.wait_indirect_dma semaphore(%run_scoped3A_472 : memref<!tpu.dma_semaphore, #tpu.memory_space<semaphore_mem>>) src(%arg9 : memref<128x128xf32, #tpu.memory_space<vmem>>) dst(%dma_wait3A_484 : memref<10112x128xf32, #tpu.memory_space<vmem_shared>>)
        tpu.yield
      }) : () -> ()
    }
    %scan3A_77 = arith.constant 19 : i32
    %dma_start3A_78 = arith.constant 0 : i32
    %dma_start3A_79 = arith.constant 1 : i32
    %dma_start3A_80 = arith.constant 0 : i32
    %dma_start3A_81 = tpu.memref_slice %arg6[%dma_start3A_78, %dma_start3A_79, %dma_start3A_80] : memref<2x2x128xi32, #tpu.memory_space<vmem>> -> memref<1x1x128xi32, #tpu.memory_space<vmem>>
    %dma_start3A_82 = tpu.memref_squeeze %dma_start3A_81 : memref<1x1x128xi32, #tpu.memory_space<vmem>> -> memref<128xi32, #tpu.memory_space<vmem>>
    %dma_start3A_83 = arith.constant 0 : i32
    %dma_start3A_84 = arith.constant 0 : i32
    %dma_start3A_85 = tpu.memref_slice %arg2[%dma_start3A_83, %dma_start3A_84] : memref<10000x128xf32, #tpu.memory_space<hbm>> -> memref<10000x128xf32, #tpu.memory_space<hbm>>
    tpu.enqueue_indirect_dma source(%dma_start3A_85 : memref<10000x128xf32, #tpu.memory_space<hbm>>) target(%arg9 : memref<128x128xf32, #tpu.memory_space<vmem>>) offsets(%dma_start3A_82 : memref<128xi32, #tpu.memory_space<vmem>>) semaphore(%arg13 : memref<!tpu.dma_semaphore, #tpu.memory_space<semaphore_mem>>)
    %dma_wait3A = arith.constant 0 : i32
    %dma_wait3A_86 = arith.constant 0 : i32
    %dma_wait3A_87 = arith.constant 0 : i32
    %dma_wait3A_88 = tpu.memref_slice %arg6[%dma_wait3A, %dma_wait3A_86, %dma_wait3A_87] : memref<2x2x128xi32, #tpu.memory_space<vmem>> -> memref<1x1x128xi32, #tpu.memory_space<vmem>>
    %dma_wait3A_89 = tpu.memref_squeeze %dma_wait3A_88 : memref<1x1x128xi32, #tpu.memory_space<vmem>> -> memref<128xi32, #tpu.memory_space<vmem>>
    %dma_wait3A_90 = arith.constant 0 : i32
    %dma_wait3A_91 = arith.constant 0 : i32
    %dma_wait3A_92 = tpu.memref_slice %arg2[%dma_wait3A_90, %dma_wait3A_91] : memref<10000x128xf32, #tpu.memory_space<hbm>> -> memref<10000x128xf32, #tpu.memory_space<hbm>>
    tpu.wait_indirect_dma semaphore(%arg12 : memref<!tpu.dma_semaphore, #tpu.memory_space<semaphore_mem>>) src(%dma_wait3A_92 : memref<10000x128xf32, #tpu.memory_space<hbm>>) dst(%arg8 : memref<128x128xf32, #tpu.memory_space<vmem>>)
    %run_scoped3A_93 = arith.constant 1 : i32
    %run_scoped3A_94 = arith.constant 0 : i32
    "tpu.region"() ({
      %run_scoped3A_112 = tpu.sem_alloc : memref<!tpu.dma_semaphore, #tpu.memory_space<semaphore_mem>>
      %dma_start3A_113 = arith.constant 0 : i32
      %dma_start3A_114 = tpu.memref_slice %arg6[%run_scoped3A_93, %run_scoped3A_94, %dma_start3A_113] : memref<2x2x128xi32, #tpu.memory_space<vmem>> -> memref<1x1x128xi32, #tpu.memory_space<vmem>>
      %dma_start3A_115 = tpu.memref_squeeze %dma_start3A_114 : memref<1x1x128xi32, #tpu.memory_space<vmem>> -> memref<128xi32, #tpu.memory_space<vmem>>
      %dma_start3A_116 = arith.constant 0 : i32
      %dma_start3A_117 = arith.constant 0 : i32
      %dma_start3A_118 = tpu.memref_slice %arg11[%dma_start3A_116, %dma_start3A_117] : memref<10112x128xf32, #tpu.memory_space<vmem_shared>> -> memref<10112x128xf32, #tpu.memory_space<vmem_shared>>
      tpu.enqueue_indirect_dma source(%arg8 : memref<128x128xf32, #tpu.memory_space<vmem>>) target(%dma_start3A_118 : memref<10112x128xf32, #tpu.memory_space<vmem_shared>>) offsets(%dma_start3A_115 : memref<128xi32, #tpu.memory_space<vmem>>) semaphore(%run_scoped3A_112 : memref<!tpu.dma_semaphore, #tpu.memory_space<semaphore_mem>>) {add = true}
      %dma_wait3A_119 = arith.constant 0 : i32
      %dma_wait3A_120 = tpu.memref_slice %arg6[%run_scoped3A_93, %run_scoped3A_94, %dma_wait3A_119] : memref<2x2x128xi32, #tpu.memory_space<vmem>> -> memref<1x1x128xi32, #tpu.memory_space<vmem>>
      %dma_wait3A_121 = tpu.memref_squeeze %dma_wait3A_120 : memref<1x1x128xi32, #tpu.memory_space<vmem>> -> memref<128xi32, #tpu.memory_space<vmem>>
      %dma_wait3A_122 = arith.constant 0 : i32
      %dma_wait3A_123 = arith.constant 0 : i32
      %dma_wait3A_124 = tpu.memref_slice %arg11[%dma_wait3A_122, %dma_wait3A_123] : memref<10112x128xf32, #tpu.memory_space<vmem_shared>> -> memref<10112x128xf32, #tpu.memory_space<vmem_shared>>
      tpu.wait_indirect_dma semaphore(%run_scoped3A_112 : memref<!tpu.dma_semaphore, #tpu.memory_space<semaphore_mem>>) src(%arg8 : memref<128x128xf32, #tpu.memory_space<vmem>>) dst(%dma_wait3A_124 : memref<10112x128xf32, #tpu.memory_space<vmem_shared>>)
      tpu.yield
    }) : () -> ()
    %dma_wait3A_95 = arith.constant 0 : i32
    %dma_wait3A_96 = arith.constant 1 : i32
    %dma_wait3A_97 = arith.constant 0 : i32
    %dma_wait3A_98 = tpu.memref_slice %arg6[%dma_wait3A_95, %dma_wait3A_96, %dma_wait3A_97] : memref<2x2x128xi32, #tpu.memory_space<vmem>> -> memref<1x1x128xi32, #tpu.memory_space<vmem>>
    %dma_wait3A_99 = tpu.memref_squeeze %dma_wait3A_98 : memref<1x1x128xi32, #tpu.memory_space<vmem>> -> memref<128xi32, #tpu.memory_space<vmem>>
    %dma_wait3A_100 = arith.constant 0 : i32
    %dma_wait3A_101 = arith.constant 0 : i32
    %dma_wait3A_102 = tpu.memref_slice %arg2[%dma_wait3A_100, %dma_wait3A_101] : memref<10000x128xf32, #tpu.memory_space<hbm>> -> memref<10000x128xf32, #tpu.memory_space<hbm>>
    tpu.wait_indirect_dma semaphore(%arg13 : memref<!tpu.dma_semaphore, #tpu.memory_space<semaphore_mem>>) src(%dma_wait3A_102 : memref<10000x128xf32, #tpu.memory_space<hbm>>) dst(%arg9 : memref<128x128xf32, #tpu.memory_space<vmem>>)
    %run_scoped3A_103 = arith.constant 1 : i32
    %run_scoped3A_104 = arith.constant 1 : i32
    "tpu.region"() ({
      %run_scoped3A_112 = tpu.sem_alloc : memref<!tpu.dma_semaphore, #tpu.memory_space<semaphore_mem>>
      %dma_start3A_113 = arith.constant 0 : i32
      %dma_start3A_114 = tpu.memref_slice %arg6[%run_scoped3A_103, %run_scoped3A_104, %dma_start3A_113] : memref<2x2x128xi32, #tpu.memory_space<vmem>> -> memref<1x1x128xi32, #tpu.memory_space<vmem>>
      %dma_start3A_115 = tpu.memref_squeeze %dma_start3A_114 : memref<1x1x128xi32, #tpu.memory_space<vmem>> -> memref<128xi32, #tpu.memory_space<vmem>>
      %dma_start3A_116 = arith.constant 0 : i32
      %dma_start3A_117 = arith.constant 0 : i32
      %dma_start3A_118 = tpu.memref_slice %arg11[%dma_start3A_116, %dma_start3A_117] : memref<10112x128xf32, #tpu.memory_space<vmem_shared>> -> memref<10112x128xf32, #tpu.memory_space<vmem_shared>>
      tpu.enqueue_indirect_dma source(%arg9 : memref<128x128xf32, #tpu.memory_space<vmem>>) target(%dma_start3A_118 : memref<10112x128xf32, #tpu.memory_space<vmem_shared>>) offsets(%dma_start3A_115 : memref<128xi32, #tpu.memory_space<vmem>>) semaphore(%run_scoped3A_112 : memref<!tpu.dma_semaphore, #tpu.memory_space<semaphore_mem>>) {add = true}
      %dma_wait3A_119 = arith.constant 0 : i32
      %dma_wait3A_120 = tpu.memref_slice %arg6[%run_scoped3A_103, %run_scoped3A_104, %dma_wait3A_119] : memref<2x2x128xi32, #tpu.memory_space<vmem>> -> memref<1x1x128xi32, #tpu.memory_space<vmem>>
      %dma_wait3A_121 = tpu.memref_squeeze %dma_wait3A_120 : memref<1x1x128xi32, #tpu.memory_space<vmem>> -> memref<128xi32, #tpu.memory_space<vmem>>
      %dma_wait3A_122 = arith.constant 0 : i32
      %dma_wait3A_123 = arith.constant 0 : i32
      %dma_wait3A_124 = tpu.memref_slice %arg11[%dma_wait3A_122, %dma_wait3A_123] : memref<10112x128xf32, #tpu.memory_space<vmem_shared>> -> memref<10112x128xf32, #tpu.memory_space<vmem_shared>>
      tpu.wait_indirect_dma semaphore(%run_scoped3A_112 : memref<!tpu.dma_semaphore, #tpu.memory_space<semaphore_mem>>) src(%arg9 : memref<128x128xf32, #tpu.memory_space<vmem>>) dst(%dma_wait3A_124 : memref<10112x128xf32, #tpu.memory_space<vmem_shared>>)
      tpu.yield
    }) : () -> ()
    %lt3A = arith.constant 2 : i32
    %lt3A_105 = arith.cmpi slt, %add3A, %lt3A : i32
    %convert_element_type3A = arith.extui %lt3A_105 : i1 to i32
    %cond3A = arith.constant 0 : i32
    %cond3A_106 = arith.cmpi ne, %convert_element_type3A, %cond3A : i32
    scf.if %cond3A_106 {
      %add3A_112 = arith.constant 1248 : i32
      %add3A_113 = arith.addi %add3A_112, %add3A : i32
      %mul3A_114 = arith.constant 2 : i32
      %mul3A_115 = arith.muli %add3A_113, %mul3A_114 : i32
      %mul3A_116 = arith.constant 128 : i32
      %mul3A_117 = arith.muli %mul3A_115, %mul3A_116 : i32
      %run_scoped3A_118 = arith.constant 0 : i32
      %run_scoped3A_119 = arith.constant 0 : i32
      %run_scoped3A_120 = arith.constant 0 : i32
      "tpu.region"() ({
        %run_scoped3A_182 = tpu.sem_alloc : memref<!tpu.dma_semaphore, #tpu.memory_space<semaphore_mem>>
        %dma_start3A_183 = arith.constant 0 : i32
        %dma_start3A_184 = tpu.memref_slice %arg6[%run_scoped3A_119, %run_scoped3A_120, %dma_start3A_183] : memref<2x2x128xi32, #tpu.memory_space<vmem>> -> memref<1x1x128xi32, #tpu.memory_space<vmem>>
        %dma_start3A_185 = tpu.memref_squeeze %dma_start3A_184 : memref<1x1x128xi32, #tpu.memory_space<vmem>> -> memref<128xi32, #tpu.memory_space<vmem>>
        %dma_start3A_186 = tpu.memref_slice %arg3[%run_scoped3A_118, %mul3A_117] : memref<2x320000xi32, #tpu.memory_space<hbm>> -> memref<1x128xi32, #tpu.memory_space<hbm>>
        %dma_start3A_187 = tpu.memref_squeeze %dma_start3A_186 : memref<1x128xi32, #tpu.memory_space<hbm>> -> memref<128xi32, #tpu.memory_space<hbm>>
        %dma_start3A_188 = arith.constant 0 : i32
        %dma_start3A_189 = tpu.memref_slice %arg6[%run_scoped3A_119, %run_scoped3A_120, %dma_start3A_188] : memref<2x2x128xi32, #tpu.memory_space<vmem>> -> memref<1x1x128xi32, #tpu.memory_space<vmem>>
        %dma_start3A_190 = tpu.memref_squeeze %dma_start3A_189 : memref<1x1x128xi32, #tpu.memory_space<vmem>> -> memref<128xi32, #tpu.memory_space<vmem>>
        %dma_start3A_191 = tpu.memref_slice %arg3[%run_scoped3A_118, %mul3A_117] : memref<2x320000xi32, #tpu.memory_space<hbm>> -> memref<1x128xi32, #tpu.memory_space<hbm>>
        %dma_start3A_192 = tpu.memref_squeeze %dma_start3A_191 : memref<1x128xi32, #tpu.memory_space<hbm>> -> memref<128xi32, #tpu.memory_space<hbm>>
        tpu.enqueue_dma source(%dma_start3A_192 : memref<128xi32, #tpu.memory_space<hbm>>) target(%dma_start3A_190 : memref<128xi32, #tpu.memory_space<vmem>>) target_semaphore(%run_scoped3A_182 : memref<!tpu.dma_semaphore, #tpu.memory_space<semaphore_mem>>)
        %dma_wait3A_193 = arith.constant 0 : i32
        %dma_wait3A_194 = tpu.memref_slice %arg6[%run_scoped3A_119, %run_scoped3A_120, %dma_wait3A_193] : memref<2x2x128xi32, #tpu.memory_space<vmem>> -> memref<1x1x128xi32, #tpu.memory_space<vmem>>
        %dma_wait3A_195 = tpu.memref_squeeze %dma_wait3A_194 : memref<1x1x128xi32, #tpu.memory_space<vmem>> -> memref<128xi32, #tpu.memory_space<vmem>>
        %dma_wait3A_196 = tpu.memref_slice %arg3[%run_scoped3A_118, %mul3A_117] : memref<2x320000xi32, #tpu.memory_space<hbm>> -> memref<1x128xi32, #tpu.memory_space<hbm>>
        %dma_wait3A_197 = tpu.memref_squeeze %dma_wait3A_196 : memref<1x128xi32, #tpu.memory_space<hbm>> -> memref<128xi32, #tpu.memory_space<hbm>>
        %dma_wait3A_198 = arith.constant 0 : i32
        %dma_wait3A_199 = tpu.memref_slice %arg6[%run_scoped3A_119, %run_scoped3A_120, %dma_wait3A_198] : memref<2x2x128xi32, #tpu.memory_space<vmem>> -> memref<1x1x128xi32, #tpu.memory_space<vmem>>
        %dma_wait3A_200 = tpu.memref_squeeze %dma_wait3A_199 : memref<1x1x128xi32, #tpu.memory_space<vmem>> -> memref<128xi32, #tpu.memory_space<vmem>>
        %dma_wait3A_201 = tpu.memref_slice %arg3[%run_scoped3A_118, %mul3A_117] : memref<2x320000xi32, #tpu.memory_space<hbm>> -> memref<1x128xi32, #tpu.memory_space<hbm>>
        %dma_wait3A_202 = tpu.memref_squeeze %dma_wait3A_201 : memref<1x128xi32, #tpu.memory_space<hbm>> -> memref<128xi32, #tpu.memory_space<hbm>>
        tpu.wait_dma2 semaphore(%run_scoped3A_182 : memref<!tpu.dma_semaphore, #tpu.memory_space<semaphore_mem>>) src(%dma_wait3A_202 : memref<128xi32, #tpu.memory_space<hbm>>) dst(%dma_wait3A_200 : memref<128xi32, #tpu.memory_space<vmem>>)
        tpu.yield
      }) : () -> ()
      %mul3A_121 = arith.constant 2 : i32
      %mul3A_122 = arith.muli %add3A_113, %mul3A_121 : i32
      %mul3A_123 = arith.constant 128 : i32
      %mul3A_124 = arith.muli %mul3A_122, %mul3A_123 : i32
      %add3A_125 = arith.constant 128 : i32
      %add3A_126 = arith.addi %mul3A_124, %add3A_125 : i32
      %run_scoped3A_127 = arith.constant 0 : i32
      %run_scoped3A_128 = arith.constant 0 : i32
      %run_scoped3A_129 = arith.constant 1 : i32
      "tpu.region"() ({
        %run_scoped3A_182 = tpu.sem_alloc : memref<!tpu.dma_semaphore, #tpu.memory_space<semaphore_mem>>
        %dma_start3A_183 = arith.constant 0 : i32
        %dma_start3A_184 = tpu.memref_slice %arg6[%run_scoped3A_128, %run_scoped3A_129, %dma_start3A_183] : memref<2x2x128xi32, #tpu.memory_space<vmem>> -> memref<1x1x128xi32, #tpu.memory_space<vmem>>
        %dma_start3A_185 = tpu.memref_squeeze %dma_start3A_184 : memref<1x1x128xi32, #tpu.memory_space<vmem>> -> memref<128xi32, #tpu.memory_space<vmem>>
        %dma_start3A_186 = tpu.memref_slice %arg3[%run_scoped3A_127, %add3A_126] : memref<2x320000xi32, #tpu.memory_space<hbm>> -> memref<1x128xi32, #tpu.memory_space<hbm>>
        %dma_start3A_187 = tpu.memref_squeeze %dma_start3A_186 : memref<1x128xi32, #tpu.memory_space<hbm>> -> memref<128xi32, #tpu.memory_space<hbm>>
        %dma_start3A_188 = arith.constant 0 : i32
        %dma_start3A_189 = tpu.memref_slice %arg6[%run_scoped3A_128, %run_scoped3A_129, %dma_start3A_188] : memref<2x2x128xi32, #tpu.memory_space<vmem>> -> memref<1x1x128xi32, #tpu.memory_space<vmem>>
        %dma_start3A_190 = tpu.memref_squeeze %dma_start3A_189 : memref<1x1x128xi32, #tpu.memory_space<vmem>> -> memref<128xi32, #tpu.memory_space<vmem>>
        %dma_start3A_191 = tpu.memref_slice %arg3[%run_scoped3A_127, %add3A_126] : memref<2x320000xi32, #tpu.memory_space<hbm>> -> memref<1x128xi32, #tpu.memory_space<hbm>>
        %dma_start3A_192 = tpu.memref_squeeze %dma_start3A_191 : memref<1x128xi32, #tpu.memory_space<hbm>> -> memref<128xi32, #tpu.memory_space<hbm>>
        tpu.enqueue_dma source(%dma_start3A_192 : memref<128xi32, #tpu.memory_space<hbm>>) target(%dma_start3A_190 : memref<128xi32, #tpu.memory_space<vmem>>) target_semaphore(%run_scoped3A_182 : memref<!tpu.dma_semaphore, #tpu.memory_space<semaphore_mem>>)
        %dma_wait3A_193 = arith.constant 0 : i32
        %dma_wait3A_194 = tpu.memref_slice %arg6[%run_scoped3A_128, %run_scoped3A_129, %dma_wait3A_193] : memref<2x2x128xi32, #tpu.memory_space<vmem>> -> memref<1x1x128xi32, #tpu.memory_space<vmem>>
        %dma_wait3A_195 = tpu.memref_squeeze %dma_wait3A_194 : memref<1x1x128xi32, #tpu.memory_space<vmem>> -> memref<128xi32, #tpu.memory_space<vmem>>
        %dma_wait3A_196 = tpu.memref_slice %arg3[%run_scoped3A_127, %add3A_126] : memref<2x320000xi32, #tpu.memory_space<hbm>> -> memref<1x128xi32, #tpu.memory_space<hbm>>
        %dma_wait3A_197 = tpu.memref_squeeze %dma_wait3A_196 : memref<1x128xi32, #tpu.memory_space<hbm>> -> memref<128xi32, #tpu.memory_space<hbm>>
        %dma_wait3A_198 = arith.constant 0 : i32
        %dma_wait3A_199 = tpu.memref_slice %arg6[%run_scoped3A_128, %run_scoped3A_129, %dma_wait3A_198] : memref<2x2x128xi32, #tpu.memory_space<vmem>> -> memref<1x1x128xi32, #tpu.memory_space<vmem>>
        %dma_wait3A_200 = tpu.memref_squeeze %dma_wait3A_199 : memref<1x1x128xi32, #tpu.memory_space<vmem>> -> memref<128xi32, #tpu.memory_space<vmem>>
        %dma_wait3A_201 = tpu.memref_slice %arg3[%run_scoped3A_127, %add3A_126] : memref<2x320000xi32, #tpu.memory_space<hbm>> -> memref<1x128xi32, #tpu.memory_space<hbm>>
        %dma_wait3A_202 = tpu.memref_squeeze %dma_wait3A_201 : memref<1x128xi32, #tpu.memory_space<hbm>> -> memref<128xi32, #tpu.memory_space<hbm>>
        tpu.wait_dma2 semaphore(%run_scoped3A_182 : memref<!tpu.dma_semaphore, #tpu.memory_space<semaphore_mem>>) src(%dma_wait3A_202 : memref<128xi32, #tpu.memory_space<hbm>>) dst(%dma_wait3A_200 : memref<128xi32, #tpu.memory_space<vmem>>)
        tpu.yield
      }) : () -> ()
      %mul3A_130 = arith.constant 2 : i32
      %mul3A_131 = arith.muli %add3A_113, %mul3A_130 : i32
      %mul3A_132 = arith.constant 128 : i32
      %mul3A_133 = arith.muli %mul3A_131, %mul3A_132 : i32
      %run_scoped3A_134 = arith.constant 1 : i32
      %run_scoped3A_135 = arith.constant 1 : i32
      %run_scoped3A_136 = arith.constant 0 : i32
      "tpu.region"() ({
        %run_scoped3A_182 = tpu.sem_alloc : memref<!tpu.dma_semaphore, #tpu.memory_space<semaphore_mem>>
        %dma_start3A_183 = arith.constant 0 : i32
        %dma_start3A_184 = tpu.memref_slice %arg6[%run_scoped3A_135, %run_scoped3A_136, %dma_start3A_183] : memref<2x2x128xi32, #tpu.memory_space<vmem>> -> memref<1x1x128xi32, #tpu.memory_space<vmem>>
        %dma_start3A_185 = tpu.memref_squeeze %dma_start3A_184 : memref<1x1x128xi32, #tpu.memory_space<vmem>> -> memref<128xi32, #tpu.memory_space<vmem>>
        %dma_start3A_186 = tpu.memref_slice %arg3[%run_scoped3A_134, %mul3A_133] : memref<2x320000xi32, #tpu.memory_space<hbm>> -> memref<1x128xi32, #tpu.memory_space<hbm>>
        %dma_start3A_187 = tpu.memref_squeeze %dma_start3A_186 : memref<1x128xi32, #tpu.memory_space<hbm>> -> memref<128xi32, #tpu.memory_space<hbm>>
        %dma_start3A_188 = arith.constant 0 : i32
        %dma_start3A_189 = tpu.memref_slice %arg6[%run_scoped3A_135, %run_scoped3A_136, %dma_start3A_188] : memref<2x2x128xi32, #tpu.memory_space<vmem>> -> memref<1x1x128xi32, #tpu.memory_space<vmem>>
        %dma_start3A_190 = tpu.memref_squeeze %dma_start3A_189 : memref<1x1x128xi32, #tpu.memory_space<vmem>> -> memref<128xi32, #tpu.memory_space<vmem>>
        %dma_start3A_191 = tpu.memref_slice %arg3[%run_scoped3A_134, %mul3A_133] : memref<2x320000xi32, #tpu.memory_space<hbm>> -> memref<1x128xi32, #tpu.memory_space<hbm>>
        %dma_start3A_192 = tpu.memref_squeeze %dma_start3A_191 : memref<1x128xi32, #tpu.memory_space<hbm>> -> memref<128xi32, #tpu.memory_space<hbm>>
        tpu.enqueue_dma source(%dma_start3A_192 : memref<128xi32, #tpu.memory_space<hbm>>) target(%dma_start3A_190 : memref<128xi32, #tpu.memory_space<vmem>>) target_semaphore(%run_scoped3A_182 : memref<!tpu.dma_semaphore, #tpu.memory_space<semaphore_mem>>)
        %dma_wait3A_193 = arith.constant 0 : i32
        %dma_wait3A_194 = tpu.memref_slice %arg6[%run_scoped3A_135, %run_scoped3A_136, %dma_wait3A_193] : memref<2x2x128xi32, #tpu.memory_space<vmem>> -> memref<1x1x128xi32, #tpu.memory_space<vmem>>
        %dma_wait3A_195 = tpu.memref_squeeze %dma_wait3A_194 : memref<1x1x128xi32, #tpu.memory_space<vmem>> -> memref<128xi32, #tpu.memory_space<vmem>>
        %dma_wait3A_196 = tpu.memref_slice %arg3[%run_scoped3A_134, %mul3A_133] : memref<2x320000xi32, #tpu.memory_space<hbm>> -> memref<1x128xi32, #tpu.memory_space<hbm>>
        %dma_wait3A_197 = tpu.memref_squeeze %dma_wait3A_196 : memref<1x128xi32, #tpu.memory_space<hbm>> -> memref<128xi32, #tpu.memory_space<hbm>>
        %dma_wait3A_198 = arith.constant 0 : i32
        %dma_wait3A_199 = tpu.memref_slice %arg6[%run_scoped3A_135, %run_scoped3A_136, %dma_wait3A_198] : memref<2x2x128xi32, #tpu.memory_space<vmem>> -> memref<1x1x128xi32, #tpu.memory_space<vmem>>
        %dma_wait3A_200 = tpu.memref_squeeze %dma_wait3A_199 : memref<1x1x128xi32, #tpu.memory_space<vmem>> -> memref<128xi32, #tpu.memory_space<vmem>>
        %dma_wait3A_201 = tpu.memref_slice %arg3[%run_scoped3A_134, %mul3A_133] : memref<2x320000xi32, #tpu.memory_space<hbm>> -> memref<1x128xi32, #tpu.memory_space<hbm>>
        %dma_wait3A_202 = tpu.memref_squeeze %dma_wait3A_201 : memref<1x128xi32, #tpu.memory_space<hbm>> -> memref<128xi32, #tpu.memory_space<hbm>>
        tpu.wait_dma2 semaphore(%run_scoped3A_182 : memref<!tpu.dma_semaphore, #tpu.memory_space<semaphore_mem>>) src(%dma_wait3A_202 : memref<128xi32, #tpu.memory_space<hbm>>) dst(%dma_wait3A_200 : memref<128xi32, #tpu.memory_space<vmem>>)
        tpu.yield
      }) : () -> ()
      %mul3A_137 = arith.constant 2 : i32
      %mul3A_138 = arith.muli %add3A_113, %mul3A_137 : i32
      %mul3A_139 = arith.constant 128 : i32
      %mul3A_140 = arith.muli %mul3A_138, %mul3A_139 : i32
      %add3A_141 = arith.constant 128 : i32
      %add3A_142 = arith.addi %mul3A_140, %add3A_141 : i32
      %run_scoped3A_143 = arith.constant 1 : i32
      %run_scoped3A_144 = arith.constant 1 : i32
      %run_scoped3A_145 = arith.constant 1 : i32
      "tpu.region"() ({
        %run_scoped3A_182 = tpu.sem_alloc : memref<!tpu.dma_semaphore, #tpu.memory_space<semaphore_mem>>
        %dma_start3A_183 = arith.constant 0 : i32
        %dma_start3A_184 = tpu.memref_slice %arg6[%run_scoped3A_144, %run_scoped3A_145, %dma_start3A_183] : memref<2x2x128xi32, #tpu.memory_space<vmem>> -> memref<1x1x128xi32, #tpu.memory_space<vmem>>
        %dma_start3A_185 = tpu.memref_squeeze %dma_start3A_184 : memref<1x1x128xi32, #tpu.memory_space<vmem>> -> memref<128xi32, #tpu.memory_space<vmem>>
        %dma_start3A_186 = tpu.memref_slice %arg3[%run_scoped3A_143, %add3A_142] : memref<2x320000xi32, #tpu.memory_space<hbm>> -> memref<1x128xi32, #tpu.memory_space<hbm>>
        %dma_start3A_187 = tpu.memref_squeeze %dma_start3A_186 : memref<1x128xi32, #tpu.memory_space<hbm>> -> memref<128xi32, #tpu.memory_space<hbm>>
        %dma_start3A_188 = arith.constant 0 : i32
        %dma_start3A_189 = tpu.memref_slice %arg6[%run_scoped3A_144, %run_scoped3A_145, %dma_start3A_188] : memref<2x2x128xi32, #tpu.memory_space<vmem>> -> memref<1x1x128xi32, #tpu.memory_space<vmem>>
        %dma_start3A_190 = tpu.memref_squeeze %dma_start3A_189 : memref<1x1x128xi32, #tpu.memory_space<vmem>> -> memref<128xi32, #tpu.memory_space<vmem>>
        %dma_start3A_191 = tpu.memref_slice %arg3[%run_scoped3A_143, %add3A_142] : memref<2x320000xi32, #tpu.memory_space<hbm>> -> memref<1x128xi32, #tpu.memory_space<hbm>>
        %dma_start3A_192 = tpu.memref_squeeze %dma_start3A_191 : memref<1x128xi32, #tpu.memory_space<hbm>> -> memref<128xi32, #tpu.memory_space<hbm>>
        tpu.enqueue_dma source(%dma_start3A_192 : memref<128xi32, #tpu.memory_space<hbm>>) target(%dma_start3A_190 : memref<128xi32, #tpu.memory_space<vmem>>) target_semaphore(%run_scoped3A_182 : memref<!tpu.dma_semaphore, #tpu.memory_space<semaphore_mem>>)
        %dma_wait3A_193 = arith.constant 0 : i32
        %dma_wait3A_194 = tpu.memref_slice %arg6[%run_scoped3A_144, %run_scoped3A_145, %dma_wait3A_193] : memref<2x2x128xi32, #tpu.memory_space<vmem>> -> memref<1x1x128xi32, #tpu.memory_space<vmem>>
        %dma_wait3A_195 = tpu.memref_squeeze %dma_wait3A_194 : memref<1x1x128xi32, #tpu.memory_space<vmem>> -> memref<128xi32, #tpu.memory_space<vmem>>
        %dma_wait3A_196 = tpu.memref_slice %arg3[%run_scoped3A_143, %add3A_142] : memref<2x320000xi32, #tpu.memory_space<hbm>> -> memref<1x128xi32, #tpu.memory_space<hbm>>
        %dma_wait3A_197 = tpu.memref_squeeze %dma_wait3A_196 : memref<1x128xi32, #tpu.memory_space<hbm>> -> memref<128xi32, #tpu.memory_space<hbm>>
        %dma_wait3A_198 = arith.constant 0 : i32
        %dma_wait3A_199 = tpu.memref_slice %arg6[%run_scoped3A_144, %run_scoped3A_145, %dma_wait3A_198] : memref<2x2x128xi32, #tpu.memory_space<vmem>> -> memref<1x1x128xi32, #tpu.memory_space<vmem>>
        %dma_wait3A_200 = tpu.memref_squeeze %dma_wait3A_199 : memref<1x1x128xi32, #tpu.memory_space<vmem>> -> memref<128xi32, #tpu.memory_space<vmem>>
        %dma_wait3A_201 = tpu.memref_slice %arg3[%run_scoped3A_143, %add3A_142] : memref<2x320000xi32, #tpu.memory_space<hbm>> -> memref<1x128xi32, #tpu.memory_space<hbm>>
        %dma_wait3A_202 = tpu.memref_squeeze %dma_wait3A_201 : memref<1x128xi32, #tpu.memory_space<hbm>> -> memref<128xi32, #tpu.memory_space<hbm>>
        tpu.wait_dma2 semaphore(%run_scoped3A_182 : memref<!tpu.dma_semaphore, #tpu.memory_space<semaphore_mem>>) src(%dma_wait3A_202 : memref<128xi32, #tpu.memory_space<hbm>>) dst(%dma_wait3A_200 : memref<128xi32, #tpu.memory_space<vmem>>)
        tpu.yield
      }) : () -> ()
      %dma_start3A_146 = arith.constant 0 : i32
      %dma_start3A_147 = arith.constant 0 : i32
      %dma_start3A_148 = arith.constant 0 : i32
      %dma_start3A_149 = tpu.memref_slice %arg6[%dma_start3A_146, %dma_start3A_147, %dma_start3A_148] : memref<2x2x128xi32, #tpu.memory_space<vmem>> -> memref<1x1x128xi32, #tpu.memory_space<vmem>>
      %dma_start3A_150 = tpu.memref_squeeze %dma_start3A_149 : memref<1x1x128xi32, #tpu.memory_space<vmem>> -> memref<128xi32, #tpu.memory_space<vmem>>
      %dma_start3A_151 = arith.constant 0 : i32
      %dma_start3A_152 = arith.constant 0 : i32
      %dma_start3A_153 = tpu.memref_slice %arg2[%dma_start3A_151, %dma_start3A_152] : memref<10000x128xf32, #tpu.memory_space<hbm>> -> memref<10000x128xf32, #tpu.memory_space<hbm>>
      tpu.enqueue_indirect_dma source(%dma_start3A_153 : memref<10000x128xf32, #tpu.memory_space<hbm>>) target(%arg8 : memref<128x128xf32, #tpu.memory_space<vmem>>) offsets(%dma_start3A_150 : memref<128xi32, #tpu.memory_space<vmem>>) semaphore(%arg12 : memref<!tpu.dma_semaphore, #tpu.memory_space<semaphore_mem>>)
      %dma_start3A_154 = arith.constant 0 : i32
      %dma_start3A_155 = arith.constant 1 : i32
      %dma_start3A_156 = arith.constant 0 : i32
      %dma_start3A_157 = tpu.memref_slice %arg6[%dma_start3A_154, %dma_start3A_155, %dma_start3A_156] : memref<2x2x128xi32, #tpu.memory_space<vmem>> -> memref<1x1x128xi32, #tpu.memory_space<vmem>>
      %dma_start3A_158 = tpu.memref_squeeze %dma_start3A_157 : memref<1x1x128xi32, #tpu.memory_space<vmem>> -> memref<128xi32, #tpu.memory_space<vmem>>
      %dma_start3A_159 = arith.constant 0 : i32
      %dma_start3A_160 = arith.constant 0 : i32
      %dma_start3A_161 = tpu.memref_slice %arg2[%dma_start3A_159, %dma_start3A_160] : memref<10000x128xf32, #tpu.memory_space<hbm>> -> memref<10000x128xf32, #tpu.memory_space<hbm>>
      tpu.enqueue_indirect_dma source(%dma_start3A_161 : memref<10000x128xf32, #tpu.memory_space<hbm>>) target(%arg9 : memref<128x128xf32, #tpu.memory_space<vmem>>) offsets(%dma_start3A_158 : memref<128xi32, #tpu.memory_space<vmem>>) semaphore(%arg13 : memref<!tpu.dma_semaphore, #tpu.memory_space<semaphore_mem>>)
      %dma_wait3A_162 = arith.constant 0 : i32
      %dma_wait3A_163 = arith.constant 0 : i32
      %dma_wait3A_164 = arith.constant 0 : i32
      %dma_wait3A_165 = tpu.memref_slice %arg6[%dma_wait3A_162, %dma_wait3A_163, %dma_wait3A_164] : memref<2x2x128xi32, #tpu.memory_space<vmem>> -> memref<1x1x128xi32, #tpu.memory_space<vmem>>
      %dma_wait3A_166 = tpu.memref_squeeze %dma_wait3A_165 : memref<1x1x128xi32, #tpu.memory_space<vmem>> -> memref<128xi32, #tpu.memory_space<vmem>>
      %dma_wait3A_167 = arith.constant 0 : i32
      %dma_wait3A_168 = arith.constant 0 : i32
      %dma_wait3A_169 = tpu.memref_slice %arg2[%dma_wait3A_167, %dma_wait3A_168] : memref<10000x128xf32, #tpu.memory_space<hbm>> -> memref<10000x128xf32, #tpu.memory_space<hbm>>
      tpu.wait_indirect_dma semaphore(%arg12 : memref<!tpu.dma_semaphore, #tpu.memory_space<semaphore_mem>>) src(%dma_wait3A_169 : memref<10000x128xf32, #tpu.memory_space<hbm>>) dst(%arg8 : memref<128x128xf32, #tpu.memory_space<vmem>>)
      %run_scoped3A_170 = arith.constant 1 : i32
      %run_scoped3A_171 = arith.constant 0 : i32
      "tpu.region"() ({
        %run_scoped3A_182 = tpu.sem_alloc : memref<!tpu.dma_semaphore, #tpu.memory_space<semaphore_mem>>
        %dma_start3A_183 = arith.constant 0 : i32
        %dma_start3A_184 = tpu.memref_slice %arg6[%run_scoped3A_170, %run_scoped3A_171, %dma_start3A_183] : memref<2x2x128xi32, #tpu.memory_space<vmem>> -> memref<1x1x128xi32, #tpu.memory_space<vmem>>
        %dma_start3A_185 = tpu.memref_squeeze %dma_start3A_184 : memref<1x1x128xi32, #tpu.memory_space<vmem>> -> memref<128xi32, #tpu.memory_space<vmem>>
        %dma_start3A_186 = arith.constant 0 : i32
        %dma_start3A_187 = arith.constant 0 : i32
        %dma_start3A_188 = tpu.memref_slice %arg11[%dma_start3A_186, %dma_start3A_187] : memref<10112x128xf32, #tpu.memory_space<vmem_shared>> -> memref<10112x128xf32, #tpu.memory_space<vmem_shared>>
        tpu.enqueue_indirect_dma source(%arg8 : memref<128x128xf32, #tpu.memory_space<vmem>>) target(%dma_start3A_188 : memref<10112x128xf32, #tpu.memory_space<vmem_shared>>) offsets(%dma_start3A_185 : memref<128xi32, #tpu.memory_space<vmem>>) semaphore(%run_scoped3A_182 : memref<!tpu.dma_semaphore, #tpu.memory_space<semaphore_mem>>) {add = true}
        %dma_wait3A_189 = arith.constant 0 : i32
        %dma_wait3A_190 = tpu.memref_slice %arg6[%run_scoped3A_170, %run_scoped3A_171, %dma_wait3A_189] : memref<2x2x128xi32, #tpu.memory_space<vmem>> -> memref<1x1x128xi32, #tpu.memory_space<vmem>>
        %dma_wait3A_191 = tpu.memref_squeeze %dma_wait3A_190 : memref<1x1x128xi32, #tpu.memory_space<vmem>> -> memref<128xi32, #tpu.memory_space<vmem>>
        %dma_wait3A_192 = arith.constant 0 : i32
        %dma_wait3A_193 = arith.constant 0 : i32
        %dma_wait3A_194 = tpu.memref_slice %arg11[%dma_wait3A_192, %dma_wait3A_193] : memref<10112x128xf32, #tpu.memory_space<vmem_shared>> -> memref<10112x128xf32, #tpu.memory_space<vmem_shared>>
        tpu.wait_indirect_dma semaphore(%run_scoped3A_182 : memref<!tpu.dma_semaphore, #tpu.memory_space<semaphore_mem>>) src(%arg8 : memref<128x128xf32, #tpu.memory_space<vmem>>) dst(%dma_wait3A_194 : memref<10112x128xf32, #tpu.memory_space<vmem_shared>>)
        tpu.yield
      }) : () -> ()
      %dma_wait3A_172 = arith.constant 0 : i32
      %dma_wait3A_173 = arith.constant 1 : i32
      %dma_wait3A_174 = arith.constant 0 : i32
      %dma_wait3A_175 = tpu.memref_slice %arg6[%dma_wait3A_172, %dma_wait3A_173, %dma_wait3A_174] : memref<2x2x128xi32, #tpu.memory_space<vmem>> -> memref<1x1x128xi32, #tpu.memory_space<vmem>>
      %dma_wait3A_176 = tpu.memref_squeeze %dma_wait3A_175 : memref<1x1x128xi32, #tpu.memory_space<vmem>> -> memref<128xi32, #tpu.memory_space<vmem>>
      %dma_wait3A_177 = arith.constant 0 : i32
      %dma_wait3A_178 = arith.constant 0 : i32
      %dma_wait3A_179 = tpu.memref_slice %arg2[%dma_wait3A_177, %dma_wait3A_178] : memref<10000x128xf32, #tpu.memory_space<hbm>> -> memref<10000x128xf32, #tpu.memory_space<hbm>>
      tpu.wait_indirect_dma semaphore(%arg13 : memref<!tpu.dma_semaphore, #tpu.memory_space<semaphore_mem>>) src(%dma_wait3A_179 : memref<10000x128xf32, #tpu.memory_space<hbm>>) dst(%arg9 : memref<128x128xf32, #tpu.memory_space<vmem>>)
      %run_scoped3A_180 = arith.constant 1 : i32
      %run_scoped3A_181 = arith.constant 1 : i32
      "tpu.region"() ({
        %run_scoped3A_182 = tpu.sem_alloc : memref<!tpu.dma_semaphore, #tpu.memory_space<semaphore_mem>>
        %dma_start3A_183 = arith.constant 0 : i32
        %dma_start3A_184 = tpu.memref_slice %arg6[%run_scoped3A_180, %run_scoped3A_181, %dma_start3A_183] : memref<2x2x128xi32, #tpu.memory_space<vmem>> -> memref<1x1x128xi32, #tpu.memory_space<vmem>>
        %dma_start3A_185 = tpu.memref_squeeze %dma_start3A_184 : memref<1x1x128xi32, #tpu.memory_space<vmem>> -> memref<128xi32, #tpu.memory_space<vmem>>
        %dma_start3A_186 = arith.constant 0 : i32
        %dma_start3A_187 = arith.constant 0 : i32
        %dma_start3A_188 = tpu.memref_slice %arg11[%dma_start3A_186, %dma_start3A_187] : memref<10112x128xf32, #tpu.memory_space<vmem_shared>> -> memref<10112x128xf32, #tpu.memory_space<vmem_shared>>
        tpu.enqueue_indirect_dma source(%arg9 : memref<128x128xf32, #tpu.memory_space<vmem>>) target(%dma_start3A_188 : memref<10112x128xf32, #tpu.memory_space<vmem_shared>>) offsets(%dma_start3A_185 : memref<128xi32, #tpu.memory_space<vmem>>) semaphore(%run_scoped3A_182 : memref<!tpu.dma_semaphore, #tpu.memory_space<semaphore_mem>>) {add = true}
        %dma_wait3A_189 = arith.constant 0 : i32
        %dma_wait3A_190 = tpu.memref_slice %arg6[%run_scoped3A_180, %run_scoped3A_181, %dma_wait3A_189] : memref<2x2x128xi32, #tpu.memory_space<vmem>> -> memref<1x1x128xi32, #tpu.memory_space<vmem>>
        %dma_wait3A_191 = tpu.memref_squeeze %dma_wait3A_190 : memref<1x1x128xi32, #tpu.memory_space<vmem>> -> memref<128xi32, #tpu.memory_space<vmem>>
        %dma_wait3A_192 = arith.constant 0 : i32
        %dma_wait3A_193 = arith.constant 0 : i32
        %dma_wait3A_194 = tpu.memref_slice %arg11[%dma_wait3A_192, %dma_wait3A_193] : memref<10112x128xf32, #tpu.memory_space<vmem_shared>> -> memref<10112x128xf32, #tpu.memory_space<vmem_shared>>
        tpu.wait_indirect_dma semaphore(%run_scoped3A_182 : memref<!tpu.dma_semaphore, #tpu.memory_space<semaphore_mem>>) src(%arg9 : memref<128x128xf32, #tpu.memory_space<vmem>>) dst(%dma_wait3A_194 : memref<10112x128xf32, #tpu.memory_space<vmem_shared>>)
        tpu.yield
      }) : () -> ()
    } else {
    }
    %barrier3A_107 = arith.constant 0 : index
    tpu.barrier barrier_id(%barrier3A_107)
    %mul3A_108 = arith.constant 632 : i32
    %mul3A_109 = arith.muli %arg1, %mul3A_108 : i32
    %mul3A_110 = arith.constant 632 : i32
    %mul3A_111 = arith.muli %arg1, %mul3A_110 : i32
    "tpu.region"() ({
      %run_scoped3A_112 = tpu.sem_alloc : memref<!tpu.dma_semaphore, #tpu.memory_space<semaphore_mem>>
      %dma_start3A_113 = arith.constant 0 : i32
      %dma_start3A_114 = tpu.memref_slice %arg5[%arg0, %mul3A_111, %dma_start3A_113] : memref<2x10112x128xf32, #tpu.memory_space<hbm>> -> memref<1x632x128xf32, #tpu.memory_space<hbm>>
      %dma_start3A_115 = tpu.memref_squeeze %dma_start3A_114 : memref<1x632x128xf32, #tpu.memory_space<hbm>> -> memref<632x128xf32, #tpu.memory_space<hbm>>
      %dma_start3A_116 = arith.constant 0 : i32
      %dma_start3A_117 = tpu.memref_slice %arg11[%mul3A_109, %dma_start3A_116] : memref<10112x128xf32, #tpu.memory_space<vmem_shared>> -> memref<632x128xf32, #tpu.memory_space<vmem_shared>>
      tpu.enqueue_dma source(%dma_start3A_117 : memref<632x128xf32, #tpu.memory_space<vmem_shared>>) target(%dma_start3A_115 : memref<632x128xf32, #tpu.memory_space<hbm>>) target_semaphore(%run_scoped3A_112 : memref<!tpu.dma_semaphore, #tpu.memory_space<semaphore_mem>>)
      %dma_wait3A_118 = arith.constant 0 : i32
      %dma_wait3A_119 = tpu.memref_slice %arg5[%arg0, %mul3A_111, %dma_wait3A_118] : memref<2x10112x128xf32, #tpu.memory_space<hbm>> -> memref<1x632x128xf32, #tpu.memory_space<hbm>>
      %dma_wait3A_120 = tpu.memref_squeeze %dma_wait3A_119 : memref<1x632x128xf32, #tpu.memory_space<hbm>> -> memref<632x128xf32, #tpu.memory_space<hbm>>
      %dma_wait3A_121 = arith.constant 0 : i32
      %dma_wait3A_122 = tpu.memref_slice %arg11[%mul3A_109, %dma_wait3A_121] : memref<10112x128xf32, #tpu.memory_space<vmem_shared>> -> memref<632x128xf32, #tpu.memory_space<vmem_shared>>
      tpu.wait_dma2 semaphore(%run_scoped3A_112 : memref<!tpu.dma_semaphore, #tpu.memory_space<semaphore_mem>>) src(%dma_wait3A_122 : memref<632x128xf32, #tpu.memory_space<vmem_shared>>) dst(%dma_wait3A_120 : memref<632x128xf32, #tpu.memory_space<hbm>>)
      tpu.yield
    }) : () -> ()
    return
  }
}

#map = affine_map<(d0, d1) -> (0, 0)>
#map1 = affine_map<(d0, d1) -> (0, 0, 0)>
module attributes {stable_mosaic.version = 14 : i64} {
  func.func @_deg_kernel(%arg0: i32, %arg1: i32, %arg2: memref<2x320000xi32, #tpu.memory_space<hbm>>, %arg3: memref<128x128xf32, #tpu.memory_space<hbm>>, %arg4: memref<128x128xf32, #tpu.memory_space<hbm>>, %arg5: memref<2x10112x128xf32, #tpu.memory_space<hbm>>, %arg6: memref<2x128xi32, #tpu.memory_space<vmem>>, %arg7: memref<2x128xi32, #tpu.memory_space<vmem>>, %arg8: memref<128x128xf32, #tpu.memory_space<vmem>>, %arg9: memref<128x128xf32, #tpu.memory_space<vmem>>, %arg10: memref<10112x128xf32, #tpu.memory_space<vmem_shared>>, %arg11: memref<!tpu.dma_semaphore, #tpu.memory_space<semaphore_mem>>) attributes {dimension_semantics = [#tpu.dimension_semantics<core_parallel>, #tpu.dimension_semantics<subcore_parallel>], iteration_bounds = array<i64: 2, 16>, scalar_prefetch = 0 : i64, scratch_operands = 6 : i64, tpu.core_type = #tpu.core_type<sc_vector_subcore>, window_params = [{transform_indices = #map}, {transform_indices = #map}, {transform_indices = #map}, {transform_indices = #map1}]} {
    %mul3A = arith.constant 16 : i32
    %mul3A_0 = arith.muli %arg0, %mul3A : i32
    %add3A = arith.addi %mul3A_0, %arg1 : i32
    %mul3A_1 = arith.constant 39 : i32
    %mul3A_2 = arith.muli %add3A, %mul3A_1 : i32
    %mul3A_3 = arith.constant 2 : i32
    %mul3A_4 = arith.muli %mul3A_2, %mul3A_3 : i32
    %mul3A_5 = arith.constant 128 : i32
    %mul3A_6 = arith.muli %mul3A_4, %mul3A_5 : i32
    %dma_start3A = arith.constant 1 : i32
    %dma_start3A_7 = arith.constant 0 : i32
    %dma_start3A_8 = arith.constant 0 : i32
    %dma_start3A_9 = tpu.memref_slice %arg6[%dma_start3A_7, %dma_start3A_8] : memref<2x128xi32, #tpu.memory_space<vmem>> -> memref<1x128xi32, #tpu.memory_space<vmem>>
    %dma_start3A_10 = tpu.memref_squeeze %dma_start3A_9 : memref<1x128xi32, #tpu.memory_space<vmem>> -> memref<128xi32, #tpu.memory_space<vmem>>
    %dma_start3A_11 = tpu.memref_slice %arg2[%dma_start3A, %mul3A_6] : memref<2x320000xi32, #tpu.memory_space<hbm>> -> memref<1x128xi32, #tpu.memory_space<hbm>>
    %dma_start3A_12 = tpu.memref_squeeze %dma_start3A_11 : memref<1x128xi32, #tpu.memory_space<hbm>> -> memref<128xi32, #tpu.memory_space<hbm>>
    %dma_start3A_13 = arith.constant 0 : i32
    %dma_start3A_14 = tpu.memref_slice %arg6[%dma_start3A_7, %dma_start3A_13] : memref<2x128xi32, #tpu.memory_space<vmem>> -> memref<1x128xi32, #tpu.memory_space<vmem>>
    %dma_start3A_15 = tpu.memref_squeeze %dma_start3A_14 : memref<1x128xi32, #tpu.memory_space<vmem>> -> memref<128xi32, #tpu.memory_space<vmem>>
    %dma_start3A_16 = tpu.memref_slice %arg2[%dma_start3A, %mul3A_6] : memref<2x320000xi32, #tpu.memory_space<hbm>> -> memref<1x128xi32, #tpu.memory_space<hbm>>
    %dma_start3A_17 = tpu.memref_squeeze %dma_start3A_16 : memref<1x128xi32, #tpu.memory_space<hbm>> -> memref<128xi32, #tpu.memory_space<hbm>>
    tpu.enqueue_dma source(%dma_start3A_17 : memref<128xi32, #tpu.memory_space<hbm>>) target(%dma_start3A_15 : memref<128xi32, #tpu.memory_space<vmem>>) target_semaphore(%arg11 : memref<!tpu.dma_semaphore, #tpu.memory_space<semaphore_mem>>)
    %mul3A_18 = arith.constant 2 : i32
    %mul3A_19 = arith.muli %mul3A_2, %mul3A_18 : i32
    %mul3A_20 = arith.constant 128 : i32
    %mul3A_21 = arith.muli %mul3A_19, %mul3A_20 : i32
    %add3A_22 = arith.constant 128 : i32
    %add3A_23 = arith.addi %mul3A_21, %add3A_22 : i32
    %dma_start3A_24 = arith.constant 1 : i32
    %dma_start3A_25 = arith.constant 1 : i32
    %dma_start3A_26 = arith.constant 0 : i32
    %dma_start3A_27 = tpu.memref_slice %arg6[%dma_start3A_25, %dma_start3A_26] : memref<2x128xi32, #tpu.memory_space<vmem>> -> memref<1x128xi32, #tpu.memory_space<vmem>>
    %dma_start3A_28 = tpu.memref_squeeze %dma_start3A_27 : memref<1x128xi32, #tpu.memory_space<vmem>> -> memref<128xi32, #tpu.memory_space<vmem>>
    %dma_start3A_29 = tpu.memref_slice %arg2[%dma_start3A_24, %add3A_23] : memref<2x320000xi32, #tpu.memory_space<hbm>> -> memref<1x128xi32, #tpu.memory_space<hbm>>
    %dma_start3A_30 = tpu.memref_squeeze %dma_start3A_29 : memref<1x128xi32, #tpu.memory_space<hbm>> -> memref<128xi32, #tpu.memory_space<hbm>>
    %dma_start3A_31 = arith.constant 0 : i32
    %dma_start3A_32 = tpu.memref_slice %arg6[%dma_start3A_25, %dma_start3A_31] : memref<2x128xi32, #tpu.memory_space<vmem>> -> memref<1x128xi32, #tpu.memory_space<vmem>>
    %dma_start3A_33 = tpu.memref_squeeze %dma_start3A_32 : memref<1x128xi32, #tpu.memory_space<vmem>> -> memref<128xi32, #tpu.memory_space<vmem>>
    %dma_start3A_34 = tpu.memref_slice %arg2[%dma_start3A_24, %add3A_23] : memref<2x320000xi32, #tpu.memory_space<hbm>> -> memref<1x128xi32, #tpu.memory_space<hbm>>
    %dma_start3A_35 = tpu.memref_squeeze %dma_start3A_34 : memref<1x128xi32, #tpu.memory_space<hbm>> -> memref<128xi32, #tpu.memory_space<hbm>>
    tpu.enqueue_dma source(%dma_start3A_35 : memref<128xi32, #tpu.memory_space<hbm>>) target(%dma_start3A_33 : memref<128xi32, #tpu.memory_space<vmem>>) target_semaphore(%arg11 : memref<!tpu.dma_semaphore, #tpu.memory_space<semaphore_mem>>)
    "tpu.region"() ({
      %run_scoped3A_101 = tpu.sem_alloc : memref<!tpu.dma_semaphore, #tpu.memory_space<semaphore_mem>>
      tpu.enqueue_dma source(%arg4 : memref<128x128xf32, #tpu.memory_space<hbm>>) target(%arg9 : memref<128x128xf32, #tpu.memory_space<vmem>>) target_semaphore(%run_scoped3A_101 : memref<!tpu.dma_semaphore, #tpu.memory_space<semaphore_mem>>)
      tpu.wait_dma2 semaphore(%run_scoped3A_101 : memref<!tpu.dma_semaphore, #tpu.memory_space<semaphore_mem>>) src(%arg4 : memref<128x128xf32, #tpu.memory_space<hbm>>) dst(%arg9 : memref<128x128xf32, #tpu.memory_space<vmem>>)
      tpu.yield
    }) : () -> ()
    %mul3A_36 = arith.constant 632 : i32
    %mul3A_37 = arith.muli %arg1, %mul3A_36 : i32
    %add3A_38 = arith.constant 0 : i32
    %add3A_39 = arith.addi %mul3A_37, %add3A_38 : i32
    "tpu.region"() ({
      %run_scoped3A_101 = tpu.sem_alloc : memref<!tpu.dma_semaphore, #tpu.memory_space<semaphore_mem>>
      %dma_start3A_102 = arith.constant 0 : i32
      %dma_start3A_103 = tpu.memref_slice %arg10[%add3A_39, %dma_start3A_102] : memref<10112x128xf32, #tpu.memory_space<vmem_shared>> -> memref<128x128xf32, #tpu.memory_space<vmem_shared>>
      %dma_start3A_104 = arith.constant 0 : i32
      %dma_start3A_105 = tpu.memref_slice %arg10[%add3A_39, %dma_start3A_104] : memref<10112x128xf32, #tpu.memory_space<vmem_shared>> -> memref<128x128xf32, #tpu.memory_space<vmem_shared>>
      tpu.enqueue_dma source(%arg9 : memref<128x128xf32, #tpu.memory_space<vmem>>) target(%dma_start3A_105 : memref<128x128xf32, #tpu.memory_space<vmem_shared>>) target_semaphore(%run_scoped3A_101 : memref<!tpu.dma_semaphore, #tpu.memory_space<semaphore_mem>>)
      %dma_wait3A_106 = arith.constant 0 : i32
      %dma_wait3A_107 = tpu.memref_slice %arg10[%add3A_39, %dma_wait3A_106] : memref<10112x128xf32, #tpu.memory_space<vmem_shared>> -> memref<128x128xf32, #tpu.memory_space<vmem_shared>>
      %dma_wait3A_108 = arith.constant 0 : i32
      %dma_wait3A_109 = tpu.memref_slice %arg10[%add3A_39, %dma_wait3A_108] : memref<10112x128xf32, #tpu.memory_space<vmem_shared>> -> memref<128x128xf32, #tpu.memory_space<vmem_shared>>
      tpu.wait_dma2 semaphore(%run_scoped3A_101 : memref<!tpu.dma_semaphore, #tpu.memory_space<semaphore_mem>>) src(%arg9 : memref<128x128xf32, #tpu.memory_space<vmem>>) dst(%dma_wait3A_109 : memref<128x128xf32, #tpu.memory_space<vmem_shared>>)
      tpu.yield
    }) : () -> ()
    %mul3A_40 = arith.constant 632 : i32
    %mul3A_41 = arith.muli %arg1, %mul3A_40 : i32
    %add3A_42 = arith.constant 128 : i32
    %add3A_43 = arith.addi %mul3A_41, %add3A_42 : i32
    "tpu.region"() ({
      %run_scoped3A_101 = tpu.sem_alloc : memref<!tpu.dma_semaphore, #tpu.memory_space<semaphore_mem>>
      %dma_start3A_102 = arith.constant 0 : i32
      %dma_start3A_103 = tpu.memref_slice %arg10[%add3A_43, %dma_start3A_102] : memref<10112x128xf32, #tpu.memory_space<vmem_shared>> -> memref<128x128xf32, #tpu.memory_space<vmem_shared>>
      %dma_start3A_104 = arith.constant 0 : i32
      %dma_start3A_105 = tpu.memref_slice %arg10[%add3A_43, %dma_start3A_104] : memref<10112x128xf32, #tpu.memory_space<vmem_shared>> -> memref<128x128xf32, #tpu.memory_space<vmem_shared>>
      tpu.enqueue_dma source(%arg9 : memref<128x128xf32, #tpu.memory_space<vmem>>) target(%dma_start3A_105 : memref<128x128xf32, #tpu.memory_space<vmem_shared>>) target_semaphore(%run_scoped3A_101 : memref<!tpu.dma_semaphore, #tpu.memory_space<semaphore_mem>>)
      %dma_wait3A_106 = arith.constant 0 : i32
      %dma_wait3A_107 = tpu.memref_slice %arg10[%add3A_43, %dma_wait3A_106] : memref<10112x128xf32, #tpu.memory_space<vmem_shared>> -> memref<128x128xf32, #tpu.memory_space<vmem_shared>>
      %dma_wait3A_108 = arith.constant 0 : i32
      %dma_wait3A_109 = tpu.memref_slice %arg10[%add3A_43, %dma_wait3A_108] : memref<10112x128xf32, #tpu.memory_space<vmem_shared>> -> memref<128x128xf32, #tpu.memory_space<vmem_shared>>
      tpu.wait_dma2 semaphore(%run_scoped3A_101 : memref<!tpu.dma_semaphore, #tpu.memory_space<semaphore_mem>>) src(%arg9 : memref<128x128xf32, #tpu.memory_space<vmem>>) dst(%dma_wait3A_109 : memref<128x128xf32, #tpu.memory_space<vmem_shared>>)
      tpu.yield
    }) : () -> ()
    %mul3A_44 = arith.constant 632 : i32
    %mul3A_45 = arith.muli %arg1, %mul3A_44 : i32
    %add3A_46 = arith.constant 256 : i32
    %add3A_47 = arith.addi %mul3A_45, %add3A_46 : i32
    "tpu.region"() ({
      %run_scoped3A_101 = tpu.sem_alloc : memref<!tpu.dma_semaphore, #tpu.memory_space<semaphore_mem>>
      %dma_start3A_102 = arith.constant 0 : i32
      %dma_start3A_103 = tpu.memref_slice %arg10[%add3A_47, %dma_start3A_102] : memref<10112x128xf32, #tpu.memory_space<vmem_shared>> -> memref<128x128xf32, #tpu.memory_space<vmem_shared>>
      %dma_start3A_104 = arith.constant 0 : i32
      %dma_start3A_105 = tpu.memref_slice %arg10[%add3A_47, %dma_start3A_104] : memref<10112x128xf32, #tpu.memory_space<vmem_shared>> -> memref<128x128xf32, #tpu.memory_space<vmem_shared>>
      tpu.enqueue_dma source(%arg9 : memref<128x128xf32, #tpu.memory_space<vmem>>) target(%dma_start3A_105 : memref<128x128xf32, #tpu.memory_space<vmem_shared>>) target_semaphore(%run_scoped3A_101 : memref<!tpu.dma_semaphore, #tpu.memory_space<semaphore_mem>>)
      %dma_wait3A_106 = arith.constant 0 : i32
      %dma_wait3A_107 = tpu.memref_slice %arg10[%add3A_47, %dma_wait3A_106] : memref<10112x128xf32, #tpu.memory_space<vmem_shared>> -> memref<128x128xf32, #tpu.memory_space<vmem_shared>>
      %dma_wait3A_108 = arith.constant 0 : i32
      %dma_wait3A_109 = tpu.memref_slice %arg10[%add3A_47, %dma_wait3A_108] : memref<10112x128xf32, #tpu.memory_space<vmem_shared>> -> memref<128x128xf32, #tpu.memory_space<vmem_shared>>
      tpu.wait_dma2 semaphore(%run_scoped3A_101 : memref<!tpu.dma_semaphore, #tpu.memory_space<semaphore_mem>>) src(%arg9 : memref<128x128xf32, #tpu.memory_space<vmem>>) dst(%dma_wait3A_109 : memref<128x128xf32, #tpu.memory_space<vmem_shared>>)
      tpu.yield
    }) : () -> ()
    %mul3A_48 = arith.constant 632 : i32
    %mul3A_49 = arith.muli %arg1, %mul3A_48 : i32
    %add3A_50 = arith.constant 384 : i32
    %add3A_51 = arith.addi %mul3A_49, %add3A_50 : i32
    "tpu.region"() ({
      %run_scoped3A_101 = tpu.sem_alloc : memref<!tpu.dma_semaphore, #tpu.memory_space<semaphore_mem>>
      %dma_start3A_102 = arith.constant 0 : i32
      %dma_start3A_103 = tpu.memref_slice %arg10[%add3A_51, %dma_start3A_102] : memref<10112x128xf32, #tpu.memory_space<vmem_shared>> -> memref<128x128xf32, #tpu.memory_space<vmem_shared>>
      %dma_start3A_104 = arith.constant 0 : i32
      %dma_start3A_105 = tpu.memref_slice %arg10[%add3A_51, %dma_start3A_104] : memref<10112x128xf32, #tpu.memory_space<vmem_shared>> -> memref<128x128xf32, #tpu.memory_space<vmem_shared>>
      tpu.enqueue_dma source(%arg9 : memref<128x128xf32, #tpu.memory_space<vmem>>) target(%dma_start3A_105 : memref<128x128xf32, #tpu.memory_space<vmem_shared>>) target_semaphore(%run_scoped3A_101 : memref<!tpu.dma_semaphore, #tpu.memory_space<semaphore_mem>>)
      %dma_wait3A_106 = arith.constant 0 : i32
      %dma_wait3A_107 = tpu.memref_slice %arg10[%add3A_51, %dma_wait3A_106] : memref<10112x128xf32, #tpu.memory_space<vmem_shared>> -> memref<128x128xf32, #tpu.memory_space<vmem_shared>>
      %dma_wait3A_108 = arith.constant 0 : i32
      %dma_wait3A_109 = tpu.memref_slice %arg10[%add3A_51, %dma_wait3A_108] : memref<10112x128xf32, #tpu.memory_space<vmem_shared>> -> memref<128x128xf32, #tpu.memory_space<vmem_shared>>
      tpu.wait_dma2 semaphore(%run_scoped3A_101 : memref<!tpu.dma_semaphore, #tpu.memory_space<semaphore_mem>>) src(%arg9 : memref<128x128xf32, #tpu.memory_space<vmem>>) dst(%dma_wait3A_109 : memref<128x128xf32, #tpu.memory_space<vmem_shared>>)
      tpu.yield
    }) : () -> ()
    %mul3A_52 = arith.constant 632 : i32
    %mul3A_53 = arith.muli %arg1, %mul3A_52 : i32
    %add3A_54 = arith.constant 632 : i32
    %add3A_55 = arith.addi %mul3A_53, %add3A_54 : i32
    %sub3A = arith.constant 120 : i32
    %sub3A_56 = arith.subi %add3A_55, %sub3A : i32
    "tpu.region"() ({
      %run_scoped3A_101 = tpu.sem_alloc : memref<!tpu.dma_semaphore, #tpu.memory_space<semaphore_mem>>
      %dma_start3A_102 = arith.constant 0 : i32
      %dma_start3A_103 = arith.constant 0 : i32
      %dma_start3A_104 = tpu.memref_slice %arg9[%dma_start3A_102, %dma_start3A_103] : memref<128x128xf32, #tpu.memory_space<vmem>> -> memref<120x128xf32, #tpu.memory_space<vmem>>
      %dma_start3A_105 = arith.constant 0 : i32
      %dma_start3A_106 = tpu.memref_slice %arg10[%sub3A_56, %dma_start3A_105] : memref<10112x128xf32, #tpu.memory_space<vmem_shared>> -> memref<120x128xf32, #tpu.memory_space<vmem_shared>>
      %dma_start3A_107 = arith.constant 0 : i32
      %dma_start3A_108 = tpu.memref_slice %arg10[%sub3A_56, %dma_start3A_107] : memref<10112x128xf32, #tpu.memory_space<vmem_shared>> -> memref<120x128xf32, #tpu.memory_space<vmem_shared>>
      %dma_start3A_109 = arith.constant 0 : i32
      %dma_start3A_110 = arith.constant 0 : i32
      %dma_start3A_111 = tpu.memref_slice %arg9[%dma_start3A_109, %dma_start3A_110] : memref<128x128xf32, #tpu.memory_space<vmem>> -> memref<120x128xf32, #tpu.memory_space<vmem>>
      tpu.enqueue_dma source(%dma_start3A_111 : memref<120x128xf32, #tpu.memory_space<vmem>>) target(%dma_start3A_108 : memref<120x128xf32, #tpu.memory_space<vmem_shared>>) target_semaphore(%run_scoped3A_101 : memref<!tpu.dma_semaphore, #tpu.memory_space<semaphore_mem>>)
      %dma_wait3A_112 = arith.constant 0 : i32
      %dma_wait3A_113 = arith.constant 0 : i32
      %dma_wait3A_114 = tpu.memref_slice %arg9[%dma_wait3A_112, %dma_wait3A_113] : memref<128x128xf32, #tpu.memory_space<vmem>> -> memref<120x128xf32, #tpu.memory_space<vmem>>
      %dma_wait3A_115 = arith.constant 0 : i32
      %dma_wait3A_116 = tpu.memref_slice %arg10[%sub3A_56, %dma_wait3A_115] : memref<10112x128xf32, #tpu.memory_space<vmem_shared>> -> memref<120x128xf32, #tpu.memory_space<vmem_shared>>
      %dma_wait3A_117 = arith.constant 0 : i32
      %dma_wait3A_118 = tpu.memref_slice %arg10[%sub3A_56, %dma_wait3A_117] : memref<10112x128xf32, #tpu.memory_space<vmem_shared>> -> memref<120x128xf32, #tpu.memory_space<vmem_shared>>
      %dma_wait3A_119 = arith.constant 0 : i32
      %dma_wait3A_120 = arith.constant 0 : i32
      %dma_wait3A_121 = tpu.memref_slice %arg9[%dma_wait3A_119, %dma_wait3A_120] : memref<128x128xf32, #tpu.memory_space<vmem>> -> memref<120x128xf32, #tpu.memory_space<vmem>>
      tpu.wait_dma2 semaphore(%run_scoped3A_101 : memref<!tpu.dma_semaphore, #tpu.memory_space<semaphore_mem>>) src(%dma_wait3A_121 : memref<120x128xf32, #tpu.memory_space<vmem>>) dst(%dma_wait3A_118 : memref<120x128xf32, #tpu.memory_space<vmem_shared>>)
      tpu.yield
    }) : () -> ()
    "tpu.region"() ({
      %run_scoped3A_101 = tpu.sem_alloc : memref<!tpu.dma_semaphore, #tpu.memory_space<semaphore_mem>>
      tpu.enqueue_dma source(%arg3 : memref<128x128xf32, #tpu.memory_space<hbm>>) target(%arg8 : memref<128x128xf32, #tpu.memory_space<vmem>>) target_semaphore(%run_scoped3A_101 : memref<!tpu.dma_semaphore, #tpu.memory_space<semaphore_mem>>)
      tpu.wait_dma2 semaphore(%run_scoped3A_101 : memref<!tpu.dma_semaphore, #tpu.memory_space<semaphore_mem>>) src(%arg3 : memref<128x128xf32, #tpu.memory_space<hbm>>) dst(%arg8 : memref<128x128xf32, #tpu.memory_space<vmem>>)
      tpu.yield
    }) : () -> ()
    %barrier3A = arith.constant 0 : index
    tpu.barrier barrier_id(%barrier3A)
    %mul3A_57 = arith.constant 2 : i32
    %mul3A_58 = arith.muli %mul3A_2, %mul3A_57 : i32
    %mul3A_59 = arith.constant 128 : i32
    %mul3A_60 = arith.muli %mul3A_58, %mul3A_59 : i32
    %dma_wait3A = arith.constant 1 : i32
    %dma_wait3A_61 = arith.constant 0 : i32
    %dma_wait3A_62 = arith.constant 0 : i32
    %dma_wait3A_63 = tpu.memref_slice %arg6[%dma_wait3A_61, %dma_wait3A_62] : memref<2x128xi32, #tpu.memory_space<vmem>> -> memref<1x128xi32, #tpu.memory_space<vmem>>
    %dma_wait3A_64 = tpu.memref_squeeze %dma_wait3A_63 : memref<1x128xi32, #tpu.memory_space<vmem>> -> memref<128xi32, #tpu.memory_space<vmem>>
    %dma_wait3A_65 = tpu.memref_slice %arg2[%dma_wait3A, %mul3A_60] : memref<2x320000xi32, #tpu.memory_space<hbm>> -> memref<1x128xi32, #tpu.memory_space<hbm>>
    %dma_wait3A_66 = tpu.memref_squeeze %dma_wait3A_65 : memref<1x128xi32, #tpu.memory_space<hbm>> -> memref<128xi32, #tpu.memory_space<hbm>>
    %dma_wait3A_67 = arith.constant 0 : i32
    %dma_wait3A_68 = tpu.memref_slice %arg6[%dma_wait3A_61, %dma_wait3A_67] : memref<2x128xi32, #tpu.memory_space<vmem>> -> memref<1x128xi32, #tpu.memory_space<vmem>>
    %dma_wait3A_69 = tpu.memref_squeeze %dma_wait3A_68 : memref<1x128xi32, #tpu.memory_space<vmem>> -> memref<128xi32, #tpu.memory_space<vmem>>
    %dma_wait3A_70 = tpu.memref_slice %arg2[%dma_wait3A, %mul3A_60] : memref<2x320000xi32, #tpu.memory_space<hbm>> -> memref<1x128xi32, #tpu.memory_space<hbm>>
    %dma_wait3A_71 = tpu.memref_squeeze %dma_wait3A_70 : memref<1x128xi32, #tpu.memory_space<hbm>> -> memref<128xi32, #tpu.memory_space<hbm>>
    tpu.wait_dma2 semaphore(%arg11 : memref<!tpu.dma_semaphore, #tpu.memory_space<semaphore_mem>>) src(%dma_wait3A_71 : memref<128xi32, #tpu.memory_space<hbm>>) dst(%dma_wait3A_69 : memref<128xi32, #tpu.memory_space<vmem>>)
    %mul3A_72 = arith.constant 2 : i32
    %mul3A_73 = arith.muli %mul3A_2, %mul3A_72 : i32
    %mul3A_74 = arith.constant 128 : i32
    %mul3A_75 = arith.muli %mul3A_73, %mul3A_74 : i32
    %dma_wait3A_76 = arith.constant 1 : i32
    %dma_wait3A_77 = arith.constant 1 : i32
    %dma_wait3A_78 = arith.constant 0 : i32
    %dma_wait3A_79 = tpu.memref_slice %arg6[%dma_wait3A_77, %dma_wait3A_78] : memref<2x128xi32, #tpu.memory_space<vmem>> -> memref<1x128xi32, #tpu.memory_space<vmem>>
    %dma_wait3A_80 = tpu.memref_squeeze %dma_wait3A_79 : memref<1x128xi32, #tpu.memory_space<vmem>> -> memref<128xi32, #tpu.memory_space<vmem>>
    %dma_wait3A_81 = tpu.memref_slice %arg2[%dma_wait3A_76, %mul3A_75] : memref<2x320000xi32, #tpu.memory_space<hbm>> -> memref<1x128xi32, #tpu.memory_space<hbm>>
    %dma_wait3A_82 = tpu.memref_squeeze %dma_wait3A_81 : memref<1x128xi32, #tpu.memory_space<hbm>> -> memref<128xi32, #tpu.memory_space<hbm>>
    %dma_wait3A_83 = arith.constant 0 : i32
    %dma_wait3A_84 = tpu.memref_slice %arg6[%dma_wait3A_77, %dma_wait3A_83] : memref<2x128xi32, #tpu.memory_space<vmem>> -> memref<1x128xi32, #tpu.memory_space<vmem>>
    %dma_wait3A_85 = tpu.memref_squeeze %dma_wait3A_84 : memref<1x128xi32, #tpu.memory_space<vmem>> -> memref<128xi32, #tpu.memory_space<vmem>>
    %dma_wait3A_86 = tpu.memref_slice %arg2[%dma_wait3A_76, %mul3A_75] : memref<2x320000xi32, #tpu.memory_space<hbm>> -> memref<1x128xi32, #tpu.memory_space<hbm>>
    %dma_wait3A_87 = tpu.memref_squeeze %dma_wait3A_86 : memref<1x128xi32, #tpu.memory_space<hbm>> -> memref<128xi32, #tpu.memory_space<hbm>>
    tpu.wait_dma2 semaphore(%arg11 : memref<!tpu.dma_semaphore, #tpu.memory_space<semaphore_mem>>) src(%dma_wait3A_87 : memref<128xi32, #tpu.memory_space<hbm>>) dst(%dma_wait3A_85 : memref<128xi32, #tpu.memory_space<vmem>>)
    %scan3A = arith.constant 0 : i32
    %scan3A_88 = arith.constant 0 : i32
    %scan3A_89 = arith.constant 19 : i32
    %scan3A_90 = arith.addi %scan3A_88, %scan3A_89 : i32
    %scan3A_91 = arith.constant 1 : i32
    scf.for %scan3A_101 = %scan3A_88 to %scan3A_90 step %scan3A_91  : i32 {
      %mul3A_102 = arith.constant 2 : i32
      %mul3A_103 = arith.muli %mul3A_102, %scan3A_101 : i32
      %add3A_104 = arith.addi %mul3A_2, %mul3A_103 : i32
      %add3A_105 = arith.constant 1 : i32
      %add3A_106 = arith.addi %add3A_104, %add3A_105 : i32
      %mul3A_107 = arith.constant 2 : i32
      %mul3A_108 = arith.muli %add3A_106, %mul3A_107 : i32
      %mul3A_109 = arith.constant 128 : i32
      %mul3A_110 = arith.muli %mul3A_108, %mul3A_109 : i32
      %dma_start3A_111 = arith.constant 1 : i32
      %dma_start3A_112 = arith.constant 0 : i32
      %dma_start3A_113 = arith.constant 0 : i32
      %dma_start3A_114 = tpu.memref_slice %arg7[%dma_start3A_112, %dma_start3A_113] : memref<2x128xi32, #tpu.memory_space<vmem>> -> memref<1x128xi32, #tpu.memory_space<vmem>>
      %dma_start3A_115 = tpu.memref_squeeze %dma_start3A_114 : memref<1x128xi32, #tpu.memory_space<vmem>> -> memref<128xi32, #tpu.memory_space<vmem>>
      %dma_start3A_116 = tpu.memref_slice %arg2[%dma_start3A_111, %mul3A_110] : memref<2x320000xi32, #tpu.memory_space<hbm>> -> memref<1x128xi32, #tpu.memory_space<hbm>>
      %dma_start3A_117 = tpu.memref_squeeze %dma_start3A_116 : memref<1x128xi32, #tpu.memory_space<hbm>> -> memref<128xi32, #tpu.memory_space<hbm>>
      %dma_start3A_118 = arith.constant 0 : i32
      %dma_start3A_119 = tpu.memref_slice %arg7[%dma_start3A_112, %dma_start3A_118] : memref<2x128xi32, #tpu.memory_space<vmem>> -> memref<1x128xi32, #tpu.memory_space<vmem>>
      %dma_start3A_120 = tpu.memref_squeeze %dma_start3A_119 : memref<1x128xi32, #tpu.memory_space<vmem>> -> memref<128xi32, #tpu.memory_space<vmem>>
      %dma_start3A_121 = tpu.memref_slice %arg2[%dma_start3A_111, %mul3A_110] : memref<2x320000xi32, #tpu.memory_space<hbm>> -> memref<1x128xi32, #tpu.memory_space<hbm>>
      %dma_start3A_122 = tpu.memref_squeeze %dma_start3A_121 : memref<1x128xi32, #tpu.memory_space<hbm>> -> memref<128xi32, #tpu.memory_space<hbm>>
      tpu.enqueue_dma source(%dma_start3A_122 : memref<128xi32, #tpu.memory_space<hbm>>) target(%dma_start3A_120 : memref<128xi32, #tpu.memory_space<vmem>>) target_semaphore(%arg11 : memref<!tpu.dma_semaphore, #tpu.memory_space<semaphore_mem>>)
      %mul3A_123 = arith.constant 2 : i32
      %mul3A_124 = arith.muli %add3A_106, %mul3A_123 : i32
      %mul3A_125 = arith.constant 128 : i32
      %mul3A_126 = arith.muli %mul3A_124, %mul3A_125 : i32
      %add3A_127 = arith.constant 128 : i32
      %add3A_128 = arith.addi %mul3A_126, %add3A_127 : i32
      %dma_start3A_129 = arith.constant 1 : i32
      %dma_start3A_130 = arith.constant 1 : i32
      %dma_start3A_131 = arith.constant 0 : i32
      %dma_start3A_132 = tpu.memref_slice %arg7[%dma_start3A_130, %dma_start3A_131] : memref<2x128xi32, #tpu.memory_space<vmem>> -> memref<1x128xi32, #tpu.memory_space<vmem>>
      %dma_start3A_133 = tpu.memref_squeeze %dma_start3A_132 : memref<1x128xi32, #tpu.memory_space<vmem>> -> memref<128xi32, #tpu.memory_space<vmem>>
      %dma_start3A_134 = tpu.memref_slice %arg2[%dma_start3A_129, %add3A_128] : memref<2x320000xi32, #tpu.memory_space<hbm>> -> memref<1x128xi32, #tpu.memory_space<hbm>>
      %dma_start3A_135 = tpu.memref_squeeze %dma_start3A_134 : memref<1x128xi32, #tpu.memory_space<hbm>> -> memref<128xi32, #tpu.memory_space<hbm>>
      %dma_start3A_136 = arith.constant 0 : i32
      %dma_start3A_137 = tpu.memref_slice %arg7[%dma_start3A_130, %dma_start3A_136] : memref<2x128xi32, #tpu.memory_space<vmem>> -> memref<1x128xi32, #tpu.memory_space<vmem>>
      %dma_start3A_138 = tpu.memref_squeeze %dma_start3A_137 : memref<1x128xi32, #tpu.memory_space<vmem>> -> memref<128xi32, #tpu.memory_space<vmem>>
      %dma_start3A_139 = tpu.memref_slice %arg2[%dma_start3A_129, %add3A_128] : memref<2x320000xi32, #tpu.memory_space<hbm>> -> memref<1x128xi32, #tpu.memory_space<hbm>>
      %dma_start3A_140 = tpu.memref_squeeze %dma_start3A_139 : memref<1x128xi32, #tpu.memory_space<hbm>> -> memref<128xi32, #tpu.memory_space<hbm>>
      tpu.enqueue_dma source(%dma_start3A_140 : memref<128xi32, #tpu.memory_space<hbm>>) target(%dma_start3A_138 : memref<128xi32, #tpu.memory_space<vmem>>) target_semaphore(%arg11 : memref<!tpu.dma_semaphore, #tpu.memory_space<semaphore_mem>>)
      %run_scoped3A_141 = arith.constant 0 : i32
      "tpu.region"() ({
        %run_scoped3A_249 = tpu.sem_alloc : memref<!tpu.dma_semaphore, #tpu.memory_space<semaphore_mem>>
        %dma_start3A_250 = arith.constant 0 : i32
        %dma_start3A_251 = tpu.memref_slice %arg6[%run_scoped3A_141, %dma_start3A_250] : memref<2x128xi32, #tpu.memory_space<vmem>> -> memref<1x128xi32, #tpu.memory_space<vmem>>
        %dma_start3A_252 = tpu.memref_squeeze %dma_start3A_251 : memref<1x128xi32, #tpu.memory_space<vmem>> -> memref<128xi32, #tpu.memory_space<vmem>>
        %dma_start3A_253 = arith.constant 0 : i32
        %dma_start3A_254 = arith.constant 0 : i32
        %dma_start3A_255 = tpu.memref_slice %arg10[%dma_start3A_253, %dma_start3A_254] : memref<10112x128xf32, #tpu.memory_space<vmem_shared>> -> memref<10112x128xf32, #tpu.memory_space<vmem_shared>>
        tpu.enqueue_indirect_dma source(%arg8 : memref<128x128xf32, #tpu.memory_space<vmem>>) target(%dma_start3A_255 : memref<10112x128xf32, #tpu.memory_space<vmem_shared>>) offsets(%dma_start3A_252 : memref<128xi32, #tpu.memory_space<vmem>>) semaphore(%run_scoped3A_249 : memref<!tpu.dma_semaphore, #tpu.memory_space<semaphore_mem>>) {add = true}
        %dma_wait3A_256 = arith.constant 0 : i32
        %dma_wait3A_257 = tpu.memref_slice %arg6[%run_scoped3A_141, %dma_wait3A_256] : memref<2x128xi32, #tpu.memory_space<vmem>> -> memref<1x128xi32, #tpu.memory_space<vmem>>
        %dma_wait3A_258 = tpu.memref_squeeze %dma_wait3A_257 : memref<1x128xi32, #tpu.memory_space<vmem>> -> memref<128xi32, #tpu.memory_space<vmem>>
        %dma_wait3A_259 = arith.constant 0 : i32
        %dma_wait3A_260 = arith.constant 0 : i32
        %dma_wait3A_261 = tpu.memref_slice %arg10[%dma_wait3A_259, %dma_wait3A_260] : memref<10112x128xf32, #tpu.memory_space<vmem_shared>> -> memref<10112x128xf32, #tpu.memory_space<vmem_shared>>
        tpu.wait_indirect_dma semaphore(%run_scoped3A_249 : memref<!tpu.dma_semaphore, #tpu.memory_space<semaphore_mem>>) src(%arg8 : memref<128x128xf32, #tpu.memory_space<vmem>>) dst(%dma_wait3A_261 : memref<10112x128xf32, #tpu.memory_space<vmem_shared>>)
        tpu.yield
      }) : () -> ()
      %run_scoped3A_142 = arith.constant 1 : i32
      "tpu.region"() ({
        %run_scoped3A_249 = tpu.sem_alloc : memref<!tpu.dma_semaphore, #tpu.memory_space<semaphore_mem>>
        %dma_start3A_250 = arith.constant 0 : i32
        %dma_start3A_251 = tpu.memref_slice %arg6[%run_scoped3A_142, %dma_start3A_250] : memref<2x128xi32, #tpu.memory_space<vmem>> -> memref<1x128xi32, #tpu.memory_space<vmem>>
        %dma_start3A_252 = tpu.memref_squeeze %dma_start3A_251 : memref<1x128xi32, #tpu.memory_space<vmem>> -> memref<128xi32, #tpu.memory_space<vmem>>
        %dma_start3A_253 = arith.constant 0 : i32
        %dma_start3A_254 = arith.constant 0 : i32
        %dma_start3A_255 = tpu.memref_slice %arg10[%dma_start3A_253, %dma_start3A_254] : memref<10112x128xf32, #tpu.memory_space<vmem_shared>> -> memref<10112x128xf32, #tpu.memory_space<vmem_shared>>
        tpu.enqueue_indirect_dma source(%arg8 : memref<128x128xf32, #tpu.memory_space<vmem>>) target(%dma_start3A_255 : memref<10112x128xf32, #tpu.memory_space<vmem_shared>>) offsets(%dma_start3A_252 : memref<128xi32, #tpu.memory_space<vmem>>) semaphore(%run_scoped3A_249 : memref<!tpu.dma_semaphore, #tpu.memory_space<semaphore_mem>>) {add = true}
        %dma_wait3A_256 = arith.constant 0 : i32
        %dma_wait3A_257 = tpu.memref_slice %arg6[%run_scoped3A_142, %dma_wait3A_256] : memref<2x128xi32, #tpu.memory_space<vmem>> -> memref<1x128xi32, #tpu.memory_space<vmem>>
        %dma_wait3A_258 = tpu.memref_squeeze %dma_wait3A_257 : memref<1x128xi32, #tpu.memory_space<vmem>> -> memref<128xi32, #tpu.memory_space<vmem>>
        %dma_wait3A_259 = arith.constant 0 : i32
        %dma_wait3A_260 = arith.constant 0 : i32
        %dma_wait3A_261 = tpu.memref_slice %arg10[%dma_wait3A_259, %dma_wait3A_260] : memref<10112x128xf32, #tpu.memory_space<vmem_shared>> -> memref<10112x128xf32, #tpu.memory_space<vmem_shared>>
        tpu.wait_indirect_dma semaphore(%run_scoped3A_249 : memref<!tpu.dma_semaphore, #tpu.memory_space<semaphore_mem>>) src(%arg8 : memref<128x128xf32, #tpu.memory_space<vmem>>) dst(%dma_wait3A_261 : memref<10112x128xf32, #tpu.memory_space<vmem_shared>>)
        tpu.yield
      }) : () -> ()
      %add3A_143 = arith.constant 1 : i32
      %add3A_144 = arith.addi %add3A_104, %add3A_143 : i32
      %mul3A_145 = arith.constant 2 : i32
      %mul3A_146 = arith.muli %add3A_144, %mul3A_145 : i32
      %mul3A_147 = arith.constant 128 : i32
      %mul3A_148 = arith.muli %mul3A_146, %mul3A_147 : i32
      %dma_wait3A_149 = arith.constant 1 : i32
      %dma_wait3A_150 = arith.constant 0 : i32
      %dma_wait3A_151 = arith.constant 0 : i32
      %dma_wait3A_152 = tpu.memref_slice %arg7[%dma_wait3A_150, %dma_wait3A_151] : memref<2x128xi32, #tpu.memory_space<vmem>> -> memref<1x128xi32, #tpu.memory_space<vmem>>
      %dma_wait3A_153 = tpu.memref_squeeze %dma_wait3A_152 : memref<1x128xi32, #tpu.memory_space<vmem>> -> memref<128xi32, #tpu.memory_space<vmem>>
      %dma_wait3A_154 = tpu.memref_slice %arg2[%dma_wait3A_149, %mul3A_148] : memref<2x320000xi32, #tpu.memory_space<hbm>> -> memref<1x128xi32, #tpu.memory_space<hbm>>
      %dma_wait3A_155 = tpu.memref_squeeze %dma_wait3A_154 : memref<1x128xi32, #tpu.memory_space<hbm>> -> memref<128xi32, #tpu.memory_space<hbm>>
      %dma_wait3A_156 = arith.constant 0 : i32
      %dma_wait3A_157 = tpu.memref_slice %arg7[%dma_wait3A_150, %dma_wait3A_156] : memref<2x128xi32, #tpu.memory_space<vmem>> -> memref<1x128xi32, #tpu.memory_space<vmem>>
      %dma_wait3A_158 = tpu.memref_squeeze %dma_wait3A_157 : memref<1x128xi32, #tpu.memory_space<vmem>> -> memref<128xi32, #tpu.memory_space<vmem>>
      %dma_wait3A_159 = tpu.memref_slice %arg2[%dma_wait3A_149, %mul3A_148] : memref<2x320000xi32, #tpu.memory_space<hbm>> -> memref<1x128xi32, #tpu.memory_space<hbm>>
      %dma_wait3A_160 = tpu.memref_squeeze %dma_wait3A_159 : memref<1x128xi32, #tpu.memory_space<hbm>> -> memref<128xi32, #tpu.memory_space<hbm>>
      tpu.wait_dma2 semaphore(%arg11 : memref<!tpu.dma_semaphore, #tpu.memory_space<semaphore_mem>>) src(%dma_wait3A_160 : memref<128xi32, #tpu.memory_space<hbm>>) dst(%dma_wait3A_158 : memref<128xi32, #tpu.memory_space<vmem>>)
      %mul3A_161 = arith.constant 2 : i32
      %mul3A_162 = arith.muli %add3A_144, %mul3A_161 : i32
      %mul3A_163 = arith.constant 128 : i32
      %mul3A_164 = arith.muli %mul3A_162, %mul3A_163 : i32
      %dma_wait3A_165 = arith.constant 1 : i32
      %dma_wait3A_166 = arith.constant 1 : i32
      %dma_wait3A_167 = arith.constant 0 : i32
      %dma_wait3A_168 = tpu.memref_slice %arg7[%dma_wait3A_166, %dma_wait3A_167] : memref<2x128xi32, #tpu.memory_space<vmem>> -> memref<1x128xi32, #tpu.memory_space<vmem>>
      %dma_wait3A_169 = tpu.memref_squeeze %dma_wait3A_168 : memref<1x128xi32, #tpu.memory_space<vmem>> -> memref<128xi32, #tpu.memory_space<vmem>>
      %dma_wait3A_170 = tpu.memref_slice %arg2[%dma_wait3A_165, %mul3A_164] : memref<2x320000xi32, #tpu.memory_space<hbm>> -> memref<1x128xi32, #tpu.memory_space<hbm>>
      %dma_wait3A_171 = tpu.memref_squeeze %dma_wait3A_170 : memref<1x128xi32, #tpu.memory_space<hbm>> -> memref<128xi32, #tpu.memory_space<hbm>>
      %dma_wait3A_172 = arith.constant 0 : i32
      %dma_wait3A_173 = tpu.memref_slice %arg7[%dma_wait3A_166, %dma_wait3A_172] : memref<2x128xi32, #tpu.memory_space<vmem>> -> memref<1x128xi32, #tpu.memory_space<vmem>>
      %dma_wait3A_174 = tpu.memref_squeeze %dma_wait3A_173 : memref<1x128xi32, #tpu.memory_space<vmem>> -> memref<128xi32, #tpu.memory_space<vmem>>
      %dma_wait3A_175 = tpu.memref_slice %arg2[%dma_wait3A_165, %mul3A_164] : memref<2x320000xi32, #tpu.memory_space<hbm>> -> memref<1x128xi32, #tpu.memory_space<hbm>>
      %dma_wait3A_176 = tpu.memref_squeeze %dma_wait3A_175 : memref<1x128xi32, #tpu.memory_space<hbm>> -> memref<128xi32, #tpu.memory_space<hbm>>
      tpu.wait_dma2 semaphore(%arg11 : memref<!tpu.dma_semaphore, #tpu.memory_space<semaphore_mem>>) src(%dma_wait3A_176 : memref<128xi32, #tpu.memory_space<hbm>>) dst(%dma_wait3A_174 : memref<128xi32, #tpu.memory_space<vmem>>)
      %add3A_177 = arith.constant 2 : i32
      %add3A_178 = arith.addi %add3A_104, %add3A_177 : i32
      %mul3A_179 = arith.constant 2 : i32
      %mul3A_180 = arith.muli %add3A_178, %mul3A_179 : i32
      %mul3A_181 = arith.constant 128 : i32
      %mul3A_182 = arith.muli %mul3A_180, %mul3A_181 : i32
      %dma_start3A_183 = arith.constant 1 : i32
      %dma_start3A_184 = arith.constant 0 : i32
      %dma_start3A_185 = arith.constant 0 : i32
      %dma_start3A_186 = tpu.memref_slice %arg6[%dma_start3A_184, %dma_start3A_185] : memref<2x128xi32, #tpu.memory_space<vmem>> -> memref<1x128xi32, #tpu.memory_space<vmem>>
      %dma_start3A_187 = tpu.memref_squeeze %dma_start3A_186 : memref<1x128xi32, #tpu.memory_space<vmem>> -> memref<128xi32, #tpu.memory_space<vmem>>
      %dma_start3A_188 = tpu.memref_slice %arg2[%dma_start3A_183, %mul3A_182] : memref<2x320000xi32, #tpu.memory_space<hbm>> -> memref<1x128xi32, #tpu.memory_space<hbm>>
      %dma_start3A_189 = tpu.memref_squeeze %dma_start3A_188 : memref<1x128xi32, #tpu.memory_space<hbm>> -> memref<128xi32, #tpu.memory_space<hbm>>
      %dma_start3A_190 = arith.constant 0 : i32
      %dma_start3A_191 = tpu.memref_slice %arg6[%dma_start3A_184, %dma_start3A_190] : memref<2x128xi32, #tpu.memory_space<vmem>> -> memref<1x128xi32, #tpu.memory_space<vmem>>
      %dma_start3A_192 = tpu.memref_squeeze %dma_start3A_191 : memref<1x128xi32, #tpu.memory_space<vmem>> -> memref<128xi32, #tpu.memory_space<vmem>>
      %dma_start3A_193 = tpu.memref_slice %arg2[%dma_start3A_183, %mul3A_182] : memref<2x320000xi32, #tpu.memory_space<hbm>> -> memref<1x128xi32, #tpu.memory_space<hbm>>
      %dma_start3A_194 = tpu.memref_squeeze %dma_start3A_193 : memref<1x128xi32, #tpu.memory_space<hbm>> -> memref<128xi32, #tpu.memory_space<hbm>>
      tpu.enqueue_dma source(%dma_start3A_194 : memref<128xi32, #tpu.memory_space<hbm>>) target(%dma_start3A_192 : memref<128xi32, #tpu.memory_space<vmem>>) target_semaphore(%arg11 : memref<!tpu.dma_semaphore, #tpu.memory_space<semaphore_mem>>)
      %mul3A_195 = arith.constant 2 : i32
      %mul3A_196 = arith.muli %add3A_178, %mul3A_195 : i32
      %mul3A_197 = arith.constant 128 : i32
      %mul3A_198 = arith.muli %mul3A_196, %mul3A_197 : i32
      %add3A_199 = arith.constant 128 : i32
      %add3A_200 = arith.addi %mul3A_198, %add3A_199 : i32
      %dma_start3A_201 = arith.constant 1 : i32
      %dma_start3A_202 = arith.constant 1 : i32
      %dma_start3A_203 = arith.constant 0 : i32
      %dma_start3A_204 = tpu.memref_slice %arg6[%dma_start3A_202, %dma_start3A_203] : memref<2x128xi32, #tpu.memory_space<vmem>> -> memref<1x128xi32, #tpu.memory_space<vmem>>
      %dma_start3A_205 = tpu.memref_squeeze %dma_start3A_204 : memref<1x128xi32, #tpu.memory_space<vmem>> -> memref<128xi32, #tpu.memory_space<vmem>>
      %dma_start3A_206 = tpu.memref_slice %arg2[%dma_start3A_201, %add3A_200] : memref<2x320000xi32, #tpu.memory_space<hbm>> -> memref<1x128xi32, #tpu.memory_space<hbm>>
      %dma_start3A_207 = tpu.memref_squeeze %dma_start3A_206 : memref<1x128xi32, #tpu.memory_space<hbm>> -> memref<128xi32, #tpu.memory_space<hbm>>
      %dma_start3A_208 = arith.constant 0 : i32
      %dma_start3A_209 = tpu.memref_slice %arg6[%dma_start3A_202, %dma_start3A_208] : memref<2x128xi32, #tpu.memory_space<vmem>> -> memref<1x128xi32, #tpu.memory_space<vmem>>
      %dma_start3A_210 = tpu.memref_squeeze %dma_start3A_209 : memref<1x128xi32, #tpu.memory_space<vmem>> -> memref<128xi32, #tpu.memory_space<vmem>>
      %dma_start3A_211 = tpu.memref_slice %arg2[%dma_start3A_201, %add3A_200] : memref<2x320000xi32, #tpu.memory_space<hbm>> -> memref<1x128xi32, #tpu.memory_space<hbm>>
      %dma_start3A_212 = tpu.memref_squeeze %dma_start3A_211 : memref<1x128xi32, #tpu.memory_space<hbm>> -> memref<128xi32, #tpu.memory_space<hbm>>
      tpu.enqueue_dma source(%dma_start3A_212 : memref<128xi32, #tpu.memory_space<hbm>>) target(%dma_start3A_210 : memref<128xi32, #tpu.memory_space<vmem>>) target_semaphore(%arg11 : memref<!tpu.dma_semaphore, #tpu.memory_space<semaphore_mem>>)
      %run_scoped3A_213 = arith.constant 0 : i32
      "tpu.region"() ({
        %run_scoped3A_249 = tpu.sem_alloc : memref<!tpu.dma_semaphore, #tpu.memory_space<semaphore_mem>>
        %dma_start3A_250 = arith.constant 0 : i32
        %dma_start3A_251 = tpu.memref_slice %arg7[%run_scoped3A_213, %dma_start3A_250] : memref<2x128xi32, #tpu.memory_space<vmem>> -> memref<1x128xi32, #tpu.memory_space<vmem>>
        %dma_start3A_252 = tpu.memref_squeeze %dma_start3A_251 : memref<1x128xi32, #tpu.memory_space<vmem>> -> memref<128xi32, #tpu.memory_space<vmem>>
        %dma_start3A_253 = arith.constant 0 : i32
        %dma_start3A_254 = arith.constant 0 : i32
        %dma_start3A_255 = tpu.memref_slice %arg10[%dma_start3A_253, %dma_start3A_254] : memref<10112x128xf32, #tpu.memory_space<vmem_shared>> -> memref<10112x128xf32, #tpu.memory_space<vmem_shared>>
        tpu.enqueue_indirect_dma source(%arg8 : memref<128x128xf32, #tpu.memory_space<vmem>>) target(%dma_start3A_255 : memref<10112x128xf32, #tpu.memory_space<vmem_shared>>) offsets(%dma_start3A_252 : memref<128xi32, #tpu.memory_space<vmem>>) semaphore(%run_scoped3A_249 : memref<!tpu.dma_semaphore, #tpu.memory_space<semaphore_mem>>) {add = true}
        %dma_wait3A_256 = arith.constant 0 : i32
        %dma_wait3A_257 = tpu.memref_slice %arg7[%run_scoped3A_213, %dma_wait3A_256] : memref<2x128xi32, #tpu.memory_space<vmem>> -> memref<1x128xi32, #tpu.memory_space<vmem>>
        %dma_wait3A_258 = tpu.memref_squeeze %dma_wait3A_257 : memref<1x128xi32, #tpu.memory_space<vmem>> -> memref<128xi32, #tpu.memory_space<vmem>>
        %dma_wait3A_259 = arith.constant 0 : i32
        %dma_wait3A_260 = arith.constant 0 : i32
        %dma_wait3A_261 = tpu.memref_slice %arg10[%dma_wait3A_259, %dma_wait3A_260] : memref<10112x128xf32, #tpu.memory_space<vmem_shared>> -> memref<10112x128xf32, #tpu.memory_space<vmem_shared>>
        tpu.wait_indirect_dma semaphore(%run_scoped3A_249 : memref<!tpu.dma_semaphore, #tpu.memory_space<semaphore_mem>>) src(%arg8 : memref<128x128xf32, #tpu.memory_space<vmem>>) dst(%dma_wait3A_261 : memref<10112x128xf32, #tpu.memory_space<vmem_shared>>)
        tpu.yield
      }) : () -> ()
      %run_scoped3A_214 = arith.constant 1 : i32
      "tpu.region"() ({
        %run_scoped3A_249 = tpu.sem_alloc : memref<!tpu.dma_semaphore, #tpu.memory_space<semaphore_mem>>
        %dma_start3A_250 = arith.constant 0 : i32
        %dma_start3A_251 = tpu.memref_slice %arg7[%run_scoped3A_214, %dma_start3A_250] : memref<2x128xi32, #tpu.memory_space<vmem>> -> memref<1x128xi32, #tpu.memory_space<vmem>>
        %dma_start3A_252 = tpu.memref_squeeze %dma_start3A_251 : memref<1x128xi32, #tpu.memory_space<vmem>> -> memref<128xi32, #tpu.memory_space<vmem>>
        %dma_start3A_253 = arith.constant 0 : i32
        %dma_start3A_254 = arith.constant 0 : i32
        %dma_start3A_255 = tpu.memref_slice %arg10[%dma_start3A_253, %dma_start3A_254] : memref<10112x128xf32, #tpu.memory_space<vmem_shared>> -> memref<10112x128xf32, #tpu.memory_space<vmem_shared>>
        tpu.enqueue_indirect_dma source(%arg8 : memref<128x128xf32, #tpu.memory_space<vmem>>) target(%dma_start3A_255 : memref<10112x128xf32, #tpu.memory_space<vmem_shared>>) offsets(%dma_start3A_252 : memref<128xi32, #tpu.memory_space<vmem>>) semaphore(%run_scoped3A_249 : memref<!tpu.dma_semaphore, #tpu.memory_space<semaphore_mem>>) {add = true}
        %dma_wait3A_256 = arith.constant 0 : i32
        %dma_wait3A_257 = tpu.memref_slice %arg7[%run_scoped3A_214, %dma_wait3A_256] : memref<2x128xi32, #tpu.memory_space<vmem>> -> memref<1x128xi32, #tpu.memory_space<vmem>>
        %dma_wait3A_258 = tpu.memref_squeeze %dma_wait3A_257 : memref<1x128xi32, #tpu.memory_space<vmem>> -> memref<128xi32, #tpu.memory_space<vmem>>
        %dma_wait3A_259 = arith.constant 0 : i32
        %dma_wait3A_260 = arith.constant 0 : i32
        %dma_wait3A_261 = tpu.memref_slice %arg10[%dma_wait3A_259, %dma_wait3A_260] : memref<10112x128xf32, #tpu.memory_space<vmem_shared>> -> memref<10112x128xf32, #tpu.memory_space<vmem_shared>>
        tpu.wait_indirect_dma semaphore(%run_scoped3A_249 : memref<!tpu.dma_semaphore, #tpu.memory_space<semaphore_mem>>) src(%arg8 : memref<128x128xf32, #tpu.memory_space<vmem>>) dst(%dma_wait3A_261 : memref<10112x128xf32, #tpu.memory_space<vmem_shared>>)
        tpu.yield
      }) : () -> ()
      %add3A_215 = arith.constant 2 : i32
      %add3A_216 = arith.addi %add3A_104, %add3A_215 : i32
      %mul3A_217 = arith.constant 2 : i32
      %mul3A_218 = arith.muli %add3A_216, %mul3A_217 : i32
      %mul3A_219 = arith.constant 128 : i32
      %mul3A_220 = arith.muli %mul3A_218, %mul3A_219 : i32
      %dma_wait3A_221 = arith.constant 1 : i32
      %dma_wait3A_222 = arith.constant 0 : i32
      %dma_wait3A_223 = arith.constant 0 : i32
      %dma_wait3A_224 = tpu.memref_slice %arg6[%dma_wait3A_222, %dma_wait3A_223] : memref<2x128xi32, #tpu.memory_space<vmem>> -> memref<1x128xi32, #tpu.memory_space<vmem>>
      %dma_wait3A_225 = tpu.memref_squeeze %dma_wait3A_224 : memref<1x128xi32, #tpu.memory_space<vmem>> -> memref<128xi32, #tpu.memory_space<vmem>>
      %dma_wait3A_226 = tpu.memref_slice %arg2[%dma_wait3A_221, %mul3A_220] : memref<2x320000xi32, #tpu.memory_space<hbm>> -> memref<1x128xi32, #tpu.memory_space<hbm>>
      %dma_wait3A_227 = tpu.memref_squeeze %dma_wait3A_226 : memref<1x128xi32, #tpu.memory_space<hbm>> -> memref<128xi32, #tpu.memory_space<hbm>>
      %dma_wait3A_228 = arith.constant 0 : i32
      %dma_wait3A_229 = tpu.memref_slice %arg6[%dma_wait3A_222, %dma_wait3A_228] : memref<2x128xi32, #tpu.memory_space<vmem>> -> memref<1x128xi32, #tpu.memory_space<vmem>>
      %dma_wait3A_230 = tpu.memref_squeeze %dma_wait3A_229 : memref<1x128xi32, #tpu.memory_space<vmem>> -> memref<128xi32, #tpu.memory_space<vmem>>
      %dma_wait3A_231 = tpu.memref_slice %arg2[%dma_wait3A_221, %mul3A_220] : memref<2x320000xi32, #tpu.memory_space<hbm>> -> memref<1x128xi32, #tpu.memory_space<hbm>>
      %dma_wait3A_232 = tpu.memref_squeeze %dma_wait3A_231 : memref<1x128xi32, #tpu.memory_space<hbm>> -> memref<128xi32, #tpu.memory_space<hbm>>
      tpu.wait_dma2 semaphore(%arg11 : memref<!tpu.dma_semaphore, #tpu.memory_space<semaphore_mem>>) src(%dma_wait3A_232 : memref<128xi32, #tpu.memory_space<hbm>>) dst(%dma_wait3A_230 : memref<128xi32, #tpu.memory_space<vmem>>)
      %mul3A_233 = arith.constant 2 : i32
      %mul3A_234 = arith.muli %add3A_216, %mul3A_233 : i32
      %mul3A_235 = arith.constant 128 : i32
      %mul3A_236 = arith.muli %mul3A_234, %mul3A_235 : i32
      %dma_wait3A_237 = arith.constant 1 : i32
      %dma_wait3A_238 = arith.constant 1 : i32
      %dma_wait3A_239 = arith.constant 0 : i32
      %dma_wait3A_240 = tpu.memref_slice %arg6[%dma_wait3A_238, %dma_wait3A_239] : memref<2x128xi32, #tpu.memory_space<vmem>> -> memref<1x128xi32, #tpu.memory_space<vmem>>
      %dma_wait3A_241 = tpu.memref_squeeze %dma_wait3A_240 : memref<1x128xi32, #tpu.memory_space<vmem>> -> memref<128xi32, #tpu.memory_space<vmem>>
      %dma_wait3A_242 = tpu.memref_slice %arg2[%dma_wait3A_237, %mul3A_236] : memref<2x320000xi32, #tpu.memory_space<hbm>> -> memref<1x128xi32, #tpu.memory_space<hbm>>
      %dma_wait3A_243 = tpu.memref_squeeze %dma_wait3A_242 : memref<1x128xi32, #tpu.memory_space<hbm>> -> memref<128xi32, #tpu.memory_space<hbm>>
      %dma_wait3A_244 = arith.constant 0 : i32
      %dma_wait3A_245 = tpu.memref_slice %arg6[%dma_wait3A_238, %dma_wait3A_244] : memref<2x128xi32, #tpu.memory_space<vmem>> -> memref<1x128xi32, #tpu.memory_space<vmem>>
      %dma_wait3A_246 = tpu.memref_squeeze %dma_wait3A_245 : memref<1x128xi32, #tpu.memory_space<vmem>> -> memref<128xi32, #tpu.memory_space<vmem>>
      %dma_wait3A_247 = tpu.memref_slice %arg2[%dma_wait3A_237, %mul3A_236] : memref<2x320000xi32, #tpu.memory_space<hbm>> -> memref<1x128xi32, #tpu.memory_space<hbm>>
      %dma_wait3A_248 = tpu.memref_squeeze %dma_wait3A_247 : memref<1x128xi32, #tpu.memory_space<hbm>> -> memref<128xi32, #tpu.memory_space<hbm>>
      tpu.wait_dma2 semaphore(%arg11 : memref<!tpu.dma_semaphore, #tpu.memory_space<semaphore_mem>>) src(%dma_wait3A_248 : memref<128xi32, #tpu.memory_space<hbm>>) dst(%dma_wait3A_246 : memref<128xi32, #tpu.memory_space<vmem>>)
    }
    %scan3A_92 = arith.constant 19 : i32
    %run_scoped3A = arith.constant 0 : i32
    "tpu.region"() ({
      %run_scoped3A_101 = tpu.sem_alloc : memref<!tpu.dma_semaphore, #tpu.memory_space<semaphore_mem>>
      %dma_start3A_102 = arith.constant 0 : i32
      %dma_start3A_103 = tpu.memref_slice %arg6[%run_scoped3A, %dma_start3A_102] : memref<2x128xi32, #tpu.memory_space<vmem>> -> memref<1x128xi32, #tpu.memory_space<vmem>>
      %dma_start3A_104 = tpu.memref_squeeze %dma_start3A_103 : memref<1x128xi32, #tpu.memory_space<vmem>> -> memref<128xi32, #tpu.memory_space<vmem>>
      %dma_start3A_105 = arith.constant 0 : i32
      %dma_start3A_106 = arith.constant 0 : i32
      %dma_start3A_107 = tpu.memref_slice %arg10[%dma_start3A_105, %dma_start3A_106] : memref<10112x128xf32, #tpu.memory_space<vmem_shared>> -> memref<10112x128xf32, #tpu.memory_space<vmem_shared>>
      tpu.enqueue_indirect_dma source(%arg8 : memref<128x128xf32, #tpu.memory_space<vmem>>) target(%dma_start3A_107 : memref<10112x128xf32, #tpu.memory_space<vmem_shared>>) offsets(%dma_start3A_104 : memref<128xi32, #tpu.memory_space<vmem>>) semaphore(%run_scoped3A_101 : memref<!tpu.dma_semaphore, #tpu.memory_space<semaphore_mem>>) {add = true}
      %dma_wait3A_108 = arith.constant 0 : i32
      %dma_wait3A_109 = tpu.memref_slice %arg6[%run_scoped3A, %dma_wait3A_108] : memref<2x128xi32, #tpu.memory_space<vmem>> -> memref<1x128xi32, #tpu.memory_space<vmem>>
      %dma_wait3A_110 = tpu.memref_squeeze %dma_wait3A_109 : memref<1x128xi32, #tpu.memory_space<vmem>> -> memref<128xi32, #tpu.memory_space<vmem>>
      %dma_wait3A_111 = arith.constant 0 : i32
      %dma_wait3A_112 = arith.constant 0 : i32
      %dma_wait3A_113 = tpu.memref_slice %arg10[%dma_wait3A_111, %dma_wait3A_112] : memref<10112x128xf32, #tpu.memory_space<vmem_shared>> -> memref<10112x128xf32, #tpu.memory_space<vmem_shared>>
      tpu.wait_indirect_dma semaphore(%run_scoped3A_101 : memref<!tpu.dma_semaphore, #tpu.memory_space<semaphore_mem>>) src(%arg8 : memref<128x128xf32, #tpu.memory_space<vmem>>) dst(%dma_wait3A_113 : memref<10112x128xf32, #tpu.memory_space<vmem_shared>>)
      tpu.yield
    }) : () -> ()
    %run_scoped3A_93 = arith.constant 1 : i32
    "tpu.region"() ({
      %run_scoped3A_101 = tpu.sem_alloc : memref<!tpu.dma_semaphore, #tpu.memory_space<semaphore_mem>>
      %dma_start3A_102 = arith.constant 0 : i32
      %dma_start3A_103 = tpu.memref_slice %arg6[%run_scoped3A_93, %dma_start3A_102] : memref<2x128xi32, #tpu.memory_space<vmem>> -> memref<1x128xi32, #tpu.memory_space<vmem>>
      %dma_start3A_104 = tpu.memref_squeeze %dma_start3A_103 : memref<1x128xi32, #tpu.memory_space<vmem>> -> memref<128xi32, #tpu.memory_space<vmem>>
      %dma_start3A_105 = arith.constant 0 : i32
      %dma_start3A_106 = arith.constant 0 : i32
      %dma_start3A_107 = tpu.memref_slice %arg10[%dma_start3A_105, %dma_start3A_106] : memref<10112x128xf32, #tpu.memory_space<vmem_shared>> -> memref<10112x128xf32, #tpu.memory_space<vmem_shared>>
      tpu.enqueue_indirect_dma source(%arg8 : memref<128x128xf32, #tpu.memory_space<vmem>>) target(%dma_start3A_107 : memref<10112x128xf32, #tpu.memory_space<vmem_shared>>) offsets(%dma_start3A_104 : memref<128xi32, #tpu.memory_space<vmem>>) semaphore(%run_scoped3A_101 : memref<!tpu.dma_semaphore, #tpu.memory_space<semaphore_mem>>) {add = true}
      %dma_wait3A_108 = arith.constant 0 : i32
      %dma_wait3A_109 = tpu.memref_slice %arg6[%run_scoped3A_93, %dma_wait3A_108] : memref<2x128xi32, #tpu.memory_space<vmem>> -> memref<1x128xi32, #tpu.memory_space<vmem>>
      %dma_wait3A_110 = tpu.memref_squeeze %dma_wait3A_109 : memref<1x128xi32, #tpu.memory_space<vmem>> -> memref<128xi32, #tpu.memory_space<vmem>>
      %dma_wait3A_111 = arith.constant 0 : i32
      %dma_wait3A_112 = arith.constant 0 : i32
      %dma_wait3A_113 = tpu.memref_slice %arg10[%dma_wait3A_111, %dma_wait3A_112] : memref<10112x128xf32, #tpu.memory_space<vmem_shared>> -> memref<10112x128xf32, #tpu.memory_space<vmem_shared>>
      tpu.wait_indirect_dma semaphore(%run_scoped3A_101 : memref<!tpu.dma_semaphore, #tpu.memory_space<semaphore_mem>>) src(%arg8 : memref<128x128xf32, #tpu.memory_space<vmem>>) dst(%dma_wait3A_113 : memref<10112x128xf32, #tpu.memory_space<vmem_shared>>)
      tpu.yield
    }) : () -> ()
    %lt3A = arith.constant 2 : i32
    %lt3A_94 = arith.cmpi slt, %add3A, %lt3A : i32
    %convert_element_type3A = arith.extui %lt3A_94 : i1 to i32
    %cond3A = arith.constant 0 : i32
    %cond3A_95 = arith.cmpi ne, %convert_element_type3A, %cond3A : i32
    scf.if %cond3A_95 {
      %add3A_101 = arith.constant 1248 : i32
      %add3A_102 = arith.addi %add3A_101, %add3A : i32
      %mul3A_103 = arith.constant 2 : i32
      %mul3A_104 = arith.muli %add3A_102, %mul3A_103 : i32
      %mul3A_105 = arith.constant 128 : i32
      %mul3A_106 = arith.muli %mul3A_104, %mul3A_105 : i32
      %dma_start3A_107 = arith.constant 1 : i32
      %dma_start3A_108 = arith.constant 0 : i32
      %dma_start3A_109 = arith.constant 0 : i32
      %dma_start3A_110 = tpu.memref_slice %arg7[%dma_start3A_108, %dma_start3A_109] : memref<2x128xi32, #tpu.memory_space<vmem>> -> memref<1x128xi32, #tpu.memory_space<vmem>>
      %dma_start3A_111 = tpu.memref_squeeze %dma_start3A_110 : memref<1x128xi32, #tpu.memory_space<vmem>> -> memref<128xi32, #tpu.memory_space<vmem>>
      %dma_start3A_112 = tpu.memref_slice %arg2[%dma_start3A_107, %mul3A_106] : memref<2x320000xi32, #tpu.memory_space<hbm>> -> memref<1x128xi32, #tpu.memory_space<hbm>>
      %dma_start3A_113 = tpu.memref_squeeze %dma_start3A_112 : memref<1x128xi32, #tpu.memory_space<hbm>> -> memref<128xi32, #tpu.memory_space<hbm>>
      %dma_start3A_114 = arith.constant 0 : i32
      %dma_start3A_115 = tpu.memref_slice %arg7[%dma_start3A_108, %dma_start3A_114] : memref<2x128xi32, #tpu.memory_space<vmem>> -> memref<1x128xi32, #tpu.memory_space<vmem>>
      %dma_start3A_116 = tpu.memref_squeeze %dma_start3A_115 : memref<1x128xi32, #tpu.memory_space<vmem>> -> memref<128xi32, #tpu.memory_space<vmem>>
      %dma_start3A_117 = tpu.memref_slice %arg2[%dma_start3A_107, %mul3A_106] : memref<2x320000xi32, #tpu.memory_space<hbm>> -> memref<1x128xi32, #tpu.memory_space<hbm>>
      %dma_start3A_118 = tpu.memref_squeeze %dma_start3A_117 : memref<1x128xi32, #tpu.memory_space<hbm>> -> memref<128xi32, #tpu.memory_space<hbm>>
      tpu.enqueue_dma source(%dma_start3A_118 : memref<128xi32, #tpu.memory_space<hbm>>) target(%dma_start3A_116 : memref<128xi32, #tpu.memory_space<vmem>>) target_semaphore(%arg11 : memref<!tpu.dma_semaphore, #tpu.memory_space<semaphore_mem>>)
      %mul3A_119 = arith.constant 2 : i32
      %mul3A_120 = arith.muli %add3A_102, %mul3A_119 : i32
      %mul3A_121 = arith.constant 128 : i32
      %mul3A_122 = arith.muli %mul3A_120, %mul3A_121 : i32
      %add3A_123 = arith.constant 128 : i32
      %add3A_124 = arith.addi %mul3A_122, %add3A_123 : i32
      %dma_start3A_125 = arith.constant 1 : i32
      %dma_start3A_126 = arith.constant 1 : i32
      %dma_start3A_127 = arith.constant 0 : i32
      %dma_start3A_128 = tpu.memref_slice %arg7[%dma_start3A_126, %dma_start3A_127] : memref<2x128xi32, #tpu.memory_space<vmem>> -> memref<1x128xi32, #tpu.memory_space<vmem>>
      %dma_start3A_129 = tpu.memref_squeeze %dma_start3A_128 : memref<1x128xi32, #tpu.memory_space<vmem>> -> memref<128xi32, #tpu.memory_space<vmem>>
      %dma_start3A_130 = tpu.memref_slice %arg2[%dma_start3A_125, %add3A_124] : memref<2x320000xi32, #tpu.memory_space<hbm>> -> memref<1x128xi32, #tpu.memory_space<hbm>>
      %dma_start3A_131 = tpu.memref_squeeze %dma_start3A_130 : memref<1x128xi32, #tpu.memory_space<hbm>> -> memref<128xi32, #tpu.memory_space<hbm>>
      %dma_start3A_132 = arith.constant 0 : i32
      %dma_start3A_133 = tpu.memref_slice %arg7[%dma_start3A_126, %dma_start3A_132] : memref<2x128xi32, #tpu.memory_space<vmem>> -> memref<1x128xi32, #tpu.memory_space<vmem>>
      %dma_start3A_134 = tpu.memref_squeeze %dma_start3A_133 : memref<1x128xi32, #tpu.memory_space<vmem>> -> memref<128xi32, #tpu.memory_space<vmem>>
      %dma_start3A_135 = tpu.memref_slice %arg2[%dma_start3A_125, %add3A_124] : memref<2x320000xi32, #tpu.memory_space<hbm>> -> memref<1x128xi32, #tpu.memory_space<hbm>>
      %dma_start3A_136 = tpu.memref_squeeze %dma_start3A_135 : memref<1x128xi32, #tpu.memory_space<hbm>> -> memref<128xi32, #tpu.memory_space<hbm>>
      tpu.enqueue_dma source(%dma_start3A_136 : memref<128xi32, #tpu.memory_space<hbm>>) target(%dma_start3A_134 : memref<128xi32, #tpu.memory_space<vmem>>) target_semaphore(%arg11 : memref<!tpu.dma_semaphore, #tpu.memory_space<semaphore_mem>>)
      %add3A_137 = arith.constant 1248 : i32
      %add3A_138 = arith.addi %add3A_137, %add3A : i32
      %mul3A_139 = arith.constant 2 : i32
      %mul3A_140 = arith.muli %add3A_138, %mul3A_139 : i32
      %mul3A_141 = arith.constant 128 : i32
      %mul3A_142 = arith.muli %mul3A_140, %mul3A_141 : i32
      %dma_wait3A_143 = arith.constant 1 : i32
      %dma_wait3A_144 = arith.constant 0 : i32
      %dma_wait3A_145 = arith.constant 0 : i32
      %dma_wait3A_146 = tpu.memref_slice %arg7[%dma_wait3A_144, %dma_wait3A_145] : memref<2x128xi32, #tpu.memory_space<vmem>> -> memref<1x128xi32, #tpu.memory_space<vmem>>
      %dma_wait3A_147 = tpu.memref_squeeze %dma_wait3A_146 : memref<1x128xi32, #tpu.memory_space<vmem>> -> memref<128xi32, #tpu.memory_space<vmem>>
      %dma_wait3A_148 = tpu.memref_slice %arg2[%dma_wait3A_143, %mul3A_142] : memref<2x320000xi32, #tpu.memory_space<hbm>> -> memref<1x128xi32, #tpu.memory_space<hbm>>
      %dma_wait3A_149 = tpu.memref_squeeze %dma_wait3A_148 : memref<1x128xi32, #tpu.memory_space<hbm>> -> memref<128xi32, #tpu.memory_space<hbm>>
      %dma_wait3A_150 = arith.constant 0 : i32
      %dma_wait3A_151 = tpu.memref_slice %arg7[%dma_wait3A_144, %dma_wait3A_150] : memref<2x128xi32, #tpu.memory_space<vmem>> -> memref<1x128xi32, #tpu.memory_space<vmem>>
      %dma_wait3A_152 = tpu.memref_squeeze %dma_wait3A_151 : memref<1x128xi32, #tpu.memory_space<vmem>> -> memref<128xi32, #tpu.memory_space<vmem>>
      %dma_wait3A_153 = tpu.memref_slice %arg2[%dma_wait3A_143, %mul3A_142] : memref<2x320000xi32, #tpu.memory_space<hbm>> -> memref<1x128xi32, #tpu.memory_space<hbm>>
      %dma_wait3A_154 = tpu.memref_squeeze %dma_wait3A_153 : memref<1x128xi32, #tpu.memory_space<hbm>> -> memref<128xi32, #tpu.memory_space<hbm>>
      tpu.wait_dma2 semaphore(%arg11 : memref<!tpu.dma_semaphore, #tpu.memory_space<semaphore_mem>>) src(%dma_wait3A_154 : memref<128xi32, #tpu.memory_space<hbm>>) dst(%dma_wait3A_152 : memref<128xi32, #tpu.memory_space<vmem>>)
      %mul3A_155 = arith.constant 2 : i32
      %mul3A_156 = arith.muli %add3A_138, %mul3A_155 : i32
      %mul3A_157 = arith.constant 128 : i32
      %mul3A_158 = arith.muli %mul3A_156, %mul3A_157 : i32
      %dma_wait3A_159 = arith.constant 1 : i32
      %dma_wait3A_160 = arith.constant 1 : i32
      %dma_wait3A_161 = arith.constant 0 : i32
      %dma_wait3A_162 = tpu.memref_slice %arg7[%dma_wait3A_160, %dma_wait3A_161] : memref<2x128xi32, #tpu.memory_space<vmem>> -> memref<1x128xi32, #tpu.memory_space<vmem>>
      %dma_wait3A_163 = tpu.memref_squeeze %dma_wait3A_162 : memref<1x128xi32, #tpu.memory_space<vmem>> -> memref<128xi32, #tpu.memory_space<vmem>>
      %dma_wait3A_164 = tpu.memref_slice %arg2[%dma_wait3A_159, %mul3A_158] : memref<2x320000xi32, #tpu.memory_space<hbm>> -> memref<1x128xi32, #tpu.memory_space<hbm>>
      %dma_wait3A_165 = tpu.memref_squeeze %dma_wait3A_164 : memref<1x128xi32, #tpu.memory_space<hbm>> -> memref<128xi32, #tpu.memory_space<hbm>>
      %dma_wait3A_166 = arith.constant 0 : i32
      %dma_wait3A_167 = tpu.memref_slice %arg7[%dma_wait3A_160, %dma_wait3A_166] : memref<2x128xi32, #tpu.memory_space<vmem>> -> memref<1x128xi32, #tpu.memory_space<vmem>>
      %dma_wait3A_168 = tpu.memref_squeeze %dma_wait3A_167 : memref<1x128xi32, #tpu.memory_space<vmem>> -> memref<128xi32, #tpu.memory_space<vmem>>
      %dma_wait3A_169 = tpu.memref_slice %arg2[%dma_wait3A_159, %mul3A_158] : memref<2x320000xi32, #tpu.memory_space<hbm>> -> memref<1x128xi32, #tpu.memory_space<hbm>>
      %dma_wait3A_170 = tpu.memref_squeeze %dma_wait3A_169 : memref<1x128xi32, #tpu.memory_space<hbm>> -> memref<128xi32, #tpu.memory_space<hbm>>
      tpu.wait_dma2 semaphore(%arg11 : memref<!tpu.dma_semaphore, #tpu.memory_space<semaphore_mem>>) src(%dma_wait3A_170 : memref<128xi32, #tpu.memory_space<hbm>>) dst(%dma_wait3A_168 : memref<128xi32, #tpu.memory_space<vmem>>)
      %run_scoped3A_171 = arith.constant 0 : i32
      "tpu.region"() ({
        %run_scoped3A_173 = tpu.sem_alloc : memref<!tpu.dma_semaphore, #tpu.memory_space<semaphore_mem>>
        %dma_start3A_174 = arith.constant 0 : i32
        %dma_start3A_175 = tpu.memref_slice %arg7[%run_scoped3A_171, %dma_start3A_174] : memref<2x128xi32, #tpu.memory_space<vmem>> -> memref<1x128xi32, #tpu.memory_space<vmem>>
        %dma_start3A_176 = tpu.memref_squeeze %dma_start3A_175 : memref<1x128xi32, #tpu.memory_space<vmem>> -> memref<128xi32, #tpu.memory_space<vmem>>
        %dma_start3A_177 = arith.constant 0 : i32
        %dma_start3A_178 = arith.constant 0 : i32
        %dma_start3A_179 = tpu.memref_slice %arg10[%dma_start3A_177, %dma_start3A_178] : memref<10112x128xf32, #tpu.memory_space<vmem_shared>> -> memref<10112x128xf32, #tpu.memory_space<vmem_shared>>
        tpu.enqueue_indirect_dma source(%arg8 : memref<128x128xf32, #tpu.memory_space<vmem>>) target(%dma_start3A_179 : memref<10112x128xf32, #tpu.memory_space<vmem_shared>>) offsets(%dma_start3A_176 : memref<128xi32, #tpu.memory_space<vmem>>) semaphore(%run_scoped3A_173 : memref<!tpu.dma_semaphore, #tpu.memory_space<semaphore_mem>>) {add = true}
        %dma_wait3A_180 = arith.constant 0 : i32
        %dma_wait3A_181 = tpu.memref_slice %arg7[%run_scoped3A_171, %dma_wait3A_180] : memref<2x128xi32, #tpu.memory_space<vmem>> -> memref<1x128xi32, #tpu.memory_space<vmem>>
        %dma_wait3A_182 = tpu.memref_squeeze %dma_wait3A_181 : memref<1x128xi32, #tpu.memory_space<vmem>> -> memref<128xi32, #tpu.memory_space<vmem>>
        %dma_wait3A_183 = arith.constant 0 : i32
        %dma_wait3A_184 = arith.constant 0 : i32
        %dma_wait3A_185 = tpu.memref_slice %arg10[%dma_wait3A_183, %dma_wait3A_184] : memref<10112x128xf32, #tpu.memory_space<vmem_shared>> -> memref<10112x128xf32, #tpu.memory_space<vmem_shared>>
        tpu.wait_indirect_dma semaphore(%run_scoped3A_173 : memref<!tpu.dma_semaphore, #tpu.memory_space<semaphore_mem>>) src(%arg8 : memref<128x128xf32, #tpu.memory_space<vmem>>) dst(%dma_wait3A_185 : memref<10112x128xf32, #tpu.memory_space<vmem_shared>>)
        tpu.yield
      }) : () -> ()
      %run_scoped3A_172 = arith.constant 1 : i32
      "tpu.region"() ({
        %run_scoped3A_173 = tpu.sem_alloc : memref<!tpu.dma_semaphore, #tpu.memory_space<semaphore_mem>>
        %dma_start3A_174 = arith.constant 0 : i32
        %dma_start3A_175 = tpu.memref_slice %arg7[%run_scoped3A_172, %dma_start3A_174] : memref<2x128xi32, #tpu.memory_space<vmem>> -> memref<1x128xi32, #tpu.memory_space<vmem>>
        %dma_start3A_176 = tpu.memref_squeeze %dma_start3A_175 : memref<1x128xi32, #tpu.memory_space<vmem>> -> memref<128xi32, #tpu.memory_space<vmem>>
        %dma_start3A_177 = arith.constant 0 : i32
        %dma_start3A_178 = arith.constant 0 : i32
        %dma_start3A_179 = tpu.memref_slice %arg10[%dma_start3A_177, %dma_start3A_178] : memref<10112x128xf32, #tpu.memory_space<vmem_shared>> -> memref<10112x128xf32, #tpu.memory_space<vmem_shared>>
        tpu.enqueue_indirect_dma source(%arg8 : memref<128x128xf32, #tpu.memory_space<vmem>>) target(%dma_start3A_179 : memref<10112x128xf32, #tpu.memory_space<vmem_shared>>) offsets(%dma_start3A_176 : memref<128xi32, #tpu.memory_space<vmem>>) semaphore(%run_scoped3A_173 : memref<!tpu.dma_semaphore, #tpu.memory_space<semaphore_mem>>) {add = true}
        %dma_wait3A_180 = arith.constant 0 : i32
        %dma_wait3A_181 = tpu.memref_slice %arg7[%run_scoped3A_172, %dma_wait3A_180] : memref<2x128xi32, #tpu.memory_space<vmem>> -> memref<1x128xi32, #tpu.memory_space<vmem>>
        %dma_wait3A_182 = tpu.memref_squeeze %dma_wait3A_181 : memref<1x128xi32, #tpu.memory_space<vmem>> -> memref<128xi32, #tpu.memory_space<vmem>>
        %dma_wait3A_183 = arith.constant 0 : i32
        %dma_wait3A_184 = arith.constant 0 : i32
        %dma_wait3A_185 = tpu.memref_slice %arg10[%dma_wait3A_183, %dma_wait3A_184] : memref<10112x128xf32, #tpu.memory_space<vmem_shared>> -> memref<10112x128xf32, #tpu.memory_space<vmem_shared>>
        tpu.wait_indirect_dma semaphore(%run_scoped3A_173 : memref<!tpu.dma_semaphore, #tpu.memory_space<semaphore_mem>>) src(%arg8 : memref<128x128xf32, #tpu.memory_space<vmem>>) dst(%dma_wait3A_185 : memref<10112x128xf32, #tpu.memory_space<vmem_shared>>)
        tpu.yield
      }) : () -> ()
    } else {
    }
    %barrier3A_96 = arith.constant 0 : index
    tpu.barrier barrier_id(%barrier3A_96)
    %mul3A_97 = arith.constant 632 : i32
    %mul3A_98 = arith.muli %arg1, %mul3A_97 : i32
    %mul3A_99 = arith.constant 632 : i32
    %mul3A_100 = arith.muli %arg1, %mul3A_99 : i32
    "tpu.region"() ({
      %run_scoped3A_101 = tpu.sem_alloc : memref<!tpu.dma_semaphore, #tpu.memory_space<semaphore_mem>>
      %dma_start3A_102 = arith.constant 0 : i32
      %dma_start3A_103 = tpu.memref_slice %arg5[%arg0, %mul3A_100, %dma_start3A_102] : memref<2x10112x128xf32, #tpu.memory_space<hbm>> -> memref<1x632x128xf32, #tpu.memory_space<hbm>>
      %dma_start3A_104 = tpu.memref_squeeze %dma_start3A_103 : memref<1x632x128xf32, #tpu.memory_space<hbm>> -> memref<632x128xf32, #tpu.memory_space<hbm>>
      %dma_start3A_105 = arith.constant 0 : i32
      %dma_start3A_106 = tpu.memref_slice %arg10[%mul3A_98, %dma_start3A_105] : memref<10112x128xf32, #tpu.memory_space<vmem_shared>> -> memref<632x128xf32, #tpu.memory_space<vmem_shared>>
      tpu.enqueue_dma source(%dma_start3A_106 : memref<632x128xf32, #tpu.memory_space<vmem_shared>>) target(%dma_start3A_104 : memref<632x128xf32, #tpu.memory_space<hbm>>) target_semaphore(%run_scoped3A_101 : memref<!tpu.dma_semaphore, #tpu.memory_space<semaphore_mem>>)
      %dma_wait3A_107 = arith.constant 0 : i32
      %dma_wait3A_108 = tpu.memref_slice %arg5[%arg0, %mul3A_100, %dma_wait3A_107] : memref<2x10112x128xf32, #tpu.memory_space<hbm>> -> memref<1x632x128xf32, #tpu.memory_space<hbm>>
      %dma_wait3A_109 = tpu.memref_squeeze %dma_wait3A_108 : memref<1x632x128xf32, #tpu.memory_space<hbm>> -> memref<632x128xf32, #tpu.memory_space<hbm>>
      %dma_wait3A_110 = arith.constant 0 : i32
      %dma_wait3A_111 = tpu.memref_slice %arg10[%mul3A_98, %dma_wait3A_110] : memref<10112x128xf32, #tpu.memory_space<vmem_shared>> -> memref<632x128xf32, #tpu.memory_space<vmem_shared>>
      tpu.wait_dma2 semaphore(%run_scoped3A_101 : memref<!tpu.dma_semaphore, #tpu.memory_space<semaphore_mem>>) src(%dma_wait3A_111 : memref<632x128xf32, #tpu.memory_space<vmem_shared>>) dst(%dma_wait3A_109 : memref<632x128xf32, #tpu.memory_space<hbm>>)
      tpu.yield
    }) : () -> ()
    return
  }
}

module attributes {stable_mosaic.version = 14 : i64} {
  func.func @_final_body(%arg0: i32, %arg1: memref<2x5000x128xf32, #tpu.memory_space<vmem>>, %arg2: memref<5000x128xf32, #tpu.memory_space<vmem>>, %arg3: memref<5000x128xf32, #tpu.memory_space<vmem>>, %arg4: memref<128xf32, #tpu.memory_space<vmem>>, %arg5: memref<5000x128xf32, #tpu.memory_space<vmem>>) attributes {dimension_semantics = [#tpu.dimension_semantics<arbitrary>], iteration_bounds = array<i64: 2>, scalar_prefetch = 0 : i64, scratch_operands = 0 : i64, tpu.core_type = #tpu.core_type<tc>, window_params = [{transform_indices = @transform_0, window_bounds = array<i64: 2, 5000, 128>}, {transform_indices = @transform_1, window_bounds = array<i64: 5000, 128>}, {transform_indices = @transform_2, window_bounds = array<i64: 5000, 128>}, {pipeline_mode = #tpu.pipeline_mode<synchronous>, transform_indices = @transform_3, window_bounds = array<i64: 128>}, {transform_indices = @transform_4, window_bounds = array<i64: 5000, 128>}]} {
    %get3A = arith.constant 0 : index
    %get3A_0 = arith.constant 0 : index
    %get3A_1 = vector.load %arg3[%get3A, %get3A_0] : memref<5000x128xf32, #tpu.memory_space<vmem>>, vector<5000x128xf32>
    %get3A_2 = arith.constant 0 : index
    %get3A_3 = arith.constant 0 : index
    %get3A_4 = arith.constant 0 : index
    %get3A_5 = vector.load %arg1[%get3A_2, %get3A_3, %get3A_4] : memref<2x5000x128xf32, #tpu.memory_space<vmem>>, vector<1x5000x128xf32>
    %get3A_6 = vector.shape_cast %get3A_5 : vector<1x5000x128xf32> to vector<5000x128xf32>
    %get3A_7 = arith.constant 1 : index
    %get3A_8 = arith.constant 0 : index
    %get3A_9 = arith.constant 0 : index
    %get3A_10 = vector.load %arg1[%get3A_7, %get3A_8, %get3A_9] : memref<2x5000x128xf32, #tpu.memory_space<vmem>>, vector<1x5000x128xf32>
    %get3A_11 = vector.shape_cast %get3A_10 : vector<1x5000x128xf32> to vector<5000x128xf32>
    %add3A = arith.addf %get3A_6, %get3A_11 : vector<5000x128xf32>
    %get3A_12 = arith.constant 0 : index
    %get3A_13 = arith.constant 0 : index
    %get3A_14 = vector.load %arg2[%get3A_12, %get3A_13] : memref<5000x128xf32, #tpu.memory_space<vmem>>, vector<5000x128xf32>
    %add3A_15 = arith.addf %add3A, %get3A_14 : vector<5000x128xf32>
    %mul3A = arith.mulf %get3A_1, %add3A_15 : vector<5000x128xf32>
    %get3A_16 = arith.constant 0 : index
    %get3A_17 = vector.load %arg4[%get3A_16] : memref<128xf32, #tpu.memory_space<vmem>>, vector<128xf32>
    %broadcast_in_dim3A = vector.shape_cast %get3A_17 : vector<128xf32> to vector<1x128xf32>
    %add3A_18 = vector.broadcast %broadcast_in_dim3A : vector<1x128xf32> to vector<5000x128xf32>
    %add3A_19 = arith.addf %mul3A, %add3A_18 : vector<5000x128xf32>
    %reduce_max3A = arith.constant dense<0xFF800000> : vector<5000xf32>
    %reduce_max3A_20 = vector.multi_reduction <maximumf>, %add3A_19, %reduce_max3A [1] : vector<5000x128xf32> to vector<5000xf32>
    %broadcast_in_dim3A_21 = vector.shape_cast %reduce_max3A_20 : vector<5000xf32> to vector<5000x1xf32>
    %sub3A = vector.broadcast %broadcast_in_dim3A_21 : vector<5000x1xf32> to vector<5000x128xf32>
    %sub3A_22 = arith.subf %add3A_19, %sub3A : vector<5000x128xf32>
    %exp3A = math.exp %sub3A_22 : vector<5000x128xf32>
    %reduce_sum3A = arith.constant dense<0.000000e+00> : vector<5000xf32>
    %reduce_sum3A_23 = vector.multi_reduction <add>, %exp3A, %reduce_sum3A [1] : vector<5000x128xf32> to vector<5000xf32>
    %broadcast_in_dim3A_24 = vector.shape_cast %reduce_sum3A_23 : vector<5000xf32> to vector<5000x1xf32>
    %log3A = math.log %broadcast_in_dim3A_24 : vector<5000x1xf32>
    %sub3A_25 = vector.broadcast %log3A : vector<5000x1xf32> to vector<5000x128xf32>
    %sub3A_26 = arith.subf %sub3A_22, %sub3A_25 : vector<5000x128xf32>
    %swap3A = arith.constant 0 : index
    %swap3A_27 = arith.constant 0 : index
    %swap3A_28 = vector.load %arg5[%swap3A, %swap3A_27] : memref<5000x128xf32, #tpu.memory_space<vmem>>, vector<5000x128xf32>
    tpu.vector_store %arg5[%swap3A, %swap3A_27], %sub3A_26 {strides = array<i32>} : memref<5000x128xf32, #tpu.memory_space<vmem>>, vector<5000x128xf32>,
    return
  }
  func.func @transform_0(%arg0: i32) -> (i32, i32, i32) {
    %c0_i32 = arith.constant 0 : i32
    %c0_i32_0 = arith.constant 0 : i32
    %c0_i32_1 = arith.constant 0 : i32
    return %c0_i32, %arg0, %c0_i32_0 : i32, i32, i32
  }
  func.func @transform_1(%arg0: i32) -> (i32, i32) {
    %c0_i32 = arith.constant 0 : i32
    %c0_i32_0 = arith.constant 0 : i32
    return %arg0, %c0_i32 : i32, i32
  }
  func.func @transform_2(%arg0: i32) -> (i32, i32) {
    %c0_i32 = arith.constant 0 : i32
    %c0_i32_0 = arith.constant 0 : i32
    return %arg0, %c0_i32 : i32, i32
  }
  func.func @transform_3(%arg0: i32) -> i32 {
    %c0_i32 = arith.constant 0 : i32
    %c0_i32_0 = arith.constant 0 : i32
    return %c0_i32 : i32
  }
  func.func @transform_4(%arg0: i32) -> (i32, i32) {
    %c0_i32 = arith.constant 0 : i32
    %c0_i32_0 = arith.constant 0 : i32
    return %arg0, %c0_i32 : i32, i32
  }
}

module attributes {stable_mosaic.version = 14 : i64} {
  func.func @_dinv_mm_body(%arg0: i32, %arg1: memref<2x5000x128xf32, #tpu.memory_space<vmem>>, %arg2: memref<5000x128xf32, #tpu.memory_space<vmem>>, %arg3: memref<128x128xf32, #tpu.memory_space<vmem>>, %arg4: memref<5000x128xf32, #tpu.memory_space<vmem>>, %arg5: memref<5000x128xf32, #tpu.memory_space<vmem>>) attributes {dimension_semantics = [#tpu.dimension_semantics<arbitrary>], iteration_bounds = array<i64: 2>, scalar_prefetch = 0 : i64, scratch_operands = 0 : i64, tpu.core_type = #tpu.core_type<tc>, window_params = [{transform_indices = @transform_0, window_bounds = array<i64: 2, 5000, 128>}, {transform_indices = @transform_1, window_bounds = array<i64: 5000, 128>}, {pipeline_mode = #tpu.pipeline_mode<synchronous>, transform_indices = @transform_2, window_bounds = array<i64: 128, 128>}, {transform_indices = @transform_3, window_bounds = array<i64: 5000, 128>}, {transform_indices = @transform_4, window_bounds = array<i64: 5000, 128>}]} {
    %get3A = arith.constant 0 : index
    %get3A_0 = arith.constant 0 : index
    %get3A_1 = arith.constant 0 : index
    %get3A_2 = vector.load %arg1[%get3A, %get3A_0, %get3A_1] : memref<2x5000x128xf32, #tpu.memory_space<vmem>>, vector<2x5000x128xf32>
    %slice3A = vector.extract_strided_slice %get3A_2 {offsets = [0, 0, 0], sizes = [1, 5000, 1], strides = [1, 1, 1]} : vector<2x5000x128xf32> to vector<1x5000x1xf32>
    %squeeze3A = vector.shape_cast %slice3A : vector<1x5000x1xf32> to vector<5000x1xf32>
    %slice3A_3 = vector.extract_strided_slice %get3A_2 {offsets = [1, 0, 0], sizes = [1, 5000, 1], strides = [1, 1, 1]} : vector<2x5000x128xf32> to vector<1x5000x1xf32>
    %squeeze3A_4 = vector.shape_cast %slice3A_3 : vector<1x5000x1xf32> to vector<5000x1xf32>
    %add3A = arith.addf %squeeze3A, %squeeze3A_4 : vector<5000x1xf32>
    %add3A_5 = arith.constant 1.000000e+00 : f32
    %add3A_6 = vector.broadcast %add3A_5 : f32 to vector<5000x1xf32>
    %add3A_7 = arith.addf %add3A, %add3A_6 : vector<5000x1xf32>
    %rsqrt3A = math.rsqrt %add3A_7 : vector<5000x1xf32>
    %broadcast_in_dim3A = vector.shape_cast %rsqrt3A : vector<5000x1xf32> to vector<5000x1xf32>
    %broadcast_in_dim3A_8 = vector.broadcast %broadcast_in_dim3A : vector<5000x1xf32> to vector<5000x128xf32>
    %get3A_9 = arith.constant 0 : index
    %get3A_10 = arith.constant 0 : index
    %get3A_11 = vector.load %arg2[%get3A_9, %get3A_10] : memref<5000x128xf32, #tpu.memory_space<vmem>>, vector<5000x128xf32>
    %get3A_12 = arith.constant 0 : index
    %get3A_13 = arith.constant 0 : index
    %get3A_14 = vector.load %arg3[%get3A_12, %get3A_13] : memref<128x128xf32, #tpu.memory_space<vmem>>, vector<128x128xf32>
    %dot_general3A = arith.constant dense<0.000000e+00> : vector<5000x128xf32>
    %dot_general3A_15 = tpu.matmul %get3A_11, %get3A_14, %dot_general3A {dimension_numbers = #tpu.dot_dimension_numbers<[1], [0], [0], [1], [0, 0, 1, 1], [], []>, transpose_lhs_hint = false} : vector<5000x128xf32>, vector<128x128xf32>, vector<5000x128xf32> -> vector<5000x128xf32>
    %mul3A = arith.mulf %dot_general3A_15, %broadcast_in_dim3A_8 : vector<5000x128xf32>
    %swap3A = arith.constant 0 : index
    %swap3A_16 = arith.constant 0 : index
    %swap3A_17 = vector.load %arg4[%swap3A, %swap3A_16] : memref<5000x128xf32, #tpu.memory_space<vmem>>, vector<5000x128xf32>
    tpu.vector_store %arg4[%swap3A, %swap3A_16], %mul3A {strides = array<i32>} : memref<5000x128xf32, #tpu.memory_space<vmem>>, vector<5000x128xf32>,
    %swap3A_18 = arith.constant 0 : index
    %swap3A_19 = arith.constant 0 : index
    %swap3A_20 = vector.load %arg5[%swap3A_18, %swap3A_19] : memref<5000x128xf32, #tpu.memory_space<vmem>>, vector<5000x128xf32>
    tpu.vector_store %arg5[%swap3A_18, %swap3A_19], %broadcast_in_dim3A_8 {strides = array<i32>} : memref<5000x128xf32, #tpu.memory_space<vmem>>, vector<5000x128xf32>,
    return
  }
  func.func @transform_0(%arg0: i32) -> (i32, i32, i32) {
    %c0_i32 = arith.constant 0 : i32
    %c0_i32_0 = arith.constant 0 : i32
    %c0_i32_1 = arith.constant 0 : i32
    return %c0_i32, %arg0, %c0_i32_0 : i32, i32, i32
  }
  func.func @transform_1(%arg0: i32) -> (i32, i32) {
    %c0_i32 = arith.constant 0 : i32
    %c0_i32_0 = arith.constant 0 : i32
    return %arg0, %c0_i32 : i32, i32
  }
  func.func @transform_2(%arg0: i32) -> (i32, i32) {
    %c0_i32 = arith.constant 0 : i32
    %c0_i32_0 = arith.constant 0 : i32
    %c0_i32_1 = arith.constant 0 : i32
    return %c0_i32, %c0_i32_0 : i32, i32
  }
  func.func @transform_3(%arg0: i32) -> (i32, i32) {
    %c0_i32 = arith.constant 0 : i32
    %c0_i32_0 = arith.constant 0 : i32
    return %arg0, %c0_i32 : i32, i32
  }
  func.func @transform_4(%arg0: i32) -> (i32, i32) {
    %c0_i32 = arith.constant 0 : i32
    %c0_i32_0 = arith.constant 0 : i32
    return %arg0, %c0_i32 : i32, i32
  }
}

module attributes {stable_mosaic.version = 14 : i64} {
  func.func @_layer2_body(%arg0: i32, %arg1: memref<2x5000x128xf32, #tpu.memory_space<vmem>>, %arg2: memref<5000x128xf32, #tpu.memory_space<vmem>>, %arg3: memref<5000x128xf32, #tpu.memory_space<vmem>>, %arg4: memref<128xf32, #tpu.memory_space<vmem>>, %arg5: memref<128x128xf32, #tpu.memory_space<vmem>>, %arg6: memref<5000x128xf32, #tpu.memory_space<vmem>>) attributes {dimension_semantics = [#tpu.dimension_semantics<arbitrary>], iteration_bounds = array<i64: 2>, scalar_prefetch = 0 : i64, scratch_operands = 0 : i64, tpu.core_type = #tpu.core_type<tc>, window_params = [{transform_indices = @transform_0, window_bounds = array<i64: 2, 5000, 128>}, {transform_indices = @transform_1, window_bounds = array<i64: 5000, 128>}, {transform_indices = @transform_2, window_bounds = array<i64: 5000, 128>}, {pipeline_mode = #tpu.pipeline_mode<synchronous>, transform_indices = @transform_3, window_bounds = array<i64: 128>}, {pipeline_mode = #tpu.pipeline_mode<synchronous>, transform_indices = @transform_4, window_bounds = array<i64: 128, 128>}, {transform_indices = @transform_5, window_bounds = array<i64: 5000, 128>}]} {
    %get3A = arith.constant 0 : index
    %get3A_0 = arith.constant 0 : index
    %get3A_1 = arith.constant 0 : index
    %get3A_2 = vector.load %arg1[%get3A, %get3A_0, %get3A_1] : memref<2x5000x128xf32, #tpu.memory_space<vmem>>, vector<1x5000x128xf32>
    %get3A_3 = vector.shape_cast %get3A_2 : vector<1x5000x128xf32> to vector<5000x128xf32>
    %get3A_4 = arith.constant 1 : index
    %get3A_5 = arith.constant 0 : index
    %get3A_6 = arith.constant 0 : index
    %get3A_7 = vector.load %arg1[%get3A_4, %get3A_5, %get3A_6] : memref<2x5000x128xf32, #tpu.memory_space<vmem>>, vector<1x5000x128xf32>
    %get3A_8 = vector.shape_cast %get3A_7 : vector<1x5000x128xf32> to vector<5000x128xf32>
    %add3A = arith.addf %get3A_3, %get3A_8 : vector<5000x128xf32>
    %get3A_9 = arith.constant 0 : index
    %get3A_10 = arith.constant 0 : index
    %get3A_11 = vector.load %arg3[%get3A_9, %get3A_10] : memref<5000x128xf32, #tpu.memory_space<vmem>>, vector<5000x128xf32>
    %get3A_12 = arith.constant 0 : index
    %get3A_13 = arith.constant 0 : index
    %get3A_14 = vector.load %arg2[%get3A_12, %get3A_13] : memref<5000x128xf32, #tpu.memory_space<vmem>>, vector<5000x128xf32>
    %add3A_15 = arith.addf %add3A, %get3A_14 : vector<5000x128xf32>
    %mul3A = arith.mulf %get3A_11, %add3A_15 : vector<5000x128xf32>
    %get3A_16 = arith.constant 0 : index
    %get3A_17 = vector.load %arg4[%get3A_16] : memref<128xf32, #tpu.memory_space<vmem>>, vector<128xf32>
    %broadcast_in_dim3A = vector.shape_cast %get3A_17 : vector<128xf32> to vector<1x128xf32>
    %add3A_18 = vector.broadcast %broadcast_in_dim3A : vector<1x128xf32> to vector<5000x128xf32>
    %add3A_19 = arith.addf %mul3A, %add3A_18 : vector<5000x128xf32>
    %max3A = arith.constant 0.000000e+00 : f32
    %max3A_20 = vector.broadcast %max3A : f32 to vector<5000x128xf32>
    %max3A_21 = arith.maximumf %add3A_19, %max3A_20 : vector<5000x128xf32>
    %get3A_22 = arith.constant 0 : index
    %get3A_23 = arith.constant 0 : index
    %get3A_24 = vector.load %arg5[%get3A_22, %get3A_23] : memref<128x128xf32, #tpu.memory_space<vmem>>, vector<128x128xf32>
    %dot_general3A = arith.constant dense<0.000000e+00> : vector<5000x128xf32>
    %dot_general3A_25 = tpu.matmul %max3A_21, %get3A_24, %dot_general3A {dimension_numbers = #tpu.dot_dimension_numbers<[1], [0], [0], [1], [0, 0, 1, 1], [], []>, transpose_lhs_hint = false} : vector<5000x128xf32>, vector<128x128xf32>, vector<5000x128xf32> -> vector<5000x128xf32>
    %get3A_26 = arith.constant 0 : index
    %get3A_27 = arith.constant 0 : index
    %get3A_28 = vector.load %arg3[%get3A_26, %get3A_27] : memref<5000x128xf32, #tpu.memory_space<vmem>>, vector<5000x128xf32>
    %mul3A_29 = arith.mulf %dot_general3A_25, %get3A_28 : vector<5000x128xf32>
    %swap3A = arith.constant 0 : index
    %swap3A_30 = arith.constant 0 : index
    %swap3A_31 = vector.load %arg6[%swap3A, %swap3A_30] : memref<5000x128xf32, #tpu.memory_space<vmem>>, vector<5000x128xf32>
    tpu.vector_store %arg6[%swap3A, %swap3A_30], %mul3A_29 {strides = array<i32>} : memref<5000x128xf32, #tpu.memory_space<vmem>>, vector<5000x128xf32>,
    return
  }
  func.func @transform_0(%arg0: i32) -> (i32, i32, i32) {
    %c0_i32 = arith.constant 0 : i32
    %c0_i32_0 = arith.constant 0 : i32
    %c0_i32_1 = arith.constant 0 : i32
    return %c0_i32, %arg0, %c0_i32_0 : i32, i32, i32
  }
  func.func @transform_1(%arg0: i32) -> (i32, i32) {
    %c0_i32 = arith.constant 0 : i32
    %c0_i32_0 = arith.constant 0 : i32
    return %arg0, %c0_i32 : i32, i32
  }
  func.func @transform_2(%arg0: i32) -> (i32, i32) {
    %c0_i32 = arith.constant 0 : i32
    %c0_i32_0 = arith.constant 0 : i32
    return %arg0, %c0_i32 : i32, i32
  }
  func.func @transform_3(%arg0: i32) -> i32 {
    %c0_i32 = arith.constant 0 : i32
    %c0_i32_0 = arith.constant 0 : i32
    return %c0_i32 : i32
  }
  func.func @transform_4(%arg0: i32) -> (i32, i32) {
    %c0_i32 = arith.constant 0 : i32
    %c0_i32_0 = arith.constant 0 : i32
    %c0_i32_1 = arith.constant 0 : i32
    return %c0_i32, %c0_i32_0 : i32, i32
  }
  func.func @transform_5(%arg0: i32) -> (i32, i32) {
    %c0_i32 = arith.constant 0 : i32
    %c0_i32_0 = arith.constant 0 : i32
    return %arg0, %c0_i32 : i32, i32
  }
}

</mosaic_0001>

<sc_bundles>
// kernel: kernel.11.cloned.1.call-start
scs
__scs_entry_jumppad:
0x0: {  	(pc) =	sbr.rel $0x88, $3  }
0x1: {  	(tag) =	ssettag $0x0;
	lr =	simm.s32 $0x1  }
0x2: {  	[smem:$0x3F9B] =	sst lr;
	_ =	strace $0xD0000000  }
0x3: {  	_ = 	snop  }
0x4: {  	_ = 	snop  }
0x5: {  	_ = 	snop  }
0x6: {  	_ = 	snop  }
0x7: {  	_ = 	snop  }
__scs_overlays_trampoline_lowered:
0x8: {  	[smem:$0x3FAA] =	sst s0  }
0x9: {  	[smem:$0x3FAB] =	sst s1  }
0xa: {  	[smem:$0x3FAC] =	sst s2  }
0xb: {  	[smem:$0x3FAD] =	sst s3  }
0xc: {  	[smem:$0x3FAE] =	sst s4  }
0xd: {  	[smem:$0x3FAF] =	sst s5  }
0xe: {  	[smem:$0x3FB0] =	sst s6  }
0xf: {  	[smem:$0x3FB1] =	sst s7  }
0x10: {  	[smem:$0x3FB2] =	sst s8  }
0x11: {  	[smem:$0x3FB3] =	sst s9;
	s0 =	simm.s32 @!p0 $0x0  }
0x12: {  	s1 =	sld [smem:$0x3F99];
	s0 =	simm.s32 @p0 $0x1  }
0x13: {  	[smem:$0x3FB4] =	sst s0;
	s0 =	simm.s32 @!p1 $0x0  }
0x14: {  	s2 =	sld [smem:$0x3F98];
	s0 =	simm.s32 @p1 $0x1  }
0x15: {  	[smem:$0x3FB5] =	sst s0;
	s0 =	simm.s32 @!p2 $0x0  }
0x16: {  	s3 =	sld [smem:$0x3FDB];
	s0 =	simm.s32 @p2 $0x1  }
0x17: {  	s4 =	simm.s32 $0x1BF5;
	[smem:$0x3FB7] =	sst s0  }
0x18: {  	s0 =	sld [smem:$0x3F9A];
	_ =	swait.ge [sflag:s4], $0x0  }
0x19: {  	s7 =	sld [smem:$0x3F9B]  }
0x1a: {  	s8 =	sadd.s32 $0xFFFFE003, lr  }
0x1b: {  	s9 =	sadd.s32 $0xFFFFFEF7, lr;
	s5 =	simm.s32 $0xFFFFFFFF;
	p2 =	slt.u32 s8, $0xFFFFF086  }
0x1c: {  	p1 =	slt.u32 s9, $0xF7A;
	s5 =	simm.s32 @!p2 $0x0  }
0x1d: {  	s5 =	simm.s32 @p1 $0x1;
	p0 =	seq.s32 s7, s2  }
0x1e: {  	s7 =	smul.u32 @!p0 $0xF7A, s2;
	p2 =	seq.s32 @!p0 s5, $0x0  }
0x1f: {  	s9 =	smul.u32 $0xF7A, s1;
	s8 =	simm.s32 @!p0 $0x1BF5;
	p2 =	por !p2, p0  }
0x20: {  	[sflag:s8] =	ssyncset.s32 @!p0 $0xFFFFF086;
	s6 =	sadd.s32 @!p0 s3, s7;
	s7 =	simm.s32 @!p0 $0x108  }
0x21: {  	s3 =	sadd.s32 s3, s9;
	s6 =	sadd.s32 @!p0 $0x88, s6;
	s7 =	simm.s32 @p2 $0x1082  }
0x22: {  	[simem:s7], [sflag:s8] =	dma.local @!p0 [hbm:s6], $0xF7A  }
0x23: {  	s9 =	sor.u32 $0xD0000000, s2;
	s6 =	simm.s32 $0x108;
	_ =	swait.ge @!p0 [sflag:s8], $0x0  }
0x24: {  	s3 =	sadd.s32 $0x88, s3;
	s6 =	simm.s32 @!p1 $0x1082;
	[sflag:s4] =	ssyncset.s32 $0xFFFFF086  }
0x25: {  	[simem:s6], [sflag:s4] =	dma.local [hbm:s3], $0xF7A  }
0x26: {  	[smem:$0x3F9B] =	sst s1;
	(tag) =	ssettag s2;
	_ =	strace s9  }
0x27: {  	s1 =	sld [smem:$0x3FAB]  }
0x28: {  	s2 =	sld [smem:$0x3FAC]  }
0x29: {  	s4 =	sld [smem:$0x3FAE]  }
0x2a: {  	p0 =	seq.s32 s5, $0x0;
	s5 =	sld [smem:$0x3FAF]  }
0x2b: {  	s6 =	sld [smem:$0x3FB0]  }
0x2c: {  	s7 =	sld [smem:$0x3FB1]  }
0x2d: {  	s3 =	simm.s32 $0x108;
	s8 =	sld [smem:$0x3FB2]  }
0x2e: {  	s3 =	simm.s32 @!p0 $0x1082;
	s9 =	sld [smem:$0x3FB3]  }
0x2f: {  	lr =	sadd.s32 s0, s3;
	s0 =	sld [smem:$0x3FAA]  }
0x30: {  	s3 =	sld [smem:$0x3FAD]  }
0x31: {  	[smem:$0x3FB6] =	sst s10  }
0x32: {  	s10 =	sld [smem:$0x3FB4];
	_ =	sdelay $0x3  }
0x33: {  	p0 =	seq.s32 s10, $0x1;
	s10 =	sld [smem:$0x3FB6];
	_ =	sdelay $0x3  }
0x34: {  	[smem:$0x3FB6] =	sst s10  }
0x35: {  	s10 =	sld [smem:$0x3FB5];
	_ =	sdelay $0x3  }
0x36: {  	p1 =	seq.s32 s10, $0x1;
	s10 =	sld [smem:$0x3FB6];
	_ =	sdelay $0x3  }
0x37: {  	[smem:$0x3FB6] =	sst s10  }
0x38: {  	s10 =	sld [smem:$0x3FB7]  }
0x39: {  	_ = 	snop;
	(pc) =	sbr.ind lr, $3  }
0x3a: {  	_ = 	snop  }
0x3b: {  	_ = 	snop  }
0x3c: {  	p2 =	seq.s32 s10, $0x1;
	s10 =	sld [smem:$0x3FB6]  }
0x3d: {  	_ =	shalt  }
0x3e: {  	_ =	shalt  }
0x3f: {  	_ =	shalt  }
0x40: {  	_ =	shalt  }
0x41: {  	_ =	shalt  }
0x42: {  	_ =	shalt  }
0x43: {  	_ =	shalt  }
0x44: {  	_ =	shalt  }
0x45: {  	_ =	shalt  }
0x46: {  	_ =	shalt  }
0x47: {  	_ =	shalt  }
0x48: {  	_ =	shalt  }
0x49: {  	_ =	shalt  }
0x4a: {  	_ =	shalt  }
0x4b: {  	_ =	shalt  }
0x4c: {  	_ =	shalt  }
0x4d: {  	_ =	shalt  }
0x4e: {  	_ =	shalt  }
0x4f: {  	_ =	shalt  }
0x50: {  	_ =	shalt  }
0x51: {  	_ =	shalt  }
0x52: {  	_ =	shalt  }
0x53: {  	_ =	shalt  }
0x54: {  	_ =	shalt  }
0x55: {  	_ =	shalt  }
0x56: {  	_ =	shalt  }
0x57: {  	_ =	shalt  }
0x58: {  	_ =	shalt  }
0x59: {  	_ =	shalt  }
0x5a: {  	_ =	shalt  }
0x5b: {  	_ =	shalt  }
0x5c: {  	_ =	shalt  }
0x5d: {  	_ =	shalt  }
0x5e: {  	_ =	shalt  }
0x5f: {  	_ =	shalt  }
0x60: {  	_ =	shalt  }
0x61: {  	_ =	shalt  }
0x62: {  	_ =	shalt  }
0x63: {  	_ =	shalt  }
0x64: {  	_ =	shalt  }
0x65: {  	_ =	shalt  }
0x66: {  	_ =	shalt  }
0x67: {  	_ =	shalt  }
0x68: {  	_ =	shalt  }
0x69: {  	_ =	shalt  }
0x6a: {  	_ =	shalt  }
0x6b: {  	_ =	shalt  }
0x6c: {  	_ =	shalt  }
0x6d: {  	_ =	shalt  }
0x6e: {  	_ =	shalt  }
0x6f: {  	_ =	shalt  }
0x70: {  	_ =	shalt  }
0x71: {  	_ =	shalt  }
0x72: {  	_ =	shalt  }
0x73: {  	_ =	shalt  }
0x74: {  	_ =	shalt  }
0x75: {  	_ =	shalt  }
0x76: {  	_ =	shalt  }
0x77: {  	_ =	shalt  }
0x78: {  	_ =	shalt  }
0x79: {  	_ =	shalt  }
0x7a: {  	_ =	shalt  }
0x7b: {  	_ =	shalt  }
0x7c: {  	_ =	shalt  }
0x7d: {  	_ =	shalt  }
0x7e: {  	_ =	shalt  }
0x7f: {  	_ =	shalt  }
0x80: {  	_ =	shalt  }
0x81: {  	_ =	shalt  }
0x82: {  	_ =	shalt  }
0x83: {  	_ =	shalt  }
0x84: {  	_ =	shalt  }
0x85: {  	_ =	shalt  }
0x86: {  	_ =	shalt  }
0x87: {  	_ =	shalt  }
.Lfunc_end0:
.L_simem_size_0:
called_computation.1_lowered:
.L_overlay_start_0:
0x88: {  	s2 =	sld [smem:$0x3FD9]  }
0x89: {  	s3 =	sld [smem:$0x3FFE];
	_ =	sdelay $0x1  }
0x8a: {  	s1 =	srdreg.scid  }
0x8b: {  	s0 =	sand.u32 $0x1, s1  }
0x8c: {  	s17 =	sshll.u32 s0, $0xA;
	s2 =	sadd.s32 s3, s2  }
0x8d: {  	s2 =	sadd.s32 s2, s17  }
0x8e: {  	[smem:$0x3FC2] =	sst s2  }
0x8f: {  	_ = 	snop  }
0x90: {  	s2 =	sld [smem:$0x3FC8]  }
0x91: {  	s18 =	sld [smem:$0x3FD0];
	(tm) =	ssettm $0x1  }
0x92: {  	s4 =	sld [smem:$0x3FFB];
	_ =	sdelay $0x3  }
0x93: {  	_ =	strace s4  }
0x94: {  	s4 =	sld [smem:$0x3FFC];
	_ =	sdelay $0x3  }
0x95: {  	_ =	strace s4  }
0x96: {  	s4 =	sld [smem:$0x3FFD];
	_ =	sdelay $0x3  }
0x97: {  	_ =	strace s4  }
0x98: {  	_ =	strace $0x8FFFFFFF  }
0x99: {  	s19 =	sld [smem:$0x3FDB];
	_ =	sdelay $0x1  }
0x9a: {  	s5 =	simm.s32 $_scs_section_size  }
0x9b: {  	s6 =	simm.s32 $_size__tile_overlayer_lowered;
	s7 =	simm.s32 $_tile_overlayer_lowered  }
0x9c: {  	s22 =	simm.s32 $0x1BFF;
	s21 =	sshll.u32 s7, $0x1;
	s4 =	sadd.s32 s5, s19  }
0x9d: {  	s8 =	simm.s32 $0x0;
	s20 =	sshll.u32 s6, $0x1;
	s6 =	sadd.s32 s21, s4  }
0x9e: {  	[timem:s8], [sflag:s22] =	dma.local [hbm:s6], s20  }
0x9f: {  	_ =	swait.ge [sflag:s22], s20  }
0xa0: {  	s5 =	ssub.s32 $0x0, s20;
	[sflag:s22] =	ssyncset.done $0x0  }
0xa1: {  	[sflag:s22] =	ssyncadd.s32 s5;
	_ =	sdelay $0x1  }
0xa2: {  	s23 =	simm.s32 $0x1B8B  }
0xa3: {  	_ =	swait.ge [sflag:s23], $0x1  }
0xa4: {  	[sflag:s23] =	ssyncset.done $0x0  }
0xa5: {  	s25 =	simm.s32 $0x1B8E;
	s24 =	sld [smem:$0x3FFE];
	[sflag:s23] =	ssyncadd.s32 $0xFFFFFFFF  }
0xa6: {  	s26 =	simm.s32 $execute0_lowered;
	[smem:$0x3FD2] =	sst s25  }
0xa7: {  	s6 =	sshll.u32 s26, $0x1;
	_ =	strace $0x80000049;
	[dreg:$0x1] =	wrdreg $0xFFFFFFFF  }
0xa8: {  	s28 =	simm.s32 $_size_execute0_lowered;
	s4 =	sadd.s32 s4, s6;
	[dreg:$0x0] =	wrdreg $0x0  }
0xa9: {  	s6 =	sshll.u32 s28, $0x1;
	[dreg:$0x2] =	wrdreg s4  }
0xaa: {  	[dreg:$0x3] =	wrdreg s6  }
0xab: {  	[dreg:$0x4] =	wrdreg $0xC0  }
0xac: {  	_ =	task [dreg:s8], $0x5FFFF  }
0xad: {  	[dreg:$0x1] =	wrdreg $0xFFFFFFFF  }
0xae: {  	[dreg:$0x0] =	wrdreg $0x60  }
0xaf: {  	[dreg:$0x2] =	wrdreg s18  }
0xb0: {  	[dreg:$0x3] =	wrdreg s2  }
0xb1: {  	[dreg:$0x4] =	wrdreg s24  }
0xb2: {  	[dreg:$0x5] =	wrdreg $0xAC000  }
0xb3: {  	[dreg:$0x6] =	wrdreg $0x9  }
0xb4: {  	_ =	task.clear_ibuf [dreg:s8], $0x7FFFF;
	_ =	strace $0x90000049  }
0xb5: {  	s29 =	simm.s32 $0x9;
	_ =	strace $0x8000004B  }
0xb6: {  	_ =	swait.ge [sflag:s29], $0x1  }
0xb7: {  	[sflag:s29] =	ssyncadd.s32 $0xFFFFFFFF  }
0xb8: {  	_ =	strace $0x9000004B  }
0xb9: {  	_ =	sfence  }
0xba: {  	s30 =	sld [smem:$0x0];
	_ =	sdelay $0x2  }
0xbb: {  	s31 =	sshll.u32 s1, $0xD;
	s1 =	sshrl.u32 s1, $0x2  }
0xbc: {  	s3 =	sand.u32 $0x4000, s31;
	s1 =	sadd.s32 s1, s30  }
0xbd: {  	s0 =	sor.u32 s3, s0;
	s1 =	sshll.u32 s1, $0x11  }
0xbe: {  	s0 =	sor.u32 s1, s0  }
0xbf: {  	s0 =	sadd.s32 $0x8F2B, s0  }
0xc0: {  	[sflag:s0] =	ssyncadd.remote.s32 $0x1  }
0xc1: {  	_ =	sfence.sel $0xFFFF  }
0xc2: {  	[dreg:$0x0] =	wrdreg $0xFFFFFFFF;
	(pc) =	sbr.abs _section_cstart, $3  }
0xc3: {  	[dreg:$0x1] =	wrdreg $0xFFFFFFFF  }
0xc4: {  	_ =	task.clear_ibuf [dreg:s8], $0x2FFFF;
	_ =	strace $0x9FFFFFFF  }
0xc5: {  	(tm) =	ssettm $0x7FFFFFFF  }
tec
execute0_lowered:
.L_overlay_start_1:
0x0: {  	(tag) =	ssettag $0x1  }
0x1: {  	s1 =	rddreg [dreg:$0x0]  }
0x2: {  	s2 =	rddreg [dreg:$0x1]  }
0x3: {  	s0 =	rddreg [dreg:$0x2]  }
0x4: {  	s3 =	rddreg [dreg:$0x3];
	s12 =	stileid.u32  }
0x5: {  	s4 =	srdreg.scid;
	s5 =	simm.s32 $0x0;
	s7 =	smul.u32 $0x13C00, s12  }
0x6: {  	s30 =	simm.s32 $0x5;
	s31 =	simm.s32 $0x80;
	s10 =	smul.u32 $0x4F000, s12  }
0x7: {  	s4 =	sand.u32 $0x1, s4;
	[smem:$0x7FF] =	sst s5;
	s20 =	smul.u32 $0x4E00, s12  }
0x8: {  	s9 =	sadd.s32 $0x2200, s0;
	s25 =	sshll.u32 s12, $0x6;
	s6 =	smul.u32 $0x13C000, s4  }
0x9: {  	_ =	strace $0x8000004A;
	s8 =	sshll.u32 s4, $0x4;
	[dreg:$0xa] =	wrdreg s9  }
0xa: {  	s15 =	ssub.s32 $0x2, s4;
	s4 =	smul.u32 $0x4E000, s4;
	[dreg:$0x12] =	wrdreg s25  }
0xb: {  	s9 =	sadd.s32 s25, s2;
	s17 =	sshrl.u32 s15, $0x1;
	s19 =	sshrl.u32 s10, $0x2  }
0xc: {  	s29 =	sadd.s32 $0x13800, s9;
	s6 =	sadd.s32 s7, s6;
	s7 =	sor.u32 s12, s8  }
0xd: {  	s4 =	sadd.s32 s20, s4;
	[dreg:$0x14] =	wrdreg s29;
	s20 =	sadd.s32 $0x13820, s9  }
0xe: {  	s6 =	sshrl.u32 s6, $0x3;
	s16 =	smul.u32 $0x9C0, s7;
	s26 =	sadd.s32 $0x300, s4  }
0xf: {  	s12 =	sadd.s32 $0x380, s4;
	s14 =	sadd.s32 $0x280, s4;
	[dreg:$0x15] =	wrdreg s20  }
0x10: {  	p0 =	sgt.u32 s7, $0x1;
	s0 =	sadd.s32 s6, s0;
	s6 =	ssub.s32 s15, s17  }
0x11: {  	s13 =	sshrl.u32 s12, $0x3;
	s10 =	sshrl.u32 s14, $0x3;
	s11 =	sadd.s32 s2, s16  }
0x12: {  	s15 =	sadd.s32 $0x200, s4;
	s16 =	sadd.s32 s10, s2;
	[dreg:$0xb] =	wrdreg s11  }
0x13: {  	s12 =	simm.s32 $0x280;
	s0 =	sadd.s32 $0x2A00, s0;
	[dreg:$0x7] =	wrdreg s16  }
0x14: {  	s14 =	simm.s32 $0x380;
	s6 =	smax.u32 s6, $0x1;
	[dreg:$0x18] =	wrdreg s0  }
0x15: {  	s17 =	sshrl.u32 s15, $0x3;
	s18 =	sadd.s32 $0x20, s11;
	[dreg:$0x19] =	wrdreg s6  }
0x16: {  	s10 =	simm.s32 $0x200;
	s21 =	sadd.s32 $0x10, s11;
	[dreg:$0xc] =	wrdreg s18  }
0x17: {  	s22 =	sadd.s32 $0x30, s11;
	s11 =	sadd.s32 s19, s3;
	[dreg:$0xd] =	wrdreg s21  }
0x18: {  	s15 =	simm.s32 $0x2;
	[dreg:$0xe] =	wrdreg s22;
	s8 =	sadd.s32 $0x2780, s11  }
0x19: {  	s19 =	sadd.s32 $0x580, s4;
	s23 =	sadd.s32 $0x4F00, s11;
	[dreg:$0xf] =	wrdreg s8  }
0x1a: {  	s6 =	simm.s32 $0x400;
	s24 =	sadd.s32 $0x7680, s11;
	[dreg:$0x10] =	wrdreg s23  }
0x1b: {  	s16 =	simm.s32 $0x1;
	s28 =	sadd.s32 $0x9E00, s11;
	[dreg:$0x11] =	wrdreg s24  }
0x1c: {  	s18 =	sadd.s32 s17, s2;
	s21 =	sshrl.u32 s19, $0x3;
	[dreg:$0x13] =	wrdreg s28  }
0x1d: {  	s22 =	sadd.s32 $0x13810, s9;
	s9 =	sadd.s32 $0x13830, s9;
	[dreg:$0x8] =	wrdreg s18  }
0x1e: {  	s29 =	sadd.s32 $0x11480, s11;
	s17 =	simm.s32 $0x3;
	[dreg:$0x16] =	wrdreg s22  }
0x1f: {  	s19 =	simm.s32 $0x0;
	s8 =	sshrl.u32 s26, $0x3;
	[dreg:$0x17] =	wrdreg s9  }
0x20: {  	s23 =	sadd.s32 $0x500, s4;
	s24 =	sadd.s32 $0x480, s4;
	s26 =	sadd.s32 $0xC580, s11  }
0x21: {  	s28 =	sadd.s32 $0xED00, s11;
	[dreg:$0x1c] =	wrdreg s29;
	s9 =	simm.s32 $0x4400  }
0x22: {  	s18 =	simm.s32 $0x4;
	s8 =	sadd.s32 s8, s2;
	[dreg:$0x1a] =	wrdreg s26  }
0x23: {  	s0 =	sshrl.u32 s23, $0x3;
	s25 =	sshrl.u32 s24, $0x3;
	[dreg:$0x1b] =	wrdreg s28  }
0x24: {  	[dreg:$0x5] =	wrdreg s8;
	s8 =	sadd.s32 s13, s2;
	s23 =	sadd.s32 s0, s2  }
0x25: {  	s24 =	sadd.s32 s25, s2;
	s0 =	simm.s32 $0x100;
	s13 =	simm.s32 $0x300  }
0x26: {  	[dreg:$0x6] =	wrdreg s8;
	s8 =	sadd.s32 s21, s2;
	s21 =	sadd.s32 $0x400, s4  }
0x27: {  	s4 =	simm.s32 $0x180;
	[dreg:$0x9] =	wrdreg s8;
	s8 =	simm.s32 $0x8400  }
.LBB2_1:
0x28: {  	s7 =	rddreg [dreg:$0xb]  }
0x29: {  	[tilespmem:s5], [sflag:$0x5] =	stream.linear.gather [hbm4b:s7+s5], $0x80, $0x38;
	[tilespmem:$0x1E800] =	vst v63  }
0x2a: {  	_ =	swait.ge [sflag:s30], $0x80  }
0x2b: {  	[sflag:s30] =	ssyncset.done $0x0  }
0x2c: {  	s26 =	rddreg [dreg:$0xc];
	[sflag:s30] =	ssyncadd.s32 $0xFFFFFF80  }
0x2d: {  	[tilespmem:s31], [sflag:$0x5] =	stream.linear.gather [hbm4b:s26+s5], $0x80, $0x38;
	[tilespmem:$0x1E800] =	vst v63  }
0x2e: {  	_ =	swait.ge [sflag:s30], $0x80  }
0x2f: {  	[sflag:s30] =	ssyncset.done $0x0  }
0x30: {  	s28 =	rddreg [dreg:$0xd];
	[sflag:s30] =	ssyncadd.s32 $0xFFFFFF80  }
0x31: {  	[tilespmem:s0], [sflag:$0x5] =	stream.linear.gather [hbm4b:s28+s5], $0x80, $0x38;
	[tilespmem:$0x1E800] =	vst v63  }
0x32: {  	_ =	swait.ge [sflag:s30], $0x80  }
0x33: {  	[sflag:s30] =	ssyncset.done $0x0  }
0x34: {  	s29 =	rddreg [dreg:$0xe];
	[sflag:s30] =	ssyncadd.s32 $0xFFFFFF80  }
0x35: {  	[tilespmem:s4], [sflag:$0x5] =	stream.linear.gather [hbm4b:s29+s5], $0x80, $0x38;
	[tilespmem:$0x1E800] =	vst v63  }
0x36: {  	_ =	swait.ge [sflag:s30], $0x80  }
0x37: {  	[sflag:s30] =	ssyncset.done $0x0  }
0x38: {  	[sflag:s30] =	ssyncadd.s32 $0xFFFFFF80  }
0x39: {  	[tilespmem:s6], [sflag:$0x1] =	stream.indirect.gather [hbm4b:s1+s31], $0x80, s5, s31, $0xb8;
	[tilespmem:$0x1E800] =	vst v63  }
0x3a: {  	s20 =	rddreg [dreg:$0xa]  }
0x3b: {  	[tilespmem:s8], [sflag:$0x5] =	stream.linear.gather [hbm4b:s20+s5], $0x2800, $0x38;
	[tilespmem:$0x1E800] =	vst v63  }
0x3c: {  	_ =	swait.ge [sflag:s30], $0x2800  }
0x3d: {  	[sflag:s30] =	ssyncset.done $0x0  }
0x3e: {  	[sflag:s30] =	ssyncadd.s32 $0xFFFFD800  }
0x3f: {  	[spmem:s11] =	stream.linear.scatter [tilespmem:s8], [sflag:$0x5], $0x2780, $0x38;
	[tilespmem:$0x1E800] =	vst v63  }
0x40: {  	_ =	swait.ge [sflag:s30], $0x2780  }
0x41: {  	[sflag:s30] =	ssyncset.done $0x0  }
0x42: {  	s22 =	rddreg [dreg:$0xf];
	[sflag:s30] =	ssyncadd.s32 $0xFFFFD880  }
0x43: {  	[spmem:s22] =	stream.linear.scatter [tilespmem:s8], [sflag:$0x5], $0x2780, $0x38;
	[tilespmem:$0x1E800] =	vst v63  }
0x44: {  	_ =	swait.ge [sflag:s30], $0x2780  }
0x45: {  	[sflag:s30] =	ssyncset.done $0x0  }
0x46: {  	s25 =	rddreg [dreg:$0x10];
	[sflag:s30] =	ssyncadd.s32 $0xFFFFD880  }
0x47: {  	[spmem:s25] =	stream.linear.scatter [tilespmem:s8], [sflag:$0x5], $0x2780, $0x38;
	[tilespmem:$0x1E800] =	vst v63  }
0x48: {  	_ =	swait.ge [sflag:s30], $0x2780  }
0x49: {  	[sflag:s30] =	ssyncset.done $0x0  }
0x4a: {  	s26 =	rddreg [dreg:$0x11];
	[sflag:s30] =	ssyncadd.s32 $0xFFFFD880  }
0x4b: {  	[spmem:s26] =	stream.linear.scatter [tilespmem:s8], [sflag:$0x5], $0x2780, $0x38;
	[tilespmem:$0x1E800] =	vst v63  }
0x4c: {  	_ =	swait.ge [sflag:s30], $0x2780  }
0x4d: {  	[sflag:s30] =	ssyncset.done $0x0  }
0x4e: {  	s28 =	rddreg [dreg:$0x13];
	[sflag:s30] =	ssyncadd.s32 $0xFFFFD880  }
0x4f: {  	[spmem:s28] =	stream.linear.scatter [tilespmem:s8], [sflag:$0x5], $0x2780, $0x38;
	[tilespmem:$0x1E800] =	vst v63  }
0x50: {  	_ =	swait.ge [sflag:s30], $0x2780  }
0x51: {  	[sflag:s30] =	ssyncset.done $0x0  }
0x52: {  	s29 =	rddreg [dreg:$0x1a];
	[sflag:s30] =	ssyncadd.s32 $0xFFFFD880  }
0x53: {  	[spmem:s29] =	stream.linear.scatter [tilespmem:s8], [sflag:$0x5], $0x2780, $0x38;
	[tilespmem:$0x1E800] =	vst v63  }
0x54: {  	_ =	swait.ge [sflag:s30], $0x2780  }
0x55: {  	[sflag:s30] =	ssyncset.done $0x0  }
0x56: {  	s20 =	rddreg [dreg:$0x1b];
	[sflag:s30] =	ssyncadd.s32 $0xFFFFD880  }
0x57: {  	[spmem:s20] =	stream.linear.scatter [tilespmem:s8], [sflag:$0x5], $0x2780, $0x38;
	[tilespmem:$0x1E800] =	vst v63  }
0x58: {  	_ =	swait.ge [sflag:s30], $0x2780  }
0x59: {  	[sflag:s30] =	ssyncset.done $0x0  }
0x5a: {  	s22 =	rddreg [dreg:$0x1c];
	[sflag:s30] =	ssyncadd.s32 $0xFFFFD880  }
0x5b: {  	[spmem:s22] =	stream.linear.scatter [tilespmem:s8], [sflag:$0x5], $0x2780, $0x38;
	[tilespmem:$0x1E800] =	vst v63  }
0x5c: {  	_ =	swait.ge [sflag:s30], $0x2780  }
0x5d: {  	[sflag:s30] =	ssyncset.done $0x0  }
0x5e: {  	[sflag:s30] =	ssyncadd.s32 $0xFFFFD880  }
0x5f: {  	[bflag:$0x0] =	sbarrier.arrive $0xFFFF  }
0x60: {  	s25 =	rddreg [dreg:$0x8]  }
0x61: {  	[tilespmem:s9], [sflag:$0x2] =	stream.indirect.gather [hbm4b:s1+s31], $0x80, s31, s31, $0xb8;
	[tilespmem:$0x1E800] =	vst v63  }
0x62: {  	s20 =	rddreg [dreg:$0x5];
	s7 =	sadd.s32 $0x0, s25  }
0x63: {  	[tilespmem:s10], [sflag:$0x3] =	stream.linear.gather [hbm4b:s7+s5], $0x80, $0x38;
	[tilespmem:$0x1E800] =	vst v63  }
0x64: {  	s22 =	rddreg [dreg:$0x7];
	s26 =	sadd.s32 $0x0, s20  }
0x65: {  	[tilespmem:s12], [sflag:$0x3] =	stream.linear.gather [hbm4b:s26+s5], $0x80, $0x38;
	[tilespmem:$0x1E800] =	vst v63  }
0x66: {  	s28 =	rddreg [dreg:$0x6];
	s29 =	sadd.s32 $0x0, s22  }
0x67: {  	[tilespmem:s13], [sflag:$0x3] =	stream.linear.gather [hbm4b:s29+s5], $0x80, $0x38;
	[tilespmem:$0x1E800] =	vst v63  }
0x68: {  	s20 =	sadd.s32 $0x0, s28  }
0x69: {  	[tilespmem:s14], [sflag:$0x3] =	stream.linear.gather [hbm4b:s20+s5], $0x80, $0x38;
	[tilespmem:$0x1E800] =	vst v63  }
0x6a: {  	_ =	swait.ge [sflag:s16], $0x4000  }
0x6b: {  	[sflag:s16] =	ssyncset.done $0x0  }
0x6c: {  	[sflag:s16] =	ssyncadd.s32 $0xFFFFC000  }
0x6d: {  	[spmem:s3] =	stream.indirect.scatter.add.f32 [tilespmem:s6], [sflag:$0x5], $0x80, s0, s31, $0xb8;
	[tilespmem:$0x1E800] =	vst v63  }
0x6e: {  	_ =	swait.ge [sflag:s30], $0x4000  }
0x6f: {  	[sflag:s30] =	ssyncset.done $0x0  }
0x70: {  	[sflag:s30] =	ssyncadd.s32 $0xFFFFC000  }
0x71: {  	_ =	swait.ge [sflag:s17], $0x80  }
0x72: {  	[sflag:s17] =	ssyncset.done $0x0  }
0x73: {  	[sflag:s17] =	ssyncadd.s32 $0xFFFFFF80  }
0x74: {  	_ =	swait.ge [sflag:s17], $0x80  }
0x75: {  	[sflag:s17] =	ssyncset.done $0x0  }
0x76: {  	[sflag:s17] =	ssyncadd.s32 $0xFFFFFF80  }
0x77: {  	_ =	swait.ge [sflag:s17], $0x80  }
0x78: {  	[sflag:s17] =	ssyncset.done $0x0  }
0x79: {  	[sflag:s17] =	ssyncadd.s32 $0xFFFFFF80  }
0x7a: {  	_ =	swait.ge [sflag:s17], $0x80  }
0x7b: {  	[sflag:s17] =	ssyncset.done $0x0  }
0x7c: {  	[sflag:s17] =	ssyncadd.s32 $0xFFFFFF80  }
0x7d: {  	[tilespmem:s6], [sflag:$0x1] =	stream.indirect.gather [hbm4b:s1+s31], $0x80, s10, s31, $0xb8;
	[tilespmem:$0x1E800] =	vst v63  }
0x7e: {  	_ =	swait.ge [sflag:s15], $0x4000  }
0x7f: {  	[sflag:s15] =	ssyncset.done $0x0  }
0x80: {  	[sflag:s15] =	ssyncadd.s32 $0xFFFFC000  }
0x81: {  	[spmem:s3] =	stream.indirect.scatter.add.f32 [tilespmem:s9], [sflag:$0x5], $0x80, s4, s31, $0xb8;
	[tilespmem:$0x1E800] =	vst v63  }
0x82: {  	_ =	swait.ge [sflag:s30], $0x4000  }
0x83: {  	[sflag:s30] =	ssyncset.done $0x0  }
0x84: {  	s22 =	sshrl.u32 s21, $0x3;
	[sflag:s30] =	ssyncadd.s32 $0xFFFFC000  }
0x85: {  	[tilespmem:s9], [sflag:$0x2] =	stream.indirect.gather [hbm4b:s1+s31], $0x80, s12, s31, $0xb8;
	[tilespmem:$0x1E800] =	vst v63  }
0x86: {  	s7 =	sadd.s32 s2, s22  }
0x87: {  	[tilespmem:s5], [sflag:$0x4] =	stream.linear.gather [hbm4b:s7+s5], $0x80, $0x38;
	[tilespmem:$0x1E800] =	vst v63  }
0x88: {  	s25 =	sadd.s32 $0x0, s23  }
0x89: {  	[tilespmem:s31], [sflag:$0x4] =	stream.linear.gather [hbm4b:s25+s5], $0x80, $0x38;
	[tilespmem:$0x1E800] =	vst v63  }
0x8a: {  	s28 =	sadd.s32 $0x0, s24;
	s26 =	rddreg [dreg:$0x9]  }
0x8b: {  	[tilespmem:s0], [sflag:$0x4] =	stream.linear.gather [hbm4b:s28+s5], $0x80, $0x38;
	[tilespmem:$0x1E800] =	vst v63  }
0x8c: {  	s29 =	sadd.s32 $0x0, s26  }
0x8d: {  	[tilespmem:s4], [sflag:$0x4] =	stream.linear.gather [hbm4b:s29+s5], $0x80, $0x38;
	[tilespmem:$0x1E800] =	vst v63  }
0x8e: {  	_ =	swait.ge [sflag:s16], $0x4000  }
0x8f: {  	[sflag:s16] =	ssyncset.done $0x0  }
0x90: {  	[sflag:s16] =	ssyncadd.s32 $0xFFFFC000  }
0x91: {  	[spmem:s3] =	stream.indirect.scatter.add.f32 [tilespmem:s6], [sflag:$0x5], $0x80, s13, s31, $0xb8;
	[tilespmem:$0x1E800] =	vst v63  }
0x92: {  	_ =	swait.ge [sflag:s30], $0x4000  }
0x93: {  	[sflag:s30] =	ssyncset.done $0x0  }
0x94: {  	[sflag:s30] =	ssyncadd.s32 $0xFFFFC000  }
0x95: {  	_ =	swait.ge [sflag:s18], $0x80  }
0x96: {  	[sflag:s18] =	ssyncset.done $0x0  }
0x97: {  	[sflag:s18] =	ssyncadd.s32 $0xFFFFFF80  }
0x98: {  	_ =	swait.ge [sflag:s18], $0x80  }
0x99: {  	[sflag:s18] =	ssyncset.done $0x0  }
0x9a: {  	[sflag:s18] =	ssyncadd.s32 $0xFFFFFF80  }
0x9b: {  	_ =	swait.ge [sflag:s18], $0x80  }
0x9c: {  	[sflag:s18] =	ssyncset.done $0x0  }
0x9d: {  	[sflag:s18] =	ssyncadd.s32 $0xFFFFFF80  }
0x9e: {  	_ =	swait.ge [sflag:s18], $0x80  }
0x9f: {  	[sflag:s18] =	ssyncset.done $0x0  }
0xa0: {  	[sflag:s18] =	ssyncadd.s32 $0xFFFFFF80  }
0xa1: {  	[tilespmem:s6], [sflag:$0x1] =	stream.indirect.gather [hbm4b:s1+s31], $0x80, s5, s31, $0xb8;
	[tilespmem:$0x1E800] =	vst v63  }
0xa2: {  	_ =	swait.ge [sflag:s15], $0x4000  }
0xa3: {  	[sflag:s15] =	ssyncset.done $0x0  }
0xa4: {  	[sflag:s15] =	ssyncadd.s32 $0xFFFFC000  }
0xa5: {  	[spmem:s3] =	stream.indirect.scatter.add.f32 [tilespmem:s9], [sflag:$0x5], $0x80, s14, s31, $0xb8;
	[tilespmem:$0x1E800] =	vst v63  }
0xa6: {  	s22 =	simm.s32 $0x100;
	s20 =	simm.s32 $0x80;
	_ =	swait.ge [sflag:s30], $0x4000  }
0xa7: {  	s25 =	smov.u32 s21;
	s26 =	rddreg [dreg:$0x8];
	[sflag:s30] =	ssyncset.done $0x0  }
.LBB2_2:
0xa8: {  	[sflag:s30] =	ssyncadd.s32 $0xFFFFC000  }
0xa9: {  	[tilespmem:s9], [sflag:$0x2] =	stream.indirect.gather [hbm4b:s1+s31], $0x80, s31, s31, $0xb8;
	[tilespmem:$0x1E800] =	vst v63  }
0xaa: {  	s28 =	rddreg [dreg:$0x5];
	s26 =	sadd.s32 s20, s26  }
0xab: {  	[tilespmem:s10], [sflag:$0x3] =	stream.linear.gather [hbm4b:s26+s5], $0x80, $0x38;
	[tilespmem:$0x1E800] =	vst v63  }
0xac: {  	s29 =	rddreg [dreg:$0x7];
	s26 =	sadd.s32 s20, s28  }
0xad: {  	[tilespmem:s12], [sflag:$0x3] =	stream.linear.gather [hbm4b:s26+s5], $0x80, $0x38;
	[tilespmem:$0x1E800] =	vst v63  }
0xae: {  	s29 =	sadd.s32 s20, s29;
	s28 =	rddreg [dreg:$0x6]  }
0xaf: {  	[tilespmem:s13], [sflag:$0x3] =	stream.linear.gather [hbm4b:s29+s5], $0x80, $0x38;
	[tilespmem:$0x1E800] =	vst v63  }
0xb0: {  	s29 =	sadd.s32 s20, s28  }
0xb1: {  	[tilespmem:s14], [sflag:$0x3] =	stream.linear.gather [hbm4b:s29+s5], $0x80, $0x38;
	[tilespmem:$0x1E800] =	vst v63  }
0xb2: {  	_ =	swait.ge [sflag:s16], $0x4000  }
0xb3: {  	[sflag:s16] =	ssyncset.done $0x0  }
0xb4: {  	[sflag:s16] =	ssyncadd.s32 $0xFFFFC000  }
0xb5: {  	[spmem:s3] =	stream.indirect.scatter.add.f32 [tilespmem:s6], [sflag:$0x5], $0x80, s0, s31, $0xb8;
	[tilespmem:$0x1E800] =	vst v63  }
0xb6: {  	_ =	swait.ge [sflag:s30], $0x4000  }
0xb7: {  	[sflag:s30] =	ssyncset.done $0x0  }
0xb8: {  	[sflag:s30] =	ssyncadd.s32 $0xFFFFC000  }
0xb9: {  	_ =	swait.ge [sflag:s17], $0x80  }
0xba: {  	[sflag:s17] =	ssyncset.done $0x0  }
0xbb: {  	[sflag:s17] =	ssyncadd.s32 $0xFFFFFF80  }
0xbc: {  	_ =	swait.ge [sflag:s17], $0x80  }
0xbd: {  	[sflag:s17] =	ssyncset.done $0x0  }
0xbe: {  	[sflag:s17] =	ssyncadd.s32 $0xFFFFFF80  }
0xbf: {  	_ =	swait.ge [sflag:s17], $0x80  }
0xc0: {  	[sflag:s17] =	ssyncset.done $0x0  }
0xc1: {  	[sflag:s17] =	ssyncadd.s32 $0xFFFFFF80  }
0xc2: {  	_ =	swait.ge [sflag:s17], $0x80  }
0xc3: {  	[sflag:s17] =	ssyncset.done $0x0  }
0xc4: {  	[sflag:s17] =	ssyncadd.s32 $0xFFFFFF80  }
0xc5: {  	[tilespmem:s6], [sflag:$0x1] =	stream.indirect.gather [hbm4b:s1+s31], $0x80, s10, s31, $0xb8;
	[tilespmem:$0x1E800] =	vst v63  }
0xc6: {  	_ =	swait.ge [sflag:s15], $0x4000  }
0xc7: {  	[sflag:s15] =	ssyncset.done $0x0  }
0xc8: {  	[sflag:s15] =	ssyncadd.s32 $0xFFFFC000  }
0xc9: {  	[spmem:s3] =	stream.indirect.scatter.add.f32 [tilespmem:s9], [sflag:$0x5], $0x80, s4, s31, $0xb8;
	[tilespmem:$0x1E800] =	vst v63  }
0xca: {  	_ =	swait.ge [sflag:s30], $0x4000  }
0xcb: {  	s25 =	sadd.s32 $0x400, s25;
	[sflag:s30] =	ssyncset.done $0x0  }
0xcc: {  	s28 =	sshrl.u32 s25, $0x3;
	[sflag:s30] =	ssyncadd.s32 $0xFFFFC000  }
0xcd: {  	[tilespmem:s9], [sflag:$0x2] =	stream.indirect.gather [hbm4b:s1+s31], $0x80, s12, s31, $0xb8;
	[tilespmem:$0x1E800] =	vst v63  }
0xce: {  	s26 =	sadd.s32 s2, s28  }
0xcf: {  	[tilespmem:s5], [sflag:$0x4] =	stream.linear.gather [hbm4b:s26+s5], $0x80, $0x38;
	[tilespmem:$0x1E800] =	vst v63  }
0xd0: {  	s29 =	sadd.s32 s20, s23  }
0xd1: {  	[tilespmem:s31], [sflag:$0x4] =	stream.linear.gather [hbm4b:s29+s5], $0x80, $0x38;
	[tilespmem:$0x1E800] =	vst v63  }
0xd2: {  	s28 =	rddreg [dreg:$0x9];
	s29 =	sadd.s32 s20, s24  }
0xd3: {  	[tilespmem:s0], [sflag:$0x4] =	stream.linear.gather [hbm4b:s29+s5], $0x80, $0x38;
	[tilespmem:$0x1E800] =	vst v63  }
0xd4: {  	s29 =	sadd.s32 s20, s28  }
0xd5: {  	[tilespmem:s4], [sflag:$0x4] =	stream.linear.gather [hbm4b:s29+s5], $0x80, $0x38;
	[tilespmem:$0x1E800] =	vst v63  }
0xd6: {  	_ =	swait.ge [sflag:s16], $0x4000  }
0xd7: {  	[sflag:s16] =	ssyncset.done $0x0  }
0xd8: {  	[sflag:s16] =	ssyncadd.s32 $0xFFFFC000  }
0xd9: {  	[spmem:s3] =	stream.indirect.scatter.add.f32 [tilespmem:s6], [sflag:$0x5], $0x80, s13, s31, $0xb8;
	[tilespmem:$0x1E800] =	vst v63  }
0xda: {  	_ =	swait.ge [sflag:s30], $0x4000  }
0xdb: {  	[sflag:s30] =	ssyncset.done $0x0  }
0xdc: {  	[sflag:s30] =	ssyncadd.s32 $0xFFFFC000  }
0xdd: {  	_ =	swait.ge [sflag:s18], $0x80  }
0xde: {  	[sflag:s18] =	ssyncset.done $0x0  }
0xdf: {  	[sflag:s18] =	ssyncadd.s32 $0xFFFFFF80  }
0xe0: {  	_ =	swait.ge [sflag:s18], $0x80  }
0xe1: {  	[sflag:s18] =	ssyncset.done $0x0  }
0xe2: {  	[sflag:s18] =	ssyncadd.s32 $0xFFFFFF80  }
0xe3: {  	_ =	swait.ge [sflag:s18], $0x80  }
0xe4: {  	[sflag:s18] =	ssyncset.done $0x0  }
0xe5: {  	[sflag:s18] =	ssyncadd.s32 $0xFFFFFF80  }
0xe6: {  	_ =	swait.ge [sflag:s18], $0x80  }
0xe7: {  	[sflag:s18] =	ssyncset.done $0x0  }
0xe8: {  	[sflag:s18] =	ssyncadd.s32 $0xFFFFFF80  }
0xe9: {  	[tilespmem:s6], [sflag:$0x1] =	stream.indirect.gather [hbm4b:s1+s31], $0x80, s5, s31, $0xb8;
	[tilespmem:$0x1E800] =	vst v63  }
0xea: {  	p1 =	sne.s32 s22, $0x900;
	_ =	swait.ge [sflag:s15], $0x4000  }
.Ltmp0:
0xeb: {  	[sflag:s15] =	ssyncset.done $0x0;
	(pc) =	sbr.rel @p1 .LBB2_2-.Ltmp0, $4  }
0xec: {  	[sflag:s15] =	ssyncadd.s32 $0xFFFFC000  }
0xed: {  	[spmem:s3] =	stream.indirect.scatter.add.f32 [tilespmem:s9], [sflag:$0x5], $0x80, s14, s31, $0xb8;
	[tilespmem:$0x1E800] =	vst v63  }
0xee: {  	s7 =	smov.u32 s22;
	s22 =	sadd.s32 $0x80, s22;
	_ =	swait.ge [sflag:s30], $0x4000  }
0xef: {  	s20 =	smov.u32 s7;
	s26 =	rddreg [dreg:$0x8];
	[sflag:s30] =	ssyncset.done $0x0  }
0xf0: {  	[sflag:s30] =	ssyncadd.s32 $0xFFFFC000  }
0xf1: {  	[tilespmem:s9], [sflag:$0x2] =	stream.indirect.gather [hbm4b:s1+s31], $0x80, s31, s31, $0xb8;
	[tilespmem:$0x1E800] =	vst v63  }
0xf2: {  	s7 =	rddreg [dreg:$0x5];
	s22 =	sadd.s32 s20, s26  }
0xf3: {  	[tilespmem:s10], [sflag:$0x3] =	stream.linear.gather [hbm4b:s22+s5], $0x80, $0x38;
	[tilespmem:$0x1E800] =	vst v63  }
0xf4: {  	s29 =	rddreg [dreg:$0x7];
	s7 =	sadd.s32 s20, s7  }
0xf5: {  	[tilespmem:s12], [sflag:$0x3] =	stream.linear.gather [hbm4b:s7+s5], $0x80, $0x38;
	[tilespmem:$0x1E800] =	vst v63  }
0xf6: {  	s28 =	rddreg [dreg:$0x6];
	s29 =	sadd.s32 s20, s29  }
0xf7: {  	[tilespmem:s13], [sflag:$0x3] =	stream.linear.gather [hbm4b:s29+s5], $0x80, $0x38;
	[tilespmem:$0x1E800] =	vst v63  }
0xf8: {  	s22 =	sadd.s32 s20, s28  }
0xf9: {  	[tilespmem:s14], [sflag:$0x3] =	stream.linear.gather [hbm4b:s22+s5], $0x80, $0x38;
	[tilespmem:$0x1E800] =	vst v63  }
0xfa: {  	_ =	swait.ge [sflag:s16], $0x4000  }
0xfb: {  	[sflag:s16] =	ssyncset.done $0x0  }
0xfc: {  	[sflag:s16] =	ssyncadd.s32 $0xFFFFC000  }
0xfd: {  	[spmem:s3] =	stream.indirect.scatter.add.f32 [tilespmem:s6], [sflag:$0x5], $0x80, s0, s31, $0xb8;
	[tilespmem:$0x1E800] =	vst v63  }
0xfe: {  	_ =	swait.ge [sflag:s30], $0x4000  }
0xff: {  	[sflag:s30] =	ssyncset.done $0x0  }
0x100: {  	[sflag:s30] =	ssyncadd.s32 $0xFFFFC000  }
0x101: {  	_ =	swait.ge [sflag:s17], $0x80  }
0x102: {  	[sflag:s17] =	ssyncset.done $0x0  }
0x103: {  	[sflag:s17] =	ssyncadd.s32 $0xFFFFFF80  }
0x104: {  	_ =	swait.ge [sflag:s17], $0x80  }
0x105: {  	[sflag:s17] =	ssyncset.done $0x0  }
0x106: {  	[sflag:s17] =	ssyncadd.s32 $0xFFFFFF80  }
0x107: {  	_ =	swait.ge [sflag:s17], $0x80  }
0x108: {  	[sflag:s17] =	ssyncset.done $0x0  }
0x109: {  	[sflag:s17] =	ssyncadd.s32 $0xFFFFFF80  }
0x10a: {  	_ =	swait.ge [sflag:s17], $0x80  }
0x10b: {  	[sflag:s17] =	ssyncset.done $0x0  }
0x10c: {  	[sflag:s17] =	ssyncadd.s32 $0xFFFFFF80  }
0x10d: {  	[tilespmem:s6], [sflag:$0x1] =	stream.indirect.gather [hbm4b:s1+s31], $0x80, s10, s31, $0xb8;
	[tilespmem:$0x1E800] =	vst v63  }
0x10e: {  	_ =	swait.ge [sflag:s15], $0x4000  }
0x10f: {  	[sflag:s15] =	ssyncset.done $0x0  }
0x110: {  	[sflag:s15] =	ssyncadd.s32 $0xFFFFC000  }
0x111: {  	[spmem:s3] =	stream.indirect.scatter.add.f32 [tilespmem:s9], [sflag:$0x5], $0x80, s4, s31, $0xb8;
	[tilespmem:$0x1E800] =	vst v63  }
0x112: {  	_ =	swait.ge [sflag:s30], $0x4000  }
0x113: {  	s25 =	sadd.s32 $0x400, s25;
	[sflag:s30] =	ssyncset.done $0x0  }
0x114: {  	s7 =	sshrl.u32 s25, $0x3;
	[sflag:s30] =	ssyncadd.s32 $0xFFFFC000  }
0x115: {  	[tilespmem:s9], [sflag:$0x2] =	stream.indirect.gather [hbm4b:s1+s31], $0x80, s12, s31, $0xb8;
	[tilespmem:$0x1E800] =	vst v63  }
0x116: {  	s7 =	sadd.s32 s2, s7  }
0x117: {  	[tilespmem:s5], [sflag:$0x4] =	stream.linear.gather [hbm4b:s7+s5], $0x80, $0x38;
	[tilespmem:$0x1E800] =	vst v63  }
0x118: {  	s26 =	sadd.s32 s20, s23  }
0x119: {  	[tilespmem:s31], [sflag:$0x4] =	stream.linear.gather [hbm4b:s26+s5], $0x80, $0x38;
	[tilespmem:$0x1E800] =	vst v63  }
0x11a: {  	s29 =	sadd.s32 s20, s24;
	s28 =	rddreg [dreg:$0x9]  }
0x11b: {  	[tilespmem:s0], [sflag:$0x4] =	stream.linear.gather [hbm4b:s29+s5], $0x80, $0x38;
	[tilespmem:$0x1E800] =	vst v63  }
0x11c: {  	s22 =	sadd.s32 s20, s28  }
0x11d: {  	[tilespmem:s4], [sflag:$0x4] =	stream.linear.gather [hbm4b:s22+s5], $0x80, $0x38;
	[tilespmem:$0x1E800] =	vst v63  }
0x11e: {  	_ =	swait.ge [sflag:s16], $0x4000  }
0x11f: {  	[sflag:s16] =	ssyncset.done $0x0  }
0x120: {  	[sflag:s16] =	ssyncadd.s32 $0xFFFFC000  }
0x121: {  	[spmem:s3] =	stream.indirect.scatter.add.f32 [tilespmem:s6], [sflag:$0x5], $0x80, s13, s31, $0xb8;
	[tilespmem:$0x1E800] =	vst v63  }
0x122: {  	_ =	swait.ge [sflag:s30], $0x4000  }
0x123: {  	[sflag:s30] =	ssyncset.done $0x0  }
0x124: {  	[sflag:s30] =	ssyncadd.s32 $0xFFFFC000  }
0x125: {  	_ =	swait.ge [sflag:s18], $0x80  }
0x126: {  	[sflag:s18] =	ssyncset.done $0x0  }
0x127: {  	[sflag:s18] =	ssyncadd.s32 $0xFFFFFF80  }
0x128: {  	_ =	swait.ge [sflag:s18], $0x80  }
0x129: {  	[sflag:s18] =	ssyncset.done $0x0  }
0x12a: {  	[sflag:s18] =	ssyncadd.s32 $0xFFFFFF80  }
0x12b: {  	_ =	swait.ge [sflag:s18], $0x80  }
0x12c: {  	[sflag:s18] =	ssyncset.done $0x0  }
0x12d: {  	[sflag:s18] =	ssyncadd.s32 $0xFFFFFF80  }
0x12e: {  	_ =	swait.ge [sflag:s18], $0x80  }
0x12f: {  	[sflag:s18] =	ssyncset.done $0x0  }
0x130: {  	[sflag:s18] =	ssyncadd.s32 $0xFFFFFF80  }
0x131: {  	[tilespmem:s6], [sflag:$0x1] =	stream.indirect.gather [hbm4b:s1+s31], $0x80, s5, s31, $0xb8;
	[tilespmem:$0x1E800] =	vst v63  }
0x132: {  	_ =	swait.ge [sflag:s15], $0x4000  }
0x133: {  	[sflag:s15] =	ssyncset.done $0x0  }
0x134: {  	[sflag:s15] =	ssyncadd.s32 $0xFFFFC000  }
0x135: {  	[spmem:s3] =	stream.indirect.scatter.add.f32 [tilespmem:s9], [sflag:$0x5], $0x80, s14, s31, $0xb8;
	[tilespmem:$0x1E800] =	vst v63  }
0x136: {  	_ =	swait.ge [sflag:s30], $0x4000  }
0x137: {  	[sflag:s30] =	ssyncset.done $0x0  }
0x138: {  	[sflag:s30] =	ssyncadd.s32 $0xFFFFC000  }
0x139: {  	[tilespmem:s9], [sflag:$0x2] =	stream.indirect.gather [hbm4b:s1+s31], $0x80, s31, s31, $0xb8;
	[tilespmem:$0x1E800] =	vst v63  }
0x13a: {  	_ =	swait.ge [sflag:s16], $0x4000  }
0x13b: {  	[sflag:s16] =	ssyncset.done $0x0  }
0x13c: {  	[sflag:s16] =	ssyncadd.s32 $0xFFFFC000  }
0x13d: {  	[spmem:s3] =	stream.indirect.scatter.add.f32 [tilespmem:s6], [sflag:$0x5], $0x80, s0, s31, $0xb8;
	[tilespmem:$0x1E800] =	vst v63  }
0x13e: {  	_ =	swait.ge [sflag:s30], $0x4000  }
0x13f: {  	[sflag:s30] =	ssyncset.done $0x0  }
0x140: {  	[sflag:s30] =	ssyncadd.s32 $0xFFFFC000  }
0x141: {  	_ =	swait.ge [sflag:s15], $0x4000  }
0x142: {  	[sflag:s15] =	ssyncset.done $0x0  }
0x143: {  	[sflag:s15] =	ssyncadd.s32 $0xFFFFC000  }
0x144: {  	[spmem:s3] =	stream.indirect.scatter.add.f32 [tilespmem:s9], [sflag:$0x5], $0x80, s4, s31, $0xb8;
	[tilespmem:$0x1E800] =	vst v63  }
0x145: {  	_ =	swait.ge [sflag:s30], $0x4000  }
0x146: {  	[sflag:s30] =	ssyncset.done $0x0  }
0x147: {  	s7 =	simm.s32 @!p0 $0x0;
	s20 =	rddreg [dreg:$0x14];
	[sflag:s30] =	ssyncadd.s32 $0xFFFFC000  }
0x148: {  	[tilespmem:s7], [sflag:$0x5] =	stream.linear.gather @!p0 [hbm4b:s20+s7], $0x80, $0x38;
	[tilespmem:$0x1E800] =	vst v63  }
0x149: {  	s20 =	simm.s32 @!p0 $0x5  }
0x14a: {  	_ =	swait.ge @!p0 [sflag:s20], $0x80  }
0x14b: {  	[sflag:s20] =	ssyncset.done @!p0 $0x0  }
0x14c: {  	s22 =	simm.s32 @!p0 $0x80;
	s25 =	rddreg [dreg:$0x15];
	[sflag:s20] =	ssyncadd.s32 @!p0 $0xFFFFFF80  }
0x14d: {  	[tilespmem:s22], [sflag:$0x5] =	stream.linear.gather @!p0 [hbm4b:s25+s7], $0x80, $0x38;
	[tilespmem:$0x1E800] =	vst v63  }
0x14e: {  	_ =	swait.ge @!p0 [sflag:s20], $0x80  }
0x14f: {  	[sflag:s20] =	ssyncset.done @!p0 $0x0  }
0x150: {  	s25 =	simm.s32 @!p0 $0x100;
	s26 =	rddreg [dreg:$0x16];
	[sflag:s20] =	ssyncadd.s32 @!p0 $0xFFFFFF80  }
0x151: {  	[tilespmem:s25], [sflag:$0x5] =	stream.linear.gather @!p0 [hbm4b:s26+s7], $0x80, $0x38;
	[tilespmem:$0x1E800] =	vst v63  }
0x152: {  	_ =	swait.ge @!p0 [sflag:s20], $0x80  }
0x153: {  	[sflag:s20] =	ssyncset.done @!p0 $0x0  }
0x154: {  	s26 =	simm.s32 @!p0 $0x180;
	s28 =	rddreg [dreg:$0x17];
	[sflag:s20] =	ssyncadd.s32 @!p0 $0xFFFFFF80  }
0x155: {  	[tilespmem:s26], [sflag:$0x5] =	stream.linear.gather @!p0 [hbm4b:s28+s7], $0x80, $0x38;
	[tilespmem:$0x1E800] =	vst v63  }
0x156: {  	_ =	swait.ge @!p0 [sflag:s20], $0x80  }
0x157: {  	[sflag:s20] =	ssyncset.done @!p0 $0x0  }
0x158: {  	s28 =	simm.s32 @!p0 $0x400;
	[sflag:s20] =	ssyncadd.s32 @!p0 $0xFFFFFF80  }
0x159: {  	[tilespmem:s28], [sflag:$0x1] =	stream.indirect.gather @!p0 [hbm4b:s1+s22], $0x80, s7, s22, $0xb8;
	[tilespmem:$0x1E800] =	vst v63  }
0x15a: {  	s29 =	simm.s32 @!p0 $0x1;
	s7 =	simm.s32 @!p0 $0x4400  }
0x15b: {  	[tilespmem:s7], [sflag:$0x2] =	stream.indirect.gather @!p0 [hbm4b:s1+s22], $0x80, s22, s22, $0xb8;
	[tilespmem:$0x1E800] =	vst v63  }
0x15c: {  	_ =	swait.ge @!p0 [sflag:s29], $0x4000  }
0x15d: {  	[sflag:s29] =	ssyncset.done @!p0 $0x0  }
0x15e: {  	[sflag:s29] =	ssyncadd.s32 @!p0 $0xFFFFC000  }
0x15f: {  	[spmem:s3] =	stream.indirect.scatter.add.f32 @!p0 [tilespmem:s28], [sflag:$0x5], $0x80, s25, s22, $0xb8;
	[tilespmem:$0x1E800] =	vst v63  }
0x160: {  	_ =	swait.ge @!p0 [sflag:s20], $0x4000  }
0x161: {  	[sflag:s20] =	ssyncset.done @!p0 $0x0  }
0x162: {  	s25 =	simm.s32 @!p0 $0x2;
	[sflag:s20] =	ssyncadd.s32 @!p0 $0xFFFFC000  }
0x163: {  	_ =	swait.ge @!p0 [sflag:s25], $0x4000  }
0x164: {  	[sflag:s25] =	ssyncset.done @!p0 $0x0  }
0x165: {  	[sflag:s25] =	ssyncadd.s32 @!p0 $0xFFFFC000  }
0x166: {  	[spmem:s3] =	stream.indirect.scatter.add.f32 @!p0 [tilespmem:s7], [sflag:$0x5], $0x80, s26, s22, $0xb8;
	[tilespmem:$0x1E800] =	vst v63  }
0x167: {  	_ =	swait.ge @!p0 [sflag:s20], $0x4000  }
0x168: {  	[sflag:s20] =	ssyncset.done @!p0 $0x0  }
0x169: {  	[sflag:s20] =	ssyncadd.s32 @!p0 $0xFFFFC000  }
0x16a: {  	[bflag:$0x0] =	sbarrier.arrive $0xFFFF  }
0x16b: {  	s25 =	rddreg [dreg:$0x12]  }
0x16c: {  	s26 =	sshrl.u32 s11, $0x3;
	s28 =	rddreg [dreg:$0x18];
	s7 =	sor.u32 $0x1C05, s25  }
0x16d: {  	[hbm:s28], [sflag:s7] =	dma.local [spmem:s26], $0x2780  }
0x16e: {  	_ =	swait.ge [sflag:s30], $0x2780  }
0x16f: {  	s19 =	sadd.s32 $0x1, s19;
	s29 =	rddreg [dreg:$0x19]  }
0x170: {  	p1 =	sne.s32 s19, s29  }
.Ltmp1:
0x171: {  	_ = 	snop;
	(pc) =	sbr.rel @p1 .LBB2_1-.Ltmp1, $3  }
0x172: {  	_ =	sdelay $0x1  }
0x173: {  	[sflag:s30] =	ssyncset.done $0x0  }
0x174: {  	[sflag:s30] =	ssyncadd.s32 $0xFFFFD880  }
0x175: {  	_ =	sfence.sel $0x180000  }
0x176: {  	[bflag:$0x0] =	sbarrier.arrive $0xFFFF  }
0x177: {  	_ =	strace $0x9000004A  }
0x178: {  	s0 =	stileid.u32;
	[bflag:$0x2] =	sbarrier.arrive $0xFFFF  }
0x179: {  	p0 =	sne.s32 s0, $0x0;
	s0 =	rddreg [dreg:$0x4]  }
0x17a: {  	s0 =	sadd.s32 @!p0 $0x100000, s0  }
0x17b: {  	[sflag:s0] =	ssyncadd.tile.s32 @!p0 $0x1;
	_ =	shalt  }
.Lfunc_end2:
_tile_overlayer_lowered:
.L_overlay_start_2:
0x17c: {  	(tag) =	ssettag $0x2  }
0x17d: {  	s0 =	rddreg [dreg:$0x0];
	s2 =	stileid.u32  }
0x17e: {  	s1 =	rddreg [dreg:$0x1];
	p0 =	sne.s32 s2, $0x0  }
0x17f: {  	s3 =	rddreg [dreg:$0x2];
	[bflag:$0x3] =	sbarrier.arrive $0xFFFF;
	s2 =	simm.s32 @!p0 $0x1C05  }
0x180: {  	[timem:s3], [sflag:s2] =	dma.local @!p0 [hbm:s0], s1  }
0x181: {  	s0 =	simm.s32 @!p0 $0x5  }
0x182: {  	_ =	swait.ge @!p0 [sflag:s0], s1  }
0x183: {  	s1 =	ssub.s32 @!p0 $0x0, s1;
	[sflag:s0] =	ssyncset.done @!p0 $0x0  }
0x184: {  	[sflag:s0] =	ssyncadd.s32 @!p0 s1  }
0x185: {  	[bflag:$0x3] =	sbarrier.arrive $0xFFFF  }
0x186: {  	_ =	shalt  }

// kernel: kernel.14.cloned.1.call-start
scs
__scs_entry_jumppad:
0x0: {  	(pc) =	sbr.rel $0x88, $3  }
0x1: {  	(tag) =	ssettag $0x0;
	lr =	simm.s32 $0x1  }
0x2: {  	[smem:$0x3F9B] =	sst lr;
	_ =	strace $0xD0000000  }
0x3: {  	_ = 	snop  }
0x4: {  	_ = 	snop  }
0x5: {  	_ = 	snop  }
0x6: {  	_ = 	snop  }
0x7: {  	_ = 	snop  }
__scs_overlays_trampoline_lowered:
0x8: {  	[smem:$0x3FAA] =	sst s0  }
0x9: {  	[smem:$0x3FAB] =	sst s1  }
0xa: {  	[smem:$0x3FAC] =	sst s2  }
0xb: {  	[smem:$0x3FAD] =	sst s3  }
0xc: {  	[smem:$0x3FAE] =	sst s4  }
0xd: {  	[smem:$0x3FAF] =	sst s5  }
0xe: {  	[smem:$0x3FB0] =	sst s6  }
0xf: {  	[smem:$0x3FB1] =	sst s7  }
0x10: {  	[smem:$0x3FB2] =	sst s8  }
0x11: {  	[smem:$0x3FB3] =	sst s9;
	s0 =	simm.s32 @!p0 $0x0  }
0x12: {  	s1 =	sld [smem:$0x3F99];
	s0 =	simm.s32 @p0 $0x1  }
0x13: {  	[smem:$0x3FB4] =	sst s0;
	s0 =	simm.s32 @!p1 $0x0  }
0x14: {  	s2 =	sld [smem:$0x3F98];
	s0 =	simm.s32 @p1 $0x1  }
0x15: {  	[smem:$0x3FB5] =	sst s0;
	s0 =	simm.s32 @!p2 $0x0  }
0x16: {  	s3 =	sld [smem:$0x3FDB];
	s0 =	simm.s32 @p2 $0x1  }
0x17: {  	s4 =	simm.s32 $0x1BF5;
	[smem:$0x3FB7] =	sst s0  }
0x18: {  	s0 =	sld [smem:$0x3F9A];
	_ =	swait.ge [sflag:s4], $0x0  }
0x19: {  	s7 =	sld [smem:$0x3F9B]  }
0x1a: {  	s8 =	sadd.s32 $0xFFFFE003, lr  }
0x1b: {  	s9 =	sadd.s32 $0xFFFFFEF7, lr;
	s5 =	simm.s32 $0xFFFFFFFF;
	p2 =	slt.u32 s8, $0xFFFFF086  }
0x1c: {  	p1 =	slt.u32 s9, $0xF7A;
	s5 =	simm.s32 @!p2 $0x0  }
0x1d: {  	s5 =	simm.s32 @p1 $0x1;
	p0 =	seq.s32 s7, s2  }
0x1e: {  	s7 =	smul.u32 @!p0 $0xF7A, s2;
	p2 =	seq.s32 @!p0 s5, $0x0  }
0x1f: {  	s9 =	smul.u32 $0xF7A, s1;
	s8 =	simm.s32 @!p0 $0x1BF5;
	p2 =	por !p2, p0  }
0x20: {  	[sflag:s8] =	ssyncset.s32 @!p0 $0xFFFFF086;
	s6 =	sadd.s32 @!p0 s3, s7;
	s7 =	simm.s32 @!p0 $0x108  }
0x21: {  	s3 =	sadd.s32 s3, s9;
	s6 =	sadd.s32 @!p0 $0x88, s6;
	s7 =	simm.s32 @p2 $0x1082  }
0x22: {  	[simem:s7], [sflag:s8] =	dma.local @!p0 [hbm:s6], $0xF7A  }
0x23: {  	s9 =	sor.u32 $0xD0000000, s2;
	s6 =	simm.s32 $0x108;
	_ =	swait.ge @!p0 [sflag:s8], $0x0  }
0x24: {  	s3 =	sadd.s32 $0x88, s3;
	s6 =	simm.s32 @!p1 $0x1082;
	[sflag:s4] =	ssyncset.s32 $0xFFFFF086  }
0x25: {  	[simem:s6], [sflag:s4] =	dma.local [hbm:s3], $0xF7A  }
0x26: {  	[smem:$0x3F9B] =	sst s1;
	(tag) =	ssettag s2;
	_ =	strace s9  }
0x27: {  	s1 =	sld [smem:$0x3FAB]  }
0x28: {  	s2 =	sld [smem:$0x3FAC]  }
0x29: {  	s4 =	sld [smem:$0x3FAE]  }
0x2a: {  	p0 =	seq.s32 s5, $0x0;
	s5 =	sld [smem:$0x3FAF]  }
0x2b: {  	s6 =	sld [smem:$0x3FB0]  }
0x2c: {  	s7 =	sld [smem:$0x3FB1]  }
0x2d: {  	s3 =	simm.s32 $0x108;
	s8 =	sld [smem:$0x3FB2]  }
0x2e: {  	s3 =	simm.s32 @!p0 $0x1082;
	s9 =	sld [smem:$0x3FB3]  }
0x2f: {  	lr =	sadd.s32 s0, s3;
	s0 =	sld [smem:$0x3FAA]  }
0x30: {  	s3 =	sld [smem:$0x3FAD]  }
0x31: {  	[smem:$0x3FB6] =	sst s10  }
0x32: {  	s10 =	sld [smem:$0x3FB4];
	_ =	sdelay $0x3  }
0x33: {  	p0 =	seq.s32 s10, $0x1;
	s10 =	sld [smem:$0x3FB6];
	_ =	sdelay $0x3  }
0x34: {  	[smem:$0x3FB6] =	sst s10  }
0x35: {  	s10 =	sld [smem:$0x3FB5];
	_ =	sdelay $0x3  }
0x36: {  	p1 =	seq.s32 s10, $0x1;
	s10 =	sld [smem:$0x3FB6];
	_ =	sdelay $0x3  }
0x37: {  	[smem:$0x3FB6] =	sst s10  }
0x38: {  	s10 =	sld [smem:$0x3FB7]  }
0x39: {  	_ = 	snop;
	(pc) =	sbr.ind lr, $3  }
0x3a: {  	_ = 	snop  }
0x3b: {  	_ = 	snop  }
0x3c: {  	p2 =	seq.s32 s10, $0x1;
	s10 =	sld [smem:$0x3FB6]  }
0x3d: {  	_ =	shalt  }
0x3e: {  	_ =	shalt  }
0x3f: {  	_ =	shalt  }
0x40: {  	_ =	shalt  }
0x41: {  	_ =	shalt  }
0x42: {  	_ =	shalt  }
0x43: {  	_ =	shalt  }
0x44: {  	_ =	shalt  }
0x45: {  	_ =	shalt  }
0x46: {  	_ =	shalt  }
0x47: {  	_ =	shalt  }
0x48: {  	_ =	shalt  }
0x49: {  	_ =	shalt  }
0x4a: {  	_ =	shalt  }
0x4b: {  	_ =	shalt  }
0x4c: {  	_ =	shalt  }
0x4d: {  	_ =	shalt  }
0x4e: {  	_ =	shalt  }
0x4f: {  	_ =	shalt  }
0x50: {  	_ =	shalt  }
0x51: {  	_ =	shalt  }
0x52: {  	_ =	shalt  }
0x53: {  	_ =	shalt  }
0x54: {  	_ =	shalt  }
0x55: {  	_ =	shalt  }
0x56: {  	_ =	shalt  }
0x57: {  	_ =	shalt  }
0x58: {  	_ =	shalt  }
0x59: {  	_ =	shalt  }
0x5a: {  	_ =	shalt  }
0x5b: {  	_ =	shalt  }
0x5c: {  	_ =	shalt  }
0x5d: {  	_ =	shalt  }
0x5e: {  	_ =	shalt  }
0x5f: {  	_ =	shalt  }
0x60: {  	_ =	shalt  }
0x61: {  	_ =	shalt  }
0x62: {  	_ =	shalt  }
0x63: {  	_ =	shalt  }
0x64: {  	_ =	shalt  }
0x65: {  	_ =	shalt  }
0x66: {  	_ =	shalt  }
0x67: {  	_ =	shalt  }
0x68: {  	_ =	shalt  }
0x69: {  	_ =	shalt  }
0x6a: {  	_ =	shalt  }
0x6b: {  	_ =	shalt  }
0x6c: {  	_ =	shalt  }
0x6d: {  	_ =	shalt  }
0x6e: {  	_ =	shalt  }
0x6f: {  	_ =	shalt  }
0x70: {  	_ =	shalt  }
0x71: {  	_ =	shalt  }
0x72: {  	_ =	shalt  }
0x73: {  	_ =	shalt  }
0x74: {  	_ =	shalt  }
0x75: {  	_ =	shalt  }
0x76: {  	_ =	shalt  }
0x77: {  	_ =	shalt  }
0x78: {  	_ =	shalt  }
0x79: {  	_ =	shalt  }
0x7a: {  	_ =	shalt  }
0x7b: {  	_ =	shalt  }
0x7c: {  	_ =	shalt  }
0x7d: {  	_ =	shalt  }
0x7e: {  	_ =	shalt  }
0x7f: {  	_ =	shalt  }
0x80: {  	_ =	shalt  }
0x81: {  	_ =	shalt  }
0x82: {  	_ =	shalt  }
0x83: {  	_ =	shalt  }
0x84: {  	_ =	shalt  }
0x85: {  	_ =	shalt  }
0x86: {  	_ =	shalt  }
0x87: {  	_ =	shalt  }
.Lfunc_end0:
.L_simem_size_0:
called_computation.2_lowered:
.L_overlay_start_0:
0x88: {  	s2 =	sld [smem:$0x3FD9]  }
0x89: {  	s3 =	sld [smem:$0x3FFE];
	_ =	sdelay $0x1  }
0x8a: {  	s1 =	srdreg.scid  }
0x8b: {  	s0 =	sand.u32 $0x1, s1  }
0x8c: {  	s17 =	sshll.u32 s0, $0xA;
	s2 =	sadd.s32 s3, s2  }
0x8d: {  	s2 =	sadd.s32 s2, s17  }
0x8e: {  	[smem:$0x3FC2] =	sst s2  }
0x8f: {  	_ = 	snop  }
0x90: {  	s2 =	sld [smem:$0x3FC8]  }
0x91: {  	s18 =	sld [smem:$0x3FD0];
	(tm) =	ssettm $0x1  }
0x92: {  	s4 =	sld [smem:$0x3FFB];
	_ =	sdelay $0x3  }
0x93: {  	_ =	strace s4  }
0x94: {  	s4 =	sld [smem:$0x3FFC];
	_ =	sdelay $0x3  }
0x95: {  	_ =	strace s4  }
0x96: {  	s4 =	sld [smem:$0x3FFD];
	_ =	sdelay $0x3  }
0x97: {  	_ =	strace s4  }
0x98: {  	_ =	strace $0x8FFFFFFF  }
0x99: {  	s19 =	sld [smem:$0x3FDB];
	_ =	sdelay $0x1  }
0x9a: {  	s5 =	simm.s32 $_scs_section_size  }
0x9b: {  	s6 =	simm.s32 $_size__tile_overlayer_lowered;
	s7 =	simm.s32 $_tile_overlayer_lowered  }
0x9c: {  	s22 =	simm.s32 $0x1BFF;
	s21 =	sshll.u32 s7, $0x1;
	s4 =	sadd.s32 s5, s19  }
0x9d: {  	s8 =	simm.s32 $0x0;
	s20 =	sshll.u32 s6, $0x1;
	s6 =	sadd.s32 s21, s4  }
0x9e: {  	[timem:s8], [sflag:s22] =	dma.local [hbm:s6], s20  }
0x9f: {  	_ =	swait.ge [sflag:s22], s20  }
0xa0: {  	s5 =	ssub.s32 $0x0, s20;
	[sflag:s22] =	ssyncset.done $0x0  }
0xa1: {  	[sflag:s22] =	ssyncadd.s32 s5;
	_ =	sdelay $0x1  }
0xa2: {  	s23 =	simm.s32 $0x1B8B  }
0xa3: {  	_ =	swait.ge [sflag:s23], $0x1  }
0xa4: {  	[sflag:s23] =	ssyncset.done $0x0  }
0xa5: {  	s25 =	simm.s32 $0x1B8E;
	s24 =	sld [smem:$0x3FFE];
	[sflag:s23] =	ssyncadd.s32 $0xFFFFFFFF  }
0xa6: {  	s26 =	simm.s32 $execute0_lowered;
	[smem:$0x3FD2] =	sst s25  }
0xa7: {  	s6 =	sshll.u32 s26, $0x1;
	_ =	strace $0x8000004C;
	[dreg:$0x1] =	wrdreg $0xFFFFFFFF  }
0xa8: {  	s28 =	simm.s32 $_size_execute0_lowered;
	s4 =	sadd.s32 s4, s6;
	[dreg:$0x0] =	wrdreg $0x0  }
0xa9: {  	s6 =	sshll.u32 s28, $0x1;
	[dreg:$0x2] =	wrdreg s4  }
0xaa: {  	[dreg:$0x3] =	wrdreg s6  }
0xab: {  	[dreg:$0x4] =	wrdreg $0xC0  }
0xac: {  	_ =	task [dreg:s8], $0x5FFFF  }
0xad: {  	[dreg:$0x1] =	wrdreg $0xFFFFFFFF  }
0xae: {  	[dreg:$0x0] =	wrdreg $0x60  }
0xaf: {  	[dreg:$0x2] =	wrdreg s18  }
0xb0: {  	[dreg:$0x3] =	wrdreg s2  }
0xb1: {  	[dreg:$0x4] =	wrdreg s24  }
0xb2: {  	[dreg:$0x5] =	wrdreg $0xAC000  }
0xb3: {  	[dreg:$0x6] =	wrdreg $0x9  }
0xb4: {  	_ =	task.clear_ibuf [dreg:s8], $0x7FFFF;
	_ =	strace $0x9000004C  }
0xb5: {  	s29 =	simm.s32 $0x9;
	_ =	strace $0x8000004E  }
0xb6: {  	_ =	swait.ge [sflag:s29], $0x1  }
0xb7: {  	[sflag:s29] =	ssyncadd.s32 $0xFFFFFFFF  }
0xb8: {  	_ =	strace $0x9000004E  }
0xb9: {  	_ =	sfence  }
0xba: {  	s30 =	sld [smem:$0x0];
	_ =	sdelay $0x2  }
0xbb: {  	s31 =	sshll.u32 s1, $0xD;
	s1 =	sshrl.u32 s1, $0x2  }
0xbc: {  	s3 =	sand.u32 $0x4000, s31;
	s1 =	sadd.s32 s1, s30  }
0xbd: {  	s0 =	sor.u32 s3, s0;
	s1 =	sshll.u32 s1, $0x11  }
0xbe: {  	s0 =	sor.u32 s1, s0  }
0xbf: {  	s0 =	sadd.s32 $0x8F2B, s0  }
0xc0: {  	[sflag:s0] =	ssyncadd.remote.s32 $0x1  }
0xc1: {  	_ =	sfence.sel $0xFFFF  }
0xc2: {  	[dreg:$0x0] =	wrdreg $0xFFFFFFFF;
	(pc) =	sbr.abs _section_cstart, $3  }
0xc3: {  	[dreg:$0x1] =	wrdreg $0xFFFFFFFF  }
0xc4: {  	_ =	task.clear_ibuf [dreg:s8], $0x2FFFF;
	_ =	strace $0x9FFFFFFF  }
0xc5: {  	(tm) =	ssettm $0x7FFFFFFF  }
tec
execute0_lowered:
.L_overlay_start_1:
0x0: {  	(tag) =	ssettag $0x1  }
0x1: {  	s1 =	rddreg [dreg:$0x0]  }
0x2: {  	s2 =	rddreg [dreg:$0x1]  }
0x3: {  	s0 =	rddreg [dreg:$0x2]  }
0x4: {  	s3 =	rddreg [dreg:$0x3];
	s12 =	stileid.u32  }
0x5: {  	s4 =	srdreg.scid;
	s5 =	simm.s32 $0x0;
	s7 =	smul.u32 $0x13C00, s12  }
0x6: {  	s30 =	simm.s32 $0x5;
	s31 =	simm.s32 $0x80;
	s10 =	smul.u32 $0x4F000, s12  }
0x7: {  	s4 =	sand.u32 $0x1, s4;
	[smem:$0x7FF] =	sst s5;
	s20 =	smul.u32 $0x4E00, s12  }
0x8: {  	s9 =	sadd.s32 $0x2200, s0;
	s25 =	sshll.u32 s12, $0x6;
	s6 =	smul.u32 $0x13C000, s4  }
0x9: {  	_ =	strace $0x8000004D;
	s8 =	sshll.u32 s4, $0x4;
	[dreg:$0xa] =	wrdreg s9  }
0xa: {  	s15 =	ssub.s32 $0x2, s4;
	s4 =	smul.u32 $0x4E000, s4;
	[dreg:$0x12] =	wrdreg s25  }
0xb: {  	s9 =	sadd.s32 s25, s2;
	s17 =	sshrl.u32 s15, $0x1;
	s19 =	sshrl.u32 s10, $0x2  }
0xc: {  	s29 =	sadd.s32 $0x13800, s9;
	s6 =	sadd.s32 s7, s6;
	s7 =	sor.u32 s12, s8  }
0xd: {  	s4 =	sadd.s32 s20, s4;
	[dreg:$0x14] =	wrdreg s29;
	s20 =	sadd.s32 $0x13820, s9  }
0xe: {  	s6 =	sshrl.u32 s6, $0x3;
	s16 =	smul.u32 $0x9C0, s7;
	s26 =	sadd.s32 $0x300, s4  }
0xf: {  	s12 =	sadd.s32 $0x380, s4;
	s14 =	sadd.s32 $0x280, s4;
	[dreg:$0x15] =	wrdreg s20  }
0x10: {  	p0 =	sgt.u32 s7, $0x1;
	s0 =	sadd.s32 s6, s0;
	s6 =	ssub.s32 s15, s17  }
0x11: {  	s13 =	sshrl.u32 s12, $0x3;
	s10 =	sshrl.u32 s14, $0x3;
	s11 =	sadd.s32 s2, s16  }
0x12: {  	s15 =	sadd.s32 $0x200, s4;
	s16 =	sadd.s32 s10, s2;
	[dreg:$0xb] =	wrdreg s11  }
0x13: {  	s12 =	simm.s32 $0x280;
	s0 =	sadd.s32 $0x2A00, s0;
	[dreg:$0x7] =	wrdreg s16  }
0x14: {  	s14 =	simm.s32 $0x380;
	s6 =	smax.u32 s6, $0x1;
	[dreg:$0x18] =	wrdreg s0  }
0x15: {  	s17 =	sshrl.u32 s15, $0x3;
	s18 =	sadd.s32 $0x20, s11;
	[dreg:$0x19] =	wrdreg s6  }
0x16: {  	s10 =	simm.s32 $0x200;
	s21 =	sadd.s32 $0x10, s11;
	[dreg:$0xc] =	wrdreg s18  }
0x17: {  	s22 =	sadd.s32 $0x30, s11;
	s11 =	sadd.s32 s19, s3;
	[dreg:$0xd] =	wrdreg s21  }
0x18: {  	s15 =	simm.s32 $0x2;
	[dreg:$0xe] =	wrdreg s22;
	s8 =	sadd.s32 $0x2780, s11  }
0x19: {  	s19 =	sadd.s32 $0x580, s4;
	s23 =	sadd.s32 $0x4F00, s11;
	[dreg:$0xf] =	wrdreg s8  }
0x1a: {  	s6 =	simm.s32 $0x400;
	s24 =	sadd.s32 $0x7680, s11;
	[dreg:$0x10] =	wrdreg s23  }
0x1b: {  	s16 =	simm.s32 $0x1;
	s28 =	sadd.s32 $0x9E00, s11;
	[dreg:$0x11] =	wrdreg s24  }
0x1c: {  	s18 =	sadd.s32 s17, s2;
	s21 =	sshrl.u32 s19, $0x3;
	[dreg:$0x13] =	wrdreg s28  }
0x1d: {  	s22 =	sadd.s32 $0x13810, s9;
	s9 =	sadd.s32 $0x13830, s9;
	[dreg:$0x8] =	wrdreg s18  }
0x1e: {  	s29 =	sadd.s32 $0x11480, s11;
	s17 =	simm.s32 $0x3;
	[dreg:$0x16] =	wrdreg s22  }
0x1f: {  	s19 =	simm.s32 $0x0;
	s8 =	sshrl.u32 s26, $0x3;
	[dreg:$0x17] =	wrdreg s9  }
0x20: {  	s23 =	sadd.s32 $0x500, s4;
	s24 =	sadd.s32 $0x480, s4;
	s26 =	sadd.s32 $0xC580, s11  }
0x21: {  	s28 =	sadd.s32 $0xED00, s11;
	[dreg:$0x1c] =	wrdreg s29;
	s9 =	simm.s32 $0x4400  }
0x22: {  	s18 =	simm.s32 $0x4;
	s8 =	sadd.s32 s8, s2;
	[dreg:$0x1a] =	wrdreg s26  }
0x23: {  	s0 =	sshrl.u32 s23, $0x3;
	s25 =	sshrl.u32 s24, $0x3;
	[dreg:$0x1b] =	wrdreg s28  }
0x24: {  	[dreg:$0x5] =	wrdreg s8;
	s8 =	sadd.s32 s13, s2;
	s23 =	sadd.s32 s0, s2  }
0x25: {  	s24 =	sadd.s32 s25, s2;
	s0 =	simm.s32 $0x100;
	s13 =	simm.s32 $0x300  }
0x26: {  	[dreg:$0x6] =	wrdreg s8;
	s8 =	sadd.s32 s21, s2;
	s21 =	sadd.s32 $0x400, s4  }
0x27: {  	s4 =	simm.s32 $0x180;
	[dreg:$0x9] =	wrdreg s8;
	s8 =	simm.s32 $0x8400  }
.LBB2_1:
0x28: {  	s7 =	rddreg [dreg:$0xb]  }
0x29: {  	[tilespmem:s5], [sflag:$0x5] =	stream.linear.gather [hbm4b:s7+s5], $0x80, $0x38;
	[tilespmem:$0x1E800] =	vst v63  }
0x2a: {  	_ =	swait.ge [sflag:s30], $0x80  }
0x2b: {  	[sflag:s30] =	ssyncset.done $0x0  }
0x2c: {  	s26 =	rddreg [dreg:$0xc];
	[sflag:s30] =	ssyncadd.s32 $0xFFFFFF80  }
0x2d: {  	[tilespmem:s31], [sflag:$0x5] =	stream.linear.gather [hbm4b:s26+s5], $0x80, $0x38;
	[tilespmem:$0x1E800] =	vst v63  }
0x2e: {  	_ =	swait.ge [sflag:s30], $0x80  }
0x2f: {  	[sflag:s30] =	ssyncset.done $0x0  }
0x30: {  	s28 =	rddreg [dreg:$0xd];
	[sflag:s30] =	ssyncadd.s32 $0xFFFFFF80  }
0x31: {  	[tilespmem:s0], [sflag:$0x5] =	stream.linear.gather [hbm4b:s28+s5], $0x80, $0x38;
	[tilespmem:$0x1E800] =	vst v63  }
0x32: {  	_ =	swait.ge [sflag:s30], $0x80  }
0x33: {  	[sflag:s30] =	ssyncset.done $0x0  }
0x34: {  	s29 =	rddreg [dreg:$0xe];
	[sflag:s30] =	ssyncadd.s32 $0xFFFFFF80  }
0x35: {  	[tilespmem:s4], [sflag:$0x5] =	stream.linear.gather [hbm4b:s29+s5], $0x80, $0x38;
	[tilespmem:$0x1E800] =	vst v63  }
0x36: {  	_ =	swait.ge [sflag:s30], $0x80  }
0x37: {  	[sflag:s30] =	ssyncset.done $0x0  }
0x38: {  	[sflag:s30] =	ssyncadd.s32 $0xFFFFFF80  }
0x39: {  	[tilespmem:s6], [sflag:$0x1] =	stream.indirect.gather [hbm4b:s1+s31], $0x80, s5, s31, $0xb8;
	[tilespmem:$0x1E800] =	vst v63  }
0x3a: {  	s20 =	rddreg [dreg:$0xa]  }
0x3b: {  	[tilespmem:s8], [sflag:$0x5] =	stream.linear.gather [hbm4b:s20+s5], $0x2800, $0x38;
	[tilespmem:$0x1E800] =	vst v63  }
0x3c: {  	_ =	swait.ge [sflag:s30], $0x2800  }
0x3d: {  	[sflag:s30] =	ssyncset.done $0x0  }
0x3e: {  	[sflag:s30] =	ssyncadd.s32 $0xFFFFD800  }
0x3f: {  	[spmem:s11] =	stream.linear.scatter [tilespmem:s8], [sflag:$0x5], $0x2780, $0x38;
	[tilespmem:$0x1E800] =	vst v63  }
0x40: {  	_ =	swait.ge [sflag:s30], $0x2780  }
0x41: {  	[sflag:s30] =	ssyncset.done $0x0  }
0x42: {  	s22 =	rddreg [dreg:$0xf];
	[sflag:s30] =	ssyncadd.s32 $0xFFFFD880  }
0x43: {  	[spmem:s22] =	stream.linear.scatter [tilespmem:s8], [sflag:$0x5], $0x2780, $0x38;
	[tilespmem:$0x1E800] =	vst v63  }
0x44: {  	_ =	swait.ge [sflag:s30], $0x2780  }
0x45: {  	[sflag:s30] =	ssyncset.done $0x0  }
0x46: {  	s25 =	rddreg [dreg:$0x10];
	[sflag:s30] =	ssyncadd.s32 $0xFFFFD880  }
0x47: {  	[spmem:s25] =	stream.linear.scatter [tilespmem:s8], [sflag:$0x5], $0x2780, $0x38;
	[tilespmem:$0x1E800] =	vst v63  }
0x48: {  	_ =	swait.ge [sflag:s30], $0x2780  }
0x49: {  	[sflag:s30] =	ssyncset.done $0x0  }
0x4a: {  	s26 =	rddreg [dreg:$0x11];
	[sflag:s30] =	ssyncadd.s32 $0xFFFFD880  }
0x4b: {  	[spmem:s26] =	stream.linear.scatter [tilespmem:s8], [sflag:$0x5], $0x2780, $0x38;
	[tilespmem:$0x1E800] =	vst v63  }
0x4c: {  	_ =	swait.ge [sflag:s30], $0x2780  }
0x4d: {  	[sflag:s30] =	ssyncset.done $0x0  }
0x4e: {  	s28 =	rddreg [dreg:$0x13];
	[sflag:s30] =	ssyncadd.s32 $0xFFFFD880  }
0x4f: {  	[spmem:s28] =	stream.linear.scatter [tilespmem:s8], [sflag:$0x5], $0x2780, $0x38;
	[tilespmem:$0x1E800] =	vst v63  }
0x50: {  	_ =	swait.ge [sflag:s30], $0x2780  }
0x51: {  	[sflag:s30] =	ssyncset.done $0x0  }
0x52: {  	s29 =	rddreg [dreg:$0x1a];
	[sflag:s30] =	ssyncadd.s32 $0xFFFFD880  }
0x53: {  	[spmem:s29] =	stream.linear.scatter [tilespmem:s8], [sflag:$0x5], $0x2780, $0x38;
	[tilespmem:$0x1E800] =	vst v63  }
0x54: {  	_ =	swait.ge [sflag:s30], $0x2780  }
0x55: {  	[sflag:s30] =	ssyncset.done $0x0  }
0x56: {  	s20 =	rddreg [dreg:$0x1b];
	[sflag:s30] =	ssyncadd.s32 $0xFFFFD880  }
0x57: {  	[spmem:s20] =	stream.linear.scatter [tilespmem:s8], [sflag:$0x5], $0x2780, $0x38;
	[tilespmem:$0x1E800] =	vst v63  }
0x58: {  	_ =	swait.ge [sflag:s30], $0x2780  }
0x59: {  	[sflag:s30] =	ssyncset.done $0x0  }
0x5a: {  	s22 =	rddreg [dreg:$0x1c];
	[sflag:s30] =	ssyncadd.s32 $0xFFFFD880  }
0x5b: {  	[spmem:s22] =	stream.linear.scatter [tilespmem:s8], [sflag:$0x5], $0x2780, $0x38;
	[tilespmem:$0x1E800] =	vst v63  }
0x5c: {  	_ =	swait.ge [sflag:s30], $0x2780  }
0x5d: {  	[sflag:s30] =	ssyncset.done $0x0  }
0x5e: {  	[sflag:s30] =	ssyncadd.s32 $0xFFFFD880  }
0x5f: {  	[bflag:$0x0] =	sbarrier.arrive $0xFFFF  }
0x60: {  	s25 =	rddreg [dreg:$0x8]  }
0x61: {  	[tilespmem:s9], [sflag:$0x2] =	stream.indirect.gather [hbm4b:s1+s31], $0x80, s31, s31, $0xb8;
	[tilespmem:$0x1E800] =	vst v63  }
0x62: {  	s20 =	rddreg [dreg:$0x5];
	s7 =	sadd.s32 $0x0, s25  }
0x63: {  	[tilespmem:s10], [sflag:$0x3] =	stream.linear.gather [hbm4b:s7+s5], $0x80, $0x38;
	[tilespmem:$0x1E800] =	vst v63  }
0x64: {  	s22 =	rddreg [dreg:$0x7];
	s26 =	sadd.s32 $0x0, s20  }
0x65: {  	[tilespmem:s12], [sflag:$0x3] =	stream.linear.gather [hbm4b:s26+s5], $0x80, $0x38;
	[tilespmem:$0x1E800] =	vst v63  }
0x66: {  	s28 =	rddreg [dreg:$0x6];
	s29 =	sadd.s32 $0x0, s22  }
0x67: {  	[tilespmem:s13], [sflag:$0x3] =	stream.linear.gather [hbm4b:s29+s5], $0x80, $0x38;
	[tilespmem:$0x1E800] =	vst v63  }
0x68: {  	s20 =	sadd.s32 $0x0, s28  }
0x69: {  	[tilespmem:s14], [sflag:$0x3] =	stream.linear.gather [hbm4b:s20+s5], $0x80, $0x38;
	[tilespmem:$0x1E800] =	vst v63  }
0x6a: {  	_ =	swait.ge [sflag:s16], $0x4000  }
0x6b: {  	[sflag:s16] =	ssyncset.done $0x0  }
0x6c: {  	[sflag:s16] =	ssyncadd.s32 $0xFFFFC000  }
0x6d: {  	[spmem:s3] =	stream.indirect.scatter.add.f32 [tilespmem:s6], [sflag:$0x5], $0x80, s0, s31, $0xb8;
	[tilespmem:$0x1E800] =	vst v63  }
0x6e: {  	_ =	swait.ge [sflag:s30], $0x4000  }
0x6f: {  	[sflag:s30] =	ssyncset.done $0x0  }
0x70: {  	[sflag:s30] =	ssyncadd.s32 $0xFFFFC000  }
0x71: {  	_ =	swait.ge [sflag:s17], $0x80  }
0x72: {  	[sflag:s17] =	ssyncset.done $0x0  }
0x73: {  	[sflag:s17] =	ssyncadd.s32 $0xFFFFFF80  }
0x74: {  	_ =	swait.ge [sflag:s17], $0x80  }
0x75: {  	[sflag:s17] =	ssyncset.done $0x0  }
0x76: {  	[sflag:s17] =	ssyncadd.s32 $0xFFFFFF80  }
0x77: {  	_ =	swait.ge [sflag:s17], $0x80  }
0x78: {  	[sflag:s17] =	ssyncset.done $0x0  }
0x79: {  	[sflag:s17] =	ssyncadd.s32 $0xFFFFFF80  }
0x7a: {  	_ =	swait.ge [sflag:s17], $0x80  }
0x7b: {  	[sflag:s17] =	ssyncset.done $0x0  }
0x7c: {  	[sflag:s17] =	ssyncadd.s32 $0xFFFFFF80  }
0x7d: {  	[tilespmem:s6], [sflag:$0x1] =	stream.indirect.gather [hbm4b:s1+s31], $0x80, s10, s31, $0xb8;
	[tilespmem:$0x1E800] =	vst v63  }
0x7e: {  	_ =	swait.ge [sflag:s15], $0x4000  }
0x7f: {  	[sflag:s15] =	ssyncset.done $0x0  }
0x80: {  	[sflag:s15] =	ssyncadd.s32 $0xFFFFC000  }
0x81: {  	[spmem:s3] =	stream.indirect.scatter.add.f32 [tilespmem:s9], [sflag:$0x5], $0x80, s4, s31, $0xb8;
	[tilespmem:$0x1E800] =	vst v63  }
0x82: {  	_ =	swait.ge [sflag:s30], $0x4000  }
0x83: {  	[sflag:s30] =	ssyncset.done $0x0  }
0x84: {  	s22 =	sshrl.u32 s21, $0x3;
	[sflag:s30] =	ssyncadd.s32 $0xFFFFC000  }
0x85: {  	[tilespmem:s9], [sflag:$0x2] =	stream.indirect.gather [hbm4b:s1+s31], $0x80, s12, s31, $0xb8;
	[tilespmem:$0x1E800] =	vst v63  }
0x86: {  	s7 =	sadd.s32 s2, s22  }
0x87: {  	[tilespmem:s5], [sflag:$0x4] =	stream.linear.gather [hbm4b:s7+s5], $0x80, $0x38;
	[tilespmem:$0x1E800] =	vst v63  }
0x88: {  	s25 =	sadd.s32 $0x0, s23  }
0x89: {  	[tilespmem:s31], [sflag:$0x4] =	stream.linear.gather [hbm4b:s25+s5], $0x80, $0x38;
	[tilespmem:$0x1E800] =	vst v63  }
0x8a: {  	s28 =	sadd.s32 $0x0, s24;
	s26 =	rddreg [dreg:$0x9]  }
0x8b: {  	[tilespmem:s0], [sflag:$0x4] =	stream.linear.gather [hbm4b:s28+s5], $0x80, $0x38;
	[tilespmem:$0x1E800] =	vst v63  }
0x8c: {  	s29 =	sadd.s32 $0x0, s26  }
0x8d: {  	[tilespmem:s4], [sflag:$0x4] =	stream.linear.gather [hbm4b:s29+s5], $0x80, $0x38;
	[tilespmem:$0x1E800] =	vst v63  }
0x8e: {  	_ =	swait.ge [sflag:s16], $0x4000  }
0x8f: {  	[sflag:s16] =	ssyncset.done $0x0  }
0x90: {  	[sflag:s16] =	ssyncadd.s32 $0xFFFFC000  }
0x91: {  	[spmem:s3] =	stream.indirect.scatter.add.f32 [tilespmem:s6], [sflag:$0x5], $0x80, s13, s31, $0xb8;
	[tilespmem:$0x1E800] =	vst v63  }
0x92: {  	_ =	swait.ge [sflag:s30], $0x4000  }
0x93: {  	[sflag:s30] =	ssyncset.done $0x0  }
0x94: {  	[sflag:s30] =	ssyncadd.s32 $0xFFFFC000  }
0x95: {  	_ =	swait.ge [sflag:s18], $0x80  }
0x96: {  	[sflag:s18] =	ssyncset.done $0x0  }
0x97: {  	[sflag:s18] =	ssyncadd.s32 $0xFFFFFF80  }
0x98: {  	_ =	swait.ge [sflag:s18], $0x80  }
0x99: {  	[sflag:s18] =	ssyncset.done $0x0  }
0x9a: {  	[sflag:s18] =	ssyncadd.s32 $0xFFFFFF80  }
0x9b: {  	_ =	swait.ge [sflag:s18], $0x80  }
0x9c: {  	[sflag:s18] =	ssyncset.done $0x0  }
0x9d: {  	[sflag:s18] =	ssyncadd.s32 $0xFFFFFF80  }
0x9e: {  	_ =	swait.ge [sflag:s18], $0x80  }
0x9f: {  	[sflag:s18] =	ssyncset.done $0x0  }
0xa0: {  	[sflag:s18] =	ssyncadd.s32 $0xFFFFFF80  }
0xa1: {  	[tilespmem:s6], [sflag:$0x1] =	stream.indirect.gather [hbm4b:s1+s31], $0x80, s5, s31, $0xb8;
	[tilespmem:$0x1E800] =	vst v63  }
0xa2: {  	_ =	swait.ge [sflag:s15], $0x4000  }
0xa3: {  	[sflag:s15] =	ssyncset.done $0x0  }
0xa4: {  	[sflag:s15] =	ssyncadd.s32 $0xFFFFC000  }
0xa5: {  	[spmem:s3] =	stream.indirect.scatter.add.f32 [tilespmem:s9], [sflag:$0x5], $0x80, s14, s31, $0xb8;
	[tilespmem:$0x1E800] =	vst v63  }
0xa6: {  	s22 =	simm.s32 $0x100;
	s20 =	simm.s32 $0x80;
	_ =	swait.ge [sflag:s30], $0x4000  }
0xa7: {  	s25 =	smov.u32 s21;
	s26 =	rddreg [dreg:$0x8];
	[sflag:s30] =	ssyncset.done $0x0  }
.LBB2_2:
0xa8: {  	[sflag:s30] =	ssyncadd.s32 $0xFFFFC000  }
0xa9: {  	[tilespmem:s9], [sflag:$0x2] =	stream.indirect.gather [hbm4b:s1+s31], $0x80, s31, s31, $0xb8;
	[tilespmem:$0x1E800] =	vst v63  }
0xaa: {  	s28 =	rddreg [dreg:$0x5];
	s26 =	sadd.s32 s20, s26  }
0xab: {  	[tilespmem:s10], [sflag:$0x3] =	stream.linear.gather [hbm4b:s26+s5], $0x80, $0x38;
	[tilespmem:$0x1E800] =	vst v63  }
0xac: {  	s29 =	rddreg [dreg:$0x7];
	s26 =	sadd.s32 s20, s28  }
0xad: {  	[tilespmem:s12], [sflag:$0x3] =	stream.linear.gather [hbm4b:s26+s5], $0x80, $0x38;
	[tilespmem:$0x1E800] =	vst v63  }
0xae: {  	s29 =	sadd.s32 s20, s29;
	s28 =	rddreg [dreg:$0x6]  }
0xaf: {  	[tilespmem:s13], [sflag:$0x3] =	stream.linear.gather [hbm4b:s29+s5], $0x80, $0x38;
	[tilespmem:$0x1E800] =	vst v63  }
0xb0: {  	s29 =	sadd.s32 s20, s28  }
0xb1: {  	[tilespmem:s14], [sflag:$0x3] =	stream.linear.gather [hbm4b:s29+s5], $0x80, $0x38;
	[tilespmem:$0x1E800] =	vst v63  }
0xb2: {  	_ =	swait.ge [sflag:s16], $0x4000  }
0xb3: {  	[sflag:s16] =	ssyncset.done $0x0  }
0xb4: {  	[sflag:s16] =	ssyncadd.s32 $0xFFFFC000  }
0xb5: {  	[spmem:s3] =	stream.indirect.scatter.add.f32 [tilespmem:s6], [sflag:$0x5], $0x80, s0, s31, $0xb8;
	[tilespmem:$0x1E800] =	vst v63  }
0xb6: {  	_ =	swait.ge [sflag:s30], $0x4000  }
0xb7: {  	[sflag:s30] =	ssyncset.done $0x0  }
0xb8: {  	[sflag:s30] =	ssyncadd.s32 $0xFFFFC000  }
0xb9: {  	_ =	swait.ge [sflag:s17], $0x80  }
0xba: {  	[sflag:s17] =	ssyncset.done $0x0  }
0xbb: {  	[sflag:s17] =	ssyncadd.s32 $0xFFFFFF80  }
0xbc: {  	_ =	swait.ge [sflag:s17], $0x80  }
0xbd: {  	[sflag:s17] =	ssyncset.done $0x0  }
0xbe: {  	[sflag:s17] =	ssyncadd.s32 $0xFFFFFF80  }
0xbf: {  	_ =	swait.ge [sflag:s17], $0x80  }
0xc0: {  	[sflag:s17] =	ssyncset.done $0x0  }
0xc1: {  	[sflag:s17] =	ssyncadd.s32 $0xFFFFFF80  }
0xc2: {  	_ =	swait.ge [sflag:s17], $0x80  }
0xc3: {  	[sflag:s17] =	ssyncset.done $0x0  }
0xc4: {  	[sflag:s17] =	ssyncadd.s32 $0xFFFFFF80  }
0xc5: {  	[tilespmem:s6], [sflag:$0x1] =	stream.indirect.gather [hbm4b:s1+s31], $0x80, s10, s31, $0xb8;
	[tilespmem:$0x1E800] =	vst v63  }
0xc6: {  	_ =	swait.ge [sflag:s15], $0x4000  }
0xc7: {  	[sflag:s15] =	ssyncset.done $0x0  }
0xc8: {  	[sflag:s15] =	ssyncadd.s32 $0xFFFFC000  }
0xc9: {  	[spmem:s3] =	stream.indirect.scatter.add.f32 [tilespmem:s9], [sflag:$0x5], $0x80, s4, s31, $0xb8;
	[tilespmem:$0x1E800] =	vst v63  }
0xca: {  	_ =	swait.ge [sflag:s30], $0x4000  }
0xcb: {  	s25 =	sadd.s32 $0x400, s25;
	[sflag:s30] =	ssyncset.done $0x0  }
0xcc: {  	s28 =	sshrl.u32 s25, $0x3;
	[sflag:s30] =	ssyncadd.s32 $0xFFFFC000  }
0xcd: {  	[tilespmem:s9], [sflag:$0x2] =	stream.indirect.gather [hbm4b:s1+s31], $0x80, s12, s31, $0xb8;
	[tilespmem:$0x1E800] =	vst v63  }
0xce: {  	s26 =	sadd.s32 s2, s28  }
0xcf: {  	[tilespmem:s5], [sflag:$0x4] =	stream.linear.gather [hbm4b:s26+s5], $0x80, $0x38;
	[tilespmem:$0x1E800] =	vst v63  }
0xd0: {  	s29 =	sadd.s32 s20, s23  }
0xd1: {  	[tilespmem:s31], [sflag:$0x4] =	stream.linear.gather [hbm4b:s29+s5], $0x80, $0x38;
	[tilespmem:$0x1E800] =	vst v63  }
0xd2: {  	s28 =	rddreg [dreg:$0x9];
	s29 =	sadd.s32 s20, s24  }
0xd3: {  	[tilespmem:s0], [sflag:$0x4] =	stream.linear.gather [hbm4b:s29+s5], $0x80, $0x38;
	[tilespmem:$0x1E800] =	vst v63  }
0xd4: {  	s29 =	sadd.s32 s20, s28  }
0xd5: {  	[tilespmem:s4], [sflag:$0x4] =	stream.linear.gather [hbm4b:s29+s5], $0x80, $0x38;
	[tilespmem:$0x1E800] =	vst v63  }
0xd6: {  	_ =	swait.ge [sflag:s16], $0x4000  }
0xd7: {  	[sflag:s16] =	ssyncset.done $0x0  }
0xd8: {  	[sflag:s16] =	ssyncadd.s32 $0xFFFFC000  }
0xd9: {  	[spmem:s3] =	stream.indirect.scatter.add.f32 [tilespmem:s6], [sflag:$0x5], $0x80, s13, s31, $0xb8;
	[tilespmem:$0x1E800] =	vst v63  }
0xda: {  	_ =	swait.ge [sflag:s30], $0x4000  }
0xdb: {  	[sflag:s30] =	ssyncset.done $0x0  }
0xdc: {  	[sflag:s30] =	ssyncadd.s32 $0xFFFFC000  }
0xdd: {  	_ =	swait.ge [sflag:s18], $0x80  }
0xde: {  	[sflag:s18] =	ssyncset.done $0x0  }
0xdf: {  	[sflag:s18] =	ssyncadd.s32 $0xFFFFFF80  }
0xe0: {  	_ =	swait.ge [sflag:s18], $0x80  }
0xe1: {  	[sflag:s18] =	ssyncset.done $0x0  }
0xe2: {  	[sflag:s18] =	ssyncadd.s32 $0xFFFFFF80  }
0xe3: {  	_ =	swait.ge [sflag:s18], $0x80  }
0xe4: {  	[sflag:s18] =	ssyncset.done $0x0  }
0xe5: {  	[sflag:s18] =	ssyncadd.s32 $0xFFFFFF80  }
0xe6: {  	_ =	swait.ge [sflag:s18], $0x80  }
0xe7: {  	[sflag:s18] =	ssyncset.done $0x0  }
0xe8: {  	[sflag:s18] =	ssyncadd.s32 $0xFFFFFF80  }
0xe9: {  	[tilespmem:s6], [sflag:$0x1] =	stream.indirect.gather [hbm4b:s1+s31], $0x80, s5, s31, $0xb8;
	[tilespmem:$0x1E800] =	vst v63  }
0xea: {  	p1 =	sne.s32 s22, $0x900;
	_ =	swait.ge [sflag:s15], $0x4000  }
.Ltmp0:
0xeb: {  	[sflag:s15] =	ssyncset.done $0x0;
	(pc) =	sbr.rel @p1 .LBB2_2-.Ltmp0, $4  }
0xec: {  	[sflag:s15] =	ssyncadd.s32 $0xFFFFC000  }
0xed: {  	[spmem:s3] =	stream.indirect.scatter.add.f32 [tilespmem:s9], [sflag:$0x5], $0x80, s14, s31, $0xb8;
	[tilespmem:$0x1E800] =	vst v63  }
0xee: {  	s7 =	smov.u32 s22;
	s22 =	sadd.s32 $0x80, s22;
	_ =	swait.ge [sflag:s30], $0x4000  }
0xef: {  	s20 =	smov.u32 s7;
	s26 =	rddreg [dreg:$0x8];
	[sflag:s30] =	ssyncset.done $0x0  }
0xf0: {  	[sflag:s30] =	ssyncadd.s32 $0xFFFFC000  }
0xf1: {  	[tilespmem:s9], [sflag:$0x2] =	stream.indirect.gather [hbm4b:s1+s31], $0x80, s31, s31, $0xb8;
	[tilespmem:$0x1E800] =	vst v63  }
0xf2: {  	s7 =	rddreg [dreg:$0x5];
	s22 =	sadd.s32 s20, s26  }
0xf3: {  	[tilespmem:s10], [sflag:$0x3] =	stream.linear.gather [hbm4b:s22+s5], $0x80, $0x38;
	[tilespmem:$0x1E800] =	vst v63  }
0xf4: {  	s29 =	rddreg [dreg:$0x7];
	s7 =	sadd.s32 s20, s7  }
0xf5: {  	[tilespmem:s12], [sflag:$0x3] =	stream.linear.gather [hbm4b:s7+s5], $0x80, $0x38;
	[tilespmem:$0x1E800] =	vst v63  }
0xf6: {  	s28 =	rddreg [dreg:$0x6];
	s29 =	sadd.s32 s20, s29  }
0xf7: {  	[tilespmem:s13], [sflag:$0x3] =	stream.linear.gather [hbm4b:s29+s5], $0x80, $0x38;
	[tilespmem:$0x1E800] =	vst v63  }
0xf8: {  	s22 =	sadd.s32 s20, s28  }
0xf9: {  	[tilespmem:s14], [sflag:$0x3] =	stream.linear.gather [hbm4b:s22+s5], $0x80, $0x38;
	[tilespmem:$0x1E800] =	vst v63  }
0xfa: {  	_ =	swait.ge [sflag:s16], $0x4000  }
0xfb: {  	[sflag:s16] =	ssyncset.done $0x0  }
0xfc: {  	[sflag:s16] =	ssyncadd.s32 $0xFFFFC000  }
0xfd: {  	[spmem:s3] =	stream.indirect.scatter.add.f32 [tilespmem:s6], [sflag:$0x5], $0x80, s0, s31, $0xb8;
	[tilespmem:$0x1E800] =	vst v63  }
0xfe: {  	_ =	swait.ge [sflag:s30], $0x4000  }
0xff: {  	[sflag:s30] =	ssyncset.done $0x0  }
0x100: {  	[sflag:s30] =	ssyncadd.s32 $0xFFFFC000  }
0x101: {  	_ =	swait.ge [sflag:s17], $0x80  }
0x102: {  	[sflag:s17] =	ssyncset.done $0x0  }
0x103: {  	[sflag:s17] =	ssyncadd.s32 $0xFFFFFF80  }
0x104: {  	_ =	swait.ge [sflag:s17], $0x80  }
0x105: {  	[sflag:s17] =	ssyncset.done $0x0  }
0x106: {  	[sflag:s17] =	ssyncadd.s32 $0xFFFFFF80  }
0x107: {  	_ =	swait.ge [sflag:s17], $0x80  }
0x108: {  	[sflag:s17] =	ssyncset.done $0x0  }
0x109: {  	[sflag:s17] =	ssyncadd.s32 $0xFFFFFF80  }
0x10a: {  	_ =	swait.ge [sflag:s17], $0x80  }
0x10b: {  	[sflag:s17] =	ssyncset.done $0x0  }
0x10c: {  	[sflag:s17] =	ssyncadd.s32 $0xFFFFFF80  }
0x10d: {  	[tilespmem:s6], [sflag:$0x1] =	stream.indirect.gather [hbm4b:s1+s31], $0x80, s10, s31, $0xb8;
	[tilespmem:$0x1E800] =	vst v63  }
0x10e: {  	_ =	swait.ge [sflag:s15], $0x4000  }
0x10f: {  	[sflag:s15] =	ssyncset.done $0x0  }
0x110: {  	[sflag:s15] =	ssyncadd.s32 $0xFFFFC000  }
0x111: {  	[spmem:s3] =	stream.indirect.scatter.add.f32 [tilespmem:s9], [sflag:$0x5], $0x80, s4, s31, $0xb8;
	[tilespmem:$0x1E800] =	vst v63  }
0x112: {  	_ =	swait.ge [sflag:s30], $0x4000  }
0x113: {  	s25 =	sadd.s32 $0x400, s25;
	[sflag:s30] =	ssyncset.done $0x0  }
0x114: {  	s7 =	sshrl.u32 s25, $0x3;
	[sflag:s30] =	ssyncadd.s32 $0xFFFFC000  }
0x115: {  	[tilespmem:s9], [sflag:$0x2] =	stream.indirect.gather [hbm4b:s1+s31], $0x80, s12, s31, $0xb8;
	[tilespmem:$0x1E800] =	vst v63  }
0x116: {  	s7 =	sadd.s32 s2, s7  }
0x117: {  	[tilespmem:s5], [sflag:$0x4] =	stream.linear.gather [hbm4b:s7+s5], $0x80, $0x38;
	[tilespmem:$0x1E800] =	vst v63  }
0x118: {  	s26 =	sadd.s32 s20, s23  }
0x119: {  	[tilespmem:s31], [sflag:$0x4] =	stream.linear.gather [hbm4b:s26+s5], $0x80, $0x38;
	[tilespmem:$0x1E800] =	vst v63  }
0x11a: {  	s29 =	sadd.s32 s20, s24;
	s28 =	rddreg [dreg:$0x9]  }
0x11b: {  	[tilespmem:s0], [sflag:$0x4] =	stream.linear.gather [hbm4b:s29+s5], $0x80, $0x38;
	[tilespmem:$0x1E800] =	vst v63  }
0x11c: {  	s22 =	sadd.s32 s20, s28  }
0x11d: {  	[tilespmem:s4], [sflag:$0x4] =	stream.linear.gather [hbm4b:s22+s5], $0x80, $0x38;
	[tilespmem:$0x1E800] =	vst v63  }
0x11e: {  	_ =	swait.ge [sflag:s16], $0x4000  }
0x11f: {  	[sflag:s16] =	ssyncset.done $0x0  }
0x120: {  	[sflag:s16] =	ssyncadd.s32 $0xFFFFC000  }
0x121: {  	[spmem:s3] =	stream.indirect.scatter.add.f32 [tilespmem:s6], [sflag:$0x5], $0x80, s13, s31, $0xb8;
	[tilespmem:$0x1E800] =	vst v63  }
0x122: {  	_ =	swait.ge [sflag:s30], $0x4000  }
0x123: {  	[sflag:s30] =	ssyncset.done $0x0  }
0x124: {  	[sflag:s30] =	ssyncadd.s32 $0xFFFFC000  }
0x125: {  	_ =	swait.ge [sflag:s18], $0x80  }
0x126: {  	[sflag:s18] =	ssyncset.done $0x0  }
0x127: {  	[sflag:s18] =	ssyncadd.s32 $0xFFFFFF80  }
0x128: {  	_ =	swait.ge [sflag:s18], $0x80  }
0x129: {  	[sflag:s18] =	ssyncset.done $0x0  }
0x12a: {  	[sflag:s18] =	ssyncadd.s32 $0xFFFFFF80  }
0x12b: {  	_ =	swait.ge [sflag:s18], $0x80  }
0x12c: {  	[sflag:s18] =	ssyncset.done $0x0  }
0x12d: {  	[sflag:s18] =	ssyncadd.s32 $0xFFFFFF80  }
0x12e: {  	_ =	swait.ge [sflag:s18], $0x80  }
0x12f: {  	[sflag:s18] =	ssyncset.done $0x0  }
0x130: {  	[sflag:s18] =	ssyncadd.s32 $0xFFFFFF80  }
0x131: {  	[tilespmem:s6], [sflag:$0x1] =	stream.indirect.gather [hbm4b:s1+s31], $0x80, s5, s31, $0xb8;
	[tilespmem:$0x1E800] =	vst v63  }
0x132: {  	_ =	swait.ge [sflag:s15], $0x4000  }
0x133: {  	[sflag:s15] =	ssyncset.done $0x0  }
0x134: {  	[sflag:s15] =	ssyncadd.s32 $0xFFFFC000  }
0x135: {  	[spmem:s3] =	stream.indirect.scatter.add.f32 [tilespmem:s9], [sflag:$0x5], $0x80, s14, s31, $0xb8;
	[tilespmem:$0x1E800] =	vst v63  }
0x136: {  	_ =	swait.ge [sflag:s30], $0x4000  }
0x137: {  	[sflag:s30] =	ssyncset.done $0x0  }
0x138: {  	[sflag:s30] =	ssyncadd.s32 $0xFFFFC000  }
0x139: {  	[tilespmem:s9], [sflag:$0x2] =	stream.indirect.gather [hbm4b:s1+s31], $0x80, s31, s31, $0xb8;
	[tilespmem:$0x1E800] =	vst v63  }
0x13a: {  	_ =	swait.ge [sflag:s16], $0x4000  }
0x13b: {  	[sflag:s16] =	ssyncset.done $0x0  }
0x13c: {  	[sflag:s16] =	ssyncadd.s32 $0xFFFFC000  }
0x13d: {  	[spmem:s3] =	stream.indirect.scatter.add.f32 [tilespmem:s6], [sflag:$0x5], $0x80, s0, s31, $0xb8;
	[tilespmem:$0x1E800] =	vst v63  }
0x13e: {  	_ =	swait.ge [sflag:s30], $0x4000  }
0x13f: {  	[sflag:s30] =	ssyncset.done $0x0  }
0x140: {  	[sflag:s30] =	ssyncadd.s32 $0xFFFFC000  }
0x141: {  	_ =	swait.ge [sflag:s15], $0x4000  }
0x142: {  	[sflag:s15] =	ssyncset.done $0x0  }
0x143: {  	[sflag:s15] =	ssyncadd.s32 $0xFFFFC000  }
0x144: {  	[spmem:s3] =	stream.indirect.scatter.add.f32 [tilespmem:s9], [sflag:$0x5], $0x80, s4, s31, $0xb8;
	[tilespmem:$0x1E800] =	vst v63  }
0x145: {  	_ =	swait.ge [sflag:s30], $0x4000  }
0x146: {  	[sflag:s30] =	ssyncset.done $0x0  }
0x147: {  	s7 =	simm.s32 @!p0 $0x0;
	s20 =	rddreg [dreg:$0x14];
	[sflag:s30] =	ssyncadd.s32 $0xFFFFC000  }
0x148: {  	[tilespmem:s7], [sflag:$0x5] =	stream.linear.gather @!p0 [hbm4b:s20+s7], $0x80, $0x38;
	[tilespmem:$0x1E800] =	vst v63  }
0x149: {  	s20 =	simm.s32 @!p0 $0x5  }
0x14a: {  	_ =	swait.ge @!p0 [sflag:s20], $0x80  }
0x14b: {  	[sflag:s20] =	ssyncset.done @!p0 $0x0  }
0x14c: {  	s22 =	simm.s32 @!p0 $0x80;
	s25 =	rddreg [dreg:$0x15];
	[sflag:s20] =	ssyncadd.s32 @!p0 $0xFFFFFF80  }
0x14d: {  	[tilespmem:s22], [sflag:$0x5] =	stream.linear.gather @!p0 [hbm4b:s25+s7], $0x80, $0x38;
	[tilespmem:$0x1E800] =	vst v63  }
0x14e: {  	_ =	swait.ge @!p0 [sflag:s20], $0x80  }
0x14f: {  	[sflag:s20] =	ssyncset.done @!p0 $0x0  }
0x150: {  	s25 =	simm.s32 @!p0 $0x100;
	s26 =	rddreg [dreg:$0x16];
	[sflag:s20] =	ssyncadd.s32 @!p0 $0xFFFFFF80  }
0x151: {  	[tilespmem:s25], [sflag:$0x5] =	stream.linear.gather @!p0 [hbm4b:s26+s7], $0x80, $0x38;
	[tilespmem:$0x1E800] =	vst v63  }
0x152: {  	_ =	swait.ge @!p0 [sflag:s20], $0x80  }
0x153: {  	[sflag:s20] =	ssyncset.done @!p0 $0x0  }
0x154: {  	s26 =	simm.s32 @!p0 $0x180;
	s28 =	rddreg [dreg:$0x17];
	[sflag:s20] =	ssyncadd.s32 @!p0 $0xFFFFFF80  }
0x155: {  	[tilespmem:s26], [sflag:$0x5] =	stream.linear.gather @!p0 [hbm4b:s28+s7], $0x80, $0x38;
	[tilespmem:$0x1E800] =	vst v63  }
0x156: {  	_ =	swait.ge @!p0 [sflag:s20], $0x80  }
0x157: {  	[sflag:s20] =	ssyncset.done @!p0 $0x0  }
0x158: {  	s28 =	simm.s32 @!p0 $0x400;
	[sflag:s20] =	ssyncadd.s32 @!p0 $0xFFFFFF80  }
0x159: {  	[tilespmem:s28], [sflag:$0x1] =	stream.indirect.gather @!p0 [hbm4b:s1+s22], $0x80, s7, s22, $0xb8;
	[tilespmem:$0x1E800] =	vst v63  }
0x15a: {  	s29 =	simm.s32 @!p0 $0x1;
	s7 =	simm.s32 @!p0 $0x4400  }
0x15b: {  	[tilespmem:s7], [sflag:$0x2] =	stream.indirect.gather @!p0 [hbm4b:s1+s22], $0x80, s22, s22, $0xb8;
	[tilespmem:$0x1E800] =	vst v63  }
0x15c: {  	_ =	swait.ge @!p0 [sflag:s29], $0x4000  }
0x15d: {  	[sflag:s29] =	ssyncset.done @!p0 $0x0  }
0x15e: {  	[sflag:s29] =	ssyncadd.s32 @!p0 $0xFFFFC000  }
0x15f: {  	[spmem:s3] =	stream.indirect.scatter.add.f32 @!p0 [tilespmem:s28], [sflag:$0x5], $0x80, s25, s22, $0xb8;
	[tilespmem:$0x1E800] =	vst v63  }
0x160: {  	_ =	swait.ge @!p0 [sflag:s20], $0x4000  }
0x161: {  	[sflag:s20] =	ssyncset.done @!p0 $0x0  }
0x162: {  	s25 =	simm.s32 @!p0 $0x2;
	[sflag:s20] =	ssyncadd.s32 @!p0 $0xFFFFC000  }
0x163: {  	_ =	swait.ge @!p0 [sflag:s25], $0x4000  }
0x164: {  	[sflag:s25] =	ssyncset.done @!p0 $0x0  }
0x165: {  	[sflag:s25] =	ssyncadd.s32 @!p0 $0xFFFFC000  }
0x166: {  	[spmem:s3] =	stream.indirect.scatter.add.f32 @!p0 [tilespmem:s7], [sflag:$0x5], $0x80, s26, s22, $0xb8;
	[tilespmem:$0x1E800] =	vst v63  }
0x167: {  	_ =	swait.ge @!p0 [sflag:s20], $0x4000  }
0x168: {  	[sflag:s20] =	ssyncset.done @!p0 $0x0  }
0x169: {  	[sflag:s20] =	ssyncadd.s32 @!p0 $0xFFFFC000  }
0x16a: {  	[bflag:$0x0] =	sbarrier.arrive $0xFFFF  }
0x16b: {  	s25 =	rddreg [dreg:$0x12]  }
0x16c: {  	s26 =	sshrl.u32 s11, $0x3;
	s28 =	rddreg [dreg:$0x18];
	s7 =	sor.u32 $0x1C05, s25  }
0x16d: {  	[hbm:s28], [sflag:s7] =	dma.local [spmem:s26], $0x2780  }
0x16e: {  	_ =	swait.ge [sflag:s30], $0x2780  }
0x16f: {  	s19 =	sadd.s32 $0x1, s19;
	s29 =	rddreg [dreg:$0x19]  }
0x170: {  	p1 =	sne.s32 s19, s29  }
.Ltmp1:
0x171: {  	_ = 	snop;
	(pc) =	sbr.rel @p1 .LBB2_1-.Ltmp1, $3  }
0x172: {  	_ =	sdelay $0x1  }
0x173: {  	[sflag:s30] =	ssyncset.done $0x0  }
0x174: {  	[sflag:s30] =	ssyncadd.s32 $0xFFFFD880  }
0x175: {  	_ =	sfence.sel $0x180000  }
0x176: {  	[bflag:$0x0] =	sbarrier.arrive $0xFFFF  }
0x177: {  	_ =	strace $0x9000004D  }
0x178: {  	s0 =	stileid.u32;
	[bflag:$0x2] =	sbarrier.arrive $0xFFFF  }
0x179: {  	p0 =	sne.s32 s0, $0x0;
	s0 =	rddreg [dreg:$0x4]  }
0x17a: {  	s0 =	sadd.s32 @!p0 $0x100000, s0  }
0x17b: {  	[sflag:s0] =	ssyncadd.tile.s32 @!p0 $0x1;
	_ =	shalt  }
.Lfunc_end2:
_tile_overlayer_lowered:
.L_overlay_start_2:
0x17c: {  	(tag) =	ssettag $0x2  }
0x17d: {  	s0 =	rddreg [dreg:$0x0];
	s2 =	stileid.u32  }
0x17e: {  	s1 =	rddreg [dreg:$0x1];
	p0 =	sne.s32 s2, $0x0  }
0x17f: {  	s3 =	rddreg [dreg:$0x2];
	[bflag:$0x3] =	sbarrier.arrive $0xFFFF;
	s2 =	simm.s32 @!p0 $0x1C05  }
0x180: {  	[timem:s3], [sflag:s2] =	dma.local @!p0 [hbm:s0], s1  }
0x181: {  	s0 =	simm.s32 @!p0 $0x5  }
0x182: {  	_ =	swait.ge @!p0 [sflag:s0], s1  }
0x183: {  	s1 =	ssub.s32 @!p0 $0x0, s1;
	[sflag:s0] =	ssyncset.done @!p0 $0x0  }
0x184: {  	[sflag:s0] =	ssyncadd.s32 @!p0 s1  }
0x185: {  	[bflag:$0x3] =	sbarrier.arrive $0xFFFF  }
0x186: {  	_ =	shalt  }

// kernel: kernel.8.cloned.1.call-start
scs
__scs_entry_jumppad:
0x0: {  	(pc) =	sbr.rel $0x88, $3  }
0x1: {  	(tag) =	ssettag $0x0;
	lr =	simm.s32 $0x1  }
0x2: {  	[smem:$0x3F9B] =	sst lr;
	_ =	strace $0xD0000000  }
0x3: {  	_ = 	snop  }
0x4: {  	_ = 	snop  }
0x5: {  	_ = 	snop  }
0x6: {  	_ = 	snop  }
0x7: {  	_ = 	snop  }
__scs_overlays_trampoline_lowered:
0x8: {  	[smem:$0x3FAA] =	sst s0  }
0x9: {  	[smem:$0x3FAB] =	sst s1  }
0xa: {  	[smem:$0x3FAC] =	sst s2  }
0xb: {  	[smem:$0x3FAD] =	sst s3  }
0xc: {  	[smem:$0x3FAE] =	sst s4  }
0xd: {  	[smem:$0x3FAF] =	sst s5  }
0xe: {  	[smem:$0x3FB0] =	sst s6  }
0xf: {  	[smem:$0x3FB1] =	sst s7  }
0x10: {  	[smem:$0x3FB2] =	sst s8  }
0x11: {  	[smem:$0x3FB3] =	sst s9;
	s0 =	simm.s32 @!p0 $0x0  }
0x12: {  	s1 =	sld [smem:$0x3F99];
	s0 =	simm.s32 @p0 $0x1  }
0x13: {  	[smem:$0x3FB4] =	sst s0;
	s0 =	simm.s32 @!p1 $0x0  }
0x14: {  	s2 =	sld [smem:$0x3F98];
	s0 =	simm.s32 @p1 $0x1  }
0x15: {  	[smem:$0x3FB5] =	sst s0;
	s0 =	simm.s32 @!p2 $0x0  }
0x16: {  	s3 =	sld [smem:$0x3FDB];
	s0 =	simm.s32 @p2 $0x1  }
0x17: {  	s4 =	simm.s32 $0x1BF5;
	[smem:$0x3FB7] =	sst s0  }
0x18: {  	s0 =	sld [smem:$0x3F9A];
	_ =	swait.ge [sflag:s4], $0x0  }
0x19: {  	s7 =	sld [smem:$0x3F9B]  }
0x1a: {  	s8 =	sadd.s32 $0xFFFFE003, lr  }
0x1b: {  	s9 =	sadd.s32 $0xFFFFFEF7, lr;
	s5 =	simm.s32 $0xFFFFFFFF;
	p2 =	slt.u32 s8, $0xFFFFF086  }
0x1c: {  	p1 =	slt.u32 s9, $0xF7A;
	s5 =	simm.s32 @!p2 $0x0  }
0x1d: {  	s5 =	simm.s32 @p1 $0x1;
	p0 =	seq.s32 s7, s2  }
0x1e: {  	s7 =	smul.u32 @!p0 $0xF7A, s2;
	p2 =	seq.s32 @!p0 s5, $0x0  }
0x1f: {  	s9 =	smul.u32 $0xF7A, s1;
	s8 =	simm.s32 @!p0 $0x1BF5;
	p2 =	por !p2, p0  }
0x20: {  	[sflag:s8] =	ssyncset.s32 @!p0 $0xFFFFF086;
	s6 =	sadd.s32 @!p0 s3, s7;
	s7 =	simm.s32 @!p0 $0x108  }
0x21: {  	s3 =	sadd.s32 s3, s9;
	s6 =	sadd.s32 @!p0 $0x88, s6;
	s7 =	simm.s32 @p2 $0x1082  }
0x22: {  	[simem:s7], [sflag:s8] =	dma.local @!p0 [hbm:s6], $0xF7A  }
0x23: {  	s9 =	sor.u32 $0xD0000000, s2;
	s6 =	simm.s32 $0x108;
	_ =	swait.ge @!p0 [sflag:s8], $0x0  }
0x24: {  	s3 =	sadd.s32 $0x88, s3;
	s6 =	simm.s32 @!p1 $0x1082;
	[sflag:s4] =	ssyncset.s32 $0xFFFFF086  }
0x25: {  	[simem:s6], [sflag:s4] =	dma.local [hbm:s3], $0xF7A  }
0x26: {  	[smem:$0x3F9B] =	sst s1;
	(tag) =	ssettag s2;
	_ =	strace s9  }
0x27: {  	s1 =	sld [smem:$0x3FAB]  }
0x28: {  	s2 =	sld [smem:$0x3FAC]  }
0x29: {  	s4 =	sld [smem:$0x3FAE]  }
0x2a: {  	p0 =	seq.s32 s5, $0x0;
	s5 =	sld [smem:$0x3FAF]  }
0x2b: {  	s6 =	sld [smem:$0x3FB0]  }
0x2c: {  	s7 =	sld [smem:$0x3FB1]  }
0x2d: {  	s3 =	simm.s32 $0x108;
	s8 =	sld [smem:$0x3FB2]  }
0x2e: {  	s3 =	simm.s32 @!p0 $0x1082;
	s9 =	sld [smem:$0x3FB3]  }
0x2f: {  	lr =	sadd.s32 s0, s3;
	s0 =	sld [smem:$0x3FAA]  }
0x30: {  	s3 =	sld [smem:$0x3FAD]  }
0x31: {  	[smem:$0x3FB6] =	sst s10  }
0x32: {  	s10 =	sld [smem:$0x3FB4];
	_ =	sdelay $0x3  }
0x33: {  	p0 =	seq.s32 s10, $0x1;
	s10 =	sld [smem:$0x3FB6];
	_ =	sdelay $0x3  }
0x34: {  	[smem:$0x3FB6] =	sst s10  }
0x35: {  	s10 =	sld [smem:$0x3FB5];
	_ =	sdelay $0x3  }
0x36: {  	p1 =	seq.s32 s10, $0x1;
	s10 =	sld [smem:$0x3FB6];
	_ =	sdelay $0x3  }
0x37: {  	[smem:$0x3FB6] =	sst s10  }
0x38: {  	s10 =	sld [smem:$0x3FB7]  }
0x39: {  	_ = 	snop;
	(pc) =	sbr.ind lr, $3  }
0x3a: {  	_ = 	snop  }
0x3b: {  	_ = 	snop  }
0x3c: {  	p2 =	seq.s32 s10, $0x1;
	s10 =	sld [smem:$0x3FB6]  }
0x3d: {  	_ =	shalt  }
0x3e: {  	_ =	shalt  }
0x3f: {  	_ =	shalt  }
0x40: {  	_ =	shalt  }
0x41: {  	_ =	shalt  }
0x42: {  	_ =	shalt  }
0x43: {  	_ =	shalt  }
0x44: {  	_ =	shalt  }
0x45: {  	_ =	shalt  }
0x46: {  	_ =	shalt  }
0x47: {  	_ =	shalt  }
0x48: {  	_ =	shalt  }
0x49: {  	_ =	shalt  }
0x4a: {  	_ =	shalt  }
0x4b: {  	_ =	shalt  }
0x4c: {  	_ =	shalt  }
0x4d: {  	_ =	shalt  }
0x4e: {  	_ =	shalt  }
0x4f: {  	_ =	shalt  }
0x50: {  	_ =	shalt  }
0x51: {  	_ =	shalt  }
0x52: {  	_ =	shalt  }
0x53: {  	_ =	shalt  }
0x54: {  	_ =	shalt  }
0x55: {  	_ =	shalt  }
0x56: {  	_ =	shalt  }
0x57: {  	_ =	shalt  }
0x58: {  	_ =	shalt  }
0x59: {  	_ =	shalt  }
0x5a: {  	_ =	shalt  }
0x5b: {  	_ =	shalt  }
0x5c: {  	_ =	shalt  }
0x5d: {  	_ =	shalt  }
0x5e: {  	_ =	shalt  }
0x5f: {  	_ =	shalt  }
0x60: {  	_ =	shalt  }
0x61: {  	_ =	shalt  }
0x62: {  	_ =	shalt  }
0x63: {  	_ =	shalt  }
0x64: {  	_ =	shalt  }
0x65: {  	_ =	shalt  }
0x66: {  	_ =	shalt  }
0x67: {  	_ =	shalt  }
0x68: {  	_ =	shalt  }
0x69: {  	_ =	shalt  }
0x6a: {  	_ =	shalt  }
0x6b: {  	_ =	shalt  }
0x6c: {  	_ =	shalt  }
0x6d: {  	_ =	shalt  }
0x6e: {  	_ =	shalt  }
0x6f: {  	_ =	shalt  }
0x70: {  	_ =	shalt  }
0x71: {  	_ =	shalt  }
0x72: {  	_ =	shalt  }
0x73: {  	_ =	shalt  }
0x74: {  	_ =	shalt  }
0x75: {  	_ =	shalt  }
0x76: {  	_ =	shalt  }
0x77: {  	_ =	shalt  }
0x78: {  	_ =	shalt  }
0x79: {  	_ =	shalt  }
0x7a: {  	_ =	shalt  }
0x7b: {  	_ =	shalt  }
0x7c: {  	_ =	shalt  }
0x7d: {  	_ =	shalt  }
0x7e: {  	_ =	shalt  }
0x7f: {  	_ =	shalt  }
0x80: {  	_ =	shalt  }
0x81: {  	_ =	shalt  }
0x82: {  	_ =	shalt  }
0x83: {  	_ =	shalt  }
0x84: {  	_ =	shalt  }
0x85: {  	_ =	shalt  }
0x86: {  	_ =	shalt  }
0x87: {  	_ =	shalt  }
.Lfunc_end0:
.L_simem_size_0:
called_computation_lowered:
.L_overlay_start_0:
0x88: {  	s2 =	sld [smem:$0x3FD9]  }
0x89: {  	s3 =	sld [smem:$0x3FFE];
	_ =	sdelay $0x1  }
0x8a: {  	s1 =	srdreg.scid  }
0x8b: {  	s0 =	sand.u32 $0x1, s1  }
0x8c: {  	s17 =	sshll.u32 s0, $0xA;
	s2 =	sadd.s32 s3, s2  }
0x8d: {  	s2 =	sadd.s32 s2, s17  }
0x8e: {  	[smem:$0x3FC2] =	sst s2  }
0x8f: {  	_ = 	snop  }
0x90: {  	s2 =	sld [smem:$0x3FC8]  }
0x91: {  	s18 =	sld [smem:$0x3FD0];
	(tm) =	ssettm $0x1  }
0x92: {  	s4 =	sld [smem:$0x3FFB];
	_ =	sdelay $0x3  }
0x93: {  	_ =	strace s4  }
0x94: {  	s4 =	sld [smem:$0x3FFC];
	_ =	sdelay $0x3  }
0x95: {  	_ =	strace s4  }
0x96: {  	s4 =	sld [smem:$0x3FFD];
	_ =	sdelay $0x3  }
0x97: {  	_ =	strace s4  }
0x98: {  	_ =	strace $0x8FFFFFFF  }
0x99: {  	s19 =	sld [smem:$0x3FDB];
	_ =	sdelay $0x1  }
0x9a: {  	s5 =	simm.s32 $_scs_section_size  }
0x9b: {  	s6 =	simm.s32 $_size__tile_overlayer_lowered;
	s7 =	simm.s32 $_tile_overlayer_lowered  }
0x9c: {  	s22 =	simm.s32 $0x1BFF;
	s21 =	sshll.u32 s7, $0x1;
	s4 =	sadd.s32 s5, s19  }
0x9d: {  	s8 =	simm.s32 $0x0;
	s20 =	sshll.u32 s6, $0x1;
	s6 =	sadd.s32 s21, s4  }
0x9e: {  	[timem:s8], [sflag:s22] =	dma.local [hbm:s6], s20  }
0x9f: {  	_ =	swait.ge [sflag:s22], s20  }
0xa0: {  	s5 =	ssub.s32 $0x0, s20;
	[sflag:s22] =	ssyncset.done $0x0  }
0xa1: {  	[sflag:s22] =	ssyncadd.s32 s5;
	_ =	sdelay $0x1  }
0xa2: {  	s23 =	simm.s32 $0x1B8B  }
0xa3: {  	_ =	swait.ge [sflag:s23], $0x1  }
0xa4: {  	[sflag:s23] =	ssyncset.done $0x0  }
0xa5: {  	s25 =	simm.s32 $0x1B8E;
	s24 =	sld [smem:$0x3FFE];
	[sflag:s23] =	ssyncadd.s32 $0xFFFFFFFF  }
0xa6: {  	s26 =	simm.s32 $execute0_lowered;
	[smem:$0x3FD2] =	sst s25  }
0xa7: {  	s6 =	sshll.u32 s26, $0x1;
	_ =	strace $0x80000046;
	[dreg:$0x1] =	wrdreg $0xFFFFFFFF  }
0xa8: {  	s28 =	simm.s32 $_size_execute0_lowered;
	s4 =	sadd.s32 s4, s6;
	[dreg:$0x0] =	wrdreg $0x0  }
0xa9: {  	s6 =	sshll.u32 s28, $0x1;
	[dreg:$0x2] =	wrdreg s4  }
0xaa: {  	[dreg:$0x3] =	wrdreg s6  }
0xab: {  	[dreg:$0x4] =	wrdreg $0xC0  }
0xac: {  	_ =	task [dreg:s8], $0x5FFFF  }
0xad: {  	[dreg:$0x1] =	wrdreg $0xFFFFFFFF  }
0xae: {  	[dreg:$0x0] =	wrdreg $0x60  }
0xaf: {  	[dreg:$0x2] =	wrdreg s2  }
0xb0: {  	[dreg:$0x3] =	wrdreg s18  }
0xb1: {  	[dreg:$0x4] =	wrdreg s24  }
0xb2: {  	[dreg:$0x5] =	wrdreg $0x82000  }
0xb3: {  	[dreg:$0x6] =	wrdreg $0x9  }
0xb4: {  	_ =	task.clear_ibuf [dreg:s8], $0x7FFFF;
	_ =	strace $0x90000046  }
0xb5: {  	s29 =	simm.s32 $0x9;
	_ =	strace $0x80000048  }
0xb6: {  	_ =	swait.ge [sflag:s29], $0x1  }
0xb7: {  	[sflag:s29] =	ssyncadd.s32 $0xFFFFFFFF  }
0xb8: {  	_ =	strace $0x90000048  }
0xb9: {  	_ =	sfence  }
0xba: {  	s30 =	sld [smem:$0x0];
	_ =	sdelay $0x2  }
0xbb: {  	s31 =	sshll.u32 s1, $0xD;
	s1 =	sshrl.u32 s1, $0x2  }
0xbc: {  	s3 =	sand.u32 $0x4000, s31;
	s1 =	sadd.s32 s1, s30  }
0xbd: {  	s0 =	sor.u32 s3, s0;
	s1 =	sshll.u32 s1, $0x11  }
0xbe: {  	s0 =	sor.u32 s1, s0  }
0xbf: {  	s0 =	sadd.s32 $0x8F2B, s0  }
0xc0: {  	[sflag:s0] =	ssyncadd.remote.s32 $0x1  }
0xc1: {  	_ =	sfence.sel $0xFFFF  }
0xc2: {  	[dreg:$0x0] =	wrdreg $0xFFFFFFFF;
	(pc) =	sbr.abs _section_cstart, $3  }
0xc3: {  	[dreg:$0x1] =	wrdreg $0xFFFFFFFF  }
0xc4: {  	_ =	task.clear_ibuf [dreg:s8], $0x2FFFF;
	_ =	strace $0x9FFFFFFF  }
0xc5: {  	(tm) =	ssettm $0x7FFFFFFF  }
tec
execute0_lowered:
.L_overlay_start_1:
0x0: {  	(tag) =	ssettag $0x1  }
0x1: {  	s16 =	rddreg [dreg:$0x0]  }
0x2: {  	s1 =	rddreg [dreg:$0x1]  }
0x3: {  	s6 =	rddreg [dreg:$0x2]  }
0x4: {  	s0 =	srdreg.scid;
	s3 =	rddreg [dreg:$0x3];
	s4 =	simm.s32 $0x0  }
0x5: {  	s21 =	simm.s32 $0x2;
	s22 =	simm.s32 $0x200;
	s13 =	sand.u32 $0x1, s0  }
0x6: {  	s23 =	simm.s32 $0x1;
	s0 =	stileid.u32;
	s5 =	smul.u32 $0x13C000, s13  }
0x7: {  	s24 =	simm.s32 $0x100;
	[smem:$0x7FF] =	sst s4;
	s7 =	smul.u32 $0x13C00, s0  }
0x8: {  	s8 =	sshll.u32 s13, $0x4;
	_ =	strace $0x80000047;
	s9 =	smul.u32 $0x4F000, s0  }
0x9: {  	s29 =	ssub.s32 $0x2, s13;
	s12 =	sshll.u32 s0, $0x6;
	s19 =	smul.u32 $0x9C00, s13  }
0xa: {  	s20 =	smul.u32 $0x9C0, s0;
	s25 =	sor.u32 s0, s8;
	s30 =	sshrl.u32 s29, $0x1  }
0xb: {  	s15 =	sadd.s32 s12, s16;
	s5 =	sadd.s32 s7, s5;
	s26 =	smul.u32 $0x9C0, s25  }
0xc: {  	s31 =	sshrl.u32 s9, $0x2;
	s18 =	ssub.s32 s29, s30;
	s14 =	sadd.s32 $0x13810, s15  }
0xd: {  	s15 =	sadd.s32 $0x13830, s15;
	s19 =	sadd.s32 s19, s16;
	p0 =	sgt.u32 s25, $0x1  }
0xe: {  	s25 =	simm.s32 $0x180;
	s28 =	sshrl.u32 s5, $0x3;
	s5 =	sadd.s32 $0x2200, s6  }
0xf: {  	s7 =	sadd.s32 s31, s3;
	s17 =	sadd.s32 s28, s6;
	s10 =	sadd.s32 s26, s16  }
0x10: {  	s9 =	sadd.s32 $0x4000, s7;
	s11 =	sadd.s32 $0xC000, s7;
	s13 =	sadd.s32 $0x10000, s7  }
0x11: {  	s26 =	simm.s32 $0x0;
	s6 =	sadd.s32 $0x10, s10;
	s8 =	sadd.s32 $0x30, s10  }
0x12: {  	s10 =	sadd.s32 $0x8000, s7;
	s16 =	sadd.s32 $0x2A00, s17;
	s17 =	smax.u32 s18, $0x1  }
0x13: {  	s18 =	sadd.s32 s20, s19;
	s19 =	simm.s32 $0x80;
	s20 =	simm.s32 $0x4200  }
.LBB2_1:
0x14: {  	[tilespmem:s4], [sflag:$0x1] =	stream.linear.gather [hbm4b:s6+s4], $0x80, $0x38;
	[tilespmem:$0x1BE00] =	vst v63  }
0x15: {  	_ = 	snop  }
0x16: {  	[tilespmem:s19], [sflag:$0x1] =	stream.linear.gather [hbm4b:s8+s4], $0x80, $0x38;
	[tilespmem:$0x1BE00] =	vst v63  }
0x17: {  	_ = 	snop  }
0x18: {  	[tilespmem:s20], [sflag:$0x2] =	stream.linear.gather [hbm4b:s5+s4], $0x4000, $0x38;
	[tilespmem:$0x1BE00] =	vst v63  }
0x19: {  	_ =	swait.ge [sflag:s21], $0x4000  }
0x1a: {  	[sflag:s21] =	ssyncset.done $0x0  }
0x1b: {  	[sflag:s21] =	ssyncadd.s32 $0xFFFFC000  }
0x1c: {  	[spmem:s7] =	stream.linear.scatter [tilespmem:s20], [sflag:$0x2], $0x4000, $0x38;
	[tilespmem:$0x1BE00] =	vst v63  }
0x1d: {  	_ =	swait.ge [sflag:s21], $0x4000  }
0x1e: {  	[sflag:s21] =	ssyncset.done $0x0  }
0x1f: {  	[sflag:s21] =	ssyncadd.s32 $0xFFFFC000  }
0x20: {  	[spmem:s9] =	stream.linear.scatter [tilespmem:s20], [sflag:$0x2], $0x4000, $0x38;
	[tilespmem:$0x1BE00] =	vst v63  }
0x21: {  	_ =	swait.ge [sflag:s21], $0x4000  }
0x22: {  	[sflag:s21] =	ssyncset.done $0x0  }
0x23: {  	[sflag:s21] =	ssyncadd.s32 $0xFFFFC000  }
0x24: {  	[spmem:s10] =	stream.linear.scatter [tilespmem:s20], [sflag:$0x2], $0x4000, $0x38;
	[tilespmem:$0x1BE00] =	vst v63  }
0x25: {  	_ =	swait.ge [sflag:s21], $0x4000  }
0x26: {  	[sflag:s21] =	ssyncset.done $0x0  }
0x27: {  	[sflag:s21] =	ssyncadd.s32 $0xFFFFC000  }
0x28: {  	[spmem:s11] =	stream.linear.scatter [tilespmem:s20], [sflag:$0x2], $0x4000, $0x38;
	[tilespmem:$0x1BE00] =	vst v63  }
0x29: {  	_ =	swait.ge [sflag:s21], $0x4000  }
0x2a: {  	[sflag:s21] =	ssyncset.done $0x0  }
0x2b: {  	[sflag:s21] =	ssyncadd.s32 $0xFFFFC000  }
0x2c: {  	[spmem:s13] =	stream.linear.scatter [tilespmem:s20], [sflag:$0x2], $0x3C00, $0x38;
	[tilespmem:$0x1BE00] =	vst v63  }
0x2d: {  	_ =	swait.ge [sflag:s21], $0x3C00  }
0x2e: {  	[sflag:s21] =	ssyncset.done $0x0  }
0x2f: {  	[sflag:s21] =	ssyncadd.s32 $0xFFFFC400  }
0x30: {  	[tilespmem:s22], [sflag:$0x2] =	stream.linear.gather [hbm4b:s1+s4], $0x4000, $0x38;
	[tilespmem:$0x1BE00] =	vst v63  }
0x31: {  	_ =	swait.ge [sflag:s21], $0x4000  }
0x32: {  	[sflag:s21] =	ssyncset.done $0x0  }
0x33: {  	[sflag:s21] =	ssyncadd.s32 $0xFFFFC000  }
0x34: {  	[bflag:$0x0] =	sbarrier.arrive $0xFFFF  }
0x35: {  	_ =	swait.ge [sflag:s23], $0x80  }
0x36: {  	[sflag:s23] =	ssyncset.done $0x0  }
0x37: {  	[sflag:s23] =	ssyncadd.s32 $0xFFFFFF80  }
0x38: {  	_ =	swait.ge [sflag:s23], $0x80  }
0x39: {  	s28 =	sadd.s32 $0x0, s18;
	[sflag:s23] =	ssyncset.done $0x0  }
0x3a: {  	s29 =	sadd.s32 $0x50, s28;
	[sflag:s23] =	ssyncadd.s32 $0xFFFFFF80  }
0x3b: {  	[tilespmem:s24], [sflag:$0x1] =	stream.linear.gather [hbm4b:s29+s4], $0x80, $0x38;
	[tilespmem:$0x1BE00] =	vst v63  }
0x3c: {  	s2 =	sadd.s32 $0x70, s28  }
0x3d: {  	[tilespmem:s25], [sflag:$0x1] =	stream.linear.gather [hbm4b:s2+s4], $0x80, $0x38;
	[tilespmem:$0x1BE00] =	vst v63  }
0x3e: {  	_ = 	snop  }
0x3f: {  	[spmem:s3] =	stream.indirect.scatter.add.f32 [tilespmem:s22], [sflag:$0x2], $0x80, s4, s19, $0xb8;
	[tilespmem:$0x1BE00] =	vst v63  }
0x40: {  	_ =	swait.ge [sflag:s21], $0x4000  }
0x41: {  	[sflag:s21] =	ssyncset.done $0x0  }
0x42: {  	[sflag:s21] =	ssyncadd.s32 $0xFFFFC000  }
0x43: {  	[spmem:s3] =	stream.indirect.scatter.add.f32 [tilespmem:s22], [sflag:$0x2], $0x80, s19, s19, $0xb8;
	[tilespmem:$0x1BE00] =	vst v63  }
0x44: {  	_ =	swait.ge [sflag:s21], $0x4000  }
0x45: {  	[sflag:s21] =	ssyncset.done $0x0  }
0x46: {  	[sflag:s21] =	ssyncadd.s32 $0xFFFFC000  }
0x47: {  	_ =	swait.ge [sflag:s23], $0x80  }
0x48: {  	[sflag:s23] =	ssyncset.done $0x0  }
0x49: {  	[sflag:s23] =	ssyncadd.s32 $0xFFFFFF80  }
0x4a: {  	_ =	swait.ge [sflag:s23], $0x80  }
0x4b: {  	[sflag:s23] =	ssyncset.done $0x0  }
0x4c: {  	s30 =	sadd.s32 $0x90, s28;
	[sflag:s23] =	ssyncadd.s32 $0xFFFFFF80  }
0x4d: {  	[tilespmem:s4], [sflag:$0x1] =	stream.linear.gather [hbm4b:s30+s4], $0x80, $0x38;
	[tilespmem:$0x1BE00] =	vst v63  }
0x4e: {  	s28 =	sadd.s32 $0xB0, s28  }
0x4f: {  	[tilespmem:s19], [sflag:$0x1] =	stream.linear.gather [hbm4b:s28+s4], $0x80, $0x38;
	[tilespmem:$0x1BE00] =	vst v63  }
0x50: {  	_ = 	snop  }
0x51: {  	[spmem:s3] =	stream.indirect.scatter.add.f32 [tilespmem:s22], [sflag:$0x2], $0x80, s24, s19, $0xb8;
	[tilespmem:$0x1BE00] =	vst v63  }
0x52: {  	_ =	swait.ge [sflag:s21], $0x4000  }
0x53: {  	[sflag:s21] =	ssyncset.done $0x0  }
0x54: {  	[sflag:s21] =	ssyncadd.s32 $0xFFFFC000  }
0x55: {  	[spmem:s3] =	stream.indirect.scatter.add.f32 [tilespmem:s22], [sflag:$0x2], $0x80, s25, s19, $0xb8;
	[tilespmem:$0x1BE00] =	vst v63  }
0x56: {  	_ =	swait.ge [sflag:s21], $0x4000  }
0x57: {  	[sflag:s21] =	ssyncset.done $0x0  }
0x58: {  	[sflag:s21] =	ssyncadd.s32 $0xFFFFC000  }
0x59: {  	_ =	swait.ge [sflag:s23], $0x80  }
0x5a: {  	[sflag:s23] =	ssyncset.done $0x0  }
0x5b: {  	[sflag:s23] =	ssyncadd.s32 $0xFFFFFF80  }
0x5c: {  	_ =	swait.ge [sflag:s23], $0x80  }
0x5d: {  	s31 =	simm.s32 $0x100;
	s28 =	sadd.s32 $0x80, s18;
	[sflag:s23] =	ssyncset.done $0x0  }
.LBB2_2:
0x5e: {  	s2 =	sadd.s32 $0x50, s28  }
0x5f: {  	[sflag:s23] =	ssyncadd.s32 $0xFFFFFF80;
	s30 =	smov.u32 s31;
	s29 =	sadd.s32 $0x80, s31  }
0x60: {  	[tilespmem:s24], [sflag:$0x1] =	stream.linear.gather [hbm4b:s2+s4], $0x80, $0x38;
	[tilespmem:$0x1BE00] =	vst v63  }
0x61: {  	p1 =	sne.s32 s31, $0x900;
	s2 =	sadd.s32 $0x70, s28  }
0x62: {  	[tilespmem:s25], [sflag:$0x1] =	stream.linear.gather [hbm4b:s2+s4], $0x80, $0x38;
	[tilespmem:$0x1BE00] =	vst v63  }
0x63: {  	_ = 	snop  }
0x64: {  	[spmem:s3] =	stream.indirect.scatter.add.f32 [tilespmem:s22], [sflag:$0x2], $0x80, s4, s19, $0xb8;
	[tilespmem:$0x1BE00] =	vst v63  }
0x65: {  	_ =	swait.ge [sflag:s21], $0x4000  }
0x66: {  	[sflag:s21] =	ssyncset.done $0x0  }
0x67: {  	[sflag:s21] =	ssyncadd.s32 $0xFFFFC000  }
0x68: {  	[spmem:s3] =	stream.indirect.scatter.add.f32 [tilespmem:s22], [sflag:$0x2], $0x80, s19, s19, $0xb8;
	[tilespmem:$0x1BE00] =	vst v63  }
0x69: {  	_ =	swait.ge [sflag:s21], $0x4000  }
0x6a: {  	[sflag:s21] =	ssyncset.done $0x0  }
0x6b: {  	[sflag:s21] =	ssyncadd.s32 $0xFFFFC000  }
0x6c: {  	_ =	swait.ge [sflag:s23], $0x80  }
0x6d: {  	[sflag:s23] =	ssyncset.done $0x0  }
0x6e: {  	[sflag:s23] =	ssyncadd.s32 $0xFFFFFF80  }
0x6f: {  	_ =	swait.ge [sflag:s23], $0x80  }
0x70: {  	[sflag:s23] =	ssyncset.done $0x0  }
0x71: {  	s2 =	sadd.s32 $0x90, s28;
	[sflag:s23] =	ssyncadd.s32 $0xFFFFFF80  }
0x72: {  	[tilespmem:s4], [sflag:$0x1] =	stream.linear.gather [hbm4b:s2+s4], $0x80, $0x38;
	[tilespmem:$0x1BE00] =	vst v63  }
0x73: {  	s2 =	sadd.s32 $0xB0, s28  }
0x74: {  	[tilespmem:s19], [sflag:$0x1] =	stream.linear.gather [hbm4b:s2+s4], $0x80, $0x38;
	[tilespmem:$0x1BE00] =	vst v63  }
0x75: {  	_ = 	snop  }
0x76: {  	[spmem:s3] =	stream.indirect.scatter.add.f32 [tilespmem:s22], [sflag:$0x2], $0x80, s24, s19, $0xb8;
	[tilespmem:$0x1BE00] =	vst v63  }
0x77: {  	_ =	swait.ge [sflag:s21], $0x4000  }
0x78: {  	[sflag:s21] =	ssyncset.done $0x0  }
0x79: {  	[sflag:s21] =	ssyncadd.s32 $0xFFFFC000  }
0x7a: {  	[spmem:s3] =	stream.indirect.scatter.add.f32 [tilespmem:s22], [sflag:$0x2], $0x80, s25, s19, $0xb8;
	[tilespmem:$0x1BE00] =	vst v63  }
0x7b: {  	_ =	swait.ge [sflag:s21], $0x4000  }
0x7c: {  	[sflag:s21] =	ssyncset.done $0x0  }
0x7d: {  	[sflag:s21] =	ssyncadd.s32 $0xFFFFC000  }
.Ltmp0:
0x7e: {  	_ =	swait.ge [sflag:s23], $0x80;
	(pc) =	sbr.rel @p1 .LBB2_2-.Ltmp0, $4  }
0x7f: {  	[sflag:s23] =	ssyncset.done $0x0  }
0x80: {  	[sflag:s23] =	ssyncadd.s32 $0xFFFFFF80  }
0x81: {  	_ =	swait.ge [sflag:s23], $0x80  }
0x82: {  	s31 =	smov.u32 s29;
	s28 =	sadd.s32 s30, s18;
	[sflag:s23] =	ssyncset.done $0x0  }
0x83: {  	s2 =	sadd.s32 $0x50, s28;
	[sflag:s23] =	ssyncadd.s32 $0xFFFFFF80  }
0x84: {  	[tilespmem:s24], [sflag:$0x1] =	stream.linear.gather [hbm4b:s2+s4], $0x80, $0x38;
	[tilespmem:$0x1BE00] =	vst v63  }
0x85: {  	s30 =	sadd.s32 $0x70, s28  }
0x86: {  	[tilespmem:s25], [sflag:$0x1] =	stream.linear.gather [hbm4b:s30+s4], $0x80, $0x38;
	[tilespmem:$0x1BE00] =	vst v63  }
0x87: {  	_ = 	snop  }
0x88: {  	[spmem:s3] =	stream.indirect.scatter.add.f32 [tilespmem:s22], [sflag:$0x2], $0x80, s4, s19, $0xb8;
	[tilespmem:$0x1BE00] =	vst v63  }
0x89: {  	_ =	swait.ge [sflag:s21], $0x4000  }
0x8a: {  	[sflag:s21] =	ssyncset.done $0x0  }
0x8b: {  	[sflag:s21] =	ssyncadd.s32 $0xFFFFC000  }
0x8c: {  	[spmem:s3] =	stream.indirect.scatter.add.f32 [tilespmem:s22], [sflag:$0x2], $0x80, s19, s19, $0xb8;
	[tilespmem:$0x1BE00] =	vst v63  }
0x8d: {  	_ =	swait.ge [sflag:s21], $0x4000  }
0x8e: {  	[sflag:s21] =	ssyncset.done $0x0  }
0x8f: {  	[sflag:s21] =	ssyncadd.s32 $0xFFFFC000  }
0x90: {  	_ =	swait.ge [sflag:s23], $0x80  }
0x91: {  	[sflag:s23] =	ssyncset.done $0x0  }
0x92: {  	[sflag:s23] =	ssyncadd.s32 $0xFFFFFF80  }
0x93: {  	_ =	swait.ge [sflag:s23], $0x80  }
0x94: {  	[sflag:s23] =	ssyncset.done $0x0  }
0x95: {  	s31 =	sadd.s32 $0x90, s28;
	[sflag:s23] =	ssyncadd.s32 $0xFFFFFF80  }
0x96: {  	[tilespmem:s4], [sflag:$0x1] =	stream.linear.gather [hbm4b:s31+s4], $0x80, $0x38;
	[tilespmem:$0x1BE00] =	vst v63  }
0x97: {  	s29 =	sadd.s32 $0xB0, s28  }
0x98: {  	[tilespmem:s19], [sflag:$0x1] =	stream.linear.gather [hbm4b:s29+s4], $0x80, $0x38;
	[tilespmem:$0x1BE00] =	vst v63  }
0x99: {  	_ = 	snop  }
0x9a: {  	[spmem:s3] =	stream.indirect.scatter.add.f32 [tilespmem:s22], [sflag:$0x2], $0x80, s24, s19, $0xb8;
	[tilespmem:$0x1BE00] =	vst v63  }
0x9b: {  	_ =	swait.ge [sflag:s21], $0x4000  }
0x9c: {  	[sflag:s21] =	ssyncset.done $0x0  }
0x9d: {  	[sflag:s21] =	ssyncadd.s32 $0xFFFFC000  }
0x9e: {  	[spmem:s3] =	stream.indirect.scatter.add.f32 [tilespmem:s22], [sflag:$0x2], $0x80, s25, s19, $0xb8;
	[tilespmem:$0x1BE00] =	vst v63  }
0x9f: {  	_ =	swait.ge [sflag:s21], $0x4000  }
0xa0: {  	[sflag:s21] =	ssyncset.done $0x0  }
0xa1: {  	[sflag:s21] =	ssyncadd.s32 $0xFFFFC000  }
0xa2: {  	_ =	swait.ge [sflag:s23], $0x80  }
0xa3: {  	[sflag:s23] =	ssyncset.done $0x0  }
0xa4: {  	[sflag:s23] =	ssyncadd.s32 $0xFFFFFF80  }
0xa5: {  	_ =	swait.ge [sflag:s23], $0x80  }
0xa6: {  	[sflag:s23] =	ssyncset.done $0x0  }
0xa7: {  	[sflag:s23] =	ssyncadd.s32 $0xFFFFFF80  }
0xa8: {  	[spmem:s3] =	stream.indirect.scatter.add.f32 [tilespmem:s22], [sflag:$0x2], $0x80, s4, s19, $0xb8;
	[tilespmem:$0x1BE00] =	vst v63  }
0xa9: {  	_ =	swait.ge [sflag:s21], $0x4000  }
0xaa: {  	[sflag:s21] =	ssyncset.done $0x0  }
0xab: {  	[sflag:s21] =	ssyncadd.s32 $0xFFFFC000  }
0xac: {  	[spmem:s3] =	stream.indirect.scatter.add.f32 [tilespmem:s22], [sflag:$0x2], $0x80, s19, s19, $0xb8;
	[tilespmem:$0x1BE00] =	vst v63  }
0xad: {  	_ =	swait.ge [sflag:s21], $0x4000  }
0xae: {  	[sflag:s21] =	ssyncset.done $0x0  }
0xaf: {  	s28 =	simm.s32 @!p0 $0x100;
	s2 =	simm.s32 @!p0 $0x0;
	[sflag:s21] =	ssyncadd.s32 $0xFFFFC000  }
0xb0: {  	[tilespmem:s28], [sflag:$0x1] =	stream.linear.gather @!p0 [hbm4b:s14+s2], $0x80, $0x38;
	[tilespmem:$0x1BE00] =	vst v63  }
0xb1: {  	s29 =	simm.s32 @!p0 $0x180  }
0xb2: {  	[tilespmem:s29], [sflag:$0x1] =	stream.linear.gather @!p0 [hbm4b:s15+s2], $0x80, $0x38;
	[tilespmem:$0x1BE00] =	vst v63  }
0xb3: {  	s2 =	simm.s32 @!p0 $0x1  }
0xb4: {  	_ =	swait.ge @!p0 [sflag:s2], $0x80  }
0xb5: {  	[sflag:s2] =	ssyncset.done @!p0 $0x0  }
0xb6: {  	[sflag:s2] =	ssyncadd.s32 @!p0 $0xFFFFFF80  }
0xb7: {  	_ =	swait.ge @!p0 [sflag:s2], $0x80  }
0xb8: {  	[sflag:s2] =	ssyncset.done @!p0 $0x0  }
0xb9: {  	s30 =	simm.s32 @!p0 $0x200;
	[sflag:s2] =	ssyncadd.s32 @!p0 $0xFFFFFF80;
	s2 =	simm.s32 @!p0 $0x80  }
0xba: {  	[spmem:s3] =	stream.indirect.scatter.add.f32 @!p0 [tilespmem:s30], [sflag:$0x2], $0x80, s28, s2, $0xb8;
	[tilespmem:$0x1BE00] =	vst v63  }
0xbb: {  	s28 =	simm.s32 @!p0 $0x2  }
0xbc: {  	_ =	swait.ge @!p0 [sflag:s28], $0x4000  }
0xbd: {  	[sflag:s28] =	ssyncset.done @!p0 $0x0  }
0xbe: {  	[sflag:s28] =	ssyncadd.s32 @!p0 $0xFFFFC000  }
0xbf: {  	[spmem:s3] =	stream.indirect.scatter.add.f32 @!p0 [tilespmem:s30], [sflag:$0x2], $0x80, s29, s2, $0xb8;
	[tilespmem:$0x1BE00] =	vst v63  }
0xc0: {  	_ =	swait.ge @!p0 [sflag:s28], $0x4000  }
0xc1: {  	s26 =	sadd.s32 $0x1, s26;
	[sflag:s28] =	ssyncset.done @!p0 $0x0  }
0xc2: {  	p1 =	sne.s32 s26, s17;
	s31 =	sshrl.u32 s7, $0x3;
	[sflag:s28] =	ssyncadd.s32 @!p0 $0xFFFFC000  }
.Ltmp1:
0xc3: {  	s30 =	sor.u32 $0x1C02, s12;
	[bflag:$0x0] =	sbarrier.arrive $0xFFFF;
	(pc) =	sbr.rel @p1 .LBB2_1-.Ltmp1, $4  }
0xc4: {  	[hbm:s16], [sflag:s30] =	dma.local [spmem:s31], $0x2780  }
0xc5: {  	_ =	swait.ge [sflag:s21], $0x2780  }
0xc6: {  	[sflag:s21] =	ssyncset.done $0x0  }
0xc7: {  	[sflag:s21] =	ssyncadd.s32 $0xFFFFD880  }
0xc8: {  	_ =	sfence.sel $0x180000  }
0xc9: {  	[bflag:$0x0] =	sbarrier.arrive $0xFFFF  }
0xca: {  	_ =	strace $0x90000047  }
0xcb: {  	[bflag:$0x2] =	sbarrier.arrive $0xFFFF  }
0xcc: {  	p0 =	sne.s32 s0, $0x0;
	s0 =	rddreg [dreg:$0x4]  }
0xcd: {  	s0 =	sadd.s32 @!p0 $0x100000, s0  }
0xce: {  	[sflag:s0] =	ssyncadd.tile.s32 @!p0 $0x1;
	_ =	shalt  }
.Lfunc_end2:
_tile_overlayer_lowered:
.L_overlay_start_2:
0xcf: {  	(tag) =	ssettag $0x2  }
0xd0: {  	s0 =	rddreg [dreg:$0x0];
	s2 =	stileid.u32  }
0xd1: {  	s1 =	rddreg [dreg:$0x1];
	p0 =	sne.s32 s2, $0x0  }
0xd2: {  	s3 =	rddreg [dreg:$0x2];
	[bflag:$0x3] =	sbarrier.arrive $0xFFFF;
	s2 =	simm.s32 @!p0 $0x1C02  }
0xd3: {  	[timem:s3], [sflag:s2] =	dma.local @!p0 [hbm:s0], s1  }
0xd4: {  	s0 =	simm.s32 @!p0 $0x2  }
0xd5: {  	_ =	swait.ge @!p0 [sflag:s0], s1  }
0xd6: {  	s1 =	ssub.s32 @!p0 $0x0, s1;
	[sflag:s0] =	ssyncset.done @!p0 $0x0  }
0xd7: {  	[sflag:s0] =	ssyncadd.s32 @!p0 s1  }
0xd8: {  	[bflag:$0x3] =	sbarrier.arrive $0xFFFF  }
0xd9: {  	_ =	shalt  }

</sc_bundles>
